<compile_context>
chip_gen: v7x
topology: tpu7x:2x2x1
jax: 0.10.2.dev20260603
libtpu: 0.0.44.dev20260713+nightly
codegen_flags: <defaults>
</compile_context>

<pallas_src>
import functools

import jax
import jax.numpy as jnp
from jax import lax
from jax.experimental import pallas as pl
from jax.experimental.pallas import tpu as pltpu
from jax.experimental.pallas import tpu_sc as plsc

NC = 2
NS = 16
W = 6400
HW = W // 2
CAP = 256
CH = CAP // 16


@functools.lru_cache(maxsize=None)
def _build(num_tables: int, vocab: int, emb_dim: int, batch: int):
    tpc = num_tables // NC
    ndb = emb_dim // 8
    vocab_pad = (vocab + 127) // 128 * 128
    last_off = vocab_pad - W
    dump = num_tables * batch
    out_rows = dump + 2 * CAP
    mesh = plsc.VectorSubcoreMesh(core_axis_name="c", subcore_axis_name="s")

    @functools.partial(
        pl.kernel,
        mesh=mesh,
        compiler_params=pltpu.CompilerParams(needs_layout_passes=False),
        out_type=jax.ShapeDtypeStruct((out_rows, 128), jnp.float32),
        scratch_types=[
            pltpu.VMEM((8, HW), jnp.float32),
            pltpu.VMEM((8, HW), jnp.float32),
            pltpu.VMEM((2 * batch,), jnp.int32),
            pltpu.VMEM((CAP,), jnp.int32),
            pltpu.VMEM((CAP,), jnp.int32),
            pltpu.VMEM((CAP,), jnp.int32),
            pltpu.VMEM((CAP,), jnp.int32),
            pltpu.VMEM((2 * CAP // 128, 128), jnp.int32),
            pltpu.VMEM((2 * CAP, 128), jnp.float32),
            pltpu.SemaphoreType.DMA,
            pltpu.SemaphoreType.DMA,
            pltpu.SemaphoreType.DMA,
            pltpu.SemaphoreType.DMA,
        ],
    )
    def emb_kernel(tbl_t, idx1d, out2d, slab_a, slab_b, idxv,
                   comp_ra, comp_pa, comp_rb, comp_pb, p2, gbuf,
                   fsema, fsemb, isem, sem):
        c = lax.axis_index("c")
        s = lax.axis_index("s")
        w_off = jnp.minimum(s * W, last_off)
        t_hi = c * tpc + tpc - 1

        def fill(t, db, half, slab, fsem):
            return pltpu.async_copy(
                tbl_t.at[t, pl.ds(db * 8, 8),
                         pl.ds(w_off + half * HW, HW)],
                slab, fsem,
            )

        def wait_fill(fsem):
            pltpu.make_async_copy(
                tbl_t.at[0, pl.ds(0, 8), pl.ds(0, HW)], slab_a, fsem
            ).wait()

        def load_idx(t, par):
            return pltpu.async_copy(
                idx1d.at[pl.ds(t * batch, batch)],
                idxv.at[pl.ds(par * batch, batch)], isem)

        def wait_idx():
            pltpu.make_async_copy(
                idx1d.at[pl.ds(0, batch)], idxv.at[pl.ds(0, batch)], isem
            ).wait()

        fill(c * tpc, 0, 0, slab_a, fsema)
        fill(c * tpc, 0, 1, slab_b, fsemb)
        load_idx(c * tpc, 0)

        def per_table(tl, carry):
            t = c * tpc + tl
            par = lax.rem(tl, 2)
            ibase = par * batch
            wait_idx()
            load_idx(jnp.minimum(t + 1, t_hi), 1 - par)

            def pad(k, x):
                z = jnp.zeros((16,), jnp.int32)
                dr = dump + k * 16 + lax.iota(jnp.int32, 16)
                comp_ra[pl.ds(k * 16, 16)] = z
                comp_pa[pl.ds(k * 16, 16)] = dr
                comp_rb[pl.ds(k * 16, 16)] = z
                comp_pb[pl.ds(k * 16, 16)] = dr + CAP
                return x
            lax.fori_loop(0, CH, pad, 0)

            def route(k, offs):
                o1, o2 = offs
                v = idxv[pl.ds(ibase + k * 16, 16)]
                d = v - w_off
                mw = (d >= 0) & (d < W)
                sub = d < HW
                m1 = mw & sub
                m2 = mw & (~sub)
                rows = t * batch + k * 16 + lax.iota(jnp.int32, 16)
                o1c = jnp.minimum(o1, CAP - 16)
                o2c = jnp.minimum(o2, CAP - 16)
                plsc.store_compressed(comp_ra.at[pl.ds(o1c, 16)], d, mask=m1)
                plsc.store_compressed(comp_pa.at[pl.ds(o1c, 16)], rows,
                                      mask=m1)
                plsc.store_compressed(comp_rb.at[pl.ds(o2c, 16)], d - HW,
                                      mask=m2)
                plsc.store_compressed(comp_pb.at[pl.ds(o2c, 16)], rows,
                                      mask=m2)
                o1 = o1c + plsc.all_reduce_population_count(m1)[0]
                o2 = o2c + plsc.all_reduce_population_count(m2)[0]
                return (o1, o2)
            n1, n2 = lax.fori_loop(0, batch // 16, route,
                                   (jnp.int32(0), jnp.int32(0)))

            def cp2(k, x):
                p2[k // 8, pl.ds((k % 8) * 16, 16)] = (
                    comp_pa[pl.ds(k * 16, 16)])
                p2[2 + k // 8, pl.ds((k % 8) * 16, 16)] = (
                    comp_pb[pl.ds(k * 16, 16)])
                return x
            lax.fori_loop(0, CH, cp2, 0)

            nch1 = (n1 + 15) // 16
            nch2 = (n2 + 15) // 16

            for db in range(ndb):
                wait_fill(fsema)

                def gath_a(k, x):
                    r = comp_ra[pl.ds(k * 16, 16)]
                    slot = k * 16 + lax.iota(jnp.int32, 16)
                    for dd in range(8):
                        dv = jnp.full((16,), dd, jnp.int32)
                        v = plsc.load_gather(slab_a, [dv, r])
                        cv = jnp.full((16,), db * 8 + dd, jnp.int32)
                        plsc.store_scatter(gbuf, [slot, cv], v)
                    return x
                lax.fori_loop(0, nch1, gath_a, 0)
                if db < ndb - 1:
                    fill(t, db + 1, 0, slab_a, fsema)
                else:
                    fill(jnp.minimum(t + 1, t_hi), 0, 0, slab_a, fsema)
                wait_fill(fsemb)

                def gath_b(k, x):
                    r = comp_rb[pl.ds(k * 16, 16)]
                    slot = CAP + k * 16 + lax.iota(jnp.int32, 16)
                    for dd in range(8):
                        dv = jnp.full((16,), dd, jnp.int32)
                        v = plsc.load_gather(slab_b, [dv, r])
                        cv = jnp.full((16,), db * 8 + dd, jnp.int32)
                        plsc.store_scatter(gbuf, [slot, cv], v)
                    return x
                lax.fori_loop(0, nch2, gath_b, 0)
                if db < ndb - 1:
                    fill(t, db + 1, 1, slab_b, fsemb)
                else:
                    fill(jnp.minimum(t + 1, t_hi), 0, 1, slab_b, fsemb)

            for i in range(2 * CAP // 128):
                nn = n1 if i < 2 else n2
                thr = i * 128 if i < 2 else (i - 2) * 128

                @pl.when(nn > thr)
                def _():
                    pltpu.async_copy(
                        gbuf.at[pl.ds(i * 128, 128), :],
                        out2d.at[p2.at[i]],
                        sem,
                    )
            for i in range(2 * CAP // 128):
                nn = n1 if i < 2 else n2
                thr = i * 128 if i < 2 else (i - 2) * 128

                @pl.when(nn > thr)
                def _():
                    pltpu.make_async_copy(
                        gbuf.at[pl.ds(i * 128, 128), :],
                        out2d.at[p2.at[i]],
                        sem,
                    ).wait()
            return carry

        lax.fori_loop(0, tpc, per_table, 0)
        wait_fill(fsema)
        wait_fill(fsemb)
        wait_idx()

    return emb_kernel


def kernel(inputs, tables):
    num_tables, vocab, emb_dim = tables.shape
    batch = inputs.shape[0]
    tbl_t = jnp.transpose(tables, (0, 2, 1))
    idx1d = jnp.transpose(inputs, (1, 0)).reshape(-1)
    out2d = _build(num_tables, vocab, emb_dim, batch)(tbl_t, idx1d)
    out = out2d[: num_tables * batch, :emb_dim]
    return out.reshape(num_tables, batch, emb_dim).transpose(1, 0, 2)

# --- scband reference (transcript-rebuilt; emitter-appended) ---
"""Pipeline reference for scband-tfembedding-755914244425 (READ-ONLY COPY).

The authoritative reference and input builder live on the scoring server;
editing this copy changes nothing except your own understanding.
"""

import jax, jax.numpy as jnp
import numpy as np

NUM_TABLES = 26
VOCAB = 100000
EMB_DIM = 64
BATCH = 4096

def setup_inputs(seed: int = 0) -> dict:
    key = jax.random.key(seed)
    k_idx, k_tab = jax.random.split(key)
    inputs = jax.random.randint(k_idx, (BATCH, NUM_TABLES), 0, VOCAB, dtype=jnp.int64 if jax.config.jax_enable_x64 else jnp.int32).astype(jnp.int32)
    # One embedding table per sparse field, stacked: [NUM_TABLES, VOCAB, EMB_DIM]
    tables = jax.random.normal(k_tab, (NUM_TABLES, VOCAB, EMB_DIM), dtype=jnp.float32) * 0.05
    return {"inputs": inputs, "tables": tables}

def reference(inputs, tables):
    # Faithful translation of TFEmbedding.call:
    # split inputs along axis=1 into one column per table, embed each, concat on axis=1.
    num_tables = tables.shape[0]
    cols = jnp.split(inputs, num_tables, axis=1)  # each [B, 1]
    emb_vectors = []
    for i in range(num_tables):
        out = jnp.take(tables[i], cols[i], axis=0)  # [B, 1, EMB_DIM]
        emb_vectors.append(out)
    return jnp.concatenate(emb_vectors, axis=1)  # [B, NUM_TABLES, EMB_DIM]

if __name__ == "__main__":
    import jax
    _d = setup_inputs()
    print(jax.jit(kernel)(*tuple(_d.values())))

</pallas_src>

<mosaic_0001>
#map = affine_map<(d0, d1) -> (0, 0, 0)>
#map1 = affine_map<(d0, d1) -> (0)>
#map2 = affine_map<(d0, d1) -> (0, 0)>
module attributes {stable_mosaic.version = 14 : i64} {
  func.func @emb_kernel(%arg0: i32, %arg1: i32, %arg2: memref<26x64x100000xf32, #tpu.memory_space<hbm>>, %arg3: memref<106496xi32, #tpu.memory_space<hbm>>, %arg4: memref<107008x128xf32, #tpu.memory_space<hbm>>, %arg5: memref<8x3200xf32, #tpu.memory_space<vmem>>, %arg6: memref<8x3200xf32, #tpu.memory_space<vmem>>, %arg7: memref<8192xi32, #tpu.memory_space<vmem>>, %arg8: memref<256xi32, #tpu.memory_space<vmem>>, %arg9: memref<256xi32, #tpu.memory_space<vmem>>, %arg10: memref<256xi32, #tpu.memory_space<vmem>>, %arg11: memref<256xi32, #tpu.memory_space<vmem>>, %arg12: memref<4x128xi32, #tpu.memory_space<vmem>>, %arg13: memref<512x128xf32, #tpu.memory_space<vmem>>, %arg14: memref<!tpu.dma_semaphore, #tpu.memory_space<semaphore_mem>>, %arg15: memref<!tpu.dma_semaphore, #tpu.memory_space<semaphore_mem>>, %arg16: memref<!tpu.dma_semaphore, #tpu.memory_space<semaphore_mem>>, %arg17: memref<!tpu.dma_semaphore, #tpu.memory_space<semaphore_mem>>) attributes {dimension_semantics = [#tpu.dimension_semantics<core_parallel>, #tpu.dimension_semantics<subcore_parallel>], iteration_bounds = array<i64: 2, 16>, scalar_prefetch = 0 : i64, scratch_operands = 13 : i64, tpu.core_type = #tpu.core_type<sc_vector_subcore>, window_params = [{transform_indices = #map}, {transform_indices = #map1}, {transform_indices = #map2}]} {
    %mul3A = arith.constant 6400 : i32
    %mul3A_0 = arith.muli %arg1, %mul3A : i32
    %min3A = arith.constant 93696 : i32
    %min3A_1 = arith.minsi %mul3A_0, %min3A : i32
    %mul3A_2 = arith.constant 13 : i32
    %mul3A_3 = arith.muli %arg0, %mul3A_2 : i32
    %add3A = arith.constant 13 : i32
    %add3A_4 = arith.addi %mul3A_3, %add3A : i32
    %sub3A = arith.constant 1 : i32
    %sub3A_5 = arith.subi %add3A_4, %sub3A : i32
    %mul3A_6 = arith.constant 13 : i32
    %mul3A_7 = arith.muli %arg0, %mul3A_6 : i32
    %add3A_8 = arith.constant 0 : i32
    %add3A_9 = arith.addi %min3A_1, %add3A_8 : i32
    %dma_start3A = arith.constant 0 : i32
    %dma_start3A_10 = tpu.memref_slice %arg2[%mul3A_7, %dma_start3A, %add3A_9] : memref<26x64x100000xf32, #tpu.memory_space<hbm>> -> memref<1x8x3200xf32, #tpu.memory_space<hbm>>
    %dma_start3A_11 = tpu.memref_squeeze %dma_start3A_10 : memref<1x8x3200xf32, #tpu.memory_space<hbm>> -> memref<8x3200xf32, #tpu.memory_space<hbm>>
    %dma_start3A_12 = arith.constant 0 : i32
    %dma_start3A_13 = tpu.memref_slice %arg2[%mul3A_7, %dma_start3A_12, %add3A_9] : memref<26x64x100000xf32, #tpu.memory_space<hbm>> -> memref<1x8x3200xf32, #tpu.memory_space<hbm>>
    %dma_start3A_14 = tpu.memref_squeeze %dma_start3A_13 : memref<1x8x3200xf32, #tpu.memory_space<hbm>> -> memref<8x3200xf32, #tpu.memory_space<hbm>>
    tpu.enqueue_dma source(%dma_start3A_14 : memref<8x3200xf32, #tpu.memory_space<hbm>>) target(%arg5 : memref<8x3200xf32, #tpu.memory_space<vmem>>) target_semaphore(%arg14 : memref<!tpu.dma_semaphore, #tpu.memory_space<semaphore_mem>>)
    %mul3A_15 = arith.constant 13 : i32
    %mul3A_16 = arith.muli %arg0, %mul3A_15 : i32
    %add3A_17 = arith.constant 3200 : i32
    %add3A_18 = arith.addi %min3A_1, %add3A_17 : i32
    %dma_start3A_19 = arith.constant 0 : i32
    %dma_start3A_20 = tpu.memref_slice %arg2[%mul3A_16, %dma_start3A_19, %add3A_18] : memref<26x64x100000xf32, #tpu.memory_space<hbm>> -> memref<1x8x3200xf32, #tpu.memory_space<hbm>>
    %dma_start3A_21 = tpu.memref_squeeze %dma_start3A_20 : memref<1x8x3200xf32, #tpu.memory_space<hbm>> -> memref<8x3200xf32, #tpu.memory_space<hbm>>
    %dma_start3A_22 = arith.constant 0 : i32
    %dma_start3A_23 = tpu.memref_slice %arg2[%mul3A_16, %dma_start3A_22, %add3A_18] : memref<26x64x100000xf32, #tpu.memory_space<hbm>> -> memref<1x8x3200xf32, #tpu.memory_space<hbm>>
    %dma_start3A_24 = tpu.memref_squeeze %dma_start3A_23 : memref<1x8x3200xf32, #tpu.memory_space<hbm>> -> memref<8x3200xf32, #tpu.memory_space<hbm>>
    tpu.enqueue_dma source(%dma_start3A_24 : memref<8x3200xf32, #tpu.memory_space<hbm>>) target(%arg6 : memref<8x3200xf32, #tpu.memory_space<vmem>>) target_semaphore(%arg15 : memref<!tpu.dma_semaphore, #tpu.memory_space<semaphore_mem>>)
    %mul3A_25 = arith.constant 13 : i32
    %mul3A_26 = arith.muli %arg0, %mul3A_25 : i32
    %mul3A_27 = arith.constant 4096 : i32
    %mul3A_28 = arith.muli %mul3A_26, %mul3A_27 : i32
    %dma_start3A_29 = arith.constant 0 : i32
    %dma_start3A_30 = tpu.memref_slice %arg7[%dma_start3A_29] : memref<8192xi32, #tpu.memory_space<vmem>> -> memref<4096xi32, #tpu.memory_space<vmem>>
    %dma_start3A_31 = tpu.memref_slice %arg3[%mul3A_28] : memref<106496xi32, #tpu.memory_space<hbm>> -> memref<4096xi32, #tpu.memory_space<hbm>>
    %dma_start3A_32 = arith.constant 0 : i32
    %dma_start3A_33 = tpu.memref_slice %arg7[%dma_start3A_32] : memref<8192xi32, #tpu.memory_space<vmem>> -> memref<4096xi32, #tpu.memory_space<vmem>>
    %dma_start3A_34 = tpu.memref_slice %arg3[%mul3A_28] : memref<106496xi32, #tpu.memory_space<hbm>> -> memref<4096xi32, #tpu.memory_space<hbm>>
    tpu.enqueue_dma source(%dma_start3A_34 : memref<4096xi32, #tpu.memory_space<hbm>>) target(%dma_start3A_33 : memref<4096xi32, #tpu.memory_space<vmem>>) target_semaphore(%arg16 : memref<!tpu.dma_semaphore, #tpu.memory_space<semaphore_mem>>)
    %scan3A = arith.constant 0 : i32
    %scan3A_35 = arith.constant 0 : i32
    %scan3A_36 = arith.constant 13 : i32
    %scan3A_37 = arith.addi %scan3A_35, %scan3A_36 : i32
    %scan3A_38 = arith.constant 1 : i32
    scf.for %scan3A_65 = %scan3A_35 to %scan3A_37 step %scan3A_38  : i32 {
      %mul3A_66 = arith.constant 13 : i32
      %mul3A_67 = arith.muli %arg0, %mul3A_66 : i32
      %add3A_68 = arith.addi %mul3A_67, %scan3A_65 : i32
      %rem3A = arith.constant 2 : i32
      %rem3A_69 = arith.remsi %scan3A_65, %rem3A : i32
      %mul3A_70 = arith.constant 4096 : i32
      %mul3A_71 = arith.muli %rem3A_69, %mul3A_70 : i32
      %dma_wait3A_72 = arith.constant 0 : i32
      %dma_wait3A_73 = tpu.memref_slice %arg7[%dma_wait3A_72] : memref<8192xi32, #tpu.memory_space<vmem>> -> memref<4096xi32, #tpu.memory_space<vmem>>
      %dma_wait3A_74 = arith.constant 0 : i32
      %dma_wait3A_75 = tpu.memref_slice %arg3[%dma_wait3A_74] : memref<106496xi32, #tpu.memory_space<hbm>> -> memref<4096xi32, #tpu.memory_space<hbm>>
      %dma_wait3A_76 = arith.constant 0 : i32
      %dma_wait3A_77 = tpu.memref_slice %arg7[%dma_wait3A_76] : memref<8192xi32, #tpu.memory_space<vmem>> -> memref<4096xi32, #tpu.memory_space<vmem>>
      %dma_wait3A_78 = arith.constant 0 : i32
      %dma_wait3A_79 = tpu.memref_slice %arg3[%dma_wait3A_78] : memref<106496xi32, #tpu.memory_space<hbm>> -> memref<4096xi32, #tpu.memory_space<hbm>>
      tpu.wait_dma2 semaphore(%arg16 : memref<!tpu.dma_semaphore, #tpu.memory_space<semaphore_mem>>) src(%dma_wait3A_79 : memref<4096xi32, #tpu.memory_space<hbm>>) dst(%dma_wait3A_77 : memref<4096xi32, #tpu.memory_space<vmem>>)
      %add3A_80 = arith.constant 1 : i32
      %add3A_81 = arith.addi %add3A_68, %add3A_80 : i32
      %min3A_82 = arith.minsi %add3A_81, %sub3A_5 : i32
      %sub3A_83 = arith.constant 1 : i32
      %sub3A_84 = arith.subi %sub3A_83, %rem3A_69 : i32
      %mul3A_85 = arith.constant 4096 : i32
      %mul3A_86 = arith.muli %min3A_82, %mul3A_85 : i32
      %mul3A_87 = arith.constant 4096 : i32
      %mul3A_88 = arith.muli %sub3A_84, %mul3A_87 : i32
      %dma_start3A_89 = tpu.memref_slice %arg7[%mul3A_88] : memref<8192xi32, #tpu.memory_space<vmem>> -> memref<4096xi32, #tpu.memory_space<vmem>>
      %dma_start3A_90 = tpu.memref_slice %arg3[%mul3A_86] : memref<106496xi32, #tpu.memory_space<hbm>> -> memref<4096xi32, #tpu.memory_space<hbm>>
      %dma_start3A_91 = tpu.memref_slice %arg7[%mul3A_88] : memref<8192xi32, #tpu.memory_space<vmem>> -> memref<4096xi32, #tpu.memory_space<vmem>>
      %dma_start3A_92 = tpu.memref_slice %arg3[%mul3A_86] : memref<106496xi32, #tpu.memory_space<hbm>> -> memref<4096xi32, #tpu.memory_space<hbm>>
      tpu.enqueue_dma source(%dma_start3A_92 : memref<4096xi32, #tpu.memory_space<hbm>>) target(%dma_start3A_91 : memref<4096xi32, #tpu.memory_space<vmem>>) target_semaphore(%arg16 : memref<!tpu.dma_semaphore, #tpu.memory_space<semaphore_mem>>)
      %scan3A_93 = arith.constant 0 : i32
      %scan3A_94 = arith.constant 0 : i32
      %scan3A_95 = arith.constant 16 : i32
      %scan3A_96 = arith.addi %scan3A_94, %scan3A_95 : i32
      %scan3A_97 = arith.constant 1 : i32
      scf.for %scan3A_633 = %scan3A_94 to %scan3A_96 step %scan3A_97  : i32 {
        %broadcast_in_dim3A = arith.constant 0 : i32
        %broadcast_in_dim3A_634 = vector.broadcast %broadcast_in_dim3A : i32 to vector<16xi32>
        %mul3A_635 = arith.constant 16 : i32
        %mul3A_636 = arith.muli %scan3A_633, %mul3A_635 : i32
        %add3A_637 = arith.constant 106496 : i32
        %add3A_638 = arith.addi %add3A_637, %mul3A_636 : i32
        %iota3A = tpu.iota {dimensions = array<i32: 0>} : vector<16xi32>
        %add3A_639 = vector.broadcast %add3A_638 : i32 to vector<16xi32>
        %add3A_640 = arith.addi %add3A_639, %iota3A : vector<16xi32>
        %mul3A_641 = arith.constant 16 : i32
        %mul3A_642 = arith.muli %scan3A_633, %mul3A_641 : i32
        %swap3A = arith.index_cast %mul3A_642 : i32 to index
        %swap3A_643 = tpu.vector_load %arg8[%swap3A] {strides = array<i32>} : memref<256xi32, #tpu.memory_space<vmem>>, vector<16xi32>,
        tpu.vector_store %arg8[%swap3A], %broadcast_in_dim3A_634 {strides = array<i32>} : memref<256xi32, #tpu.memory_space<vmem>>, vector<16xi32>,
        %mul3A_644 = arith.constant 16 : i32
        %mul3A_645 = arith.muli %scan3A_633, %mul3A_644 : i32
        %swap3A_646 = arith.index_cast %mul3A_645 : i32 to index
        %swap3A_647 = tpu.vector_load %arg9[%swap3A_646] {strides = array<i32>} : memref<256xi32, #tpu.memory_space<vmem>>, vector<16xi32>,
        tpu.vector_store %arg9[%swap3A_646], %add3A_640 {strides = array<i32>} : memref<256xi32, #tpu.memory_space<vmem>>, vector<16xi32>,
        %mul3A_648 = arith.constant 16 : i32
        %mul3A_649 = arith.muli %scan3A_633, %mul3A_648 : i32
        %swap3A_650 = arith.index_cast %mul3A_649 : i32 to index
        %swap3A_651 = tpu.vector_load %arg10[%swap3A_650] {strides = array<i32>} : memref<256xi32, #tpu.memory_space<vmem>>, vector<16xi32>,
        tpu.vector_store %arg10[%swap3A_650], %broadcast_in_dim3A_634 {strides = array<i32>} : memref<256xi32, #tpu.memory_space<vmem>>, vector<16xi32>,
        %add3A_652 = arith.constant 256 : i32
        %add3A_653 = vector.broadcast %add3A_652 : i32 to vector<16xi32>
        %add3A_654 = arith.addi %add3A_640, %add3A_653 : vector<16xi32>
        %mul3A_655 = arith.constant 16 : i32
        %mul3A_656 = arith.muli %scan3A_633, %mul3A_655 : i32
        %swap3A_657 = arith.index_cast %mul3A_656 : i32 to index
        %swap3A_658 = tpu.vector_load %arg11[%swap3A_657] {strides = array<i32>} : memref<256xi32, #tpu.memory_space<vmem>>, vector<16xi32>,
        tpu.vector_store %arg11[%swap3A_657], %add3A_654 {strides = array<i32>} : memref<256xi32, #tpu.memory_space<vmem>>, vector<16xi32>,
      }
      %scan3A_98 = arith.constant 16 : i32
      %scan3A_99 = arith.constant 0 : i32
      %scan3A_100 = arith.constant 0 : i32
      %scan3A_101 = arith.constant 0 : i32
      %scan3A_102 = arith.constant 256 : i32
      %scan3A_103 = arith.addi %scan3A_101, %scan3A_102 : i32
      %scan3A_104 = arith.constant 1 : i32
      %scan3A_105:2 = scf.for %scan3A_633 = %scan3A_101 to %scan3A_103 step %scan3A_104 iter_args(%scan3A_634 = %scan3A_99, %scan3A_635 = %scan3A_100) -> (i32, i32)  : i32 {
        %mul3A_636 = arith.constant 16 : i32
        %mul3A_637 = arith.muli %scan3A_633, %mul3A_636 : i32
        %add3A_638 = arith.addi %mul3A_71, %mul3A_637 : i32
        %get3A = arith.index_cast %add3A_638 : i32 to index
        %get3A_639 = tpu.vector_load %arg7[%get3A] {strides = array<i32>} : memref<8192xi32, #tpu.memory_space<vmem>>, vector<16xi32>,
        %sub3A_640 = vector.broadcast %min3A_1 : i32 to vector<16xi32>
        %sub3A_641 = arith.subi %get3A_639, %sub3A_640 : vector<16xi32>
        %ge3A = arith.constant 0 : i32
        %ge3A_642 = vector.broadcast %ge3A : i32 to vector<16xi32>
        %ge3A_643 = arith.cmpi sge, %sub3A_641, %ge3A_642 : vector<16xi32>
        %lt3A = arith.constant 6400 : i32
        %lt3A_644 = vector.broadcast %lt3A : i32 to vector<16xi32>
        %lt3A_645 = arith.cmpi slt, %sub3A_641, %lt3A_644 : vector<16xi32>
        %and3A_646 = arith.andi %ge3A_643, %lt3A_645 : vector<16xi1>
        %lt3A_647 = arith.constant 3200 : i32
        %lt3A_648 = vector.broadcast %lt3A_647 : i32 to vector<16xi32>
        %lt3A_649 = arith.cmpi slt, %sub3A_641, %lt3A_648 : vector<16xi32>
        %and3A_650 = arith.andi %and3A_646, %lt3A_649 : vector<16xi1>
        %not3A = arith.constant dense<true> : vector<16xi1>
        %not3A_651 = arith.xori %lt3A_649, %not3A : vector<16xi1>
        %and3A_652 = arith.andi %and3A_646, %not3A_651 : vector<16xi1>
        %mul3A_653 = arith.constant 4096 : i32
        %mul3A_654 = arith.muli %add3A_68, %mul3A_653 : i32
        %mul3A_655 = arith.constant 16 : i32
        %mul3A_656 = arith.muli %scan3A_633, %mul3A_655 : i32
        %add3A_657 = arith.addi %mul3A_654, %mul3A_656 : i32
        %iota3A = tpu.iota {dimensions = array<i32: 0>} : vector<16xi32>
        %add3A_658 = vector.broadcast %add3A_657 : i32 to vector<16xi32>
        %add3A_659 = arith.addi %add3A_658, %iota3A : vector<16xi32>
        %min3A_660 = arith.constant 240 : i32
        %min3A_661 = arith.minsi %scan3A_634, %min3A_660 : i32
        %min3A_662 = arith.constant 240 : i32
        %min3A_663 = arith.minsi %scan3A_635, %min3A_662 : i32
        %swap3A = arith.index_cast %min3A_661 : i32 to index
        %swap3A_664 = tpu.vector_load %arg8[%swap3A] masked %and3A_650 {strides = array<i32>} : memref<256xi32, #tpu.memory_space<vmem>>, vector<16xi32>, vector<16xi1>
        tpu.vector_store %arg8[%swap3A], %sub3A_641 masked %and3A_650 {strides = array<i32>} : memref<256xi32, #tpu.memory_space<vmem>>, vector<16xi32>, vector<16xi1>
        %swap3A_665 = arith.index_cast %min3A_661 : i32 to index
        %swap3A_666 = tpu.vector_load %arg9[%swap3A_665] masked %and3A_650 {strides = array<i32>} : memref<256xi32, #tpu.memory_space<vmem>>, vector<16xi32>, vector<16xi1>
        tpu.vector_store %arg9[%swap3A_665], %add3A_659 masked %and3A_650 {strides = array<i32>} : memref<256xi32, #tpu.memory_space<vmem>>, vector<16xi32>, vector<16xi1>
        %sub3A_667 = arith.constant 3200 : i32
        %sub3A_668 = vector.broadcast %sub3A_667 : i32 to vector<16xi32>
        %sub3A_669 = arith.subi %sub3A_641, %sub3A_668 : vector<16xi32>
        %swap3A_670 = arith.index_cast %min3A_663 : i32 to index
        %swap3A_671 = tpu.vector_load %arg10[%swap3A_670] masked %and3A_652 {strides = array<i32>} : memref<256xi32, #tpu.memory_space<vmem>>, vector<16xi32>, vector<16xi1>
        tpu.vector_store %arg10[%swap3A_670], %sub3A_669 masked %and3A_652 {strides = array<i32>} : memref<256xi32, #tpu.memory_space<vmem>>, vector<16xi32>, vector<16xi1>
        %swap3A_672 = arith.index_cast %min3A_663 : i32 to index
        %swap3A_673 = tpu.vector_load %arg11[%swap3A_672] masked %and3A_652 {strides = array<i32>} : memref<256xi32, #tpu.memory_space<vmem>>, vector<16xi32>, vector<16xi1>
        tpu.vector_store %arg11[%swap3A_672], %add3A_659 masked %and3A_652 {strides = array<i32>} : memref<256xi32, #tpu.memory_space<vmem>>, vector<16xi32>, vector<16xi1>
        %all_reduce_population_count3A = tpu.all_reduce %and3A_650 {dim = 0 : i64, kind = #tpu.reduction_kind<sum>} : vector<16xi1> -> vector<16xi32>
        %slice3A = vector.extract_strided_slice %all_reduce_population_count3A {offsets = [0], sizes = [1], strides = [1]} : vector<16xi32> to vector<1xi32>
        %squeeze3A = vector.extract %slice3A[0] : i32 from vector<1xi32>
        %add3A_674 = arith.addi %min3A_661, %squeeze3A : i32
        %all_reduce_population_count3A_675 = tpu.all_reduce %and3A_652 {dim = 0 : i64, kind = #tpu.reduction_kind<sum>} : vector<16xi1> -> vector<16xi32>
        %slice3A_676 = vector.extract_strided_slice %all_reduce_population_count3A_675 {offsets = [0], sizes = [1], strides = [1]} : vector<16xi32> to vector<1xi32>
        %squeeze3A_677 = vector.extract %slice3A_676[0] : i32 from vector<1xi32>
        %add3A_678 = arith.addi %min3A_663, %squeeze3A_677 : i32
        scf.yield %add3A_674, %add3A_678 : i32, i32
      }
      %scan3A_106 = arith.constant 256 : i32
      %scan3A_107 = arith.constant 0 : i32
      %scan3A_108 = arith.constant 0 : i32
      %scan3A_109 = arith.constant 16 : i32
      %scan3A_110 = arith.addi %scan3A_108, %scan3A_109 : i32
      %scan3A_111 = arith.constant 1 : i32
      scf.for %scan3A_633 = %scan3A_108 to %scan3A_110 step %scan3A_111  : i32 {
        %mul3A_634 = arith.constant 16 : i32
        %mul3A_635 = arith.muli %scan3A_633, %mul3A_634 : i32
        %get3A = arith.index_cast %mul3A_635 : i32 to index
        %get3A_636 = tpu.vector_load %arg9[%get3A] {strides = array<i32>} : memref<256xi32, #tpu.memory_space<vmem>>, vector<16xi32>,
        %jit3A_637 = arith.constant 8 : i32
        %div3A_638 = arith.divsi %scan3A_633, %jit3A_637 : i32
        %sign3A_639 = arith.constant 0 : i32
        %sign3A_640 = arith.cmpi sgt, %scan3A_633, %sign3A_639 : i32
        %sign3A_641 = arith.extui %sign3A_640 : i1 to i32
        %sign3A_642 = arith.constant 0 : i32
        %sign3A_643 = arith.cmpi slt, %scan3A_633, %sign3A_642 : i32
        %sign3A_644 = arith.extui %sign3A_643 : i1 to i32
        %sign3A_645 = arith.subi %sign3A_641, %sign3A_644 : i32
        %sign3A_646 = arith.constant 0 : i32
        %sign3A_647 = arith.cmpi sgt, %jit3A_637, %sign3A_646 : i32
        %sign3A_648 = arith.extui %sign3A_647 : i1 to i32
        %sign3A_649 = arith.constant 0 : i32
        %sign3A_650 = arith.cmpi slt, %jit3A_637, %sign3A_649 : i32
        %sign3A_651 = arith.extui %sign3A_650 : i1 to i32
        %sign3A_652 = arith.subi %sign3A_648, %sign3A_651 : i32
        %ne3A_653 = arith.cmpi ne, %sign3A_645, %sign3A_652 : i32
        %rem3A_654 = arith.remsi %scan3A_633, %jit3A_637 : i32
        %ne3A_655 = arith.constant 0 : i32
        %ne3A_656 = arith.cmpi ne, %rem3A_654, %ne3A_655 : i32
        %and3A_657 = arith.andi %ne3A_653, %ne3A_656 : i1
        %sub3A_658 = arith.constant 1 : i32
        %sub3A_659 = arith.subi %div3A_638, %sub3A_658 : i32
        %select_n3A_660 = arith.select %and3A_657, %sub3A_659, %div3A_638 : i32
        %jit3A_661 = arith.constant 8 : i32
        %eq3A = arith.constant 0 : i32
        %eq3A_662 = arith.cmpi eq, %jit3A_661, %eq3A : i32
        %jit3A_663 = arith.constant 1 : i32
        %select_n3A_664 = arith.select %eq3A_662, %jit3A_663, %jit3A_661 : i32
        %rem3A_665 = arith.remsi %scan3A_633, %select_n3A_664 : i32
        %ne3A_666 = arith.constant 0 : i32
        %ne3A_667 = arith.cmpi ne, %rem3A_665, %ne3A_666 : i32
        %lt3A = arith.constant 0 : i32
        %lt3A_668 = arith.cmpi slt, %rem3A_665, %lt3A : i32
        %lt3A_669 = arith.constant 0 : i32
        %lt3A_670 = arith.cmpi slt, %select_n3A_664, %lt3A_669 : i32
        %ne3A_671 = arith.xori %lt3A_668, %lt3A_670 : i1
        %and3A_672 = arith.andi %ne3A_671, %ne3A_667 : i1
        %add3A_673 = arith.addi %rem3A_665, %select_n3A_664 : i32
        %select_n3A_674 = arith.select %and3A_672, %add3A_673, %rem3A_665 : i32
        %mul3A_675 = arith.constant 16 : i32
        %mul3A_676 = arith.muli %select_n3A_674, %mul3A_675 : i32
        %swap3A = arith.index_cast %select_n3A_660 : i32 to index
        %swap3A_677 = arith.index_cast %mul3A_676 : i32 to index
        %swap3A_678 = tpu.vector_load %arg12[%swap3A, %swap3A_677] {strides = array<i32>} : memref<4x128xi32, #tpu.memory_space<vmem>>, vector<16xi32>,
        tpu.vector_store %arg12[%swap3A, %swap3A_677], %get3A_636 {strides = array<i32>} : memref<4x128xi32, #tpu.memory_space<vmem>>, vector<16xi32>,
        %mul3A_679 = arith.constant 16 : i32
        %mul3A_680 = arith.muli %scan3A_633, %mul3A_679 : i32
        %get3A_681 = arith.index_cast %mul3A_680 : i32 to index
        %get3A_682 = tpu.vector_load %arg11[%get3A_681] {strides = array<i32>} : memref<256xi32, #tpu.memory_space<vmem>>, vector<16xi32>,
        %jit3A_683 = arith.constant 8 : i32
        %div3A_684 = arith.divsi %scan3A_633, %jit3A_683 : i32
        %sign3A_685 = arith.constant 0 : i32
        %sign3A_686 = arith.cmpi sgt, %scan3A_633, %sign3A_685 : i32
        %sign3A_687 = arith.extui %sign3A_686 : i1 to i32
        %sign3A_688 = arith.constant 0 : i32
        %sign3A_689 = arith.cmpi slt, %scan3A_633, %sign3A_688 : i32
        %sign3A_690 = arith.extui %sign3A_689 : i1 to i32
        %sign3A_691 = arith.subi %sign3A_687, %sign3A_690 : i32
        %sign3A_692 = arith.constant 0 : i32
        %sign3A_693 = arith.cmpi sgt, %jit3A_683, %sign3A_692 : i32
        %sign3A_694 = arith.extui %sign3A_693 : i1 to i32
        %sign3A_695 = arith.constant 0 : i32
        %sign3A_696 = arith.cmpi slt, %jit3A_683, %sign3A_695 : i32
        %sign3A_697 = arith.extui %sign3A_696 : i1 to i32
        %sign3A_698 = arith.subi %sign3A_694, %sign3A_697 : i32
        %ne3A_699 = arith.cmpi ne, %sign3A_691, %sign3A_698 : i32
        %rem3A_700 = arith.remsi %scan3A_633, %jit3A_683 : i32
        %ne3A_701 = arith.constant 0 : i32
        %ne3A_702 = arith.cmpi ne, %rem3A_700, %ne3A_701 : i32
        %and3A_703 = arith.andi %ne3A_699, %ne3A_702 : i1
        %sub3A_704 = arith.constant 1 : i32
        %sub3A_705 = arith.subi %div3A_684, %sub3A_704 : i32
        %select_n3A_706 = arith.select %and3A_703, %sub3A_705, %div3A_684 : i32
        %add3A_707 = arith.constant 2 : i32
        %add3A_708 = arith.addi %add3A_707, %select_n3A_706 : i32
        %jit3A_709 = arith.constant 8 : i32
        %eq3A_710 = arith.constant 0 : i32
        %eq3A_711 = arith.cmpi eq, %jit3A_709, %eq3A_710 : i32
        %jit3A_712 = arith.constant 1 : i32
        %select_n3A_713 = arith.select %eq3A_711, %jit3A_712, %jit3A_709 : i32
        %rem3A_714 = arith.remsi %scan3A_633, %select_n3A_713 : i32
        %ne3A_715 = arith.constant 0 : i32
        %ne3A_716 = arith.cmpi ne, %rem3A_714, %ne3A_715 : i32
        %lt3A_717 = arith.constant 0 : i32
        %lt3A_718 = arith.cmpi slt, %rem3A_714, %lt3A_717 : i32
        %lt3A_719 = arith.constant 0 : i32
        %lt3A_720 = arith.cmpi slt, %select_n3A_713, %lt3A_719 : i32
        %ne3A_721 = arith.xori %lt3A_718, %lt3A_720 : i1
        %and3A_722 = arith.andi %ne3A_721, %ne3A_716 : i1
        %add3A_723 = arith.addi %rem3A_714, %select_n3A_713 : i32
        %select_n3A_724 = arith.select %and3A_722, %add3A_723, %rem3A_714 : i32
        %mul3A_725 = arith.constant 16 : i32
        %mul3A_726 = arith.muli %select_n3A_724, %mul3A_725 : i32
        %swap3A_727 = arith.index_cast %add3A_708 : i32 to index
        %swap3A_728 = arith.index_cast %mul3A_726 : i32 to index
        %swap3A_729 = tpu.vector_load %arg12[%swap3A_727, %swap3A_728] {strides = array<i32>} : memref<4x128xi32, #tpu.memory_space<vmem>>, vector<16xi32>,
        tpu.vector_store %arg12[%swap3A_727, %swap3A_728], %get3A_682 {strides = array<i32>} : memref<4x128xi32, #tpu.memory_space<vmem>>, vector<16xi32>,
      }
      %scan3A_112 = arith.constant 16 : i32
      %add3A_113 = arith.constant 15 : i32
      %add3A_114 = arith.addi %scan3A_105#0, %add3A_113 : i32
      %jit3A = arith.constant 16 : i32
      %div3A = arith.divsi %add3A_114, %jit3A : i32
      %sign3A = arith.constant 0 : i32
      %sign3A_115 = arith.cmpi sgt, %add3A_114, %sign3A : i32
      %sign3A_116 = arith.extui %sign3A_115 : i1 to i32
      %sign3A_117 = arith.constant 0 : i32
      %sign3A_118 = arith.cmpi slt, %add3A_114, %sign3A_117 : i32
      %sign3A_119 = arith.extui %sign3A_118 : i1 to i32
      %sign3A_120 = arith.subi %sign3A_116, %sign3A_119 : i32
      %sign3A_121 = arith.constant 0 : i32
      %sign3A_122 = arith.cmpi sgt, %jit3A, %sign3A_121 : i32
      %sign3A_123 = arith.extui %sign3A_122 : i1 to i32
      %sign3A_124 = arith.constant 0 : i32
      %sign3A_125 = arith.cmpi slt, %jit3A, %sign3A_124 : i32
      %sign3A_126 = arith.extui %sign3A_125 : i1 to i32
      %sign3A_127 = arith.subi %sign3A_123, %sign3A_126 : i32
      %ne3A = arith.cmpi ne, %sign3A_120, %sign3A_127 : i32
      %rem3A_128 = arith.remsi %add3A_114, %jit3A : i32
      %ne3A_129 = arith.constant 0 : i32
      %ne3A_130 = arith.cmpi ne, %rem3A_128, %ne3A_129 : i32
      %and3A = arith.andi %ne3A, %ne3A_130 : i1
      %sub3A_131 = arith.constant 1 : i32
      %sub3A_132 = arith.subi %div3A, %sub3A_131 : i32
      %select_n3A = arith.select %and3A, %sub3A_132, %div3A : i32
      %add3A_133 = arith.constant 15 : i32
      %add3A_134 = arith.addi %scan3A_105#1, %add3A_133 : i32
      %jit3A_135 = arith.constant 16 : i32
      %div3A_136 = arith.divsi %add3A_134, %jit3A_135 : i32
      %sign3A_137 = arith.constant 0 : i32
      %sign3A_138 = arith.cmpi sgt, %add3A_134, %sign3A_137 : i32
      %sign3A_139 = arith.extui %sign3A_138 : i1 to i32
      %sign3A_140 = arith.constant 0 : i32
      %sign3A_141 = arith.cmpi slt, %add3A_134, %sign3A_140 : i32
      %sign3A_142 = arith.extui %sign3A_141 : i1 to i32
      %sign3A_143 = arith.subi %sign3A_139, %sign3A_142 : i32
      %sign3A_144 = arith.constant 0 : i32
      %sign3A_145 = arith.cmpi sgt, %jit3A_135, %sign3A_144 : i32
      %sign3A_146 = arith.extui %sign3A_145 : i1 to i32
      %sign3A_147 = arith.constant 0 : i32
      %sign3A_148 = arith.cmpi slt, %jit3A_135, %sign3A_147 : i32
      %sign3A_149 = arith.extui %sign3A_148 : i1 to i32
      %sign3A_150 = arith.subi %sign3A_146, %sign3A_149 : i32
      %ne3A_151 = arith.cmpi ne, %sign3A_143, %sign3A_150 : i32
      %rem3A_152 = arith.remsi %add3A_134, %jit3A_135 : i32
      %ne3A_153 = arith.constant 0 : i32
      %ne3A_154 = arith.cmpi ne, %rem3A_152, %ne3A_153 : i32
      %and3A_155 = arith.andi %ne3A_151, %ne3A_154 : i1
      %sub3A_156 = arith.constant 1 : i32
      %sub3A_157 = arith.subi %div3A_136, %sub3A_156 : i32
      %select_n3A_158 = arith.select %and3A_155, %sub3A_157, %div3A_136 : i32
      %dma_wait3A_159 = arith.constant 0 : i32
      %dma_wait3A_160 = arith.constant 0 : i32
      %dma_wait3A_161 = arith.constant 0 : i32
      %dma_wait3A_162 = tpu.memref_slice %arg2[%dma_wait3A_159, %dma_wait3A_160, %dma_wait3A_161] : memref<26x64x100000xf32, #tpu.memory_space<hbm>> -> memref<1x8x3200xf32, #tpu.memory_space<hbm>>
      %dma_wait3A_163 = tpu.memref_squeeze %dma_wait3A_162 : memref<1x8x3200xf32, #tpu.memory_space<hbm>> -> memref<8x3200xf32, #tpu.memory_space<hbm>>
      %dma_wait3A_164 = arith.constant 0 : i32
      %dma_wait3A_165 = arith.constant 0 : i32
      %dma_wait3A_166 = tpu.memref_slice %arg2[%dma_wait3A_159, %dma_wait3A_164, %dma_wait3A_165] : memref<26x64x100000xf32, #tpu.memory_space<hbm>> -> memref<1x8x3200xf32, #tpu.memory_space<hbm>>
      %dma_wait3A_167 = tpu.memref_squeeze %dma_wait3A_166 : memref<1x8x3200xf32, #tpu.memory_space<hbm>> -> memref<8x3200xf32, #tpu.memory_space<hbm>>
      tpu.wait_dma2 semaphore(%arg14 : memref<!tpu.dma_semaphore, #tpu.memory_space<semaphore_mem>>) src(%dma_wait3A_167 : memref<8x3200xf32, #tpu.memory_space<hbm>>) dst(%arg5 : memref<8x3200xf32, #tpu.memory_space<vmem>>)
      %while3A = arith.constant 0 : i32
      %while3A_168 = arith.constant 0 : i32
      %while3A_169 = arith.subi %select_n3A, %while3A_168 : i32
      %while3A_170 = arith.addi %while3A_168, %while3A_169 : i32
      %while3A_171 = arith.constant 1 : i32
      %while3A_172 = arith.divsi %while3A_169, %while3A_171 : i32
      %while3A_173 = arith.muli %while3A_172, %while3A_171 : i32
      %while3A_174 = arith.addi %while3A_168, %while3A_173 : i32
      %while3A_175 = arith.constant 1 : i32
      scf.for %while3A_633 = %while3A_168 to %while3A_174 step %while3A_175  : i32 {
        %mul3A_634 = arith.constant 16 : i32
        %mul3A_635 = arith.muli %while3A_633, %mul3A_634 : i32
        %get3A = arith.index_cast %mul3A_635 : i32 to index
        %get3A_636 = tpu.vector_load %arg8[%get3A] {strides = array<i32>} : memref<256xi32, #tpu.memory_space<vmem>>, vector<16xi32>,
        %mul3A_637 = arith.constant 16 : i32
        %mul3A_638 = arith.muli %while3A_633, %mul3A_637 : i32
        %iota3A = tpu.iota {dimensions = array<i32: 0>} : vector<16xi32>
        %add3A_639 = vector.broadcast %mul3A_638 : i32 to vector<16xi32>
        %add3A_640 = arith.addi %add3A_639, %iota3A : vector<16xi32>
        %broadcast_in_dim3A = arith.constant 0 : i32
        %broadcast_in_dim3A_641 = vector.broadcast %broadcast_in_dim3A : i32 to vector<16xi32>
        %gather3A = tpu.vector_load_idx %arg5[%broadcast_in_dim3A_641, %get3A_636] : memref<8x3200xf32, #tpu.memory_space<vmem>>[vector<16xi32>, vector<16xi32>], vector<16xf32>,
        %broadcast_in_dim3A_642 = arith.constant 0 : i32
        %broadcast_in_dim3A_643 = vector.broadcast %broadcast_in_dim3A_642 : i32 to vector<16xi32>
        tpu.vector_store_idx %arg13[%add3A_640, %broadcast_in_dim3A_643], %gather3A : memref<512x128xf32, #tpu.memory_space<vmem>>[vector<16xi32>, vector<16xi32>], vector<16xf32>,
        %broadcast_in_dim3A_644 = arith.constant 1 : i32
        %broadcast_in_dim3A_645 = vector.broadcast %broadcast_in_dim3A_644 : i32 to vector<16xi32>
        %gather3A_646 = tpu.vector_load_idx %arg5[%broadcast_in_dim3A_645, %get3A_636] : memref<8x3200xf32, #tpu.memory_space<vmem>>[vector<16xi32>, vector<16xi32>], vector<16xf32>,
        %broadcast_in_dim3A_647 = arith.constant 1 : i32
        %broadcast_in_dim3A_648 = vector.broadcast %broadcast_in_dim3A_647 : i32 to vector<16xi32>
        tpu.vector_store_idx %arg13[%add3A_640, %broadcast_in_dim3A_648], %gather3A_646 : memref<512x128xf32, #tpu.memory_space<vmem>>[vector<16xi32>, vector<16xi32>], vector<16xf32>,
        %broadcast_in_dim3A_649 = arith.constant 2 : i32
        %broadcast_in_dim3A_650 = vector.broadcast %broadcast_in_dim3A_649 : i32 to vector<16xi32>
        %gather3A_651 = tpu.vector_load_idx %arg5[%broadcast_in_dim3A_650, %get3A_636] : memref<8x3200xf32, #tpu.memory_space<vmem>>[vector<16xi32>, vector<16xi32>], vector<16xf32>,
        %broadcast_in_dim3A_652 = arith.constant 2 : i32
        %broadcast_in_dim3A_653 = vector.broadcast %broadcast_in_dim3A_652 : i32 to vector<16xi32>
        tpu.vector_store_idx %arg13[%add3A_640, %broadcast_in_dim3A_653], %gather3A_651 : memref<512x128xf32, #tpu.memory_space<vmem>>[vector<16xi32>, vector<16xi32>], vector<16xf32>,
        %broadcast_in_dim3A_654 = arith.constant 3 : i32
        %broadcast_in_dim3A_655 = vector.broadcast %broadcast_in_dim3A_654 : i32 to vector<16xi32>
        %gather3A_656 = tpu.vector_load_idx %arg5[%broadcast_in_dim3A_655, %get3A_636] : memref<8x3200xf32, #tpu.memory_space<vmem>>[vector<16xi32>, vector<16xi32>], vector<16xf32>,
        %broadcast_in_dim3A_657 = arith.constant 3 : i32
        %broadcast_in_dim3A_658 = vector.broadcast %broadcast_in_dim3A_657 : i32 to vector<16xi32>
        tpu.vector_store_idx %arg13[%add3A_640, %broadcast_in_dim3A_658], %gather3A_656 : memref<512x128xf32, #tpu.memory_space<vmem>>[vector<16xi32>, vector<16xi32>], vector<16xf32>,
        %broadcast_in_dim3A_659 = arith.constant 4 : i32
        %broadcast_in_dim3A_660 = vector.broadcast %broadcast_in_dim3A_659 : i32 to vector<16xi32>
        %gather3A_661 = tpu.vector_load_idx %arg5[%broadcast_in_dim3A_660, %get3A_636] : memref<8x3200xf32, #tpu.memory_space<vmem>>[vector<16xi32>, vector<16xi32>], vector<16xf32>,
        %broadcast_in_dim3A_662 = arith.constant 4 : i32
        %broadcast_in_dim3A_663 = vector.broadcast %broadcast_in_dim3A_662 : i32 to vector<16xi32>
        tpu.vector_store_idx %arg13[%add3A_640, %broadcast_in_dim3A_663], %gather3A_661 : memref<512x128xf32, #tpu.memory_space<vmem>>[vector<16xi32>, vector<16xi32>], vector<16xf32>,
        %broadcast_in_dim3A_664 = arith.constant 5 : i32
        %broadcast_in_dim3A_665 = vector.broadcast %broadcast_in_dim3A_664 : i32 to vector<16xi32>
        %gather3A_666 = tpu.vector_load_idx %arg5[%broadcast_in_dim3A_665, %get3A_636] : memref<8x3200xf32, #tpu.memory_space<vmem>>[vector<16xi32>, vector<16xi32>], vector<16xf32>,
        %broadcast_in_dim3A_667 = arith.constant 5 : i32
        %broadcast_in_dim3A_668 = vector.broadcast %broadcast_in_dim3A_667 : i32 to vector<16xi32>
        tpu.vector_store_idx %arg13[%add3A_640, %broadcast_in_dim3A_668], %gather3A_666 : memref<512x128xf32, #tpu.memory_space<vmem>>[vector<16xi32>, vector<16xi32>], vector<16xf32>,
        %broadcast_in_dim3A_669 = arith.constant 6 : i32
        %broadcast_in_dim3A_670 = vector.broadcast %broadcast_in_dim3A_669 : i32 to vector<16xi32>
        %gather3A_671 = tpu.vector_load_idx %arg5[%broadcast_in_dim3A_670, %get3A_636] : memref<8x3200xf32, #tpu.memory_space<vmem>>[vector<16xi32>, vector<16xi32>], vector<16xf32>,
        %broadcast_in_dim3A_672 = arith.constant 6 : i32
        %broadcast_in_dim3A_673 = vector.broadcast %broadcast_in_dim3A_672 : i32 to vector<16xi32>
        tpu.vector_store_idx %arg13[%add3A_640, %broadcast_in_dim3A_673], %gather3A_671 : memref<512x128xf32, #tpu.memory_space<vmem>>[vector<16xi32>, vector<16xi32>], vector<16xf32>,
        %broadcast_in_dim3A_674 = arith.constant 7 : i32
        %broadcast_in_dim3A_675 = vector.broadcast %broadcast_in_dim3A_674 : i32 to vector<16xi32>
        %gather3A_676 = tpu.vector_load_idx %arg5[%broadcast_in_dim3A_675, %get3A_636] : memref<8x3200xf32, #tpu.memory_space<vmem>>[vector<16xi32>, vector<16xi32>], vector<16xf32>,
        %broadcast_in_dim3A_677 = arith.constant 7 : i32
        %broadcast_in_dim3A_678 = vector.broadcast %broadcast_in_dim3A_677 : i32 to vector<16xi32>
        tpu.vector_store_idx %arg13[%add3A_640, %broadcast_in_dim3A_678], %gather3A_676 : memref<512x128xf32, #tpu.memory_space<vmem>>[vector<16xi32>, vector<16xi32>], vector<16xf32>,
      }
      %while3A_176 = arith.constant 1 : i32
      scf.for %while3A_633 = %while3A_174 to %while3A_170 step %while3A_176  : i32 {
        %mul3A_634 = arith.constant 16 : i32
        %mul3A_635 = arith.muli %while3A_633, %mul3A_634 : i32
        %get3A = arith.index_cast %mul3A_635 : i32 to index
        %get3A_636 = tpu.vector_load %arg8[%get3A] {strides = array<i32>} : memref<256xi32, #tpu.memory_space<vmem>>, vector<16xi32>,
        %mul3A_637 = arith.constant 16 : i32
        %mul3A_638 = arith.muli %while3A_633, %mul3A_637 : i32
        %iota3A = tpu.iota {dimensions = array<i32: 0>} : vector<16xi32>
        %add3A_639 = vector.broadcast %mul3A_638 : i32 to vector<16xi32>
        %add3A_640 = arith.addi %add3A_639, %iota3A : vector<16xi32>
        %broadcast_in_dim3A = arith.constant 0 : i32
        %broadcast_in_dim3A_641 = vector.broadcast %broadcast_in_dim3A : i32 to vector<16xi32>
        %gather3A = tpu.vector_load_idx %arg5[%broadcast_in_dim3A_641, %get3A_636] : memref<8x3200xf32, #tpu.memory_space<vmem>>[vector<16xi32>, vector<16xi32>], vector<16xf32>,
        %broadcast_in_dim3A_642 = arith.constant 0 : i32
        %broadcast_in_dim3A_643 = vector.broadcast %broadcast_in_dim3A_642 : i32 to vector<16xi32>
        tpu.vector_store_idx %arg13[%add3A_640, %broadcast_in_dim3A_643], %gather3A : memref<512x128xf32, #tpu.memory_space<vmem>>[vector<16xi32>, vector<16xi32>], vector<16xf32>,
        %broadcast_in_dim3A_644 = arith.constant 1 : i32
        %broadcast_in_dim3A_645 = vector.broadcast %broadcast_in_dim3A_644 : i32 to vector<16xi32>
        %gather3A_646 = tpu.vector_load_idx %arg5[%broadcast_in_dim3A_645, %get3A_636] : memref<8x3200xf32, #tpu.memory_space<vmem>>[vector<16xi32>, vector<16xi32>], vector<16xf32>,
        %broadcast_in_dim3A_647 = arith.constant 1 : i32
        %broadcast_in_dim3A_648 = vector.broadcast %broadcast_in_dim3A_647 : i32 to vector<16xi32>
        tpu.vector_store_idx %arg13[%add3A_640, %broadcast_in_dim3A_648], %gather3A_646 : memref<512x128xf32, #tpu.memory_space<vmem>>[vector<16xi32>, vector<16xi32>], vector<16xf32>,
        %broadcast_in_dim3A_649 = arith.constant 2 : i32
        %broadcast_in_dim3A_650 = vector.broadcast %broadcast_in_dim3A_649 : i32 to vector<16xi32>
        %gather3A_651 = tpu.vector_load_idx %arg5[%broadcast_in_dim3A_650, %get3A_636] : memref<8x3200xf32, #tpu.memory_space<vmem>>[vector<16xi32>, vector<16xi32>], vector<16xf32>,
        %broadcast_in_dim3A_652 = arith.constant 2 : i32
        %broadcast_in_dim3A_653 = vector.broadcast %broadcast_in_dim3A_652 : i32 to vector<16xi32>
        tpu.vector_store_idx %arg13[%add3A_640, %broadcast_in_dim3A_653], %gather3A_651 : memref<512x128xf32, #tpu.memory_space<vmem>>[vector<16xi32>, vector<16xi32>], vector<16xf32>,
        %broadcast_in_dim3A_654 = arith.constant 3 : i32
        %broadcast_in_dim3A_655 = vector.broadcast %broadcast_in_dim3A_654 : i32 to vector<16xi32>
        %gather3A_656 = tpu.vector_load_idx %arg5[%broadcast_in_dim3A_655, %get3A_636] : memref<8x3200xf32, #tpu.memory_space<vmem>>[vector<16xi32>, vector<16xi32>], vector<16xf32>,
        %broadcast_in_dim3A_657 = arith.constant 3 : i32
        %broadcast_in_dim3A_658 = vector.broadcast %broadcast_in_dim3A_657 : i32 to vector<16xi32>
        tpu.vector_store_idx %arg13[%add3A_640, %broadcast_in_dim3A_658], %gather3A_656 : memref<512x128xf32, #tpu.memory_space<vmem>>[vector<16xi32>, vector<16xi32>], vector<16xf32>,
        %broadcast_in_dim3A_659 = arith.constant 4 : i32
        %broadcast_in_dim3A_660 = vector.broadcast %broadcast_in_dim3A_659 : i32 to vector<16xi32>
        %gather3A_661 = tpu.vector_load_idx %arg5[%broadcast_in_dim3A_660, %get3A_636] : memref<8x3200xf32, #tpu.memory_space<vmem>>[vector<16xi32>, vector<16xi32>], vector<16xf32>,
        %broadcast_in_dim3A_662 = arith.constant 4 : i32
        %broadcast_in_dim3A_663 = vector.broadcast %broadcast_in_dim3A_662 : i32 to vector<16xi32>
        tpu.vector_store_idx %arg13[%add3A_640, %broadcast_in_dim3A_663], %gather3A_661 : memref<512x128xf32, #tpu.memory_space<vmem>>[vector<16xi32>, vector<16xi32>], vector<16xf32>,
        %broadcast_in_dim3A_664 = arith.constant 5 : i32
        %broadcast_in_dim3A_665 = vector.broadcast %broadcast_in_dim3A_664 : i32 to vector<16xi32>
        %gather3A_666 = tpu.vector_load_idx %arg5[%broadcast_in_dim3A_665, %get3A_636] : memref<8x3200xf32, #tpu.memory_space<vmem>>[vector<16xi32>, vector<16xi32>], vector<16xf32>,
        %broadcast_in_dim3A_667 = arith.constant 5 : i32
        %broadcast_in_dim3A_668 = vector.broadcast %broadcast_in_dim3A_667 : i32 to vector<16xi32>
        tpu.vector_store_idx %arg13[%add3A_640, %broadcast_in_dim3A_668], %gather3A_666 : memref<512x128xf32, #tpu.memory_space<vmem>>[vector<16xi32>, vector<16xi32>], vector<16xf32>,
        %broadcast_in_dim3A_669 = arith.constant 6 : i32
        %broadcast_in_dim3A_670 = vector.broadcast %broadcast_in_dim3A_669 : i32 to vector<16xi32>
        %gather3A_671 = tpu.vector_load_idx %arg5[%broadcast_in_dim3A_670, %get3A_636] : memref<8x3200xf32, #tpu.memory_space<vmem>>[vector<16xi32>, vector<16xi32>], vector<16xf32>,
        %broadcast_in_dim3A_672 = arith.constant 6 : i32
        %broadcast_in_dim3A_673 = vector.broadcast %broadcast_in_dim3A_672 : i32 to vector<16xi32>
        tpu.vector_store_idx %arg13[%add3A_640, %broadcast_in_dim3A_673], %gather3A_671 : memref<512x128xf32, #tpu.memory_space<vmem>>[vector<16xi32>, vector<16xi32>], vector<16xf32>,
        %broadcast_in_dim3A_674 = arith.constant 7 : i32
        %broadcast_in_dim3A_675 = vector.broadcast %broadcast_in_dim3A_674 : i32 to vector<16xi32>
        %gather3A_676 = tpu.vector_load_idx %arg5[%broadcast_in_dim3A_675, %get3A_636] : memref<8x3200xf32, #tpu.memory_space<vmem>>[vector<16xi32>, vector<16xi32>], vector<16xf32>,
        %broadcast_in_dim3A_677 = arith.constant 7 : i32
        %broadcast_in_dim3A_678 = vector.broadcast %broadcast_in_dim3A_677 : i32 to vector<16xi32>
        tpu.vector_store_idx %arg13[%add3A_640, %broadcast_in_dim3A_678], %gather3A_676 : memref<512x128xf32, #tpu.memory_space<vmem>>[vector<16xi32>, vector<16xi32>], vector<16xf32>,
      }
      %add3A_177 = arith.constant 0 : i32
      %add3A_178 = arith.addi %min3A_1, %add3A_177 : i32
      %dma_start3A_179 = arith.constant 8 : i32
      %dma_start3A_180 = tpu.memref_slice %arg2[%add3A_68, %dma_start3A_179, %add3A_178] : memref<26x64x100000xf32, #tpu.memory_space<hbm>> -> memref<1x8x3200xf32, #tpu.memory_space<hbm>>
      %dma_start3A_181 = tpu.memref_squeeze %dma_start3A_180 : memref<1x8x3200xf32, #tpu.memory_space<hbm>> -> memref<8x3200xf32, #tpu.memory_space<hbm>>
      %dma_start3A_182 = arith.constant 8 : i32
      %dma_start3A_183 = tpu.memref_slice %arg2[%add3A_68, %dma_start3A_182, %add3A_178] : memref<26x64x100000xf32, #tpu.memory_space<hbm>> -> memref<1x8x3200xf32, #tpu.memory_space<hbm>>
      %dma_start3A_184 = tpu.memref_squeeze %dma_start3A_183 : memref<1x8x3200xf32, #tpu.memory_space<hbm>> -> memref<8x3200xf32, #tpu.memory_space<hbm>>
      tpu.enqueue_dma source(%dma_start3A_184 : memref<8x3200xf32, #tpu.memory_space<hbm>>) target(%arg5 : memref<8x3200xf32, #tpu.memory_space<vmem>>) target_semaphore(%arg14 : memref<!tpu.dma_semaphore, #tpu.memory_space<semaphore_mem>>)
      %dma_wait3A_185 = arith.constant 0 : i32
      %dma_wait3A_186 = arith.constant 0 : i32
      %dma_wait3A_187 = arith.constant 0 : i32
      %dma_wait3A_188 = tpu.memref_slice %arg2[%dma_wait3A_185, %dma_wait3A_186, %dma_wait3A_187] : memref<26x64x100000xf32, #tpu.memory_space<hbm>> -> memref<1x8x3200xf32, #tpu.memory_space<hbm>>
      %dma_wait3A_189 = tpu.memref_squeeze %dma_wait3A_188 : memref<1x8x3200xf32, #tpu.memory_space<hbm>> -> memref<8x3200xf32, #tpu.memory_space<hbm>>
      %dma_wait3A_190 = arith.constant 0 : i32
      %dma_wait3A_191 = arith.constant 0 : i32
      %dma_wait3A_192 = tpu.memref_slice %arg2[%dma_wait3A_185, %dma_wait3A_190, %dma_wait3A_191] : memref<26x64x100000xf32, #tpu.memory_space<hbm>> -> memref<1x8x3200xf32, #tpu.memory_space<hbm>>
      %dma_wait3A_193 = tpu.memref_squeeze %dma_wait3A_192 : memref<1x8x3200xf32, #tpu.memory_space<hbm>> -> memref<8x3200xf32, #tpu.memory_space<hbm>>
      tpu.wait_dma2 semaphore(%arg15 : memref<!tpu.dma_semaphore, #tpu.memory_space<semaphore_mem>>) src(%dma_wait3A_193 : memref<8x3200xf32, #tpu.memory_space<hbm>>) dst(%arg5 : memref<8x3200xf32, #tpu.memory_space<vmem>>)
      %while3A_194 = arith.constant 0 : i32
      %while3A_195 = arith.constant 0 : i32
      %while3A_196 = arith.subi %select_n3A_158, %while3A_195 : i32
      %while3A_197 = arith.addi %while3A_195, %while3A_196 : i32
      %while3A_198 = arith.constant 1 : i32
      %while3A_199 = arith.divsi %while3A_196, %while3A_198 : i32
      %while3A_200 = arith.muli %while3A_199, %while3A_198 : i32
      %while3A_201 = arith.addi %while3A_195, %while3A_200 : i32
      %while3A_202 = arith.constant 1 : i32
      scf.for %while3A_633 = %while3A_195 to %while3A_201 step %while3A_202  : i32 {
        %mul3A_634 = arith.constant 16 : i32
        %mul3A_635 = arith.muli %while3A_633, %mul3A_634 : i32
        %get3A = arith.index_cast %mul3A_635 : i32 to index
        %get3A_636 = tpu.vector_load %arg10[%get3A] {strides = array<i32>} : memref<256xi32, #tpu.memory_space<vmem>>, vector<16xi32>,
        %mul3A_637 = arith.constant 16 : i32
        %mul3A_638 = arith.muli %while3A_633, %mul3A_637 : i32
        %add3A_639 = arith.constant 256 : i32
        %add3A_640 = arith.addi %add3A_639, %mul3A_638 : i32
        %iota3A = tpu.iota {dimensions = array<i32: 0>} : vector<16xi32>
        %add3A_641 = vector.broadcast %add3A_640 : i32 to vector<16xi32>
        %add3A_642 = arith.addi %add3A_641, %iota3A : vector<16xi32>
        %broadcast_in_dim3A = arith.constant 0 : i32
        %broadcast_in_dim3A_643 = vector.broadcast %broadcast_in_dim3A : i32 to vector<16xi32>
        %gather3A = tpu.vector_load_idx %arg6[%broadcast_in_dim3A_643, %get3A_636] : memref<8x3200xf32, #tpu.memory_space<vmem>>[vector<16xi32>, vector<16xi32>], vector<16xf32>,
        %broadcast_in_dim3A_644 = arith.constant 0 : i32
        %broadcast_in_dim3A_645 = vector.broadcast %broadcast_in_dim3A_644 : i32 to vector<16xi32>
        tpu.vector_store_idx %arg13[%add3A_642, %broadcast_in_dim3A_645], %gather3A : memref<512x128xf32, #tpu.memory_space<vmem>>[vector<16xi32>, vector<16xi32>], vector<16xf32>,
        %broadcast_in_dim3A_646 = arith.constant 1 : i32
        %broadcast_in_dim3A_647 = vector.broadcast %broadcast_in_dim3A_646 : i32 to vector<16xi32>
        %gather3A_648 = tpu.vector_load_idx %arg6[%broadcast_in_dim3A_647, %get3A_636] : memref<8x3200xf32, #tpu.memory_space<vmem>>[vector<16xi32>, vector<16xi32>], vector<16xf32>,
        %broadcast_in_dim3A_649 = arith.constant 1 : i32
        %broadcast_in_dim3A_650 = vector.broadcast %broadcast_in_dim3A_649 : i32 to vector<16xi32>
        tpu.vector_store_idx %arg13[%add3A_642, %broadcast_in_dim3A_650], %gather3A_648 : memref<512x128xf32, #tpu.memory_space<vmem>>[vector<16xi32>, vector<16xi32>], vector<16xf32>,
        %broadcast_in_dim3A_651 = arith.constant 2 : i32
        %broadcast_in_dim3A_652 = vector.broadcast %broadcast_in_dim3A_651 : i32 to vector<16xi32>
        %gather3A_653 = tpu.vector_load_idx %arg6[%broadcast_in_dim3A_652, %get3A_636] : memref<8x3200xf32, #tpu.memory_space<vmem>>[vector<16xi32>, vector<16xi32>], vector<16xf32>,
        %broadcast_in_dim3A_654 = arith.constant 2 : i32
        %broadcast_in_dim3A_655 = vector.broadcast %broadcast_in_dim3A_654 : i32 to vector<16xi32>
        tpu.vector_store_idx %arg13[%add3A_642, %broadcast_in_dim3A_655], %gather3A_653 : memref<512x128xf32, #tpu.memory_space<vmem>>[vector<16xi32>, vector<16xi32>], vector<16xf32>,
        %broadcast_in_dim3A_656 = arith.constant 3 : i32
        %broadcast_in_dim3A_657 = vector.broadcast %broadcast_in_dim3A_656 : i32 to vector<16xi32>
        %gather3A_658 = tpu.vector_load_idx %arg6[%broadcast_in_dim3A_657, %get3A_636] : memref<8x3200xf32, #tpu.memory_space<vmem>>[vector<16xi32>, vector<16xi32>], vector<16xf32>,
        %broadcast_in_dim3A_659 = arith.constant 3 : i32
        %broadcast_in_dim3A_660 = vector.broadcast %broadcast_in_dim3A_659 : i32 to vector<16xi32>
        tpu.vector_store_idx %arg13[%add3A_642, %broadcast_in_dim3A_660], %gather3A_658 : memref<512x128xf32, #tpu.memory_space<vmem>>[vector<16xi32>, vector<16xi32>], vector<16xf32>,
        %broadcast_in_dim3A_661 = arith.constant 4 : i32
        %broadcast_in_dim3A_662 = vector.broadcast %broadcast_in_dim3A_661 : i32 to vector<16xi32>
        %gather3A_663 = tpu.vector_load_idx %arg6[%broadcast_in_dim3A_662, %get3A_636] : memref<8x3200xf32, #tpu.memory_space<vmem>>[vector<16xi32>, vector<16xi32>], vector<16xf32>,
        %broadcast_in_dim3A_664 = arith.constant 4 : i32
        %broadcast_in_dim3A_665 = vector.broadcast %broadcast_in_dim3A_664 : i32 to vector<16xi32>
        tpu.vector_store_idx %arg13[%add3A_642, %broadcast_in_dim3A_665], %gather3A_663 : memref<512x128xf32, #tpu.memory_space<vmem>>[vector<16xi32>, vector<16xi32>], vector<16xf32>,
        %broadcast_in_dim3A_666 = arith.constant 5 : i32
        %broadcast_in_dim3A_667 = vector.broadcast %broadcast_in_dim3A_666 : i32 to vector<16xi32>
        %gather3A_668 = tpu.vector_load_idx %arg6[%broadcast_in_dim3A_667, %get3A_636] : memref<8x3200xf32, #tpu.memory_space<vmem>>[vector<16xi32>, vector<16xi32>], vector<16xf32>,
        %broadcast_in_dim3A_669 = arith.constant 5 : i32
        %broadcast_in_dim3A_670 = vector.broadcast %broadcast_in_dim3A_669 : i32 to vector<16xi32>
        tpu.vector_store_idx %arg13[%add3A_642, %broadcast_in_dim3A_670], %gather3A_668 : memref<512x128xf32, #tpu.memory_space<vmem>>[vector<16xi32>, vector<16xi32>], vector<16xf32>,
        %broadcast_in_dim3A_671 = arith.constant 6 : i32
        %broadcast_in_dim3A_672 = vector.broadcast %broadcast_in_dim3A_671 : i32 to vector<16xi32>
        %gather3A_673 = tpu.vector_load_idx %arg6[%broadcast_in_dim3A_672, %get3A_636] : memref<8x3200xf32, #tpu.memory_space<vmem>>[vector<16xi32>, vector<16xi32>], vector<16xf32>,
        %broadcast_in_dim3A_674 = arith.constant 6 : i32
        %broadcast_in_dim3A_675 = vector.broadcast %broadcast_in_dim3A_674 : i32 to vector<16xi32>
        tpu.vector_store_idx %arg13[%add3A_642, %broadcast_in_dim3A_675], %gather3A_673 : memref<512x128xf32, #tpu.memory_space<vmem>>[vector<16xi32>, vector<16xi32>], vector<16xf32>,
        %broadcast_in_dim3A_676 = arith.constant 7 : i32
        %broadcast_in_dim3A_677 = vector.broadcast %broadcast_in_dim3A_676 : i32 to vector<16xi32>
        %gather3A_678 = tpu.vector_load_idx %arg6[%broadcast_in_dim3A_677, %get3A_636] : memref<8x3200xf32, #tpu.memory_space<vmem>>[vector<16xi32>, vector<16xi32>], vector<16xf32>,
        %broadcast_in_dim3A_679 = arith.constant 7 : i32
        %broadcast_in_dim3A_680 = vector.broadcast %broadcast_in_dim3A_679 : i32 to vector<16xi32>
        tpu.vector_store_idx %arg13[%add3A_642, %broadcast_in_dim3A_680], %gather3A_678 : memref<512x128xf32, #tpu.memory_space<vmem>>[vector<16xi32>, vector<16xi32>], vector<16xf32>,
      }
      %while3A_203 = arith.constant 1 : i32
      scf.for %while3A_633 = %while3A_201 to %while3A_197 step %while3A_203  : i32 {
        %mul3A_634 = arith.constant 16 : i32
        %mul3A_635 = arith.muli %while3A_633, %mul3A_634 : i32
        %get3A = arith.index_cast %mul3A_635 : i32 to index
        %get3A_636 = tpu.vector_load %arg10[%get3A] {strides = array<i32>} : memref<256xi32, #tpu.memory_space<vmem>>, vector<16xi32>,
        %mul3A_637 = arith.constant 16 : i32
        %mul3A_638 = arith.muli %while3A_633, %mul3A_637 : i32
        %add3A_639 = arith.constant 256 : i32
        %add3A_640 = arith.addi %add3A_639, %mul3A_638 : i32
        %iota3A = tpu.iota {dimensions = array<i32: 0>} : vector<16xi32>
        %add3A_641 = vector.broadcast %add3A_640 : i32 to vector<16xi32>
        %add3A_642 = arith.addi %add3A_641, %iota3A : vector<16xi32>
        %broadcast_in_dim3A = arith.constant 0 : i32
        %broadcast_in_dim3A_643 = vector.broadcast %broadcast_in_dim3A : i32 to vector<16xi32>
        %gather3A = tpu.vector_load_idx %arg6[%broadcast_in_dim3A_643, %get3A_636] : memref<8x3200xf32, #tpu.memory_space<vmem>>[vector<16xi32>, vector<16xi32>], vector<16xf32>,
        %broadcast_in_dim3A_644 = arith.constant 0 : i32
        %broadcast_in_dim3A_645 = vector.broadcast %broadcast_in_dim3A_644 : i32 to vector<16xi32>
        tpu.vector_store_idx %arg13[%add3A_642, %broadcast_in_dim3A_645], %gather3A : memref<512x128xf32, #tpu.memory_space<vmem>>[vector<16xi32>, vector<16xi32>], vector<16xf32>,
        %broadcast_in_dim3A_646 = arith.constant 1 : i32
        %broadcast_in_dim3A_647 = vector.broadcast %broadcast_in_dim3A_646 : i32 to vector<16xi32>
        %gather3A_648 = tpu.vector_load_idx %arg6[%broadcast_in_dim3A_647, %get3A_636] : memref<8x3200xf32, #tpu.memory_space<vmem>>[vector<16xi32>, vector<16xi32>], vector<16xf32>,
        %broadcast_in_dim3A_649 = arith.constant 1 : i32
        %broadcast_in_dim3A_650 = vector.broadcast %broadcast_in_dim3A_649 : i32 to vector<16xi32>
        tpu.vector_store_idx %arg13[%add3A_642, %broadcast_in_dim3A_650], %gather3A_648 : memref<512x128xf32, #tpu.memory_space<vmem>>[vector<16xi32>, vector<16xi32>], vector<16xf32>,
        %broadcast_in_dim3A_651 = arith.constant 2 : i32
        %broadcast_in_dim3A_652 = vector.broadcast %broadcast_in_dim3A_651 : i32 to vector<16xi32>
        %gather3A_653 = tpu.vector_load_idx %arg6[%broadcast_in_dim3A_652, %get3A_636] : memref<8x3200xf32, #tpu.memory_space<vmem>>[vector<16xi32>, vector<16xi32>], vector<16xf32>,
        %broadcast_in_dim3A_654 = arith.constant 2 : i32
        %broadcast_in_dim3A_655 = vector.broadcast %broadcast_in_dim3A_654 : i32 to vector<16xi32>
        tpu.vector_store_idx %arg13[%add3A_642, %broadcast_in_dim3A_655], %gather3A_653 : memref<512x128xf32, #tpu.memory_space<vmem>>[vector<16xi32>, vector<16xi32>], vector<16xf32>,
        %broadcast_in_dim3A_656 = arith.constant 3 : i32
        %broadcast_in_dim3A_657 = vector.broadcast %broadcast_in_dim3A_656 : i32 to vector<16xi32>
        %gather3A_658 = tpu.vector_load_idx %arg6[%broadcast_in_dim3A_657, %get3A_636] : memref<8x3200xf32, #tpu.memory_space<vmem>>[vector<16xi32>, vector<16xi32>], vector<16xf32>,
        %broadcast_in_dim3A_659 = arith.constant 3 : i32
        %broadcast_in_dim3A_660 = vector.broadcast %broadcast_in_dim3A_659 : i32 to vector<16xi32>
        tpu.vector_store_idx %arg13[%add3A_642, %broadcast_in_dim3A_660], %gather3A_658 : memref<512x128xf32, #tpu.memory_space<vmem>>[vector<16xi32>, vector<16xi32>], vector<16xf32>,
        %broadcast_in_dim3A_661 = arith.constant 4 : i32
        %broadcast_in_dim3A_662 = vector.broadcast %broadcast_in_dim3A_661 : i32 to vector<16xi32>
        %gather3A_663 = tpu.vector_load_idx %arg6[%broadcast_in_dim3A_662, %get3A_636] : memref<8x3200xf32, #tpu.memory_space<vmem>>[vector<16xi32>, vector<16xi32>], vector<16xf32>,
        %broadcast_in_dim3A_664 = arith.constant 4 : i32
        %broadcast_in_dim3A_665 = vector.broadcast %broadcast_in_dim3A_664 : i32 to vector<16xi32>
        tpu.vector_store_idx %arg13[%add3A_642, %broadcast_in_dim3A_665], %gather3A_663 : memref<512x128xf32, #tpu.memory_space<vmem>>[vector<16xi32>, vector<16xi32>], vector<16xf32>,
        %broadcast_in_dim3A_666 = arith.constant 5 : i32
        %broadcast_in_dim3A_667 = vector.broadcast %broadcast_in_dim3A_666 : i32 to vector<16xi32>
        %gather3A_668 = tpu.vector_load_idx %arg6[%broadcast_in_dim3A_667, %get3A_636] : memref<8x3200xf32, #tpu.memory_space<vmem>>[vector<16xi32>, vector<16xi32>], vector<16xf32>,
        %broadcast_in_dim3A_669 = arith.constant 5 : i32
        %broadcast_in_dim3A_670 = vector.broadcast %broadcast_in_dim3A_669 : i32 to vector<16xi32>
        tpu.vector_store_idx %arg13[%add3A_642, %broadcast_in_dim3A_670], %gather3A_668 : memref<512x128xf32, #tpu.memory_space<vmem>>[vector<16xi32>, vector<16xi32>], vector<16xf32>,
        %broadcast_in_dim3A_671 = arith.constant 6 : i32
        %broadcast_in_dim3A_672 = vector.broadcast %broadcast_in_dim3A_671 : i32 to vector<16xi32>
        %gather3A_673 = tpu.vector_load_idx %arg6[%broadcast_in_dim3A_672, %get3A_636] : memref<8x3200xf32, #tpu.memory_space<vmem>>[vector<16xi32>, vector<16xi32>], vector<16xf32>,
        %broadcast_in_dim3A_674 = arith.constant 6 : i32
        %broadcast_in_dim3A_675 = vector.broadcast %broadcast_in_dim3A_674 : i32 to vector<16xi32>
        tpu.vector_store_idx %arg13[%add3A_642, %broadcast_in_dim3A_675], %gather3A_673 : memref<512x128xf32, #tpu.memory_space<vmem>>[vector<16xi32>, vector<16xi32>], vector<16xf32>,
        %broadcast_in_dim3A_676 = arith.constant 7 : i32
        %broadcast_in_dim3A_677 = vector.broadcast %broadcast_in_dim3A_676 : i32 to vector<16xi32>
        %gather3A_678 = tpu.vector_load_idx %arg6[%broadcast_in_dim3A_677, %get3A_636] : memref<8x3200xf32, #tpu.memory_space<vmem>>[vector<16xi32>, vector<16xi32>], vector<16xf32>,
        %broadcast_in_dim3A_679 = arith.constant 7 : i32
        %broadcast_in_dim3A_680 = vector.broadcast %broadcast_in_dim3A_679 : i32 to vector<16xi32>
        tpu.vector_store_idx %arg13[%add3A_642, %broadcast_in_dim3A_680], %gather3A_678 : memref<512x128xf32, #tpu.memory_space<vmem>>[vector<16xi32>, vector<16xi32>], vector<16xf32>,
      }
      %add3A_204 = arith.constant 3200 : i32
      %add3A_205 = arith.addi %min3A_1, %add3A_204 : i32
      %dma_start3A_206 = arith.constant 8 : i32
      %dma_start3A_207 = tpu.memref_slice %arg2[%add3A_68, %dma_start3A_206, %add3A_205] : memref<26x64x100000xf32, #tpu.memory_space<hbm>> -> memref<1x8x3200xf32, #tpu.memory_space<hbm>>
      %dma_start3A_208 = tpu.memref_squeeze %dma_start3A_207 : memref<1x8x3200xf32, #tpu.memory_space<hbm>> -> memref<8x3200xf32, #tpu.memory_space<hbm>>
      %dma_start3A_209 = arith.constant 8 : i32
      %dma_start3A_210 = tpu.memref_slice %arg2[%add3A_68, %dma_start3A_209, %add3A_205] : memref<26x64x100000xf32, #tpu.memory_space<hbm>> -> memref<1x8x3200xf32, #tpu.memory_space<hbm>>
      %dma_start3A_211 = tpu.memref_squeeze %dma_start3A_210 : memref<1x8x3200xf32, #tpu.memory_space<hbm>> -> memref<8x3200xf32, #tpu.memory_space<hbm>>
      tpu.enqueue_dma source(%dma_start3A_211 : memref<8x3200xf32, #tpu.memory_space<hbm>>) target(%arg6 : memref<8x3200xf32, #tpu.memory_space<vmem>>) target_semaphore(%arg15 : memref<!tpu.dma_semaphore, #tpu.memory_space<semaphore_mem>>)
      %dma_wait3A_212 = arith.constant 0 : i32
      %dma_wait3A_213 = arith.constant 0 : i32
      %dma_wait3A_214 = arith.constant 0 : i32
      %dma_wait3A_215 = tpu.memref_slice %arg2[%dma_wait3A_212, %dma_wait3A_213, %dma_wait3A_214] : memref<26x64x100000xf32, #tpu.memory_space<hbm>> -> memref<1x8x3200xf32, #tpu.memory_space<hbm>>
      %dma_wait3A_216 = tpu.memref_squeeze %dma_wait3A_215 : memref<1x8x3200xf32, #tpu.memory_space<hbm>> -> memref<8x3200xf32, #tpu.memory_space<hbm>>
      %dma_wait3A_217 = arith.constant 0 : i32
      %dma_wait3A_218 = arith.constant 0 : i32
      %dma_wait3A_219 = tpu.memref_slice %arg2[%dma_wait3A_212, %dma_wait3A_217, %dma_wait3A_218] : memref<26x64x100000xf32, #tpu.memory_space<hbm>> -> memref<1x8x3200xf32, #tpu.memory_space<hbm>>
      %dma_wait3A_220 = tpu.memref_squeeze %dma_wait3A_219 : memref<1x8x3200xf32, #tpu.memory_space<hbm>> -> memref<8x3200xf32, #tpu.memory_space<hbm>>
      tpu.wait_dma2 semaphore(%arg14 : memref<!tpu.dma_semaphore, #tpu.memory_space<semaphore_mem>>) src(%dma_wait3A_220 : memref<8x3200xf32, #tpu.memory_space<hbm>>) dst(%arg5 : memref<8x3200xf32, #tpu.memory_space<vmem>>)
      %while3A_221 = arith.constant 0 : i32
      %while3A_222 = arith.constant 0 : i32
      %while3A_223 = arith.subi %select_n3A, %while3A_222 : i32
      %while3A_224 = arith.addi %while3A_222, %while3A_223 : i32
      %while3A_225 = arith.constant 1 : i32
      %while3A_226 = arith.divsi %while3A_223, %while3A_225 : i32
      %while3A_227 = arith.muli %while3A_226, %while3A_225 : i32
      %while3A_228 = arith.addi %while3A_222, %while3A_227 : i32
      %while3A_229 = arith.constant 1 : i32
      scf.for %while3A_633 = %while3A_222 to %while3A_228 step %while3A_229  : i32 {
        %mul3A_634 = arith.constant 16 : i32
        %mul3A_635 = arith.muli %while3A_633, %mul3A_634 : i32
        %get3A = arith.index_cast %mul3A_635 : i32 to index
        %get3A_636 = tpu.vector_load %arg8[%get3A] {strides = array<i32>} : memref<256xi32, #tpu.memory_space<vmem>>, vector<16xi32>,
        %mul3A_637 = arith.constant 16 : i32
        %mul3A_638 = arith.muli %while3A_633, %mul3A_637 : i32
        %iota3A = tpu.iota {dimensions = array<i32: 0>} : vector<16xi32>
        %add3A_639 = vector.broadcast %mul3A_638 : i32 to vector<16xi32>
        %add3A_640 = arith.addi %add3A_639, %iota3A : vector<16xi32>
        %broadcast_in_dim3A = arith.constant 0 : i32
        %broadcast_in_dim3A_641 = vector.broadcast %broadcast_in_dim3A : i32 to vector<16xi32>
        %gather3A = tpu.vector_load_idx %arg5[%broadcast_in_dim3A_641, %get3A_636] : memref<8x3200xf32, #tpu.memory_space<vmem>>[vector<16xi32>, vector<16xi32>], vector<16xf32>,
        %broadcast_in_dim3A_642 = arith.constant 8 : i32
        %broadcast_in_dim3A_643 = vector.broadcast %broadcast_in_dim3A_642 : i32 to vector<16xi32>
        tpu.vector_store_idx %arg13[%add3A_640, %broadcast_in_dim3A_643], %gather3A : memref<512x128xf32, #tpu.memory_space<vmem>>[vector<16xi32>, vector<16xi32>], vector<16xf32>,
        %broadcast_in_dim3A_644 = arith.constant 1 : i32
        %broadcast_in_dim3A_645 = vector.broadcast %broadcast_in_dim3A_644 : i32 to vector<16xi32>
        %gather3A_646 = tpu.vector_load_idx %arg5[%broadcast_in_dim3A_645, %get3A_636] : memref<8x3200xf32, #tpu.memory_space<vmem>>[vector<16xi32>, vector<16xi32>], vector<16xf32>,
        %broadcast_in_dim3A_647 = arith.constant 9 : i32
        %broadcast_in_dim3A_648 = vector.broadcast %broadcast_in_dim3A_647 : i32 to vector<16xi32>
        tpu.vector_store_idx %arg13[%add3A_640, %broadcast_in_dim3A_648], %gather3A_646 : memref<512x128xf32, #tpu.memory_space<vmem>>[vector<16xi32>, vector<16xi32>], vector<16xf32>,
        %broadcast_in_dim3A_649 = arith.constant 2 : i32
        %broadcast_in_dim3A_650 = vector.broadcast %broadcast_in_dim3A_649 : i32 to vector<16xi32>
        %gather3A_651 = tpu.vector_load_idx %arg5[%broadcast_in_dim3A_650, %get3A_636] : memref<8x3200xf32, #tpu.memory_space<vmem>>[vector<16xi32>, vector<16xi32>], vector<16xf32>,
        %broadcast_in_dim3A_652 = arith.constant 10 : i32
        %broadcast_in_dim3A_653 = vector.broadcast %broadcast_in_dim3A_652 : i32 to vector<16xi32>
        tpu.vector_store_idx %arg13[%add3A_640, %broadcast_in_dim3A_653], %gather3A_651 : memref<512x128xf32, #tpu.memory_space<vmem>>[vector<16xi32>, vector<16xi32>], vector<16xf32>,
        %broadcast_in_dim3A_654 = arith.constant 3 : i32
        %broadcast_in_dim3A_655 = vector.broadcast %broadcast_in_dim3A_654 : i32 to vector<16xi32>
        %gather3A_656 = tpu.vector_load_idx %arg5[%broadcast_in_dim3A_655, %get3A_636] : memref<8x3200xf32, #tpu.memory_space<vmem>>[vector<16xi32>, vector<16xi32>], vector<16xf32>,
        %broadcast_in_dim3A_657 = arith.constant 11 : i32
        %broadcast_in_dim3A_658 = vector.broadcast %broadcast_in_dim3A_657 : i32 to vector<16xi32>
        tpu.vector_store_idx %arg13[%add3A_640, %broadcast_in_dim3A_658], %gather3A_656 : memref<512x128xf32, #tpu.memory_space<vmem>>[vector<16xi32>, vector<16xi32>], vector<16xf32>,
        %broadcast_in_dim3A_659 = arith.constant 4 : i32
        %broadcast_in_dim3A_660 = vector.broadcast %broadcast_in_dim3A_659 : i32 to vector<16xi32>
        %gather3A_661 = tpu.vector_load_idx %arg5[%broadcast_in_dim3A_660, %get3A_636] : memref<8x3200xf32, #tpu.memory_space<vmem>>[vector<16xi32>, vector<16xi32>], vector<16xf32>,
        %broadcast_in_dim3A_662 = arith.constant 12 : i32
        %broadcast_in_dim3A_663 = vector.broadcast %broadcast_in_dim3A_662 : i32 to vector<16xi32>
        tpu.vector_store_idx %arg13[%add3A_640, %broadcast_in_dim3A_663], %gather3A_661 : memref<512x128xf32, #tpu.memory_space<vmem>>[vector<16xi32>, vector<16xi32>], vector<16xf32>,
        %broadcast_in_dim3A_664 = arith.constant 5 : i32
        %broadcast_in_dim3A_665 = vector.broadcast %broadcast_in_dim3A_664 : i32 to vector<16xi32>
        %gather3A_666 = tpu.vector_load_idx %arg5[%broadcast_in_dim3A_665, %get3A_636] : memref<8x3200xf32, #tpu.memory_space<vmem>>[vector<16xi32>, vector<16xi32>], vector<16xf32>,
        %broadcast_in_dim3A_667 = arith.constant 13 : i32
        %broadcast_in_dim3A_668 = vector.broadcast %broadcast_in_dim3A_667 : i32 to vector<16xi32>
        tpu.vector_store_idx %arg13[%add3A_640, %broadcast_in_dim3A_668], %gather3A_666 : memref<512x128xf32, #tpu.memory_space<vmem>>[vector<16xi32>, vector<16xi32>], vector<16xf32>,
        %broadcast_in_dim3A_669 = arith.constant 6 : i32
        %broadcast_in_dim3A_670 = vector.broadcast %broadcast_in_dim3A_669 : i32 to vector<16xi32>
        %gather3A_671 = tpu.vector_load_idx %arg5[%broadcast_in_dim3A_670, %get3A_636] : memref<8x3200xf32, #tpu.memory_space<vmem>>[vector<16xi32>, vector<16xi32>], vector<16xf32>,
        %broadcast_in_dim3A_672 = arith.constant 14 : i32
        %broadcast_in_dim3A_673 = vector.broadcast %broadcast_in_dim3A_672 : i32 to vector<16xi32>
        tpu.vector_store_idx %arg13[%add3A_640, %broadcast_in_dim3A_673], %gather3A_671 : memref<512x128xf32, #tpu.memory_space<vmem>>[vector<16xi32>, vector<16xi32>], vector<16xf32>,
        %broadcast_in_dim3A_674 = arith.constant 7 : i32
        %broadcast_in_dim3A_675 = vector.broadcast %broadcast_in_dim3A_674 : i32 to vector<16xi32>
        %gather3A_676 = tpu.vector_load_idx %arg5[%broadcast_in_dim3A_675, %get3A_636] : memref<8x3200xf32, #tpu.memory_space<vmem>>[vector<16xi32>, vector<16xi32>], vector<16xf32>,
        %broadcast_in_dim3A_677 = arith.constant 15 : i32
        %broadcast_in_dim3A_678 = vector.broadcast %broadcast_in_dim3A_677 : i32 to vector<16xi32>
        tpu.vector_store_idx %arg13[%add3A_640, %broadcast_in_dim3A_678], %gather3A_676 : memref<512x128xf32, #tpu.memory_space<vmem>>[vector<16xi32>, vector<16xi32>], vector<16xf32>,
      }
      %while3A_230 = arith.constant 1 : i32
      scf.for %while3A_633 = %while3A_228 to %while3A_224 step %while3A_230  : i32 {
        %mul3A_634 = arith.constant 16 : i32
        %mul3A_635 = arith.muli %while3A_633, %mul3A_634 : i32
        %get3A = arith.index_cast %mul3A_635 : i32 to index
        %get3A_636 = tpu.vector_load %arg8[%get3A] {strides = array<i32>} : memref<256xi32, #tpu.memory_space<vmem>>, vector<16xi32>,
        %mul3A_637 = arith.constant 16 : i32
        %mul3A_638 = arith.muli %while3A_633, %mul3A_637 : i32
        %iota3A = tpu.iota {dimensions = array<i32: 0>} : vector<16xi32>
        %add3A_639 = vector.broadcast %mul3A_638 : i32 to vector<16xi32>
        %add3A_640 = arith.addi %add3A_639, %iota3A : vector<16xi32>
        %broadcast_in_dim3A = arith.constant 0 : i32
        %broadcast_in_dim3A_641 = vector.broadcast %broadcast_in_dim3A : i32 to vector<16xi32>
        %gather3A = tpu.vector_load_idx %arg5[%broadcast_in_dim3A_641, %get3A_636] : memref<8x3200xf32, #tpu.memory_space<vmem>>[vector<16xi32>, vector<16xi32>], vector<16xf32>,
        %broadcast_in_dim3A_642 = arith.constant 8 : i32
        %broadcast_in_dim3A_643 = vector.broadcast %broadcast_in_dim3A_642 : i32 to vector<16xi32>
        tpu.vector_store_idx %arg13[%add3A_640, %broadcast_in_dim3A_643], %gather3A : memref<512x128xf32, #tpu.memory_space<vmem>>[vector<16xi32>, vector<16xi32>], vector<16xf32>,
        %broadcast_in_dim3A_644 = arith.constant 1 : i32
        %broadcast_in_dim3A_645 = vector.broadcast %broadcast_in_dim3A_644 : i32 to vector<16xi32>
        %gather3A_646 = tpu.vector_load_idx %arg5[%broadcast_in_dim3A_645, %get3A_636] : memref<8x3200xf32, #tpu.memory_space<vmem>>[vector<16xi32>, vector<16xi32>], vector<16xf32>,
        %broadcast_in_dim3A_647 = arith.constant 9 : i32
        %broadcast_in_dim3A_648 = vector.broadcast %broadcast_in_dim3A_647 : i32 to vector<16xi32>
        tpu.vector_store_idx %arg13[%add3A_640, %broadcast_in_dim3A_648], %gather3A_646 : memref<512x128xf32, #tpu.memory_space<vmem>>[vector<16xi32>, vector<16xi32>], vector<16xf32>,
        %broadcast_in_dim3A_649 = arith.constant 2 : i32
        %broadcast_in_dim3A_650 = vector.broadcast %broadcast_in_dim3A_649 : i32 to vector<16xi32>
        %gather3A_651 = tpu.vector_load_idx %arg5[%broadcast_in_dim3A_650, %get3A_636] : memref<8x3200xf32, #tpu.memory_space<vmem>>[vector<16xi32>, vector<16xi32>], vector<16xf32>,
        %broadcast_in_dim3A_652 = arith.constant 10 : i32
        %broadcast_in_dim3A_653 = vector.broadcast %broadcast_in_dim3A_652 : i32 to vector<16xi32>
        tpu.vector_store_idx %arg13[%add3A_640, %broadcast_in_dim3A_653], %gather3A_651 : memref<512x128xf32, #tpu.memory_space<vmem>>[vector<16xi32>, vector<16xi32>], vector<16xf32>,
        %broadcast_in_dim3A_654 = arith.constant 3 : i32
        %broadcast_in_dim3A_655 = vector.broadcast %broadcast_in_dim3A_654 : i32 to vector<16xi32>
        %gather3A_656 = tpu.vector_load_idx %arg5[%broadcast_in_dim3A_655, %get3A_636] : memref<8x3200xf32, #tpu.memory_space<vmem>>[vector<16xi32>, vector<16xi32>], vector<16xf32>,
        %broadcast_in_dim3A_657 = arith.constant 11 : i32
        %broadcast_in_dim3A_658 = vector.broadcast %broadcast_in_dim3A_657 : i32 to vector<16xi32>
        tpu.vector_store_idx %arg13[%add3A_640, %broadcast_in_dim3A_658], %gather3A_656 : memref<512x128xf32, #tpu.memory_space<vmem>>[vector<16xi32>, vector<16xi32>], vector<16xf32>,
        %broadcast_in_dim3A_659 = arith.constant 4 : i32
        %broadcast_in_dim3A_660 = vector.broadcast %broadcast_in_dim3A_659 : i32 to vector<16xi32>
        %gather3A_661 = tpu.vector_load_idx %arg5[%broadcast_in_dim3A_660, %get3A_636] : memref<8x3200xf32, #tpu.memory_space<vmem>>[vector<16xi32>, vector<16xi32>], vector<16xf32>,
        %broadcast_in_dim3A_662 = arith.constant 12 : i32
        %broadcast_in_dim3A_663 = vector.broadcast %broadcast_in_dim3A_662 : i32 to vector<16xi32>
        tpu.vector_store_idx %arg13[%add3A_640, %broadcast_in_dim3A_663], %gather3A_661 : memref<512x128xf32, #tpu.memory_space<vmem>>[vector<16xi32>, vector<16xi32>], vector<16xf32>,
        %broadcast_in_dim3A_664 = arith.constant 5 : i32
        %broadcast_in_dim3A_665 = vector.broadcast %broadcast_in_dim3A_664 : i32 to vector<16xi32>
        %gather3A_666 = tpu.vector_load_idx %arg5[%broadcast_in_dim3A_665, %get3A_636] : memref<8x3200xf32, #tpu.memory_space<vmem>>[vector<16xi32>, vector<16xi32>], vector<16xf32>,
        %broadcast_in_dim3A_667 = arith.constant 13 : i32
        %broadcast_in_dim3A_668 = vector.broadcast %broadcast_in_dim3A_667 : i32 to vector<16xi32>
        tpu.vector_store_idx %arg13[%add3A_640, %broadcast_in_dim3A_668], %gather3A_666 : memref<512x128xf32, #tpu.memory_space<vmem>>[vector<16xi32>, vector<16xi32>], vector<16xf32>,
        %broadcast_in_dim3A_669 = arith.constant 6 : i32
        %broadcast_in_dim3A_670 = vector.broadcast %broadcast_in_dim3A_669 : i32 to vector<16xi32>
        %gather3A_671 = tpu.vector_load_idx %arg5[%broadcast_in_dim3A_670, %get3A_636] : memref<8x3200xf32, #tpu.memory_space<vmem>>[vector<16xi32>, vector<16xi32>], vector<16xf32>,
        %broadcast_in_dim3A_672 = arith.constant 14 : i32
        %broadcast_in_dim3A_673 = vector.broadcast %broadcast_in_dim3A_672 : i32 to vector<16xi32>
        tpu.vector_store_idx %arg13[%add3A_640, %broadcast_in_dim3A_673], %gather3A_671 : memref<512x128xf32, #tpu.memory_space<vmem>>[vector<16xi32>, vector<16xi32>], vector<16xf32>,
        %broadcast_in_dim3A_674 = arith.constant 7 : i32
        %broadcast_in_dim3A_675 = vector.broadcast %broadcast_in_dim3A_674 : i32 to vector<16xi32>
        %gather3A_676 = tpu.vector_load_idx %arg5[%broadcast_in_dim3A_675, %get3A_636] : memref<8x3200xf32, #tpu.memory_space<vmem>>[vector<16xi32>, vector<16xi32>], vector<16xf32>,
        %broadcast_in_dim3A_677 = arith.constant 15 : i32
        %broadcast_in_dim3A_678 = vector.broadcast %broadcast_in_dim3A_677 : i32 to vector<16xi32>
        tpu.vector_store_idx %arg13[%add3A_640, %broadcast_in_dim3A_678], %gather3A_676 : memref<512x128xf32, #tpu.memory_space<vmem>>[vector<16xi32>, vector<16xi32>], vector<16xf32>,
      }
      %add3A_231 = arith.constant 0 : i32
      %add3A_232 = arith.addi %min3A_1, %add3A_231 : i32
      %dma_start3A_233 = arith.constant 16 : i32
      %dma_start3A_234 = tpu.memref_slice %arg2[%add3A_68, %dma_start3A_233, %add3A_232] : memref<26x64x100000xf32, #tpu.memory_space<hbm>> -> memref<1x8x3200xf32, #tpu.memory_space<hbm>>
      %dma_start3A_235 = tpu.memref_squeeze %dma_start3A_234 : memref<1x8x3200xf32, #tpu.memory_space<hbm>> -> memref<8x3200xf32, #tpu.memory_space<hbm>>
      %dma_start3A_236 = arith.constant 16 : i32
      %dma_start3A_237 = tpu.memref_slice %arg2[%add3A_68, %dma_start3A_236, %add3A_232] : memref<26x64x100000xf32, #tpu.memory_space<hbm>> -> memref<1x8x3200xf32, #tpu.memory_space<hbm>>
      %dma_start3A_238 = tpu.memref_squeeze %dma_start3A_237 : memref<1x8x3200xf32, #tpu.memory_space<hbm>> -> memref<8x3200xf32, #tpu.memory_space<hbm>>
      tpu.enqueue_dma source(%dma_start3A_238 : memref<8x3200xf32, #tpu.memory_space<hbm>>) target(%arg5 : memref<8x3200xf32, #tpu.memory_space<vmem>>) target_semaphore(%arg14 : memref<!tpu.dma_semaphore, #tpu.memory_space<semaphore_mem>>)
      %dma_wait3A_239 = arith.constant 0 : i32
      %dma_wait3A_240 = arith.constant 0 : i32
      %dma_wait3A_241 = arith.constant 0 : i32
      %dma_wait3A_242 = tpu.memref_slice %arg2[%dma_wait3A_239, %dma_wait3A_240, %dma_wait3A_241] : memref<26x64x100000xf32, #tpu.memory_space<hbm>> -> memref<1x8x3200xf32, #tpu.memory_space<hbm>>
      %dma_wait3A_243 = tpu.memref_squeeze %dma_wait3A_242 : memref<1x8x3200xf32, #tpu.memory_space<hbm>> -> memref<8x3200xf32, #tpu.memory_space<hbm>>
      %dma_wait3A_244 = arith.constant 0 : i32
      %dma_wait3A_245 = arith.constant 0 : i32
      %dma_wait3A_246 = tpu.memref_slice %arg2[%dma_wait3A_239, %dma_wait3A_244, %dma_wait3A_245] : memref<26x64x100000xf32, #tpu.memory_space<hbm>> -> memref<1x8x3200xf32, #tpu.memory_space<hbm>>
      %dma_wait3A_247 = tpu.memref_squeeze %dma_wait3A_246 : memref<1x8x3200xf32, #tpu.memory_space<hbm>> -> memref<8x3200xf32, #tpu.memory_space<hbm>>
      tpu.wait_dma2 semaphore(%arg15 : memref<!tpu.dma_semaphore, #tpu.memory_space<semaphore_mem>>) src(%dma_wait3A_247 : memref<8x3200xf32, #tpu.memory_space<hbm>>) dst(%arg5 : memref<8x3200xf32, #tpu.memory_space<vmem>>)
      %while3A_248 = arith.constant 0 : i32
      %while3A_249 = arith.constant 0 : i32
      %while3A_250 = arith.subi %select_n3A_158, %while3A_249 : i32
      %while3A_251 = arith.addi %while3A_249, %while3A_250 : i32
      %while3A_252 = arith.constant 1 : i32
      %while3A_253 = arith.divsi %while3A_250, %while3A_252 : i32
      %while3A_254 = arith.muli %while3A_253, %while3A_252 : i32
      %while3A_255 = arith.addi %while3A_249, %while3A_254 : i32
      %while3A_256 = arith.constant 1 : i32
      scf.for %while3A_633 = %while3A_249 to %while3A_255 step %while3A_256  : i32 {
        %mul3A_634 = arith.constant 16 : i32
        %mul3A_635 = arith.muli %while3A_633, %mul3A_634 : i32
        %get3A = arith.index_cast %mul3A_635 : i32 to index
        %get3A_636 = tpu.vector_load %arg10[%get3A] {strides = array<i32>} : memref<256xi32, #tpu.memory_space<vmem>>, vector<16xi32>,
        %mul3A_637 = arith.constant 16 : i32
        %mul3A_638 = arith.muli %while3A_633, %mul3A_637 : i32
        %add3A_639 = arith.constant 256 : i32
        %add3A_640 = arith.addi %add3A_639, %mul3A_638 : i32
        %iota3A = tpu.iota {dimensions = array<i32: 0>} : vector<16xi32>
        %add3A_641 = vector.broadcast %add3A_640 : i32 to vector<16xi32>
        %add3A_642 = arith.addi %add3A_641, %iota3A : vector<16xi32>
        %broadcast_in_dim3A = arith.constant 0 : i32
        %broadcast_in_dim3A_643 = vector.broadcast %broadcast_in_dim3A : i32 to vector<16xi32>
        %gather3A = tpu.vector_load_idx %arg6[%broadcast_in_dim3A_643, %get3A_636] : memref<8x3200xf32, #tpu.memory_space<vmem>>[vector<16xi32>, vector<16xi32>], vector<16xf32>,
        %broadcast_in_dim3A_644 = arith.constant 8 : i32
        %broadcast_in_dim3A_645 = vector.broadcast %broadcast_in_dim3A_644 : i32 to vector<16xi32>
        tpu.vector_store_idx %arg13[%add3A_642, %broadcast_in_dim3A_645], %gather3A : memref<512x128xf32, #tpu.memory_space<vmem>>[vector<16xi32>, vector<16xi32>], vector<16xf32>,
        %broadcast_in_dim3A_646 = arith.constant 1 : i32
        %broadcast_in_dim3A_647 = vector.broadcast %broadcast_in_dim3A_646 : i32 to vector<16xi32>
        %gather3A_648 = tpu.vector_load_idx %arg6[%broadcast_in_dim3A_647, %get3A_636] : memref<8x3200xf32, #tpu.memory_space<vmem>>[vector<16xi32>, vector<16xi32>], vector<16xf32>,
        %broadcast_in_dim3A_649 = arith.constant 9 : i32
        %broadcast_in_dim3A_650 = vector.broadcast %broadcast_in_dim3A_649 : i32 to vector<16xi32>
        tpu.vector_store_idx %arg13[%add3A_642, %broadcast_in_dim3A_650], %gather3A_648 : memref<512x128xf32, #tpu.memory_space<vmem>>[vector<16xi32>, vector<16xi32>], vector<16xf32>,
        %broadcast_in_dim3A_651 = arith.constant 2 : i32
        %broadcast_in_dim3A_652 = vector.broadcast %broadcast_in_dim3A_651 : i32 to vector<16xi32>
        %gather3A_653 = tpu.vector_load_idx %arg6[%broadcast_in_dim3A_652, %get3A_636] : memref<8x3200xf32, #tpu.memory_space<vmem>>[vector<16xi32>, vector<16xi32>], vector<16xf32>,
        %broadcast_in_dim3A_654 = arith.constant 10 : i32
        %broadcast_in_dim3A_655 = vector.broadcast %broadcast_in_dim3A_654 : i32 to vector<16xi32>
        tpu.vector_store_idx %arg13[%add3A_642, %broadcast_in_dim3A_655], %gather3A_653 : memref<512x128xf32, #tpu.memory_space<vmem>>[vector<16xi32>, vector<16xi32>], vector<16xf32>,
        %broadcast_in_dim3A_656 = arith.constant 3 : i32
        %broadcast_in_dim3A_657 = vector.broadcast %broadcast_in_dim3A_656 : i32 to vector<16xi32>
        %gather3A_658 = tpu.vector_load_idx %arg6[%broadcast_in_dim3A_657, %get3A_636] : memref<8x3200xf32, #tpu.memory_space<vmem>>[vector<16xi32>, vector<16xi32>], vector<16xf32>,
        %broadcast_in_dim3A_659 = arith.constant 11 : i32
        %broadcast_in_dim3A_660 = vector.broadcast %broadcast_in_dim3A_659 : i32 to vector<16xi32>
        tpu.vector_store_idx %arg13[%add3A_642, %broadcast_in_dim3A_660], %gather3A_658 : memref<512x128xf32, #tpu.memory_space<vmem>>[vector<16xi32>, vector<16xi32>], vector<16xf32>,
        %broadcast_in_dim3A_661 = arith.constant 4 : i32
        %broadcast_in_dim3A_662 = vector.broadcast %broadcast_in_dim3A_661 : i32 to vector<16xi32>
        %gather3A_663 = tpu.vector_load_idx %arg6[%broadcast_in_dim3A_662, %get3A_636] : memref<8x3200xf32, #tpu.memory_space<vmem>>[vector<16xi32>, vector<16xi32>], vector<16xf32>,
        %broadcast_in_dim3A_664 = arith.constant 12 : i32
        %broadcast_in_dim3A_665 = vector.broadcast %broadcast_in_dim3A_664 : i32 to vector<16xi32>
        tpu.vector_store_idx %arg13[%add3A_642, %broadcast_in_dim3A_665], %gather3A_663 : memref<512x128xf32, #tpu.memory_space<vmem>>[vector<16xi32>, vector<16xi32>], vector<16xf32>,
        %broadcast_in_dim3A_666 = arith.constant 5 : i32
        %broadcast_in_dim3A_667 = vector.broadcast %broadcast_in_dim3A_666 : i32 to vector<16xi32>
        %gather3A_668 = tpu.vector_load_idx %arg6[%broadcast_in_dim3A_667, %get3A_636] : memref<8x3200xf32, #tpu.memory_space<vmem>>[vector<16xi32>, vector<16xi32>], vector<16xf32>,
        %broadcast_in_dim3A_669 = arith.constant 13 : i32
        %broadcast_in_dim3A_670 = vector.broadcast %broadcast_in_dim3A_669 : i32 to vector<16xi32>
        tpu.vector_store_idx %arg13[%add3A_642, %broadcast_in_dim3A_670], %gather3A_668 : memref<512x128xf32, #tpu.memory_space<vmem>>[vector<16xi32>, vector<16xi32>], vector<16xf32>,
        %broadcast_in_dim3A_671 = arith.constant 6 : i32
        %broadcast_in_dim3A_672 = vector.broadcast %broadcast_in_dim3A_671 : i32 to vector<16xi32>
        %gather3A_673 = tpu.vector_load_idx %arg6[%broadcast_in_dim3A_672, %get3A_636] : memref<8x3200xf32, #tpu.memory_space<vmem>>[vector<16xi32>, vector<16xi32>], vector<16xf32>,
        %broadcast_in_dim3A_674 = arith.constant 14 : i32
        %broadcast_in_dim3A_675 = vector.broadcast %broadcast_in_dim3A_674 : i32 to vector<16xi32>
        tpu.vector_store_idx %arg13[%add3A_642, %broadcast_in_dim3A_675], %gather3A_673 : memref<512x128xf32, #tpu.memory_space<vmem>>[vector<16xi32>, vector<16xi32>], vector<16xf32>,
        %broadcast_in_dim3A_676 = arith.constant 7 : i32
        %broadcast_in_dim3A_677 = vector.broadcast %broadcast_in_dim3A_676 : i32 to vector<16xi32>
        %gather3A_678 = tpu.vector_load_idx %arg6[%broadcast_in_dim3A_677, %get3A_636] : memref<8x3200xf32, #tpu.memory_space<vmem>>[vector<16xi32>, vector<16xi32>], vector<16xf32>,
        %broadcast_in_dim3A_679 = arith.constant 15 : i32
        %broadcast_in_dim3A_680 = vector.broadcast %broadcast_in_dim3A_679 : i32 to vector<16xi32>
        tpu.vector_store_idx %arg13[%add3A_642, %broadcast_in_dim3A_680], %gather3A_678 : memref<512x128xf32, #tpu.memory_space<vmem>>[vector<16xi32>, vector<16xi32>], vector<16xf32>,
      }
      %while3A_257 = arith.constant 1 : i32
      scf.for %while3A_633 = %while3A_255 to %while3A_251 step %while3A_257  : i32 {
        %mul3A_634 = arith.constant 16 : i32
        %mul3A_635 = arith.muli %while3A_633, %mul3A_634 : i32
        %get3A = arith.index_cast %mul3A_635 : i32 to index
        %get3A_636 = tpu.vector_load %arg10[%get3A] {strides = array<i32>} : memref<256xi32, #tpu.memory_space<vmem>>, vector<16xi32>,
        %mul3A_637 = arith.constant 16 : i32
        %mul3A_638 = arith.muli %while3A_633, %mul3A_637 : i32
        %add3A_639 = arith.constant 256 : i32
        %add3A_640 = arith.addi %add3A_639, %mul3A_638 : i32
        %iota3A = tpu.iota {dimensions = array<i32: 0>} : vector<16xi32>
        %add3A_641 = vector.broadcast %add3A_640 : i32 to vector<16xi32>
        %add3A_642 = arith.addi %add3A_641, %iota3A : vector<16xi32>
        %broadcast_in_dim3A = arith.constant 0 : i32
        %broadcast_in_dim3A_643 = vector.broadcast %broadcast_in_dim3A : i32 to vector<16xi32>
        %gather3A = tpu.vector_load_idx %arg6[%broadcast_in_dim3A_643, %get3A_636] : memref<8x3200xf32, #tpu.memory_space<vmem>>[vector<16xi32>, vector<16xi32>], vector<16xf32>,
        %broadcast_in_dim3A_644 = arith.constant 8 : i32
        %broadcast_in_dim3A_645 = vector.broadcast %broadcast_in_dim3A_644 : i32 to vector<16xi32>
        tpu.vector_store_idx %arg13[%add3A_642, %broadcast_in_dim3A_645], %gather3A : memref<512x128xf32, #tpu.memory_space<vmem>>[vector<16xi32>, vector<16xi32>], vector<16xf32>,
        %broadcast_in_dim3A_646 = arith.constant 1 : i32
        %broadcast_in_dim3A_647 = vector.broadcast %broadcast_in_dim3A_646 : i32 to vector<16xi32>
        %gather3A_648 = tpu.vector_load_idx %arg6[%broadcast_in_dim3A_647, %get3A_636] : memref<8x3200xf32, #tpu.memory_space<vmem>>[vector<16xi32>, vector<16xi32>], vector<16xf32>,
        %broadcast_in_dim3A_649 = arith.constant 9 : i32
        %broadcast_in_dim3A_650 = vector.broadcast %broadcast_in_dim3A_649 : i32 to vector<16xi32>
        tpu.vector_store_idx %arg13[%add3A_642, %broadcast_in_dim3A_650], %gather3A_648 : memref<512x128xf32, #tpu.memory_space<vmem>>[vector<16xi32>, vector<16xi32>], vector<16xf32>,
        %broadcast_in_dim3A_651 = arith.constant 2 : i32
        %broadcast_in_dim3A_652 = vector.broadcast %broadcast_in_dim3A_651 : i32 to vector<16xi32>
        %gather3A_653 = tpu.vector_load_idx %arg6[%broadcast_in_dim3A_652, %get3A_636] : memref<8x3200xf32, #tpu.memory_space<vmem>>[vector<16xi32>, vector<16xi32>], vector<16xf32>,
        %broadcast_in_dim3A_654 = arith.constant 10 : i32
        %broadcast_in_dim3A_655 = vector.broadcast %broadcast_in_dim3A_654 : i32 to vector<16xi32>
        tpu.vector_store_idx %arg13[%add3A_642, %broadcast_in_dim3A_655], %gather3A_653 : memref<512x128xf32, #tpu.memory_space<vmem>>[vector<16xi32>, vector<16xi32>], vector<16xf32>,
        %broadcast_in_dim3A_656 = arith.constant 3 : i32
        %broadcast_in_dim3A_657 = vector.broadcast %broadcast_in_dim3A_656 : i32 to vector<16xi32>
        %gather3A_658 = tpu.vector_load_idx %arg6[%broadcast_in_dim3A_657, %get3A_636] : memref<8x3200xf32, #tpu.memory_space<vmem>>[vector<16xi32>, vector<16xi32>], vector<16xf32>,
        %broadcast_in_dim3A_659 = arith.constant 11 : i32
        %broadcast_in_dim3A_660 = vector.broadcast %broadcast_in_dim3A_659 : i32 to vector<16xi32>
        tpu.vector_store_idx %arg13[%add3A_642, %broadcast_in_dim3A_660], %gather3A_658 : memref<512x128xf32, #tpu.memory_space<vmem>>[vector<16xi32>, vector<16xi32>], vector<16xf32>,
        %broadcast_in_dim3A_661 = arith.constant 4 : i32
        %broadcast_in_dim3A_662 = vector.broadcast %broadcast_in_dim3A_661 : i32 to vector<16xi32>
        %gather3A_663 = tpu.vector_load_idx %arg6[%broadcast_in_dim3A_662, %get3A_636] : memref<8x3200xf32, #tpu.memory_space<vmem>>[vector<16xi32>, vector<16xi32>], vector<16xf32>,
        %broadcast_in_dim3A_664 = arith.constant 12 : i32
        %broadcast_in_dim3A_665 = vector.broadcast %broadcast_in_dim3A_664 : i32 to vector<16xi32>
        tpu.vector_store_idx %arg13[%add3A_642, %broadcast_in_dim3A_665], %gather3A_663 : memref<512x128xf32, #tpu.memory_space<vmem>>[vector<16xi32>, vector<16xi32>], vector<16xf32>,
        %broadcast_in_dim3A_666 = arith.constant 5 : i32
        %broadcast_in_dim3A_667 = vector.broadcast %broadcast_in_dim3A_666 : i32 to vector<16xi32>
        %gather3A_668 = tpu.vector_load_idx %arg6[%broadcast_in_dim3A_667, %get3A_636] : memref<8x3200xf32, #tpu.memory_space<vmem>>[vector<16xi32>, vector<16xi32>], vector<16xf32>,
        %broadcast_in_dim3A_669 = arith.constant 13 : i32
        %broadcast_in_dim3A_670 = vector.broadcast %broadcast_in_dim3A_669 : i32 to vector<16xi32>
        tpu.vector_store_idx %arg13[%add3A_642, %broadcast_in_dim3A_670], %gather3A_668 : memref<512x128xf32, #tpu.memory_space<vmem>>[vector<16xi32>, vector<16xi32>], vector<16xf32>,
        %broadcast_in_dim3A_671 = arith.constant 6 : i32
        %broadcast_in_dim3A_672 = vector.broadcast %broadcast_in_dim3A_671 : i32 to vector<16xi32>
        %gather3A_673 = tpu.vector_load_idx %arg6[%broadcast_in_dim3A_672, %get3A_636] : memref<8x3200xf32, #tpu.memory_space<vmem>>[vector<16xi32>, vector<16xi32>], vector<16xf32>,
        %broadcast_in_dim3A_674 = arith.constant 14 : i32
        %broadcast_in_dim3A_675 = vector.broadcast %broadcast_in_dim3A_674 : i32 to vector<16xi32>
        tpu.vector_store_idx %arg13[%add3A_642, %broadcast_in_dim3A_675], %gather3A_673 : memref<512x128xf32, #tpu.memory_space<vmem>>[vector<16xi32>, vector<16xi32>], vector<16xf32>,
        %broadcast_in_dim3A_676 = arith.constant 7 : i32
        %broadcast_in_dim3A_677 = vector.broadcast %broadcast_in_dim3A_676 : i32 to vector<16xi32>
        %gather3A_678 = tpu.vector_load_idx %arg6[%broadcast_in_dim3A_677, %get3A_636] : memref<8x3200xf32, #tpu.memory_space<vmem>>[vector<16xi32>, vector<16xi32>], vector<16xf32>,
        %broadcast_in_dim3A_679 = arith.constant 15 : i32
        %broadcast_in_dim3A_680 = vector.broadcast %broadcast_in_dim3A_679 : i32 to vector<16xi32>
        tpu.vector_store_idx %arg13[%add3A_642, %broadcast_in_dim3A_680], %gather3A_678 : memref<512x128xf32, #tpu.memory_space<vmem>>[vector<16xi32>, vector<16xi32>], vector<16xf32>,
      }
      %add3A_258 = arith.constant 3200 : i32
      %add3A_259 = arith.addi %min3A_1, %add3A_258 : i32
      %dma_start3A_260 = arith.constant 16 : i32
      %dma_start3A_261 = tpu.memref_slice %arg2[%add3A_68, %dma_start3A_260, %add3A_259] : memref<26x64x100000xf32, #tpu.memory_space<hbm>> -> memref<1x8x3200xf32, #tpu.memory_space<hbm>>
      %dma_start3A_262 = tpu.memref_squeeze %dma_start3A_261 : memref<1x8x3200xf32, #tpu.memory_space<hbm>> -> memref<8x3200xf32, #tpu.memory_space<hbm>>
      %dma_start3A_263 = arith.constant 16 : i32
      %dma_start3A_264 = tpu.memref_slice %arg2[%add3A_68, %dma_start3A_263, %add3A_259] : memref<26x64x100000xf32, #tpu.memory_space<hbm>> -> memref<1x8x3200xf32, #tpu.memory_space<hbm>>
      %dma_start3A_265 = tpu.memref_squeeze %dma_start3A_264 : memref<1x8x3200xf32, #tpu.memory_space<hbm>> -> memref<8x3200xf32, #tpu.memory_space<hbm>>
      tpu.enqueue_dma source(%dma_start3A_265 : memref<8x3200xf32, #tpu.memory_space<hbm>>) target(%arg6 : memref<8x3200xf32, #tpu.memory_space<vmem>>) target_semaphore(%arg15 : memref<!tpu.dma_semaphore, #tpu.memory_space<semaphore_mem>>)
      %dma_wait3A_266 = arith.constant 0 : i32
      %dma_wait3A_267 = arith.constant 0 : i32
      %dma_wait3A_268 = arith.constant 0 : i32
      %dma_wait3A_269 = tpu.memref_slice %arg2[%dma_wait3A_266, %dma_wait3A_267, %dma_wait3A_268] : memref<26x64x100000xf32, #tpu.memory_space<hbm>> -> memref<1x8x3200xf32, #tpu.memory_space<hbm>>
      %dma_wait3A_270 = tpu.memref_squeeze %dma_wait3A_269 : memref<1x8x3200xf32, #tpu.memory_space<hbm>> -> memref<8x3200xf32, #tpu.memory_space<hbm>>
      %dma_wait3A_271 = arith.constant 0 : i32
      %dma_wait3A_272 = arith.constant 0 : i32
      %dma_wait3A_273 = tpu.memref_slice %arg2[%dma_wait3A_266, %dma_wait3A_271, %dma_wait3A_272] : memref<26x64x100000xf32, #tpu.memory_space<hbm>> -> memref<1x8x3200xf32, #tpu.memory_space<hbm>>
      %dma_wait3A_274 = tpu.memref_squeeze %dma_wait3A_273 : memref<1x8x3200xf32, #tpu.memory_space<hbm>> -> memref<8x3200xf32, #tpu.memory_space<hbm>>
      tpu.wait_dma2 semaphore(%arg14 : memref<!tpu.dma_semaphore, #tpu.memory_space<semaphore_mem>>) src(%dma_wait3A_274 : memref<8x3200xf32, #tpu.memory_space<hbm>>) dst(%arg5 : memref<8x3200xf32, #tpu.memory_space<vmem>>)
      %while3A_275 = arith.constant 0 : i32
      %while3A_276 = arith.constant 0 : i32
      %while3A_277 = arith.subi %select_n3A, %while3A_276 : i32
      %while3A_278 = arith.addi %while3A_276, %while3A_277 : i32
      %while3A_279 = arith.constant 1 : i32
      %while3A_280 = arith.divsi %while3A_277, %while3A_279 : i32
      %while3A_281 = arith.muli %while3A_280, %while3A_279 : i32
      %while3A_282 = arith.addi %while3A_276, %while3A_281 : i32
      %while3A_283 = arith.constant 1 : i32
      scf.for %while3A_633 = %while3A_276 to %while3A_282 step %while3A_283  : i32 {
        %mul3A_634 = arith.constant 16 : i32
        %mul3A_635 = arith.muli %while3A_633, %mul3A_634 : i32
        %get3A = arith.index_cast %mul3A_635 : i32 to index
        %get3A_636 = tpu.vector_load %arg8[%get3A] {strides = array<i32>} : memref<256xi32, #tpu.memory_space<vmem>>, vector<16xi32>,
        %mul3A_637 = arith.constant 16 : i32
        %mul3A_638 = arith.muli %while3A_633, %mul3A_637 : i32
        %iota3A = tpu.iota {dimensions = array<i32: 0>} : vector<16xi32>
        %add3A_639 = vector.broadcast %mul3A_638 : i32 to vector<16xi32>
        %add3A_640 = arith.addi %add3A_639, %iota3A : vector<16xi32>
        %broadcast_in_dim3A = arith.constant 0 : i32
        %broadcast_in_dim3A_641 = vector.broadcast %broadcast_in_dim3A : i32 to vector<16xi32>
        %gather3A = tpu.vector_load_idx %arg5[%broadcast_in_dim3A_641, %get3A_636] : memref<8x3200xf32, #tpu.memory_space<vmem>>[vector<16xi32>, vector<16xi32>], vector<16xf32>,
        %broadcast_in_dim3A_642 = arith.constant 16 : i32
        %broadcast_in_dim3A_643 = vector.broadcast %broadcast_in_dim3A_642 : i32 to vector<16xi32>
        tpu.vector_store_idx %arg13[%add3A_640, %broadcast_in_dim3A_643], %gather3A : memref<512x128xf32, #tpu.memory_space<vmem>>[vector<16xi32>, vector<16xi32>], vector<16xf32>,
        %broadcast_in_dim3A_644 = arith.constant 1 : i32
        %broadcast_in_dim3A_645 = vector.broadcast %broadcast_in_dim3A_644 : i32 to vector<16xi32>
        %gather3A_646 = tpu.vector_load_idx %arg5[%broadcast_in_dim3A_645, %get3A_636] : memref<8x3200xf32, #tpu.memory_space<vmem>>[vector<16xi32>, vector<16xi32>], vector<16xf32>,
        %broadcast_in_dim3A_647 = arith.constant 17 : i32
        %broadcast_in_dim3A_648 = vector.broadcast %broadcast_in_dim3A_647 : i32 to vector<16xi32>
        tpu.vector_store_idx %arg13[%add3A_640, %broadcast_in_dim3A_648], %gather3A_646 : memref<512x128xf32, #tpu.memory_space<vmem>>[vector<16xi32>, vector<16xi32>], vector<16xf32>,
        %broadcast_in_dim3A_649 = arith.constant 2 : i32
        %broadcast_in_dim3A_650 = vector.broadcast %broadcast_in_dim3A_649 : i32 to vector<16xi32>
        %gather3A_651 = tpu.vector_load_idx %arg5[%broadcast_in_dim3A_650, %get3A_636] : memref<8x3200xf32, #tpu.memory_space<vmem>>[vector<16xi32>, vector<16xi32>], vector<16xf32>,
        %broadcast_in_dim3A_652 = arith.constant 18 : i32
        %broadcast_in_dim3A_653 = vector.broadcast %broadcast_in_dim3A_652 : i32 to vector<16xi32>
        tpu.vector_store_idx %arg13[%add3A_640, %broadcast_in_dim3A_653], %gather3A_651 : memref<512x128xf32, #tpu.memory_space<vmem>>[vector<16xi32>, vector<16xi32>], vector<16xf32>,
        %broadcast_in_dim3A_654 = arith.constant 3 : i32
        %broadcast_in_dim3A_655 = vector.broadcast %broadcast_in_dim3A_654 : i32 to vector<16xi32>
        %gather3A_656 = tpu.vector_load_idx %arg5[%broadcast_in_dim3A_655, %get3A_636] : memref<8x3200xf32, #tpu.memory_space<vmem>>[vector<16xi32>, vector<16xi32>], vector<16xf32>,
        %broadcast_in_dim3A_657 = arith.constant 19 : i32
        %broadcast_in_dim3A_658 = vector.broadcast %broadcast_in_dim3A_657 : i32 to vector<16xi32>
        tpu.vector_store_idx %arg13[%add3A_640, %broadcast_in_dim3A_658], %gather3A_656 : memref<512x128xf32, #tpu.memory_space<vmem>>[vector<16xi32>, vector<16xi32>], vector<16xf32>,
        %broadcast_in_dim3A_659 = arith.constant 4 : i32
        %broadcast_in_dim3A_660 = vector.broadcast %broadcast_in_dim3A_659 : i32 to vector<16xi32>
        %gather3A_661 = tpu.vector_load_idx %arg5[%broadcast_in_dim3A_660, %get3A_636] : memref<8x3200xf32, #tpu.memory_space<vmem>>[vector<16xi32>, vector<16xi32>], vector<16xf32>,
        %broadcast_in_dim3A_662 = arith.constant 20 : i32
        %broadcast_in_dim3A_663 = vector.broadcast %broadcast_in_dim3A_662 : i32 to vector<16xi32>
        tpu.vector_store_idx %arg13[%add3A_640, %broadcast_in_dim3A_663], %gather3A_661 : memref<512x128xf32, #tpu.memory_space<vmem>>[vector<16xi32>, vector<16xi32>], vector<16xf32>,
        %broadcast_in_dim3A_664 = arith.constant 5 : i32
        %broadcast_in_dim3A_665 = vector.broadcast %broadcast_in_dim3A_664 : i32 to vector<16xi32>
        %gather3A_666 = tpu.vector_load_idx %arg5[%broadcast_in_dim3A_665, %get3A_636] : memref<8x3200xf32, #tpu.memory_space<vmem>>[vector<16xi32>, vector<16xi32>], vector<16xf32>,
        %broadcast_in_dim3A_667 = arith.constant 21 : i32
        %broadcast_in_dim3A_668 = vector.broadcast %broadcast_in_dim3A_667 : i32 to vector<16xi32>
        tpu.vector_store_idx %arg13[%add3A_640, %broadcast_in_dim3A_668], %gather3A_666 : memref<512x128xf32, #tpu.memory_space<vmem>>[vector<16xi32>, vector<16xi32>], vector<16xf32>,
        %broadcast_in_dim3A_669 = arith.constant 6 : i32
        %broadcast_in_dim3A_670 = vector.broadcast %broadcast_in_dim3A_669 : i32 to vector<16xi32>
        %gather3A_671 = tpu.vector_load_idx %arg5[%broadcast_in_dim3A_670, %get3A_636] : memref<8x3200xf32, #tpu.memory_space<vmem>>[vector<16xi32>, vector<16xi32>], vector<16xf32>,
        %broadcast_in_dim3A_672 = arith.constant 22 : i32
        %broadcast_in_dim3A_673 = vector.broadcast %broadcast_in_dim3A_672 : i32 to vector<16xi32>
        tpu.vector_store_idx %arg13[%add3A_640, %broadcast_in_dim3A_673], %gather3A_671 : memref<512x128xf32, #tpu.memory_space<vmem>>[vector<16xi32>, vector<16xi32>], vector<16xf32>,
        %broadcast_in_dim3A_674 = arith.constant 7 : i32
        %broadcast_in_dim3A_675 = vector.broadcast %broadcast_in_dim3A_674 : i32 to vector<16xi32>
        %gather3A_676 = tpu.vector_load_idx %arg5[%broadcast_in_dim3A_675, %get3A_636] : memref<8x3200xf32, #tpu.memory_space<vmem>>[vector<16xi32>, vector<16xi32>], vector<16xf32>,
        %broadcast_in_dim3A_677 = arith.constant 23 : i32
        %broadcast_in_dim3A_678 = vector.broadcast %broadcast_in_dim3A_677 : i32 to vector<16xi32>
        tpu.vector_store_idx %arg13[%add3A_640, %broadcast_in_dim3A_678], %gather3A_676 : memref<512x128xf32, #tpu.memory_space<vmem>>[vector<16xi32>, vector<16xi32>], vector<16xf32>,
      }
      %while3A_284 = arith.constant 1 : i32
      scf.for %while3A_633 = %while3A_282 to %while3A_278 step %while3A_284  : i32 {
        %mul3A_634 = arith.constant 16 : i32
        %mul3A_635 = arith.muli %while3A_633, %mul3A_634 : i32
        %get3A = arith.index_cast %mul3A_635 : i32 to index
        %get3A_636 = tpu.vector_load %arg8[%get3A] {strides = array<i32>} : memref<256xi32, #tpu.memory_space<vmem>>, vector<16xi32>,
        %mul3A_637 = arith.constant 16 : i32
        %mul3A_638 = arith.muli %while3A_633, %mul3A_637 : i32
        %iota3A = tpu.iota {dimensions = array<i32: 0>} : vector<16xi32>
        %add3A_639 = vector.broadcast %mul3A_638 : i32 to vector<16xi32>
        %add3A_640 = arith.addi %add3A_639, %iota3A : vector<16xi32>
        %broadcast_in_dim3A = arith.constant 0 : i32
        %broadcast_in_dim3A_641 = vector.broadcast %broadcast_in_dim3A : i32 to vector<16xi32>
        %gather3A = tpu.vector_load_idx %arg5[%broadcast_in_dim3A_641, %get3A_636] : memref<8x3200xf32, #tpu.memory_space<vmem>>[vector<16xi32>, vector<16xi32>], vector<16xf32>,
        %broadcast_in_dim3A_642 = arith.constant 16 : i32
        %broadcast_in_dim3A_643 = vector.broadcast %broadcast_in_dim3A_642 : i32 to vector<16xi32>
        tpu.vector_store_idx %arg13[%add3A_640, %broadcast_in_dim3A_643], %gather3A : memref<512x128xf32, #tpu.memory_space<vmem>>[vector<16xi32>, vector<16xi32>], vector<16xf32>,
        %broadcast_in_dim3A_644 = arith.constant 1 : i32
        %broadcast_in_dim3A_645 = vector.broadcast %broadcast_in_dim3A_644 : i32 to vector<16xi32>
        %gather3A_646 = tpu.vector_load_idx %arg5[%broadcast_in_dim3A_645, %get3A_636] : memref<8x3200xf32, #tpu.memory_space<vmem>>[vector<16xi32>, vector<16xi32>], vector<16xf32>,
        %broadcast_in_dim3A_647 = arith.constant 17 : i32
        %broadcast_in_dim3A_648 = vector.broadcast %broadcast_in_dim3A_647 : i32 to vector<16xi32>
        tpu.vector_store_idx %arg13[%add3A_640, %broadcast_in_dim3A_648], %gather3A_646 : memref<512x128xf32, #tpu.memory_space<vmem>>[vector<16xi32>, vector<16xi32>], vector<16xf32>,
        %broadcast_in_dim3A_649 = arith.constant 2 : i32
        %broadcast_in_dim3A_650 = vector.broadcast %broadcast_in_dim3A_649 : i32 to vector<16xi32>
        %gather3A_651 = tpu.vector_load_idx %arg5[%broadcast_in_dim3A_650, %get3A_636] : memref<8x3200xf32, #tpu.memory_space<vmem>>[vector<16xi32>, vector<16xi32>], vector<16xf32>,
        %broadcast_in_dim3A_652 = arith.constant 18 : i32
        %broadcast_in_dim3A_653 = vector.broadcast %broadcast_in_dim3A_652 : i32 to vector<16xi32>
        tpu.vector_store_idx %arg13[%add3A_640, %broadcast_in_dim3A_653], %gather3A_651 : memref<512x128xf32, #tpu.memory_space<vmem>>[vector<16xi32>, vector<16xi32>], vector<16xf32>,
        %broadcast_in_dim3A_654 = arith.constant 3 : i32
        %broadcast_in_dim3A_655 = vector.broadcast %broadcast_in_dim3A_654 : i32 to vector<16xi32>
        %gather3A_656 = tpu.vector_load_idx %arg5[%broadcast_in_dim3A_655, %get3A_636] : memref<8x3200xf32, #tpu.memory_space<vmem>>[vector<16xi32>, vector<16xi32>], vector<16xf32>,
        %broadcast_in_dim3A_657 = arith.constant 19 : i32
        %broadcast_in_dim3A_658 = vector.broadcast %broadcast_in_dim3A_657 : i32 to vector<16xi32>
        tpu.vector_store_idx %arg13[%add3A_640, %broadcast_in_dim3A_658], %gather3A_656 : memref<512x128xf32, #tpu.memory_space<vmem>>[vector<16xi32>, vector<16xi32>], vector<16xf32>,
        %broadcast_in_dim3A_659 = arith.constant 4 : i32
        %broadcast_in_dim3A_660 = vector.broadcast %broadcast_in_dim3A_659 : i32 to vector<16xi32>
        %gather3A_661 = tpu.vector_load_idx %arg5[%broadcast_in_dim3A_660, %get3A_636] : memref<8x3200xf32, #tpu.memory_space<vmem>>[vector<16xi32>, vector<16xi32>], vector<16xf32>,
        %broadcast_in_dim3A_662 = arith.constant 20 : i32
        %broadcast_in_dim3A_663 = vector.broadcast %broadcast_in_dim3A_662 : i32 to vector<16xi32>
        tpu.vector_store_idx %arg13[%add3A_640, %broadcast_in_dim3A_663], %gather3A_661 : memref<512x128xf32, #tpu.memory_space<vmem>>[vector<16xi32>, vector<16xi32>], vector<16xf32>,
        %broadcast_in_dim3A_664 = arith.constant 5 : i32
        %broadcast_in_dim3A_665 = vector.broadcast %broadcast_in_dim3A_664 : i32 to vector<16xi32>
        %gather3A_666 = tpu.vector_load_idx %arg5[%broadcast_in_dim3A_665, %get3A_636] : memref<8x3200xf32, #tpu.memory_space<vmem>>[vector<16xi32>, vector<16xi32>], vector<16xf32>,
        %broadcast_in_dim3A_667 = arith.constant 21 : i32
        %broadcast_in_dim3A_668 = vector.broadcast %broadcast_in_dim3A_667 : i32 to vector<16xi32>
        tpu.vector_store_idx %arg13[%add3A_640, %broadcast_in_dim3A_668], %gather3A_666 : memref<512x128xf32, #tpu.memory_space<vmem>>[vector<16xi32>, vector<16xi32>], vector<16xf32>,
        %broadcast_in_dim3A_669 = arith.constant 6 : i32
        %broadcast_in_dim3A_670 = vector.broadcast %broadcast_in_dim3A_669 : i32 to vector<16xi32>
        %gather3A_671 = tpu.vector_load_idx %arg5[%broadcast_in_dim3A_670, %get3A_636] : memref<8x3200xf32, #tpu.memory_space<vmem>>[vector<16xi32>, vector<16xi32>], vector<16xf32>,
        %broadcast_in_dim3A_672 = arith.constant 22 : i32
        %broadcast_in_dim3A_673 = vector.broadcast %broadcast_in_dim3A_672 : i32 to vector<16xi32>
        tpu.vector_store_idx %arg13[%add3A_640, %broadcast_in_dim3A_673], %gather3A_671 : memref<512x128xf32, #tpu.memory_space<vmem>>[vector<16xi32>, vector<16xi32>], vector<16xf32>,
        %broadcast_in_dim3A_674 = arith.constant 7 : i32
        %broadcast_in_dim3A_675 = vector.broadcast %broadcast_in_dim3A_674 : i32 to vector<16xi32>
        %gather3A_676 = tpu.vector_load_idx %arg5[%broadcast_in_dim3A_675, %get3A_636] : memref<8x3200xf32, #tpu.memory_space<vmem>>[vector<16xi32>, vector<16xi32>], vector<16xf32>,
        %broadcast_in_dim3A_677 = arith.constant 23 : i32
        %broadcast_in_dim3A_678 = vector.broadcast %broadcast_in_dim3A_677 : i32 to vector<16xi32>
        tpu.vector_store_idx %arg13[%add3A_640, %broadcast_in_dim3A_678], %gather3A_676 : memref<512x128xf32, #tpu.memory_space<vmem>>[vector<16xi32>, vector<16xi32>], vector<16xf32>,
      }
      %add3A_285 = arith.constant 0 : i32
      %add3A_286 = arith.addi %min3A_1, %add3A_285 : i32
      %dma_start3A_287 = arith.constant 24 : i32
      %dma_start3A_288 = tpu.memref_slice %arg2[%add3A_68, %dma_start3A_287, %add3A_286] : memref<26x64x100000xf32, #tpu.memory_space<hbm>> -> memref<1x8x3200xf32, #tpu.memory_space<hbm>>
      %dma_start3A_289 = tpu.memref_squeeze %dma_start3A_288 : memref<1x8x3200xf32, #tpu.memory_space<hbm>> -> memref<8x3200xf32, #tpu.memory_space<hbm>>
      %dma_start3A_290 = arith.constant 24 : i32
      %dma_start3A_291 = tpu.memref_slice %arg2[%add3A_68, %dma_start3A_290, %add3A_286] : memref<26x64x100000xf32, #tpu.memory_space<hbm>> -> memref<1x8x3200xf32, #tpu.memory_space<hbm>>
      %dma_start3A_292 = tpu.memref_squeeze %dma_start3A_291 : memref<1x8x3200xf32, #tpu.memory_space<hbm>> -> memref<8x3200xf32, #tpu.memory_space<hbm>>
      tpu.enqueue_dma source(%dma_start3A_292 : memref<8x3200xf32, #tpu.memory_space<hbm>>) target(%arg5 : memref<8x3200xf32, #tpu.memory_space<vmem>>) target_semaphore(%arg14 : memref<!tpu.dma_semaphore, #tpu.memory_space<semaphore_mem>>)
      %dma_wait3A_293 = arith.constant 0 : i32
      %dma_wait3A_294 = arith.constant 0 : i32
      %dma_wait3A_295 = arith.constant 0 : i32
      %dma_wait3A_296 = tpu.memref_slice %arg2[%dma_wait3A_293, %dma_wait3A_294, %dma_wait3A_295] : memref<26x64x100000xf32, #tpu.memory_space<hbm>> -> memref<1x8x3200xf32, #tpu.memory_space<hbm>>
      %dma_wait3A_297 = tpu.memref_squeeze %dma_wait3A_296 : memref<1x8x3200xf32, #tpu.memory_space<hbm>> -> memref<8x3200xf32, #tpu.memory_space<hbm>>
      %dma_wait3A_298 = arith.constant 0 : i32
      %dma_wait3A_299 = arith.constant 0 : i32
      %dma_wait3A_300 = tpu.memref_slice %arg2[%dma_wait3A_293, %dma_wait3A_298, %dma_wait3A_299] : memref<26x64x100000xf32, #tpu.memory_space<hbm>> -> memref<1x8x3200xf32, #tpu.memory_space<hbm>>
      %dma_wait3A_301 = tpu.memref_squeeze %dma_wait3A_300 : memref<1x8x3200xf32, #tpu.memory_space<hbm>> -> memref<8x3200xf32, #tpu.memory_space<hbm>>
      tpu.wait_dma2 semaphore(%arg15 : memref<!tpu.dma_semaphore, #tpu.memory_space<semaphore_mem>>) src(%dma_wait3A_301 : memref<8x3200xf32, #tpu.memory_space<hbm>>) dst(%arg5 : memref<8x3200xf32, #tpu.memory_space<vmem>>)
      %while3A_302 = arith.constant 0 : i32
      %while3A_303 = arith.constant 0 : i32
      %while3A_304 = arith.subi %select_n3A_158, %while3A_303 : i32
      %while3A_305 = arith.addi %while3A_303, %while3A_304 : i32
      %while3A_306 = arith.constant 1 : i32
      %while3A_307 = arith.divsi %while3A_304, %while3A_306 : i32
      %while3A_308 = arith.muli %while3A_307, %while3A_306 : i32
      %while3A_309 = arith.addi %while3A_303, %while3A_308 : i32
      %while3A_310 = arith.constant 1 : i32
      scf.for %while3A_633 = %while3A_303 to %while3A_309 step %while3A_310  : i32 {
        %mul3A_634 = arith.constant 16 : i32
        %mul3A_635 = arith.muli %while3A_633, %mul3A_634 : i32
        %get3A = arith.index_cast %mul3A_635 : i32 to index
        %get3A_636 = tpu.vector_load %arg10[%get3A] {strides = array<i32>} : memref<256xi32, #tpu.memory_space<vmem>>, vector<16xi32>,
        %mul3A_637 = arith.constant 16 : i32
        %mul3A_638 = arith.muli %while3A_633, %mul3A_637 : i32
        %add3A_639 = arith.constant 256 : i32
        %add3A_640 = arith.addi %add3A_639, %mul3A_638 : i32
        %iota3A = tpu.iota {dimensions = array<i32: 0>} : vector<16xi32>
        %add3A_641 = vector.broadcast %add3A_640 : i32 to vector<16xi32>
        %add3A_642 = arith.addi %add3A_641, %iota3A : vector<16xi32>
        %broadcast_in_dim3A = arith.constant 0 : i32
        %broadcast_in_dim3A_643 = vector.broadcast %broadcast_in_dim3A : i32 to vector<16xi32>
        %gather3A = tpu.vector_load_idx %arg6[%broadcast_in_dim3A_643, %get3A_636] : memref<8x3200xf32, #tpu.memory_space<vmem>>[vector<16xi32>, vector<16xi32>], vector<16xf32>,
        %broadcast_in_dim3A_644 = arith.constant 16 : i32
        %broadcast_in_dim3A_645 = vector.broadcast %broadcast_in_dim3A_644 : i32 to vector<16xi32>
        tpu.vector_store_idx %arg13[%add3A_642, %broadcast_in_dim3A_645], %gather3A : memref<512x128xf32, #tpu.memory_space<vmem>>[vector<16xi32>, vector<16xi32>], vector<16xf32>,
        %broadcast_in_dim3A_646 = arith.constant 1 : i32
        %broadcast_in_dim3A_647 = vector.broadcast %broadcast_in_dim3A_646 : i32 to vector<16xi32>
        %gather3A_648 = tpu.vector_load_idx %arg6[%broadcast_in_dim3A_647, %get3A_636] : memref<8x3200xf32, #tpu.memory_space<vmem>>[vector<16xi32>, vector<16xi32>], vector<16xf32>,
        %broadcast_in_dim3A_649 = arith.constant 17 : i32
        %broadcast_in_dim3A_650 = vector.broadcast %broadcast_in_dim3A_649 : i32 to vector<16xi32>
        tpu.vector_store_idx %arg13[%add3A_642, %broadcast_in_dim3A_650], %gather3A_648 : memref<512x128xf32, #tpu.memory_space<vmem>>[vector<16xi32>, vector<16xi32>], vector<16xf32>,
        %broadcast_in_dim3A_651 = arith.constant 2 : i32
        %broadcast_in_dim3A_652 = vector.broadcast %broadcast_in_dim3A_651 : i32 to vector<16xi32>
        %gather3A_653 = tpu.vector_load_idx %arg6[%broadcast_in_dim3A_652, %get3A_636] : memref<8x3200xf32, #tpu.memory_space<vmem>>[vector<16xi32>, vector<16xi32>], vector<16xf32>,
        %broadcast_in_dim3A_654 = arith.constant 18 : i32
        %broadcast_in_dim3A_655 = vector.broadcast %broadcast_in_dim3A_654 : i32 to vector<16xi32>
        tpu.vector_store_idx %arg13[%add3A_642, %broadcast_in_dim3A_655], %gather3A_653 : memref<512x128xf32, #tpu.memory_space<vmem>>[vector<16xi32>, vector<16xi32>], vector<16xf32>,
        %broadcast_in_dim3A_656 = arith.constant 3 : i32
        %broadcast_in_dim3A_657 = vector.broadcast %broadcast_in_dim3A_656 : i32 to vector<16xi32>
        %gather3A_658 = tpu.vector_load_idx %arg6[%broadcast_in_dim3A_657, %get3A_636] : memref<8x3200xf32, #tpu.memory_space<vmem>>[vector<16xi32>, vector<16xi32>], vector<16xf32>,
        %broadcast_in_dim3A_659 = arith.constant 19 : i32
        %broadcast_in_dim3A_660 = vector.broadcast %broadcast_in_dim3A_659 : i32 to vector<16xi32>
        tpu.vector_store_idx %arg13[%add3A_642, %broadcast_in_dim3A_660], %gather3A_658 : memref<512x128xf32, #tpu.memory_space<vmem>>[vector<16xi32>, vector<16xi32>], vector<16xf32>,
        %broadcast_in_dim3A_661 = arith.constant 4 : i32
        %broadcast_in_dim3A_662 = vector.broadcast %broadcast_in_dim3A_661 : i32 to vector<16xi32>
        %gather3A_663 = tpu.vector_load_idx %arg6[%broadcast_in_dim3A_662, %get3A_636] : memref<8x3200xf32, #tpu.memory_space<vmem>>[vector<16xi32>, vector<16xi32>], vector<16xf32>,
        %broadcast_in_dim3A_664 = arith.constant 20 : i32
        %broadcast_in_dim3A_665 = vector.broadcast %broadcast_in_dim3A_664 : i32 to vector<16xi32>
        tpu.vector_store_idx %arg13[%add3A_642, %broadcast_in_dim3A_665], %gather3A_663 : memref<512x128xf32, #tpu.memory_space<vmem>>[vector<16xi32>, vector<16xi32>], vector<16xf32>,
        %broadcast_in_dim3A_666 = arith.constant 5 : i32
        %broadcast_in_dim3A_667 = vector.broadcast %broadcast_in_dim3A_666 : i32 to vector<16xi32>
        %gather3A_668 = tpu.vector_load_idx %arg6[%broadcast_in_dim3A_667, %get3A_636] : memref<8x3200xf32, #tpu.memory_space<vmem>>[vector<16xi32>, vector<16xi32>], vector<16xf32>,
        %broadcast_in_dim3A_669 = arith.constant 21 : i32
        %broadcast_in_dim3A_670 = vector.broadcast %broadcast_in_dim3A_669 : i32 to vector<16xi32>
        tpu.vector_store_idx %arg13[%add3A_642, %broadcast_in_dim3A_670], %gather3A_668 : memref<512x128xf32, #tpu.memory_space<vmem>>[vector<16xi32>, vector<16xi32>], vector<16xf32>,
        %broadcast_in_dim3A_671 = arith.constant 6 : i32
        %broadcast_in_dim3A_672 = vector.broadcast %broadcast_in_dim3A_671 : i32 to vector<16xi32>
        %gather3A_673 = tpu.vector_load_idx %arg6[%broadcast_in_dim3A_672, %get3A_636] : memref<8x3200xf32, #tpu.memory_space<vmem>>[vector<16xi32>, vector<16xi32>], vector<16xf32>,
        %broadcast_in_dim3A_674 = arith.constant 22 : i32
        %broadcast_in_dim3A_675 = vector.broadcast %broadcast_in_dim3A_674 : i32 to vector<16xi32>
        tpu.vector_store_idx %arg13[%add3A_642, %broadcast_in_dim3A_675], %gather3A_673 : memref<512x128xf32, #tpu.memory_space<vmem>>[vector<16xi32>, vector<16xi32>], vector<16xf32>,
        %broadcast_in_dim3A_676 = arith.constant 7 : i32
        %broadcast_in_dim3A_677 = vector.broadcast %broadcast_in_dim3A_676 : i32 to vector<16xi32>
        %gather3A_678 = tpu.vector_load_idx %arg6[%broadcast_in_dim3A_677, %get3A_636] : memref<8x3200xf32, #tpu.memory_space<vmem>>[vector<16xi32>, vector<16xi32>], vector<16xf32>,
        %broadcast_in_dim3A_679 = arith.constant 23 : i32
        %broadcast_in_dim3A_680 = vector.broadcast %broadcast_in_dim3A_679 : i32 to vector<16xi32>
        tpu.vector_store_idx %arg13[%add3A_642, %broadcast_in_dim3A_680], %gather3A_678 : memref<512x128xf32, #tpu.memory_space<vmem>>[vector<16xi32>, vector<16xi32>], vector<16xf32>,
      }
      %while3A_311 = arith.constant 1 : i32
      scf.for %while3A_633 = %while3A_309 to %while3A_305 step %while3A_311  : i32 {
        %mul3A_634 = arith.constant 16 : i32
        %mul3A_635 = arith.muli %while3A_633, %mul3A_634 : i32
        %get3A = arith.index_cast %mul3A_635 : i32 to index
        %get3A_636 = tpu.vector_load %arg10[%get3A] {strides = array<i32>} : memref<256xi32, #tpu.memory_space<vmem>>, vector<16xi32>,
        %mul3A_637 = arith.constant 16 : i32
        %mul3A_638 = arith.muli %while3A_633, %mul3A_637 : i32
        %add3A_639 = arith.constant 256 : i32
        %add3A_640 = arith.addi %add3A_639, %mul3A_638 : i32
        %iota3A = tpu.iota {dimensions = array<i32: 0>} : vector<16xi32>
        %add3A_641 = vector.broadcast %add3A_640 : i32 to vector<16xi32>
        %add3A_642 = arith.addi %add3A_641, %iota3A : vector<16xi32>
        %broadcast_in_dim3A = arith.constant 0 : i32
        %broadcast_in_dim3A_643 = vector.broadcast %broadcast_in_dim3A : i32 to vector<16xi32>
        %gather3A = tpu.vector_load_idx %arg6[%broadcast_in_dim3A_643, %get3A_636] : memref<8x3200xf32, #tpu.memory_space<vmem>>[vector<16xi32>, vector<16xi32>], vector<16xf32>,
        %broadcast_in_dim3A_644 = arith.constant 16 : i32
        %broadcast_in_dim3A_645 = vector.broadcast %broadcast_in_dim3A_644 : i32 to vector<16xi32>
        tpu.vector_store_idx %arg13[%add3A_642, %broadcast_in_dim3A_645], %gather3A : memref<512x128xf32, #tpu.memory_space<vmem>>[vector<16xi32>, vector<16xi32>], vector<16xf32>,
        %broadcast_in_dim3A_646 = arith.constant 1 : i32
        %broadcast_in_dim3A_647 = vector.broadcast %broadcast_in_dim3A_646 : i32 to vector<16xi32>
        %gather3A_648 = tpu.vector_load_idx %arg6[%broadcast_in_dim3A_647, %get3A_636] : memref<8x3200xf32, #tpu.memory_space<vmem>>[vector<16xi32>, vector<16xi32>], vector<16xf32>,
        %broadcast_in_dim3A_649 = arith.constant 17 : i32
        %broadcast_in_dim3A_650 = vector.broadcast %broadcast_in_dim3A_649 : i32 to vector<16xi32>
        tpu.vector_store_idx %arg13[%add3A_642, %broadcast_in_dim3A_650], %gather3A_648 : memref<512x128xf32, #tpu.memory_space<vmem>>[vector<16xi32>, vector<16xi32>], vector<16xf32>,
        %broadcast_in_dim3A_651 = arith.constant 2 : i32
        %broadcast_in_dim3A_652 = vector.broadcast %broadcast_in_dim3A_651 : i32 to vector<16xi32>
        %gather3A_653 = tpu.vector_load_idx %arg6[%broadcast_in_dim3A_652, %get3A_636] : memref<8x3200xf32, #tpu.memory_space<vmem>>[vector<16xi32>, vector<16xi32>], vector<16xf32>,
        %broadcast_in_dim3A_654 = arith.constant 18 : i32
        %broadcast_in_dim3A_655 = vector.broadcast %broadcast_in_dim3A_654 : i32 to vector<16xi32>
        tpu.vector_store_idx %arg13[%add3A_642, %broadcast_in_dim3A_655], %gather3A_653 : memref<512x128xf32, #tpu.memory_space<vmem>>[vector<16xi32>, vector<16xi32>], vector<16xf32>,
        %broadcast_in_dim3A_656 = arith.constant 3 : i32
        %broadcast_in_dim3A_657 = vector.broadcast %broadcast_in_dim3A_656 : i32 to vector<16xi32>
        %gather3A_658 = tpu.vector_load_idx %arg6[%broadcast_in_dim3A_657, %get3A_636] : memref<8x3200xf32, #tpu.memory_space<vmem>>[vector<16xi32>, vector<16xi32>], vector<16xf32>,
        %broadcast_in_dim3A_659 = arith.constant 19 : i32
        %broadcast_in_dim3A_660 = vector.broadcast %broadcast_in_dim3A_659 : i32 to vector<16xi32>
        tpu.vector_store_idx %arg13[%add3A_642, %broadcast_in_dim3A_660], %gather3A_658 : memref<512x128xf32, #tpu.memory_space<vmem>>[vector<16xi32>, vector<16xi32>], vector<16xf32>,
        %broadcast_in_dim3A_661 = arith.constant 4 : i32
        %broadcast_in_dim3A_662 = vector.broadcast %broadcast_in_dim3A_661 : i32 to vector<16xi32>
        %gather3A_663 = tpu.vector_load_idx %arg6[%broadcast_in_dim3A_662, %get3A_636] : memref<8x3200xf32, #tpu.memory_space<vmem>>[vector<16xi32>, vector<16xi32>], vector<16xf32>,
        %broadcast_in_dim3A_664 = arith.constant 20 : i32
        %broadcast_in_dim3A_665 = vector.broadcast %broadcast_in_dim3A_664 : i32 to vector<16xi32>
        tpu.vector_store_idx %arg13[%add3A_642, %broadcast_in_dim3A_665], %gather3A_663 : memref<512x128xf32, #tpu.memory_space<vmem>>[vector<16xi32>, vector<16xi32>], vector<16xf32>,
        %broadcast_in_dim3A_666 = arith.constant 5 : i32
        %broadcast_in_dim3A_667 = vector.broadcast %broadcast_in_dim3A_666 : i32 to vector<16xi32>
        %gather3A_668 = tpu.vector_load_idx %arg6[%broadcast_in_dim3A_667, %get3A_636] : memref<8x3200xf32, #tpu.memory_space<vmem>>[vector<16xi32>, vector<16xi32>], vector<16xf32>,
        %broadcast_in_dim3A_669 = arith.constant 21 : i32
        %broadcast_in_dim3A_670 = vector.broadcast %broadcast_in_dim3A_669 : i32 to vector<16xi32>
        tpu.vector_store_idx %arg13[%add3A_642, %broadcast_in_dim3A_670], %gather3A_668 : memref<512x128xf32, #tpu.memory_space<vmem>>[vector<16xi32>, vector<16xi32>], vector<16xf32>,
        %broadcast_in_dim3A_671 = arith.constant 6 : i32
        %broadcast_in_dim3A_672 = vector.broadcast %broadcast_in_dim3A_671 : i32 to vector<16xi32>
        %gather3A_673 = tpu.vector_load_idx %arg6[%broadcast_in_dim3A_672, %get3A_636] : memref<8x3200xf32, #tpu.memory_space<vmem>>[vector<16xi32>, vector<16xi32>], vector<16xf32>,
        %broadcast_in_dim3A_674 = arith.constant 22 : i32
        %broadcast_in_dim3A_675 = vector.broadcast %broadcast_in_dim3A_674 : i32 to vector<16xi32>
        tpu.vector_store_idx %arg13[%add3A_642, %broadcast_in_dim3A_675], %gather3A_673 : memref<512x128xf32, #tpu.memory_space<vmem>>[vector<16xi32>, vector<16xi32>], vector<16xf32>,
        %broadcast_in_dim3A_676 = arith.constant 7 : i32
        %broadcast_in_dim3A_677 = vector.broadcast %broadcast_in_dim3A_676 : i32 to vector<16xi32>
        %gather3A_678 = tpu.vector_load_idx %arg6[%broadcast_in_dim3A_677, %get3A_636] : memref<8x3200xf32, #tpu.memory_space<vmem>>[vector<16xi32>, vector<16xi32>], vector<16xf32>,
        %broadcast_in_dim3A_679 = arith.constant 23 : i32
        %broadcast_in_dim3A_680 = vector.broadcast %broadcast_in_dim3A_679 : i32 to vector<16xi32>
        tpu.vector_store_idx %arg13[%add3A_642, %broadcast_in_dim3A_680], %gather3A_678 : memref<512x128xf32, #tpu.memory_space<vmem>>[vector<16xi32>, vector<16xi32>], vector<16xf32>,
      }
      %add3A_312 = arith.constant 3200 : i32
      %add3A_313 = arith.addi %min3A_1, %add3A_312 : i32
      %dma_start3A_314 = arith.constant 24 : i32
      %dma_start3A_315 = tpu.memref_slice %arg2[%add3A_68, %dma_start3A_314, %add3A_313] : memref<26x64x100000xf32, #tpu.memory_space<hbm>> -> memref<1x8x3200xf32, #tpu.memory_space<hbm>>
      %dma_start3A_316 = tpu.memref_squeeze %dma_start3A_315 : memref<1x8x3200xf32, #tpu.memory_space<hbm>> -> memref<8x3200xf32, #tpu.memory_space<hbm>>
      %dma_start3A_317 = arith.constant 24 : i32
      %dma_start3A_318 = tpu.memref_slice %arg2[%add3A_68, %dma_start3A_317, %add3A_313] : memref<26x64x100000xf32, #tpu.memory_space<hbm>> -> memref<1x8x3200xf32, #tpu.memory_space<hbm>>
      %dma_start3A_319 = tpu.memref_squeeze %dma_start3A_318 : memref<1x8x3200xf32, #tpu.memory_space<hbm>> -> memref<8x3200xf32, #tpu.memory_space<hbm>>
      tpu.enqueue_dma source(%dma_start3A_319 : memref<8x3200xf32, #tpu.memory_space<hbm>>) target(%arg6 : memref<8x3200xf32, #tpu.memory_space<vmem>>) target_semaphore(%arg15 : memref<!tpu.dma_semaphore, #tpu.memory_space<semaphore_mem>>)
      %dma_wait3A_320 = arith.constant 0 : i32
      %dma_wait3A_321 = arith.constant 0 : i32
      %dma_wait3A_322 = arith.constant 0 : i32
      %dma_wait3A_323 = tpu.memref_slice %arg2[%dma_wait3A_320, %dma_wait3A_321, %dma_wait3A_322] : memref<26x64x100000xf32, #tpu.memory_space<hbm>> -> memref<1x8x3200xf32, #tpu.memory_space<hbm>>
      %dma_wait3A_324 = tpu.memref_squeeze %dma_wait3A_323 : memref<1x8x3200xf32, #tpu.memory_space<hbm>> -> memref<8x3200xf32, #tpu.memory_space<hbm>>
      %dma_wait3A_325 = arith.constant 0 : i32
      %dma_wait3A_326 = arith.constant 0 : i32
      %dma_wait3A_327 = tpu.memref_slice %arg2[%dma_wait3A_320, %dma_wait3A_325, %dma_wait3A_326] : memref<26x64x100000xf32, #tpu.memory_space<hbm>> -> memref<1x8x3200xf32, #tpu.memory_space<hbm>>
      %dma_wait3A_328 = tpu.memref_squeeze %dma_wait3A_327 : memref<1x8x3200xf32, #tpu.memory_space<hbm>> -> memref<8x3200xf32, #tpu.memory_space<hbm>>
      tpu.wait_dma2 semaphore(%arg14 : memref<!tpu.dma_semaphore, #tpu.memory_space<semaphore_mem>>) src(%dma_wait3A_328 : memref<8x3200xf32, #tpu.memory_space<hbm>>) dst(%arg5 : memref<8x3200xf32, #tpu.memory_space<vmem>>)
      %while3A_329 = arith.constant 0 : i32
      %while3A_330 = arith.constant 0 : i32
      %while3A_331 = arith.subi %select_n3A, %while3A_330 : i32
      %while3A_332 = arith.addi %while3A_330, %while3A_331 : i32
      %while3A_333 = arith.constant 1 : i32
      %while3A_334 = arith.divsi %while3A_331, %while3A_333 : i32
      %while3A_335 = arith.muli %while3A_334, %while3A_333 : i32
      %while3A_336 = arith.addi %while3A_330, %while3A_335 : i32
      %while3A_337 = arith.constant 1 : i32
      scf.for %while3A_633 = %while3A_330 to %while3A_336 step %while3A_337  : i32 {
        %mul3A_634 = arith.constant 16 : i32
        %mul3A_635 = arith.muli %while3A_633, %mul3A_634 : i32
        %get3A = arith.index_cast %mul3A_635 : i32 to index
        %get3A_636 = tpu.vector_load %arg8[%get3A] {strides = array<i32>} : memref<256xi32, #tpu.memory_space<vmem>>, vector<16xi32>,
        %mul3A_637 = arith.constant 16 : i32
        %mul3A_638 = arith.muli %while3A_633, %mul3A_637 : i32
        %iota3A = tpu.iota {dimensions = array<i32: 0>} : vector<16xi32>
        %add3A_639 = vector.broadcast %mul3A_638 : i32 to vector<16xi32>
        %add3A_640 = arith.addi %add3A_639, %iota3A : vector<16xi32>
        %broadcast_in_dim3A = arith.constant 0 : i32
        %broadcast_in_dim3A_641 = vector.broadcast %broadcast_in_dim3A : i32 to vector<16xi32>
        %gather3A = tpu.vector_load_idx %arg5[%broadcast_in_dim3A_641, %get3A_636] : memref<8x3200xf32, #tpu.memory_space<vmem>>[vector<16xi32>, vector<16xi32>], vector<16xf32>,
        %broadcast_in_dim3A_642 = arith.constant 24 : i32
        %broadcast_in_dim3A_643 = vector.broadcast %broadcast_in_dim3A_642 : i32 to vector<16xi32>
        tpu.vector_store_idx %arg13[%add3A_640, %broadcast_in_dim3A_643], %gather3A : memref<512x128xf32, #tpu.memory_space<vmem>>[vector<16xi32>, vector<16xi32>], vector<16xf32>,
        %broadcast_in_dim3A_644 = arith.constant 1 : i32
        %broadcast_in_dim3A_645 = vector.broadcast %broadcast_in_dim3A_644 : i32 to vector<16xi32>
        %gather3A_646 = tpu.vector_load_idx %arg5[%broadcast_in_dim3A_645, %get3A_636] : memref<8x3200xf32, #tpu.memory_space<vmem>>[vector<16xi32>, vector<16xi32>], vector<16xf32>,
        %broadcast_in_dim3A_647 = arith.constant 25 : i32
        %broadcast_in_dim3A_648 = vector.broadcast %broadcast_in_dim3A_647 : i32 to vector<16xi32>
        tpu.vector_store_idx %arg13[%add3A_640, %broadcast_in_dim3A_648], %gather3A_646 : memref<512x128xf32, #tpu.memory_space<vmem>>[vector<16xi32>, vector<16xi32>], vector<16xf32>,
        %broadcast_in_dim3A_649 = arith.constant 2 : i32
        %broadcast_in_dim3A_650 = vector.broadcast %broadcast_in_dim3A_649 : i32 to vector<16xi32>
        %gather3A_651 = tpu.vector_load_idx %arg5[%broadcast_in_dim3A_650, %get3A_636] : memref<8x3200xf32, #tpu.memory_space<vmem>>[vector<16xi32>, vector<16xi32>], vector<16xf32>,
        %broadcast_in_dim3A_652 = arith.constant 26 : i32
        %broadcast_in_dim3A_653 = vector.broadcast %broadcast_in_dim3A_652 : i32 to vector<16xi32>
        tpu.vector_store_idx %arg13[%add3A_640, %broadcast_in_dim3A_653], %gather3A_651 : memref<512x128xf32, #tpu.memory_space<vmem>>[vector<16xi32>, vector<16xi32>], vector<16xf32>,
        %broadcast_in_dim3A_654 = arith.constant 3 : i32
        %broadcast_in_dim3A_655 = vector.broadcast %broadcast_in_dim3A_654 : i32 to vector<16xi32>
        %gather3A_656 = tpu.vector_load_idx %arg5[%broadcast_in_dim3A_655, %get3A_636] : memref<8x3200xf32, #tpu.memory_space<vmem>>[vector<16xi32>, vector<16xi32>], vector<16xf32>,
        %broadcast_in_dim3A_657 = arith.constant 27 : i32
        %broadcast_in_dim3A_658 = vector.broadcast %broadcast_in_dim3A_657 : i32 to vector<16xi32>
        tpu.vector_store_idx %arg13[%add3A_640, %broadcast_in_dim3A_658], %gather3A_656 : memref<512x128xf32, #tpu.memory_space<vmem>>[vector<16xi32>, vector<16xi32>], vector<16xf32>,
        %broadcast_in_dim3A_659 = arith.constant 4 : i32
        %broadcast_in_dim3A_660 = vector.broadcast %broadcast_in_dim3A_659 : i32 to vector<16xi32>
        %gather3A_661 = tpu.vector_load_idx %arg5[%broadcast_in_dim3A_660, %get3A_636] : memref<8x3200xf32, #tpu.memory_space<vmem>>[vector<16xi32>, vector<16xi32>], vector<16xf32>,
        %broadcast_in_dim3A_662 = arith.constant 28 : i32
        %broadcast_in_dim3A_663 = vector.broadcast %broadcast_in_dim3A_662 : i32 to vector<16xi32>
        tpu.vector_store_idx %arg13[%add3A_640, %broadcast_in_dim3A_663], %gather3A_661 : memref<512x128xf32, #tpu.memory_space<vmem>>[vector<16xi32>, vector<16xi32>], vector<16xf32>,
        %broadcast_in_dim3A_664 = arith.constant 5 : i32
        %broadcast_in_dim3A_665 = vector.broadcast %broadcast_in_dim3A_664 : i32 to vector<16xi32>
        %gather3A_666 = tpu.vector_load_idx %arg5[%broadcast_in_dim3A_665, %get3A_636] : memref<8x3200xf32, #tpu.memory_space<vmem>>[vector<16xi32>, vector<16xi32>], vector<16xf32>,
        %broadcast_in_dim3A_667 = arith.constant 29 : i32
        %broadcast_in_dim3A_668 = vector.broadcast %broadcast_in_dim3A_667 : i32 to vector<16xi32>
        tpu.vector_store_idx %arg13[%add3A_640, %broadcast_in_dim3A_668], %gather3A_666 : memref<512x128xf32, #tpu.memory_space<vmem>>[vector<16xi32>, vector<16xi32>], vector<16xf32>,
        %broadcast_in_dim3A_669 = arith.constant 6 : i32
        %broadcast_in_dim3A_670 = vector.broadcast %broadcast_in_dim3A_669 : i32 to vector<16xi32>
        %gather3A_671 = tpu.vector_load_idx %arg5[%broadcast_in_dim3A_670, %get3A_636] : memref<8x3200xf32, #tpu.memory_space<vmem>>[vector<16xi32>, vector<16xi32>], vector<16xf32>,
        %broadcast_in_dim3A_672 = arith.constant 30 : i32
        %broadcast_in_dim3A_673 = vector.broadcast %broadcast_in_dim3A_672 : i32 to vector<16xi32>
        tpu.vector_store_idx %arg13[%add3A_640, %broadcast_in_dim3A_673], %gather3A_671 : memref<512x128xf32, #tpu.memory_space<vmem>>[vector<16xi32>, vector<16xi32>], vector<16xf32>,
        %broadcast_in_dim3A_674 = arith.constant 7 : i32
        %broadcast_in_dim3A_675 = vector.broadcast %broadcast_in_dim3A_674 : i32 to vector<16xi32>
        %gather3A_676 = tpu.vector_load_idx %arg5[%broadcast_in_dim3A_675, %get3A_636] : memref<8x3200xf32, #tpu.memory_space<vmem>>[vector<16xi32>, vector<16xi32>], vector<16xf32>,
        %broadcast_in_dim3A_677 = arith.constant 31 : i32
        %broadcast_in_dim3A_678 = vector.broadcast %broadcast_in_dim3A_677 : i32 to vector<16xi32>
        tpu.vector_store_idx %arg13[%add3A_640, %broadcast_in_dim3A_678], %gather3A_676 : memref<512x128xf32, #tpu.memory_space<vmem>>[vector<16xi32>, vector<16xi32>], vector<16xf32>,
      }
      %while3A_338 = arith.constant 1 : i32
      scf.for %while3A_633 = %while3A_336 to %while3A_332 step %while3A_338  : i32 {
        %mul3A_634 = arith.constant 16 : i32
        %mul3A_635 = arith.muli %while3A_633, %mul3A_634 : i32
        %get3A = arith.index_cast %mul3A_635 : i32 to index
        %get3A_636 = tpu.vector_load %arg8[%get3A] {strides = array<i32>} : memref<256xi32, #tpu.memory_space<vmem>>, vector<16xi32>,
        %mul3A_637 = arith.constant 16 : i32
        %mul3A_638 = arith.muli %while3A_633, %mul3A_637 : i32
        %iota3A = tpu.iota {dimensions = array<i32: 0>} : vector<16xi32>
        %add3A_639 = vector.broadcast %mul3A_638 : i32 to vector<16xi32>
        %add3A_640 = arith.addi %add3A_639, %iota3A : vector<16xi32>
        %broadcast_in_dim3A = arith.constant 0 : i32
        %broadcast_in_dim3A_641 = vector.broadcast %broadcast_in_dim3A : i32 to vector<16xi32>
        %gather3A = tpu.vector_load_idx %arg5[%broadcast_in_dim3A_641, %get3A_636] : memref<8x3200xf32, #tpu.memory_space<vmem>>[vector<16xi32>, vector<16xi32>], vector<16xf32>,
        %broadcast_in_dim3A_642 = arith.constant 24 : i32
        %broadcast_in_dim3A_643 = vector.broadcast %broadcast_in_dim3A_642 : i32 to vector<16xi32>
        tpu.vector_store_idx %arg13[%add3A_640, %broadcast_in_dim3A_643], %gather3A : memref<512x128xf32, #tpu.memory_space<vmem>>[vector<16xi32>, vector<16xi32>], vector<16xf32>,
        %broadcast_in_dim3A_644 = arith.constant 1 : i32
        %broadcast_in_dim3A_645 = vector.broadcast %broadcast_in_dim3A_644 : i32 to vector<16xi32>
        %gather3A_646 = tpu.vector_load_idx %arg5[%broadcast_in_dim3A_645, %get3A_636] : memref<8x3200xf32, #tpu.memory_space<vmem>>[vector<16xi32>, vector<16xi32>], vector<16xf32>,
        %broadcast_in_dim3A_647 = arith.constant 25 : i32
        %broadcast_in_dim3A_648 = vector.broadcast %broadcast_in_dim3A_647 : i32 to vector<16xi32>
        tpu.vector_store_idx %arg13[%add3A_640, %broadcast_in_dim3A_648], %gather3A_646 : memref<512x128xf32, #tpu.memory_space<vmem>>[vector<16xi32>, vector<16xi32>], vector<16xf32>,
        %broadcast_in_dim3A_649 = arith.constant 2 : i32
        %broadcast_in_dim3A_650 = vector.broadcast %broadcast_in_dim3A_649 : i32 to vector<16xi32>
        %gather3A_651 = tpu.vector_load_idx %arg5[%broadcast_in_dim3A_650, %get3A_636] : memref<8x3200xf32, #tpu.memory_space<vmem>>[vector<16xi32>, vector<16xi32>], vector<16xf32>,
        %broadcast_in_dim3A_652 = arith.constant 26 : i32
        %broadcast_in_dim3A_653 = vector.broadcast %broadcast_in_dim3A_652 : i32 to vector<16xi32>
        tpu.vector_store_idx %arg13[%add3A_640, %broadcast_in_dim3A_653], %gather3A_651 : memref<512x128xf32, #tpu.memory_space<vmem>>[vector<16xi32>, vector<16xi32>], vector<16xf32>,
        %broadcast_in_dim3A_654 = arith.constant 3 : i32
        %broadcast_in_dim3A_655 = vector.broadcast %broadcast_in_dim3A_654 : i32 to vector<16xi32>
        %gather3A_656 = tpu.vector_load_idx %arg5[%broadcast_in_dim3A_655, %get3A_636] : memref<8x3200xf32, #tpu.memory_space<vmem>>[vector<16xi32>, vector<16xi32>], vector<16xf32>,
        %broadcast_in_dim3A_657 = arith.constant 27 : i32
        %broadcast_in_dim3A_658 = vector.broadcast %broadcast_in_dim3A_657 : i32 to vector<16xi32>
        tpu.vector_store_idx %arg13[%add3A_640, %broadcast_in_dim3A_658], %gather3A_656 : memref<512x128xf32, #tpu.memory_space<vmem>>[vector<16xi32>, vector<16xi32>], vector<16xf32>,
        %broadcast_in_dim3A_659 = arith.constant 4 : i32
        %broadcast_in_dim3A_660 = vector.broadcast %broadcast_in_dim3A_659 : i32 to vector<16xi32>
        %gather3A_661 = tpu.vector_load_idx %arg5[%broadcast_in_dim3A_660, %get3A_636] : memref<8x3200xf32, #tpu.memory_space<vmem>>[vector<16xi32>, vector<16xi32>], vector<16xf32>,
        %broadcast_in_dim3A_662 = arith.constant 28 : i32
        %broadcast_in_dim3A_663 = vector.broadcast %broadcast_in_dim3A_662 : i32 to vector<16xi32>
        tpu.vector_store_idx %arg13[%add3A_640, %broadcast_in_dim3A_663], %gather3A_661 : memref<512x128xf32, #tpu.memory_space<vmem>>[vector<16xi32>, vector<16xi32>], vector<16xf32>,
        %broadcast_in_dim3A_664 = arith.constant 5 : i32
        %broadcast_in_dim3A_665 = vector.broadcast %broadcast_in_dim3A_664 : i32 to vector<16xi32>
        %gather3A_666 = tpu.vector_load_idx %arg5[%broadcast_in_dim3A_665, %get3A_636] : memref<8x3200xf32, #tpu.memory_space<vmem>>[vector<16xi32>, vector<16xi32>], vector<16xf32>,
        %broadcast_in_dim3A_667 = arith.constant 29 : i32
        %broadcast_in_dim3A_668 = vector.broadcast %broadcast_in_dim3A_667 : i32 to vector<16xi32>
        tpu.vector_store_idx %arg13[%add3A_640, %broadcast_in_dim3A_668], %gather3A_666 : memref<512x128xf32, #tpu.memory_space<vmem>>[vector<16xi32>, vector<16xi32>], vector<16xf32>,
        %broadcast_in_dim3A_669 = arith.constant 6 : i32
        %broadcast_in_dim3A_670 = vector.broadcast %broadcast_in_dim3A_669 : i32 to vector<16xi32>
        %gather3A_671 = tpu.vector_load_idx %arg5[%broadcast_in_dim3A_670, %get3A_636] : memref<8x3200xf32, #tpu.memory_space<vmem>>[vector<16xi32>, vector<16xi32>], vector<16xf32>,
        %broadcast_in_dim3A_672 = arith.constant 30 : i32
        %broadcast_in_dim3A_673 = vector.broadcast %broadcast_in_dim3A_672 : i32 to vector<16xi32>
        tpu.vector_store_idx %arg13[%add3A_640, %broadcast_in_dim3A_673], %gather3A_671 : memref<512x128xf32, #tpu.memory_space<vmem>>[vector<16xi32>, vector<16xi32>], vector<16xf32>,
        %broadcast_in_dim3A_674 = arith.constant 7 : i32
        %broadcast_in_dim3A_675 = vector.broadcast %broadcast_in_dim3A_674 : i32 to vector<16xi32>
        %gather3A_676 = tpu.vector_load_idx %arg5[%broadcast_in_dim3A_675, %get3A_636] : memref<8x3200xf32, #tpu.memory_space<vmem>>[vector<16xi32>, vector<16xi32>], vector<16xf32>,
        %broadcast_in_dim3A_677 = arith.constant 31 : i32
        %broadcast_in_dim3A_678 = vector.broadcast %broadcast_in_dim3A_677 : i32 to vector<16xi32>
        tpu.vector_store_idx %arg13[%add3A_640, %broadcast_in_dim3A_678], %gather3A_676 : memref<512x128xf32, #tpu.memory_space<vmem>>[vector<16xi32>, vector<16xi32>], vector<16xf32>,
      }
      %add3A_339 = arith.constant 0 : i32
      %add3A_340 = arith.addi %min3A_1, %add3A_339 : i32
      %dma_start3A_341 = arith.constant 32 : i32
      %dma_start3A_342 = tpu.memref_slice %arg2[%add3A_68, %dma_start3A_341, %add3A_340] : memref<26x64x100000xf32, #tpu.memory_space<hbm>> -> memref<1x8x3200xf32, #tpu.memory_space<hbm>>
      %dma_start3A_343 = tpu.memref_squeeze %dma_start3A_342 : memref<1x8x3200xf32, #tpu.memory_space<hbm>> -> memref<8x3200xf32, #tpu.memory_space<hbm>>
      %dma_start3A_344 = arith.constant 32 : i32
      %dma_start3A_345 = tpu.memref_slice %arg2[%add3A_68, %dma_start3A_344, %add3A_340] : memref<26x64x100000xf32, #tpu.memory_space<hbm>> -> memref<1x8x3200xf32, #tpu.memory_space<hbm>>
      %dma_start3A_346 = tpu.memref_squeeze %dma_start3A_345 : memref<1x8x3200xf32, #tpu.memory_space<hbm>> -> memref<8x3200xf32, #tpu.memory_space<hbm>>
      tpu.enqueue_dma source(%dma_start3A_346 : memref<8x3200xf32, #tpu.memory_space<hbm>>) target(%arg5 : memref<8x3200xf32, #tpu.memory_space<vmem>>) target_semaphore(%arg14 : memref<!tpu.dma_semaphore, #tpu.memory_space<semaphore_mem>>)
      %dma_wait3A_347 = arith.constant 0 : i32
      %dma_wait3A_348 = arith.constant 0 : i32
      %dma_wait3A_349 = arith.constant 0 : i32
      %dma_wait3A_350 = tpu.memref_slice %arg2[%dma_wait3A_347, %dma_wait3A_348, %dma_wait3A_349] : memref<26x64x100000xf32, #tpu.memory_space<hbm>> -> memref<1x8x3200xf32, #tpu.memory_space<hbm>>
      %dma_wait3A_351 = tpu.memref_squeeze %dma_wait3A_350 : memref<1x8x3200xf32, #tpu.memory_space<hbm>> -> memref<8x3200xf32, #tpu.memory_space<hbm>>
      %dma_wait3A_352 = arith.constant 0 : i32
      %dma_wait3A_353 = arith.constant 0 : i32
      %dma_wait3A_354 = tpu.memref_slice %arg2[%dma_wait3A_347, %dma_wait3A_352, %dma_wait3A_353] : memref<26x64x100000xf32, #tpu.memory_space<hbm>> -> memref<1x8x3200xf32, #tpu.memory_space<hbm>>
      %dma_wait3A_355 = tpu.memref_squeeze %dma_wait3A_354 : memref<1x8x3200xf32, #tpu.memory_space<hbm>> -> memref<8x3200xf32, #tpu.memory_space<hbm>>
      tpu.wait_dma2 semaphore(%arg15 : memref<!tpu.dma_semaphore, #tpu.memory_space<semaphore_mem>>) src(%dma_wait3A_355 : memref<8x3200xf32, #tpu.memory_space<hbm>>) dst(%arg5 : memref<8x3200xf32, #tpu.memory_space<vmem>>)
      %while3A_356 = arith.constant 0 : i32
      %while3A_357 = arith.constant 0 : i32
      %while3A_358 = arith.subi %select_n3A_158, %while3A_357 : i32
      %while3A_359 = arith.addi %while3A_357, %while3A_358 : i32
      %while3A_360 = arith.constant 1 : i32
      %while3A_361 = arith.divsi %while3A_358, %while3A_360 : i32
      %while3A_362 = arith.muli %while3A_361, %while3A_360 : i32
      %while3A_363 = arith.addi %while3A_357, %while3A_362 : i32
      %while3A_364 = arith.constant 1 : i32
      scf.for %while3A_633 = %while3A_357 to %while3A_363 step %while3A_364  : i32 {
        %mul3A_634 = arith.constant 16 : i32
        %mul3A_635 = arith.muli %while3A_633, %mul3A_634 : i32
        %get3A = arith.index_cast %mul3A_635 : i32 to index
        %get3A_636 = tpu.vector_load %arg10[%get3A] {strides = array<i32>} : memref<256xi32, #tpu.memory_space<vmem>>, vector<16xi32>,
        %mul3A_637 = arith.constant 16 : i32
        %mul3A_638 = arith.muli %while3A_633, %mul3A_637 : i32
        %add3A_639 = arith.constant 256 : i32
        %add3A_640 = arith.addi %add3A_639, %mul3A_638 : i32
        %iota3A = tpu.iota {dimensions = array<i32: 0>} : vector<16xi32>
        %add3A_641 = vector.broadcast %add3A_640 : i32 to vector<16xi32>
        %add3A_642 = arith.addi %add3A_641, %iota3A : vector<16xi32>
        %broadcast_in_dim3A = arith.constant 0 : i32
        %broadcast_in_dim3A_643 = vector.broadcast %broadcast_in_dim3A : i32 to vector<16xi32>
        %gather3A = tpu.vector_load_idx %arg6[%broadcast_in_dim3A_643, %get3A_636] : memref<8x3200xf32, #tpu.memory_space<vmem>>[vector<16xi32>, vector<16xi32>], vector<16xf32>,
        %broadcast_in_dim3A_644 = arith.constant 24 : i32
        %broadcast_in_dim3A_645 = vector.broadcast %broadcast_in_dim3A_644 : i32 to vector<16xi32>
        tpu.vector_store_idx %arg13[%add3A_642, %broadcast_in_dim3A_645], %gather3A : memref<512x128xf32, #tpu.memory_space<vmem>>[vector<16xi32>, vector<16xi32>], vector<16xf32>,
        %broadcast_in_dim3A_646 = arith.constant 1 : i32
        %broadcast_in_dim3A_647 = vector.broadcast %broadcast_in_dim3A_646 : i32 to vector<16xi32>
        %gather3A_648 = tpu.vector_load_idx %arg6[%broadcast_in_dim3A_647, %get3A_636] : memref<8x3200xf32, #tpu.memory_space<vmem>>[vector<16xi32>, vector<16xi32>], vector<16xf32>,
        %broadcast_in_dim3A_649 = arith.constant 25 : i32
        %broadcast_in_dim3A_650 = vector.broadcast %broadcast_in_dim3A_649 : i32 to vector<16xi32>
        tpu.vector_store_idx %arg13[%add3A_642, %broadcast_in_dim3A_650], %gather3A_648 : memref<512x128xf32, #tpu.memory_space<vmem>>[vector<16xi32>, vector<16xi32>], vector<16xf32>,
        %broadcast_in_dim3A_651 = arith.constant 2 : i32
        %broadcast_in_dim3A_652 = vector.broadcast %broadcast_in_dim3A_651 : i32 to vector<16xi32>
        %gather3A_653 = tpu.vector_load_idx %arg6[%broadcast_in_dim3A_652, %get3A_636] : memref<8x3200xf32, #tpu.memory_space<vmem>>[vector<16xi32>, vector<16xi32>], vector<16xf32>,
        %broadcast_in_dim3A_654 = arith.constant 26 : i32
        %broadcast_in_dim3A_655 = vector.broadcast %broadcast_in_dim3A_654 : i32 to vector<16xi32>
        tpu.vector_store_idx %arg13[%add3A_642, %broadcast_in_dim3A_655], %gather3A_653 : memref<512x128xf32, #tpu.memory_space<vmem>>[vector<16xi32>, vector<16xi32>], vector<16xf32>,
        %broadcast_in_dim3A_656 = arith.constant 3 : i32
        %broadcast_in_dim3A_657 = vector.broadcast %broadcast_in_dim3A_656 : i32 to vector<16xi32>
        %gather3A_658 = tpu.vector_load_idx %arg6[%broadcast_in_dim3A_657, %get3A_636] : memref<8x3200xf32, #tpu.memory_space<vmem>>[vector<16xi32>, vector<16xi32>], vector<16xf32>,
        %broadcast_in_dim3A_659 = arith.constant 27 : i32
        %broadcast_in_dim3A_660 = vector.broadcast %broadcast_in_dim3A_659 : i32 to vector<16xi32>
        tpu.vector_store_idx %arg13[%add3A_642, %broadcast_in_dim3A_660], %gather3A_658 : memref<512x128xf32, #tpu.memory_space<vmem>>[vector<16xi32>, vector<16xi32>], vector<16xf32>,
        %broadcast_in_dim3A_661 = arith.constant 4 : i32
        %broadcast_in_dim3A_662 = vector.broadcast %broadcast_in_dim3A_661 : i32 to vector<16xi32>
        %gather3A_663 = tpu.vector_load_idx %arg6[%broadcast_in_dim3A_662, %get3A_636] : memref<8x3200xf32, #tpu.memory_space<vmem>>[vector<16xi32>, vector<16xi32>], vector<16xf32>,
        %broadcast_in_dim3A_664 = arith.constant 28 : i32
        %broadcast_in_dim3A_665 = vector.broadcast %broadcast_in_dim3A_664 : i32 to vector<16xi32>
        tpu.vector_store_idx %arg13[%add3A_642, %broadcast_in_dim3A_665], %gather3A_663 : memref<512x128xf32, #tpu.memory_space<vmem>>[vector<16xi32>, vector<16xi32>], vector<16xf32>,
        %broadcast_in_dim3A_666 = arith.constant 5 : i32
        %broadcast_in_dim3A_667 = vector.broadcast %broadcast_in_dim3A_666 : i32 to vector<16xi32>
        %gather3A_668 = tpu.vector_load_idx %arg6[%broadcast_in_dim3A_667, %get3A_636] : memref<8x3200xf32, #tpu.memory_space<vmem>>[vector<16xi32>, vector<16xi32>], vector<16xf32>,
        %broadcast_in_dim3A_669 = arith.constant 29 : i32
        %broadcast_in_dim3A_670 = vector.broadcast %broadcast_in_dim3A_669 : i32 to vector<16xi32>
        tpu.vector_store_idx %arg13[%add3A_642, %broadcast_in_dim3A_670], %gather3A_668 : memref<512x128xf32, #tpu.memory_space<vmem>>[vector<16xi32>, vector<16xi32>], vector<16xf32>,
        %broadcast_in_dim3A_671 = arith.constant 6 : i32
        %broadcast_in_dim3A_672 = vector.broadcast %broadcast_in_dim3A_671 : i32 to vector<16xi32>
        %gather3A_673 = tpu.vector_load_idx %arg6[%broadcast_in_dim3A_672, %get3A_636] : memref<8x3200xf32, #tpu.memory_space<vmem>>[vector<16xi32>, vector<16xi32>], vector<16xf32>,
        %broadcast_in_dim3A_674 = arith.constant 30 : i32
        %broadcast_in_dim3A_675 = vector.broadcast %broadcast_in_dim3A_674 : i32 to vector<16xi32>
        tpu.vector_store_idx %arg13[%add3A_642, %broadcast_in_dim3A_675], %gather3A_673 : memref<512x128xf32, #tpu.memory_space<vmem>>[vector<16xi32>, vector<16xi32>], vector<16xf32>,
        %broadcast_in_dim3A_676 = arith.constant 7 : i32
        %broadcast_in_dim3A_677 = vector.broadcast %broadcast_in_dim3A_676 : i32 to vector<16xi32>
        %gather3A_678 = tpu.vector_load_idx %arg6[%broadcast_in_dim3A_677, %get3A_636] : memref<8x3200xf32, #tpu.memory_space<vmem>>[vector<16xi32>, vector<16xi32>], vector<16xf32>,
        %broadcast_in_dim3A_679 = arith.constant 31 : i32
        %broadcast_in_dim3A_680 = vector.broadcast %broadcast_in_dim3A_679 : i32 to vector<16xi32>
        tpu.vector_store_idx %arg13[%add3A_642, %broadcast_in_dim3A_680], %gather3A_678 : memref<512x128xf32, #tpu.memory_space<vmem>>[vector<16xi32>, vector<16xi32>], vector<16xf32>,
      }
      %while3A_365 = arith.constant 1 : i32
      scf.for %while3A_633 = %while3A_363 to %while3A_359 step %while3A_365  : i32 {
        %mul3A_634 = arith.constant 16 : i32
        %mul3A_635 = arith.muli %while3A_633, %mul3A_634 : i32
        %get3A = arith.index_cast %mul3A_635 : i32 to index
        %get3A_636 = tpu.vector_load %arg10[%get3A] {strides = array<i32>} : memref<256xi32, #tpu.memory_space<vmem>>, vector<16xi32>,
        %mul3A_637 = arith.constant 16 : i32
        %mul3A_638 = arith.muli %while3A_633, %mul3A_637 : i32
        %add3A_639 = arith.constant 256 : i32
        %add3A_640 = arith.addi %add3A_639, %mul3A_638 : i32
        %iota3A = tpu.iota {dimensions = array<i32: 0>} : vector<16xi32>
        %add3A_641 = vector.broadcast %add3A_640 : i32 to vector<16xi32>
        %add3A_642 = arith.addi %add3A_641, %iota3A : vector<16xi32>
        %broadcast_in_dim3A = arith.constant 0 : i32
        %broadcast_in_dim3A_643 = vector.broadcast %broadcast_in_dim3A : i32 to vector<16xi32>
        %gather3A = tpu.vector_load_idx %arg6[%broadcast_in_dim3A_643, %get3A_636] : memref<8x3200xf32, #tpu.memory_space<vmem>>[vector<16xi32>, vector<16xi32>], vector<16xf32>,
        %broadcast_in_dim3A_644 = arith.constant 24 : i32
        %broadcast_in_dim3A_645 = vector.broadcast %broadcast_in_dim3A_644 : i32 to vector<16xi32>
        tpu.vector_store_idx %arg13[%add3A_642, %broadcast_in_dim3A_645], %gather3A : memref<512x128xf32, #tpu.memory_space<vmem>>[vector<16xi32>, vector<16xi32>], vector<16xf32>,
        %broadcast_in_dim3A_646 = arith.constant 1 : i32
        %broadcast_in_dim3A_647 = vector.broadcast %broadcast_in_dim3A_646 : i32 to vector<16xi32>
        %gather3A_648 = tpu.vector_load_idx %arg6[%broadcast_in_dim3A_647, %get3A_636] : memref<8x3200xf32, #tpu.memory_space<vmem>>[vector<16xi32>, vector<16xi32>], vector<16xf32>,
        %broadcast_in_dim3A_649 = arith.constant 25 : i32
        %broadcast_in_dim3A_650 = vector.broadcast %broadcast_in_dim3A_649 : i32 to vector<16xi32>
        tpu.vector_store_idx %arg13[%add3A_642, %broadcast_in_dim3A_650], %gather3A_648 : memref<512x128xf32, #tpu.memory_space<vmem>>[vector<16xi32>, vector<16xi32>], vector<16xf32>,
        %broadcast_in_dim3A_651 = arith.constant 2 : i32
        %broadcast_in_dim3A_652 = vector.broadcast %broadcast_in_dim3A_651 : i32 to vector<16xi32>
        %gather3A_653 = tpu.vector_load_idx %arg6[%broadcast_in_dim3A_652, %get3A_636] : memref<8x3200xf32, #tpu.memory_space<vmem>>[vector<16xi32>, vector<16xi32>], vector<16xf32>,
        %broadcast_in_dim3A_654 = arith.constant 26 : i32
        %broadcast_in_dim3A_655 = vector.broadcast %broadcast_in_dim3A_654 : i32 to vector<16xi32>
        tpu.vector_store_idx %arg13[%add3A_642, %broadcast_in_dim3A_655], %gather3A_653 : memref<512x128xf32, #tpu.memory_space<vmem>>[vector<16xi32>, vector<16xi32>], vector<16xf32>,
        %broadcast_in_dim3A_656 = arith.constant 3 : i32
        %broadcast_in_dim3A_657 = vector.broadcast %broadcast_in_dim3A_656 : i32 to vector<16xi32>
        %gather3A_658 = tpu.vector_load_idx %arg6[%broadcast_in_dim3A_657, %get3A_636] : memref<8x3200xf32, #tpu.memory_space<vmem>>[vector<16xi32>, vector<16xi32>], vector<16xf32>,
        %broadcast_in_dim3A_659 = arith.constant 27 : i32
        %broadcast_in_dim3A_660 = vector.broadcast %broadcast_in_dim3A_659 : i32 to vector<16xi32>
        tpu.vector_store_idx %arg13[%add3A_642, %broadcast_in_dim3A_660], %gather3A_658 : memref<512x128xf32, #tpu.memory_space<vmem>>[vector<16xi32>, vector<16xi32>], vector<16xf32>,
        %broadcast_in_dim3A_661 = arith.constant 4 : i32
        %broadcast_in_dim3A_662 = vector.broadcast %broadcast_in_dim3A_661 : i32 to vector<16xi32>
        %gather3A_663 = tpu.vector_load_idx %arg6[%broadcast_in_dim3A_662, %get3A_636] : memref<8x3200xf32, #tpu.memory_space<vmem>>[vector<16xi32>, vector<16xi32>], vector<16xf32>,
        %broadcast_in_dim3A_664 = arith.constant 28 : i32
        %broadcast_in_dim3A_665 = vector.broadcast %broadcast_in_dim3A_664 : i32 to vector<16xi32>
        tpu.vector_store_idx %arg13[%add3A_642, %broadcast_in_dim3A_665], %gather3A_663 : memref<512x128xf32, #tpu.memory_space<vmem>>[vector<16xi32>, vector<16xi32>], vector<16xf32>,
        %broadcast_in_dim3A_666 = arith.constant 5 : i32
        %broadcast_in_dim3A_667 = vector.broadcast %broadcast_in_dim3A_666 : i32 to vector<16xi32>
        %gather3A_668 = tpu.vector_load_idx %arg6[%broadcast_in_dim3A_667, %get3A_636] : memref<8x3200xf32, #tpu.memory_space<vmem>>[vector<16xi32>, vector<16xi32>], vector<16xf32>,
        %broadcast_in_dim3A_669 = arith.constant 29 : i32
        %broadcast_in_dim3A_670 = vector.broadcast %broadcast_in_dim3A_669 : i32 to vector<16xi32>
        tpu.vector_store_idx %arg13[%add3A_642, %broadcast_in_dim3A_670], %gather3A_668 : memref<512x128xf32, #tpu.memory_space<vmem>>[vector<16xi32>, vector<16xi32>], vector<16xf32>,
        %broadcast_in_dim3A_671 = arith.constant 6 : i32
        %broadcast_in_dim3A_672 = vector.broadcast %broadcast_in_dim3A_671 : i32 to vector<16xi32>
        %gather3A_673 = tpu.vector_load_idx %arg6[%broadcast_in_dim3A_672, %get3A_636] : memref<8x3200xf32, #tpu.memory_space<vmem>>[vector<16xi32>, vector<16xi32>], vector<16xf32>,
        %broadcast_in_dim3A_674 = arith.constant 30 : i32
        %broadcast_in_dim3A_675 = vector.broadcast %broadcast_in_dim3A_674 : i32 to vector<16xi32>
        tpu.vector_store_idx %arg13[%add3A_642, %broadcast_in_dim3A_675], %gather3A_673 : memref<512x128xf32, #tpu.memory_space<vmem>>[vector<16xi32>, vector<16xi32>], vector<16xf32>,
        %broadcast_in_dim3A_676 = arith.constant 7 : i32
        %broadcast_in_dim3A_677 = vector.broadcast %broadcast_in_dim3A_676 : i32 to vector<16xi32>
        %gather3A_678 = tpu.vector_load_idx %arg6[%broadcast_in_dim3A_677, %get3A_636] : memref<8x3200xf32, #tpu.memory_space<vmem>>[vector<16xi32>, vector<16xi32>], vector<16xf32>,
        %broadcast_in_dim3A_679 = arith.constant 31 : i32
        %broadcast_in_dim3A_680 = vector.broadcast %broadcast_in_dim3A_679 : i32 to vector<16xi32>
        tpu.vector_store_idx %arg13[%add3A_642, %broadcast_in_dim3A_680], %gather3A_678 : memref<512x128xf32, #tpu.memory_space<vmem>>[vector<16xi32>, vector<16xi32>], vector<16xf32>,
      }
      %add3A_366 = arith.constant 3200 : i32
      %add3A_367 = arith.addi %min3A_1, %add3A_366 : i32
      %dma_start3A_368 = arith.constant 32 : i32
      %dma_start3A_369 = tpu.memref_slice %arg2[%add3A_68, %dma_start3A_368, %add3A_367] : memref<26x64x100000xf32, #tpu.memory_space<hbm>> -> memref<1x8x3200xf32, #tpu.memory_space<hbm>>
      %dma_start3A_370 = tpu.memref_squeeze %dma_start3A_369 : memref<1x8x3200xf32, #tpu.memory_space<hbm>> -> memref<8x3200xf32, #tpu.memory_space<hbm>>
      %dma_start3A_371 = arith.constant 32 : i32
      %dma_start3A_372 = tpu.memref_slice %arg2[%add3A_68, %dma_start3A_371, %add3A_367] : memref<26x64x100000xf32, #tpu.memory_space<hbm>> -> memref<1x8x3200xf32, #tpu.memory_space<hbm>>
      %dma_start3A_373 = tpu.memref_squeeze %dma_start3A_372 : memref<1x8x3200xf32, #tpu.memory_space<hbm>> -> memref<8x3200xf32, #tpu.memory_space<hbm>>
      tpu.enqueue_dma source(%dma_start3A_373 : memref<8x3200xf32, #tpu.memory_space<hbm>>) target(%arg6 : memref<8x3200xf32, #tpu.memory_space<vmem>>) target_semaphore(%arg15 : memref<!tpu.dma_semaphore, #tpu.memory_space<semaphore_mem>>)
      %dma_wait3A_374 = arith.constant 0 : i32
      %dma_wait3A_375 = arith.constant 0 : i32
      %dma_wait3A_376 = arith.constant 0 : i32
      %dma_wait3A_377 = tpu.memref_slice %arg2[%dma_wait3A_374, %dma_wait3A_375, %dma_wait3A_376] : memref<26x64x100000xf32, #tpu.memory_space<hbm>> -> memref<1x8x3200xf32, #tpu.memory_space<hbm>>
      %dma_wait3A_378 = tpu.memref_squeeze %dma_wait3A_377 : memref<1x8x3200xf32, #tpu.memory_space<hbm>> -> memref<8x3200xf32, #tpu.memory_space<hbm>>
      %dma_wait3A_379 = arith.constant 0 : i32
      %dma_wait3A_380 = arith.constant 0 : i32
      %dma_wait3A_381 = tpu.memref_slice %arg2[%dma_wait3A_374, %dma_wait3A_379, %dma_wait3A_380] : memref<26x64x100000xf32, #tpu.memory_space<hbm>> -> memref<1x8x3200xf32, #tpu.memory_space<hbm>>
      %dma_wait3A_382 = tpu.memref_squeeze %dma_wait3A_381 : memref<1x8x3200xf32, #tpu.memory_space<hbm>> -> memref<8x3200xf32, #tpu.memory_space<hbm>>
      tpu.wait_dma2 semaphore(%arg14 : memref<!tpu.dma_semaphore, #tpu.memory_space<semaphore_mem>>) src(%dma_wait3A_382 : memref<8x3200xf32, #tpu.memory_space<hbm>>) dst(%arg5 : memref<8x3200xf32, #tpu.memory_space<vmem>>)
      %while3A_383 = arith.constant 0 : i32
      %while3A_384 = arith.constant 0 : i32
      %while3A_385 = arith.subi %select_n3A, %while3A_384 : i32
      %while3A_386 = arith.addi %while3A_384, %while3A_385 : i32
      %while3A_387 = arith.constant 1 : i32
      %while3A_388 = arith.divsi %while3A_385, %while3A_387 : i32
      %while3A_389 = arith.muli %while3A_388, %while3A_387 : i32
      %while3A_390 = arith.addi %while3A_384, %while3A_389 : i32
      %while3A_391 = arith.constant 1 : i32
      scf.for %while3A_633 = %while3A_384 to %while3A_390 step %while3A_391  : i32 {
        %mul3A_634 = arith.constant 16 : i32
        %mul3A_635 = arith.muli %while3A_633, %mul3A_634 : i32
        %get3A = arith.index_cast %mul3A_635 : i32 to index
        %get3A_636 = tpu.vector_load %arg8[%get3A] {strides = array<i32>} : memref<256xi32, #tpu.memory_space<vmem>>, vector<16xi32>,
        %mul3A_637 = arith.constant 16 : i32
        %mul3A_638 = arith.muli %while3A_633, %mul3A_637 : i32
        %iota3A = tpu.iota {dimensions = array<i32: 0>} : vector<16xi32>
        %add3A_639 = vector.broadcast %mul3A_638 : i32 to vector<16xi32>
        %add3A_640 = arith.addi %add3A_639, %iota3A : vector<16xi32>
        %broadcast_in_dim3A = arith.constant 0 : i32
        %broadcast_in_dim3A_641 = vector.broadcast %broadcast_in_dim3A : i32 to vector<16xi32>
        %gather3A = tpu.vector_load_idx %arg5[%broadcast_in_dim3A_641, %get3A_636] : memref<8x3200xf32, #tpu.memory_space<vmem>>[vector<16xi32>, vector<16xi32>], vector<16xf32>,
        %broadcast_in_dim3A_642 = arith.constant 32 : i32
        %broadcast_in_dim3A_643 = vector.broadcast %broadcast_in_dim3A_642 : i32 to vector<16xi32>
        tpu.vector_store_idx %arg13[%add3A_640, %broadcast_in_dim3A_643], %gather3A : memref<512x128xf32, #tpu.memory_space<vmem>>[vector<16xi32>, vector<16xi32>], vector<16xf32>,
        %broadcast_in_dim3A_644 = arith.constant 1 : i32
        %broadcast_in_dim3A_645 = vector.broadcast %broadcast_in_dim3A_644 : i32 to vector<16xi32>
        %gather3A_646 = tpu.vector_load_idx %arg5[%broadcast_in_dim3A_645, %get3A_636] : memref<8x3200xf32, #tpu.memory_space<vmem>>[vector<16xi32>, vector<16xi32>], vector<16xf32>,
        %broadcast_in_dim3A_647 = arith.constant 33 : i32
        %broadcast_in_dim3A_648 = vector.broadcast %broadcast_in_dim3A_647 : i32 to vector<16xi32>
        tpu.vector_store_idx %arg13[%add3A_640, %broadcast_in_dim3A_648], %gather3A_646 : memref<512x128xf32, #tpu.memory_space<vmem>>[vector<16xi32>, vector<16xi32>], vector<16xf32>,
        %broadcast_in_dim3A_649 = arith.constant 2 : i32
        %broadcast_in_dim3A_650 = vector.broadcast %broadcast_in_dim3A_649 : i32 to vector<16xi32>
        %gather3A_651 = tpu.vector_load_idx %arg5[%broadcast_in_dim3A_650, %get3A_636] : memref<8x3200xf32, #tpu.memory_space<vmem>>[vector<16xi32>, vector<16xi32>], vector<16xf32>,
        %broadcast_in_dim3A_652 = arith.constant 34 : i32
        %broadcast_in_dim3A_653 = vector.broadcast %broadcast_in_dim3A_652 : i32 to vector<16xi32>
        tpu.vector_store_idx %arg13[%add3A_640, %broadcast_in_dim3A_653], %gather3A_651 : memref<512x128xf32, #tpu.memory_space<vmem>>[vector<16xi32>, vector<16xi32>], vector<16xf32>,
        %broadcast_in_dim3A_654 = arith.constant 3 : i32
        %broadcast_in_dim3A_655 = vector.broadcast %broadcast_in_dim3A_654 : i32 to vector<16xi32>
        %gather3A_656 = tpu.vector_load_idx %arg5[%broadcast_in_dim3A_655, %get3A_636] : memref<8x3200xf32, #tpu.memory_space<vmem>>[vector<16xi32>, vector<16xi32>], vector<16xf32>,
        %broadcast_in_dim3A_657 = arith.constant 35 : i32
        %broadcast_in_dim3A_658 = vector.broadcast %broadcast_in_dim3A_657 : i32 to vector<16xi32>
        tpu.vector_store_idx %arg13[%add3A_640, %broadcast_in_dim3A_658], %gather3A_656 : memref<512x128xf32, #tpu.memory_space<vmem>>[vector<16xi32>, vector<16xi32>], vector<16xf32>,
        %broadcast_in_dim3A_659 = arith.constant 4 : i32
        %broadcast_in_dim3A_660 = vector.broadcast %broadcast_in_dim3A_659 : i32 to vector<16xi32>
        %gather3A_661 = tpu.vector_load_idx %arg5[%broadcast_in_dim3A_660, %get3A_636] : memref<8x3200xf32, #tpu.memory_space<vmem>>[vector<16xi32>, vector<16xi32>], vector<16xf32>,
        %broadcast_in_dim3A_662 = arith.constant 36 : i32
        %broadcast_in_dim3A_663 = vector.broadcast %broadcast_in_dim3A_662 : i32 to vector<16xi32>
        tpu.vector_store_idx %arg13[%add3A_640, %broadcast_in_dim3A_663], %gather3A_661 : memref<512x128xf32, #tpu.memory_space<vmem>>[vector<16xi32>, vector<16xi32>], vector<16xf32>,
        %broadcast_in_dim3A_664 = arith.constant 5 : i32
        %broadcast_in_dim3A_665 = vector.broadcast %broadcast_in_dim3A_664 : i32 to vector<16xi32>
        %gather3A_666 = tpu.vector_load_idx %arg5[%broadcast_in_dim3A_665, %get3A_636] : memref<8x3200xf32, #tpu.memory_space<vmem>>[vector<16xi32>, vector<16xi32>], vector<16xf32>,
        %broadcast_in_dim3A_667 = arith.constant 37 : i32
        %broadcast_in_dim3A_668 = vector.broadcast %broadcast_in_dim3A_667 : i32 to vector<16xi32>
        tpu.vector_store_idx %arg13[%add3A_640, %broadcast_in_dim3A_668], %gather3A_666 : memref<512x128xf32, #tpu.memory_space<vmem>>[vector<16xi32>, vector<16xi32>], vector<16xf32>,
        %broadcast_in_dim3A_669 = arith.constant 6 : i32
        %broadcast_in_dim3A_670 = vector.broadcast %broadcast_in_dim3A_669 : i32 to vector<16xi32>
        %gather3A_671 = tpu.vector_load_idx %arg5[%broadcast_in_dim3A_670, %get3A_636] : memref<8x3200xf32, #tpu.memory_space<vmem>>[vector<16xi32>, vector<16xi32>], vector<16xf32>,
        %broadcast_in_dim3A_672 = arith.constant 38 : i32
        %broadcast_in_dim3A_673 = vector.broadcast %broadcast_in_dim3A_672 : i32 to vector<16xi32>
        tpu.vector_store_idx %arg13[%add3A_640, %broadcast_in_dim3A_673], %gather3A_671 : memref<512x128xf32, #tpu.memory_space<vmem>>[vector<16xi32>, vector<16xi32>], vector<16xf32>,
        %broadcast_in_dim3A_674 = arith.constant 7 : i32
        %broadcast_in_dim3A_675 = vector.broadcast %broadcast_in_dim3A_674 : i32 to vector<16xi32>
        %gather3A_676 = tpu.vector_load_idx %arg5[%broadcast_in_dim3A_675, %get3A_636] : memref<8x3200xf32, #tpu.memory_space<vmem>>[vector<16xi32>, vector<16xi32>], vector<16xf32>,
        %broadcast_in_dim3A_677 = arith.constant 39 : i32
        %broadcast_in_dim3A_678 = vector.broadcast %broadcast_in_dim3A_677 : i32 to vector<16xi32>
        tpu.vector_store_idx %arg13[%add3A_640, %broadcast_in_dim3A_678], %gather3A_676 : memref<512x128xf32, #tpu.memory_space<vmem>>[vector<16xi32>, vector<16xi32>], vector<16xf32>,
      }
      %while3A_392 = arith.constant 1 : i32
      scf.for %while3A_633 = %while3A_390 to %while3A_386 step %while3A_392  : i32 {
        %mul3A_634 = arith.constant 16 : i32
        %mul3A_635 = arith.muli %while3A_633, %mul3A_634 : i32
        %get3A = arith.index_cast %mul3A_635 : i32 to index
        %get3A_636 = tpu.vector_load %arg8[%get3A] {strides = array<i32>} : memref<256xi32, #tpu.memory_space<vmem>>, vector<16xi32>,
        %mul3A_637 = arith.constant 16 : i32
        %mul3A_638 = arith.muli %while3A_633, %mul3A_637 : i32
        %iota3A = tpu.iota {dimensions = array<i32: 0>} : vector<16xi32>
        %add3A_639 = vector.broadcast %mul3A_638 : i32 to vector<16xi32>
        %add3A_640 = arith.addi %add3A_639, %iota3A : vector<16xi32>
        %broadcast_in_dim3A = arith.constant 0 : i32
        %broadcast_in_dim3A_641 = vector.broadcast %broadcast_in_dim3A : i32 to vector<16xi32>
        %gather3A = tpu.vector_load_idx %arg5[%broadcast_in_dim3A_641, %get3A_636] : memref<8x3200xf32, #tpu.memory_space<vmem>>[vector<16xi32>, vector<16xi32>], vector<16xf32>,
        %broadcast_in_dim3A_642 = arith.constant 32 : i32
        %broadcast_in_dim3A_643 = vector.broadcast %broadcast_in_dim3A_642 : i32 to vector<16xi32>
        tpu.vector_store_idx %arg13[%add3A_640, %broadcast_in_dim3A_643], %gather3A : memref<512x128xf32, #tpu.memory_space<vmem>>[vector<16xi32>, vector<16xi32>], vector<16xf32>,
        %broadcast_in_dim3A_644 = arith.constant 1 : i32
        %broadcast_in_dim3A_645 = vector.broadcast %broadcast_in_dim3A_644 : i32 to vector<16xi32>
        %gather3A_646 = tpu.vector_load_idx %arg5[%broadcast_in_dim3A_645, %get3A_636] : memref<8x3200xf32, #tpu.memory_space<vmem>>[vector<16xi32>, vector<16xi32>], vector<16xf32>,
        %broadcast_in_dim3A_647 = arith.constant 33 : i32
        %broadcast_in_dim3A_648 = vector.broadcast %broadcast_in_dim3A_647 : i32 to vector<16xi32>
        tpu.vector_store_idx %arg13[%add3A_640, %broadcast_in_dim3A_648], %gather3A_646 : memref<512x128xf32, #tpu.memory_space<vmem>>[vector<16xi32>, vector<16xi32>], vector<16xf32>,
        %broadcast_in_dim3A_649 = arith.constant 2 : i32
        %broadcast_in_dim3A_650 = vector.broadcast %broadcast_in_dim3A_649 : i32 to vector<16xi32>
        %gather3A_651 = tpu.vector_load_idx %arg5[%broadcast_in_dim3A_650, %get3A_636] : memref<8x3200xf32, #tpu.memory_space<vmem>>[vector<16xi32>, vector<16xi32>], vector<16xf32>,
        %broadcast_in_dim3A_652 = arith.constant 34 : i32
        %broadcast_in_dim3A_653 = vector.broadcast %broadcast_in_dim3A_652 : i32 to vector<16xi32>
        tpu.vector_store_idx %arg13[%add3A_640, %broadcast_in_dim3A_653], %gather3A_651 : memref<512x128xf32, #tpu.memory_space<vmem>>[vector<16xi32>, vector<16xi32>], vector<16xf32>,
        %broadcast_in_dim3A_654 = arith.constant 3 : i32
        %broadcast_in_dim3A_655 = vector.broadcast %broadcast_in_dim3A_654 : i32 to vector<16xi32>
        %gather3A_656 = tpu.vector_load_idx %arg5[%broadcast_in_dim3A_655, %get3A_636] : memref<8x3200xf32, #tpu.memory_space<vmem>>[vector<16xi32>, vector<16xi32>], vector<16xf32>,
        %broadcast_in_dim3A_657 = arith.constant 35 : i32
        %broadcast_in_dim3A_658 = vector.broadcast %broadcast_in_dim3A_657 : i32 to vector<16xi32>
        tpu.vector_store_idx %arg13[%add3A_640, %broadcast_in_dim3A_658], %gather3A_656 : memref<512x128xf32, #tpu.memory_space<vmem>>[vector<16xi32>, vector<16xi32>], vector<16xf32>,
        %broadcast_in_dim3A_659 = arith.constant 4 : i32
        %broadcast_in_dim3A_660 = vector.broadcast %broadcast_in_dim3A_659 : i32 to vector<16xi32>
        %gather3A_661 = tpu.vector_load_idx %arg5[%broadcast_in_dim3A_660, %get3A_636] : memref<8x3200xf32, #tpu.memory_space<vmem>>[vector<16xi32>, vector<16xi32>], vector<16xf32>,
        %broadcast_in_dim3A_662 = arith.constant 36 : i32
        %broadcast_in_dim3A_663 = vector.broadcast %broadcast_in_dim3A_662 : i32 to vector<16xi32>
        tpu.vector_store_idx %arg13[%add3A_640, %broadcast_in_dim3A_663], %gather3A_661 : memref<512x128xf32, #tpu.memory_space<vmem>>[vector<16xi32>, vector<16xi32>], vector<16xf32>,
        %broadcast_in_dim3A_664 = arith.constant 5 : i32
        %broadcast_in_dim3A_665 = vector.broadcast %broadcast_in_dim3A_664 : i32 to vector<16xi32>
        %gather3A_666 = tpu.vector_load_idx %arg5[%broadcast_in_dim3A_665, %get3A_636] : memref<8x3200xf32, #tpu.memory_space<vmem>>[vector<16xi32>, vector<16xi32>], vector<16xf32>,
        %broadcast_in_dim3A_667 = arith.constant 37 : i32
        %broadcast_in_dim3A_668 = vector.broadcast %broadcast_in_dim3A_667 : i32 to vector<16xi32>
        tpu.vector_store_idx %arg13[%add3A_640, %broadcast_in_dim3A_668], %gather3A_666 : memref<512x128xf32, #tpu.memory_space<vmem>>[vector<16xi32>, vector<16xi32>], vector<16xf32>,
        %broadcast_in_dim3A_669 = arith.constant 6 : i32
        %broadcast_in_dim3A_670 = vector.broadcast %broadcast_in_dim3A_669 : i32 to vector<16xi32>
        %gather3A_671 = tpu.vector_load_idx %arg5[%broadcast_in_dim3A_670, %get3A_636] : memref<8x3200xf32, #tpu.memory_space<vmem>>[vector<16xi32>, vector<16xi32>], vector<16xf32>,
        %broadcast_in_dim3A_672 = arith.constant 38 : i32
        %broadcast_in_dim3A_673 = vector.broadcast %broadcast_in_dim3A_672 : i32 to vector<16xi32>
        tpu.vector_store_idx %arg13[%add3A_640, %broadcast_in_dim3A_673], %gather3A_671 : memref<512x128xf32, #tpu.memory_space<vmem>>[vector<16xi32>, vector<16xi32>], vector<16xf32>,
        %broadcast_in_dim3A_674 = arith.constant 7 : i32
        %broadcast_in_dim3A_675 = vector.broadcast %broadcast_in_dim3A_674 : i32 to vector<16xi32>
        %gather3A_676 = tpu.vector_load_idx %arg5[%broadcast_in_dim3A_675, %get3A_636] : memref<8x3200xf32, #tpu.memory_space<vmem>>[vector<16xi32>, vector<16xi32>], vector<16xf32>,
        %broadcast_in_dim3A_677 = arith.constant 39 : i32
        %broadcast_in_dim3A_678 = vector.broadcast %broadcast_in_dim3A_677 : i32 to vector<16xi32>
        tpu.vector_store_idx %arg13[%add3A_640, %broadcast_in_dim3A_678], %gather3A_676 : memref<512x128xf32, #tpu.memory_space<vmem>>[vector<16xi32>, vector<16xi32>], vector<16xf32>,
      }
      %add3A_393 = arith.constant 0 : i32
      %add3A_394 = arith.addi %min3A_1, %add3A_393 : i32
      %dma_start3A_395 = arith.constant 40 : i32
      %dma_start3A_396 = tpu.memref_slice %arg2[%add3A_68, %dma_start3A_395, %add3A_394] : memref<26x64x100000xf32, #tpu.memory_space<hbm>> -> memref<1x8x3200xf32, #tpu.memory_space<hbm>>
      %dma_start3A_397 = tpu.memref_squeeze %dma_start3A_396 : memref<1x8x3200xf32, #tpu.memory_space<hbm>> -> memref<8x3200xf32, #tpu.memory_space<hbm>>
      %dma_start3A_398 = arith.constant 40 : i32
      %dma_start3A_399 = tpu.memref_slice %arg2[%add3A_68, %dma_start3A_398, %add3A_394] : memref<26x64x100000xf32, #tpu.memory_space<hbm>> -> memref<1x8x3200xf32, #tpu.memory_space<hbm>>
      %dma_start3A_400 = tpu.memref_squeeze %dma_start3A_399 : memref<1x8x3200xf32, #tpu.memory_space<hbm>> -> memref<8x3200xf32, #tpu.memory_space<hbm>>
      tpu.enqueue_dma source(%dma_start3A_400 : memref<8x3200xf32, #tpu.memory_space<hbm>>) target(%arg5 : memref<8x3200xf32, #tpu.memory_space<vmem>>) target_semaphore(%arg14 : memref<!tpu.dma_semaphore, #tpu.memory_space<semaphore_mem>>)
      %dma_wait3A_401 = arith.constant 0 : i32
      %dma_wait3A_402 = arith.constant 0 : i32
      %dma_wait3A_403 = arith.constant 0 : i32
      %dma_wait3A_404 = tpu.memref_slice %arg2[%dma_wait3A_401, %dma_wait3A_402, %dma_wait3A_403] : memref<26x64x100000xf32, #tpu.memory_space<hbm>> -> memref<1x8x3200xf32, #tpu.memory_space<hbm>>
      %dma_wait3A_405 = tpu.memref_squeeze %dma_wait3A_404 : memref<1x8x3200xf32, #tpu.memory_space<hbm>> -> memref<8x3200xf32, #tpu.memory_space<hbm>>
      %dma_wait3A_406 = arith.constant 0 : i32
      %dma_wait3A_407 = arith.constant 0 : i32
      %dma_wait3A_408 = tpu.memref_slice %arg2[%dma_wait3A_401, %dma_wait3A_406, %dma_wait3A_407] : memref<26x64x100000xf32, #tpu.memory_space<hbm>> -> memref<1x8x3200xf32, #tpu.memory_space<hbm>>
      %dma_wait3A_409 = tpu.memref_squeeze %dma_wait3A_408 : memref<1x8x3200xf32, #tpu.memory_space<hbm>> -> memref<8x3200xf32, #tpu.memory_space<hbm>>
      tpu.wait_dma2 semaphore(%arg15 : memref<!tpu.dma_semaphore, #tpu.memory_space<semaphore_mem>>) src(%dma_wait3A_409 : memref<8x3200xf32, #tpu.memory_space<hbm>>) dst(%arg5 : memref<8x3200xf32, #tpu.memory_space<vmem>>)
      %while3A_410 = arith.constant 0 : i32
      %while3A_411 = arith.constant 0 : i32
      %while3A_412 = arith.subi %select_n3A_158, %while3A_411 : i32
      %while3A_413 = arith.addi %while3A_411, %while3A_412 : i32
      %while3A_414 = arith.constant 1 : i32
      %while3A_415 = arith.divsi %while3A_412, %while3A_414 : i32
      %while3A_416 = arith.muli %while3A_415, %while3A_414 : i32
      %while3A_417 = arith.addi %while3A_411, %while3A_416 : i32
      %while3A_418 = arith.constant 1 : i32
      scf.for %while3A_633 = %while3A_411 to %while3A_417 step %while3A_418  : i32 {
        %mul3A_634 = arith.constant 16 : i32
        %mul3A_635 = arith.muli %while3A_633, %mul3A_634 : i32
        %get3A = arith.index_cast %mul3A_635 : i32 to index
        %get3A_636 = tpu.vector_load %arg10[%get3A] {strides = array<i32>} : memref<256xi32, #tpu.memory_space<vmem>>, vector<16xi32>,
        %mul3A_637 = arith.constant 16 : i32
        %mul3A_638 = arith.muli %while3A_633, %mul3A_637 : i32
        %add3A_639 = arith.constant 256 : i32
        %add3A_640 = arith.addi %add3A_639, %mul3A_638 : i32
        %iota3A = tpu.iota {dimensions = array<i32: 0>} : vector<16xi32>
        %add3A_641 = vector.broadcast %add3A_640 : i32 to vector<16xi32>
        %add3A_642 = arith.addi %add3A_641, %iota3A : vector<16xi32>
        %broadcast_in_dim3A = arith.constant 0 : i32
        %broadcast_in_dim3A_643 = vector.broadcast %broadcast_in_dim3A : i32 to vector<16xi32>
        %gather3A = tpu.vector_load_idx %arg6[%broadcast_in_dim3A_643, %get3A_636] : memref<8x3200xf32, #tpu.memory_space<vmem>>[vector<16xi32>, vector<16xi32>], vector<16xf32>,
        %broadcast_in_dim3A_644 = arith.constant 32 : i32
        %broadcast_in_dim3A_645 = vector.broadcast %broadcast_in_dim3A_644 : i32 to vector<16xi32>
        tpu.vector_store_idx %arg13[%add3A_642, %broadcast_in_dim3A_645], %gather3A : memref<512x128xf32, #tpu.memory_space<vmem>>[vector<16xi32>, vector<16xi32>], vector<16xf32>,
        %broadcast_in_dim3A_646 = arith.constant 1 : i32
        %broadcast_in_dim3A_647 = vector.broadcast %broadcast_in_dim3A_646 : i32 to vector<16xi32>
        %gather3A_648 = tpu.vector_load_idx %arg6[%broadcast_in_dim3A_647, %get3A_636] : memref<8x3200xf32, #tpu.memory_space<vmem>>[vector<16xi32>, vector<16xi32>], vector<16xf32>,
        %broadcast_in_dim3A_649 = arith.constant 33 : i32
        %broadcast_in_dim3A_650 = vector.broadcast %broadcast_in_dim3A_649 : i32 to vector<16xi32>
        tpu.vector_store_idx %arg13[%add3A_642, %broadcast_in_dim3A_650], %gather3A_648 : memref<512x128xf32, #tpu.memory_space<vmem>>[vector<16xi32>, vector<16xi32>], vector<16xf32>,
        %broadcast_in_dim3A_651 = arith.constant 2 : i32
        %broadcast_in_dim3A_652 = vector.broadcast %broadcast_in_dim3A_651 : i32 to vector<16xi32>
        %gather3A_653 = tpu.vector_load_idx %arg6[%broadcast_in_dim3A_652, %get3A_636] : memref<8x3200xf32, #tpu.memory_space<vmem>>[vector<16xi32>, vector<16xi32>], vector<16xf32>,
        %broadcast_in_dim3A_654 = arith.constant 34 : i32
        %broadcast_in_dim3A_655 = vector.broadcast %broadcast_in_dim3A_654 : i32 to vector<16xi32>
        tpu.vector_store_idx %arg13[%add3A_642, %broadcast_in_dim3A_655], %gather3A_653 : memref<512x128xf32, #tpu.memory_space<vmem>>[vector<16xi32>, vector<16xi32>], vector<16xf32>,
        %broadcast_in_dim3A_656 = arith.constant 3 : i32
        %broadcast_in_dim3A_657 = vector.broadcast %broadcast_in_dim3A_656 : i32 to vector<16xi32>
        %gather3A_658 = tpu.vector_load_idx %arg6[%broadcast_in_dim3A_657, %get3A_636] : memref<8x3200xf32, #tpu.memory_space<vmem>>[vector<16xi32>, vector<16xi32>], vector<16xf32>,
        %broadcast_in_dim3A_659 = arith.constant 35 : i32
        %broadcast_in_dim3A_660 = vector.broadcast %broadcast_in_dim3A_659 : i32 to vector<16xi32>
        tpu.vector_store_idx %arg13[%add3A_642, %broadcast_in_dim3A_660], %gather3A_658 : memref<512x128xf32, #tpu.memory_space<vmem>>[vector<16xi32>, vector<16xi32>], vector<16xf32>,
        %broadcast_in_dim3A_661 = arith.constant 4 : i32
        %broadcast_in_dim3A_662 = vector.broadcast %broadcast_in_dim3A_661 : i32 to vector<16xi32>
        %gather3A_663 = tpu.vector_load_idx %arg6[%broadcast_in_dim3A_662, %get3A_636] : memref<8x3200xf32, #tpu.memory_space<vmem>>[vector<16xi32>, vector<16xi32>], vector<16xf32>,
        %broadcast_in_dim3A_664 = arith.constant 36 : i32
        %broadcast_in_dim3A_665 = vector.broadcast %broadcast_in_dim3A_664 : i32 to vector<16xi32>
        tpu.vector_store_idx %arg13[%add3A_642, %broadcast_in_dim3A_665], %gather3A_663 : memref<512x128xf32, #tpu.memory_space<vmem>>[vector<16xi32>, vector<16xi32>], vector<16xf32>,
        %broadcast_in_dim3A_666 = arith.constant 5 : i32
        %broadcast_in_dim3A_667 = vector.broadcast %broadcast_in_dim3A_666 : i32 to vector<16xi32>
        %gather3A_668 = tpu.vector_load_idx %arg6[%broadcast_in_dim3A_667, %get3A_636] : memref<8x3200xf32, #tpu.memory_space<vmem>>[vector<16xi32>, vector<16xi32>], vector<16xf32>,
        %broadcast_in_dim3A_669 = arith.constant 37 : i32
        %broadcast_in_dim3A_670 = vector.broadcast %broadcast_in_dim3A_669 : i32 to vector<16xi32>
        tpu.vector_store_idx %arg13[%add3A_642, %broadcast_in_dim3A_670], %gather3A_668 : memref<512x128xf32, #tpu.memory_space<vmem>>[vector<16xi32>, vector<16xi32>], vector<16xf32>,
        %broadcast_in_dim3A_671 = arith.constant 6 : i32
        %broadcast_in_dim3A_672 = vector.broadcast %broadcast_in_dim3A_671 : i32 to vector<16xi32>
        %gather3A_673 = tpu.vector_load_idx %arg6[%broadcast_in_dim3A_672, %get3A_636] : memref<8x3200xf32, #tpu.memory_space<vmem>>[vector<16xi32>, vector<16xi32>], vector<16xf32>,
        %broadcast_in_dim3A_674 = arith.constant 38 : i32
        %broadcast_in_dim3A_675 = vector.broadcast %broadcast_in_dim3A_674 : i32 to vector<16xi32>
        tpu.vector_store_idx %arg13[%add3A_642, %broadcast_in_dim3A_675], %gather3A_673 : memref<512x128xf32, #tpu.memory_space<vmem>>[vector<16xi32>, vector<16xi32>], vector<16xf32>,
        %broadcast_in_dim3A_676 = arith.constant 7 : i32
        %broadcast_in_dim3A_677 = vector.broadcast %broadcast_in_dim3A_676 : i32 to vector<16xi32>
        %gather3A_678 = tpu.vector_load_idx %arg6[%broadcast_in_dim3A_677, %get3A_636] : memref<8x3200xf32, #tpu.memory_space<vmem>>[vector<16xi32>, vector<16xi32>], vector<16xf32>,
        %broadcast_in_dim3A_679 = arith.constant 39 : i32
        %broadcast_in_dim3A_680 = vector.broadcast %broadcast_in_dim3A_679 : i32 to vector<16xi32>
        tpu.vector_store_idx %arg13[%add3A_642, %broadcast_in_dim3A_680], %gather3A_678 : memref<512x128xf32, #tpu.memory_space<vmem>>[vector<16xi32>, vector<16xi32>], vector<16xf32>,
      }
      %while3A_419 = arith.constant 1 : i32
      scf.for %while3A_633 = %while3A_417 to %while3A_413 step %while3A_419  : i32 {
        %mul3A_634 = arith.constant 16 : i32
        %mul3A_635 = arith.muli %while3A_633, %mul3A_634 : i32
        %get3A = arith.index_cast %mul3A_635 : i32 to index
        %get3A_636 = tpu.vector_load %arg10[%get3A] {strides = array<i32>} : memref<256xi32, #tpu.memory_space<vmem>>, vector<16xi32>,
        %mul3A_637 = arith.constant 16 : i32
        %mul3A_638 = arith.muli %while3A_633, %mul3A_637 : i32
        %add3A_639 = arith.constant 256 : i32
        %add3A_640 = arith.addi %add3A_639, %mul3A_638 : i32
        %iota3A = tpu.iota {dimensions = array<i32: 0>} : vector<16xi32>
        %add3A_641 = vector.broadcast %add3A_640 : i32 to vector<16xi32>
        %add3A_642 = arith.addi %add3A_641, %iota3A : vector<16xi32>
        %broadcast_in_dim3A = arith.constant 0 : i32
        %broadcast_in_dim3A_643 = vector.broadcast %broadcast_in_dim3A : i32 to vector<16xi32>
        %gather3A = tpu.vector_load_idx %arg6[%broadcast_in_dim3A_643, %get3A_636] : memref<8x3200xf32, #tpu.memory_space<vmem>>[vector<16xi32>, vector<16xi32>], vector<16xf32>,
        %broadcast_in_dim3A_644 = arith.constant 32 : i32
        %broadcast_in_dim3A_645 = vector.broadcast %broadcast_in_dim3A_644 : i32 to vector<16xi32>
        tpu.vector_store_idx %arg13[%add3A_642, %broadcast_in_dim3A_645], %gather3A : memref<512x128xf32, #tpu.memory_space<vmem>>[vector<16xi32>, vector<16xi32>], vector<16xf32>,
        %broadcast_in_dim3A_646 = arith.constant 1 : i32
        %broadcast_in_dim3A_647 = vector.broadcast %broadcast_in_dim3A_646 : i32 to vector<16xi32>
        %gather3A_648 = tpu.vector_load_idx %arg6[%broadcast_in_dim3A_647, %get3A_636] : memref<8x3200xf32, #tpu.memory_space<vmem>>[vector<16xi32>, vector<16xi32>], vector<16xf32>,
        %broadcast_in_dim3A_649 = arith.constant 33 : i32
        %broadcast_in_dim3A_650 = vector.broadcast %broadcast_in_dim3A_649 : i32 to vector<16xi32>
        tpu.vector_store_idx %arg13[%add3A_642, %broadcast_in_dim3A_650], %gather3A_648 : memref<512x128xf32, #tpu.memory_space<vmem>>[vector<16xi32>, vector<16xi32>], vector<16xf32>,
        %broadcast_in_dim3A_651 = arith.constant 2 : i32
        %broadcast_in_dim3A_652 = vector.broadcast %broadcast_in_dim3A_651 : i32 to vector<16xi32>
        %gather3A_653 = tpu.vector_load_idx %arg6[%broadcast_in_dim3A_652, %get3A_636] : memref<8x3200xf32, #tpu.memory_space<vmem>>[vector<16xi32>, vector<16xi32>], vector<16xf32>,
        %broadcast_in_dim3A_654 = arith.constant 34 : i32
        %broadcast_in_dim3A_655 = vector.broadcast %broadcast_in_dim3A_654 : i32 to vector<16xi32>
        tpu.vector_store_idx %arg13[%add3A_642, %broadcast_in_dim3A_655], %gather3A_653 : memref<512x128xf32, #tpu.memory_space<vmem>>[vector<16xi32>, vector<16xi32>], vector<16xf32>,
        %broadcast_in_dim3A_656 = arith.constant 3 : i32
        %broadcast_in_dim3A_657 = vector.broadcast %broadcast_in_dim3A_656 : i32 to vector<16xi32>
        %gather3A_658 = tpu.vector_load_idx %arg6[%broadcast_in_dim3A_657, %get3A_636] : memref<8x3200xf32, #tpu.memory_space<vmem>>[vector<16xi32>, vector<16xi32>], vector<16xf32>,
        %broadcast_in_dim3A_659 = arith.constant 35 : i32
        %broadcast_in_dim3A_660 = vector.broadcast %broadcast_in_dim3A_659 : i32 to vector<16xi32>
        tpu.vector_store_idx %arg13[%add3A_642, %broadcast_in_dim3A_660], %gather3A_658 : memref<512x128xf32, #tpu.memory_space<vmem>>[vector<16xi32>, vector<16xi32>], vector<16xf32>,
        %broadcast_in_dim3A_661 = arith.constant 4 : i32
        %broadcast_in_dim3A_662 = vector.broadcast %broadcast_in_dim3A_661 : i32 to vector<16xi32>
        %gather3A_663 = tpu.vector_load_idx %arg6[%broadcast_in_dim3A_662, %get3A_636] : memref<8x3200xf32, #tpu.memory_space<vmem>>[vector<16xi32>, vector<16xi32>], vector<16xf32>,
        %broadcast_in_dim3A_664 = arith.constant 36 : i32
        %broadcast_in_dim3A_665 = vector.broadcast %broadcast_in_dim3A_664 : i32 to vector<16xi32>
        tpu.vector_store_idx %arg13[%add3A_642, %broadcast_in_dim3A_665], %gather3A_663 : memref<512x128xf32, #tpu.memory_space<vmem>>[vector<16xi32>, vector<16xi32>], vector<16xf32>,
        %broadcast_in_dim3A_666 = arith.constant 5 : i32
        %broadcast_in_dim3A_667 = vector.broadcast %broadcast_in_dim3A_666 : i32 to vector<16xi32>
        %gather3A_668 = tpu.vector_load_idx %arg6[%broadcast_in_dim3A_667, %get3A_636] : memref<8x3200xf32, #tpu.memory_space<vmem>>[vector<16xi32>, vector<16xi32>], vector<16xf32>,
        %broadcast_in_dim3A_669 = arith.constant 37 : i32
        %broadcast_in_dim3A_670 = vector.broadcast %broadcast_in_dim3A_669 : i32 to vector<16xi32>
        tpu.vector_store_idx %arg13[%add3A_642, %broadcast_in_dim3A_670], %gather3A_668 : memref<512x128xf32, #tpu.memory_space<vmem>>[vector<16xi32>, vector<16xi32>], vector<16xf32>,
        %broadcast_in_dim3A_671 = arith.constant 6 : i32
        %broadcast_in_dim3A_672 = vector.broadcast %broadcast_in_dim3A_671 : i32 to vector<16xi32>
        %gather3A_673 = tpu.vector_load_idx %arg6[%broadcast_in_dim3A_672, %get3A_636] : memref<8x3200xf32, #tpu.memory_space<vmem>>[vector<16xi32>, vector<16xi32>], vector<16xf32>,
        %broadcast_in_dim3A_674 = arith.constant 38 : i32
        %broadcast_in_dim3A_675 = vector.broadcast %broadcast_in_dim3A_674 : i32 to vector<16xi32>
        tpu.vector_store_idx %arg13[%add3A_642, %broadcast_in_dim3A_675], %gather3A_673 : memref<512x128xf32, #tpu.memory_space<vmem>>[vector<16xi32>, vector<16xi32>], vector<16xf32>,
        %broadcast_in_dim3A_676 = arith.constant 7 : i32
        %broadcast_in_dim3A_677 = vector.broadcast %broadcast_in_dim3A_676 : i32 to vector<16xi32>
        %gather3A_678 = tpu.vector_load_idx %arg6[%broadcast_in_dim3A_677, %get3A_636] : memref<8x3200xf32, #tpu.memory_space<vmem>>[vector<16xi32>, vector<16xi32>], vector<16xf32>,
        %broadcast_in_dim3A_679 = arith.constant 39 : i32
        %broadcast_in_dim3A_680 = vector.broadcast %broadcast_in_dim3A_679 : i32 to vector<16xi32>
        tpu.vector_store_idx %arg13[%add3A_642, %broadcast_in_dim3A_680], %gather3A_678 : memref<512x128xf32, #tpu.memory_space<vmem>>[vector<16xi32>, vector<16xi32>], vector<16xf32>,
      }
      %add3A_420 = arith.constant 3200 : i32
      %add3A_421 = arith.addi %min3A_1, %add3A_420 : i32
      %dma_start3A_422 = arith.constant 40 : i32
      %dma_start3A_423 = tpu.memref_slice %arg2[%add3A_68, %dma_start3A_422, %add3A_421] : memref<26x64x100000xf32, #tpu.memory_space<hbm>> -> memref<1x8x3200xf32, #tpu.memory_space<hbm>>
      %dma_start3A_424 = tpu.memref_squeeze %dma_start3A_423 : memref<1x8x3200xf32, #tpu.memory_space<hbm>> -> memref<8x3200xf32, #tpu.memory_space<hbm>>
      %dma_start3A_425 = arith.constant 40 : i32
      %dma_start3A_426 = tpu.memref_slice %arg2[%add3A_68, %dma_start3A_425, %add3A_421] : memref<26x64x100000xf32, #tpu.memory_space<hbm>> -> memref<1x8x3200xf32, #tpu.memory_space<hbm>>
      %dma_start3A_427 = tpu.memref_squeeze %dma_start3A_426 : memref<1x8x3200xf32, #tpu.memory_space<hbm>> -> memref<8x3200xf32, #tpu.memory_space<hbm>>
      tpu.enqueue_dma source(%dma_start3A_427 : memref<8x3200xf32, #tpu.memory_space<hbm>>) target(%arg6 : memref<8x3200xf32, #tpu.memory_space<vmem>>) target_semaphore(%arg15 : memref<!tpu.dma_semaphore, #tpu.memory_space<semaphore_mem>>)
      %dma_wait3A_428 = arith.constant 0 : i32
      %dma_wait3A_429 = arith.constant 0 : i32
      %dma_wait3A_430 = arith.constant 0 : i32
      %dma_wait3A_431 = tpu.memref_slice %arg2[%dma_wait3A_428, %dma_wait3A_429, %dma_wait3A_430] : memref<26x64x100000xf32, #tpu.memory_space<hbm>> -> memref<1x8x3200xf32, #tpu.memory_space<hbm>>
      %dma_wait3A_432 = tpu.memref_squeeze %dma_wait3A_431 : memref<1x8x3200xf32, #tpu.memory_space<hbm>> -> memref<8x3200xf32, #tpu.memory_space<hbm>>
      %dma_wait3A_433 = arith.constant 0 : i32
      %dma_wait3A_434 = arith.constant 0 : i32
      %dma_wait3A_435 = tpu.memref_slice %arg2[%dma_wait3A_428, %dma_wait3A_433, %dma_wait3A_434] : memref<26x64x100000xf32, #tpu.memory_space<hbm>> -> memref<1x8x3200xf32, #tpu.memory_space<hbm>>
      %dma_wait3A_436 = tpu.memref_squeeze %dma_wait3A_435 : memref<1x8x3200xf32, #tpu.memory_space<hbm>> -> memref<8x3200xf32, #tpu.memory_space<hbm>>
      tpu.wait_dma2 semaphore(%arg14 : memref<!tpu.dma_semaphore, #tpu.memory_space<semaphore_mem>>) src(%dma_wait3A_436 : memref<8x3200xf32, #tpu.memory_space<hbm>>) dst(%arg5 : memref<8x3200xf32, #tpu.memory_space<vmem>>)
      %while3A_437 = arith.constant 0 : i32
      %while3A_438 = arith.constant 0 : i32
      %while3A_439 = arith.subi %select_n3A, %while3A_438 : i32
      %while3A_440 = arith.addi %while3A_438, %while3A_439 : i32
      %while3A_441 = arith.constant 1 : i32
      %while3A_442 = arith.divsi %while3A_439, %while3A_441 : i32
      %while3A_443 = arith.muli %while3A_442, %while3A_441 : i32
      %while3A_444 = arith.addi %while3A_438, %while3A_443 : i32
      %while3A_445 = arith.constant 1 : i32
      scf.for %while3A_633 = %while3A_438 to %while3A_444 step %while3A_445  : i32 {
        %mul3A_634 = arith.constant 16 : i32
        %mul3A_635 = arith.muli %while3A_633, %mul3A_634 : i32
        %get3A = arith.index_cast %mul3A_635 : i32 to index
        %get3A_636 = tpu.vector_load %arg8[%get3A] {strides = array<i32>} : memref<256xi32, #tpu.memory_space<vmem>>, vector<16xi32>,
        %mul3A_637 = arith.constant 16 : i32
        %mul3A_638 = arith.muli %while3A_633, %mul3A_637 : i32
        %iota3A = tpu.iota {dimensions = array<i32: 0>} : vector<16xi32>
        %add3A_639 = vector.broadcast %mul3A_638 : i32 to vector<16xi32>
        %add3A_640 = arith.addi %add3A_639, %iota3A : vector<16xi32>
        %broadcast_in_dim3A = arith.constant 0 : i32
        %broadcast_in_dim3A_641 = vector.broadcast %broadcast_in_dim3A : i32 to vector<16xi32>
        %gather3A = tpu.vector_load_idx %arg5[%broadcast_in_dim3A_641, %get3A_636] : memref<8x3200xf32, #tpu.memory_space<vmem>>[vector<16xi32>, vector<16xi32>], vector<16xf32>,
        %broadcast_in_dim3A_642 = arith.constant 40 : i32
        %broadcast_in_dim3A_643 = vector.broadcast %broadcast_in_dim3A_642 : i32 to vector<16xi32>
        tpu.vector_store_idx %arg13[%add3A_640, %broadcast_in_dim3A_643], %gather3A : memref<512x128xf32, #tpu.memory_space<vmem>>[vector<16xi32>, vector<16xi32>], vector<16xf32>,
        %broadcast_in_dim3A_644 = arith.constant 1 : i32
        %broadcast_in_dim3A_645 = vector.broadcast %broadcast_in_dim3A_644 : i32 to vector<16xi32>
        %gather3A_646 = tpu.vector_load_idx %arg5[%broadcast_in_dim3A_645, %get3A_636] : memref<8x3200xf32, #tpu.memory_space<vmem>>[vector<16xi32>, vector<16xi32>], vector<16xf32>,
        %broadcast_in_dim3A_647 = arith.constant 41 : i32
        %broadcast_in_dim3A_648 = vector.broadcast %broadcast_in_dim3A_647 : i32 to vector<16xi32>
        tpu.vector_store_idx %arg13[%add3A_640, %broadcast_in_dim3A_648], %gather3A_646 : memref<512x128xf32, #tpu.memory_space<vmem>>[vector<16xi32>, vector<16xi32>], vector<16xf32>,
        %broadcast_in_dim3A_649 = arith.constant 2 : i32
        %broadcast_in_dim3A_650 = vector.broadcast %broadcast_in_dim3A_649 : i32 to vector<16xi32>
        %gather3A_651 = tpu.vector_load_idx %arg5[%broadcast_in_dim3A_650, %get3A_636] : memref<8x3200xf32, #tpu.memory_space<vmem>>[vector<16xi32>, vector<16xi32>], vector<16xf32>,
        %broadcast_in_dim3A_652 = arith.constant 42 : i32
        %broadcast_in_dim3A_653 = vector.broadcast %broadcast_in_dim3A_652 : i32 to vector<16xi32>
        tpu.vector_store_idx %arg13[%add3A_640, %broadcast_in_dim3A_653], %gather3A_651 : memref<512x128xf32, #tpu.memory_space<vmem>>[vector<16xi32>, vector<16xi32>], vector<16xf32>,
        %broadcast_in_dim3A_654 = arith.constant 3 : i32
        %broadcast_in_dim3A_655 = vector.broadcast %broadcast_in_dim3A_654 : i32 to vector<16xi32>
        %gather3A_656 = tpu.vector_load_idx %arg5[%broadcast_in_dim3A_655, %get3A_636] : memref<8x3200xf32, #tpu.memory_space<vmem>>[vector<16xi32>, vector<16xi32>], vector<16xf32>,
        %broadcast_in_dim3A_657 = arith.constant 43 : i32
        %broadcast_in_dim3A_658 = vector.broadcast %broadcast_in_dim3A_657 : i32 to vector<16xi32>
        tpu.vector_store_idx %arg13[%add3A_640, %broadcast_in_dim3A_658], %gather3A_656 : memref<512x128xf32, #tpu.memory_space<vmem>>[vector<16xi32>, vector<16xi32>], vector<16xf32>,
        %broadcast_in_dim3A_659 = arith.constant 4 : i32
        %broadcast_in_dim3A_660 = vector.broadcast %broadcast_in_dim3A_659 : i32 to vector<16xi32>
        %gather3A_661 = tpu.vector_load_idx %arg5[%broadcast_in_dim3A_660, %get3A_636] : memref<8x3200xf32, #tpu.memory_space<vmem>>[vector<16xi32>, vector<16xi32>], vector<16xf32>,
        %broadcast_in_dim3A_662 = arith.constant 44 : i32
        %broadcast_in_dim3A_663 = vector.broadcast %broadcast_in_dim3A_662 : i32 to vector<16xi32>
        tpu.vector_store_idx %arg13[%add3A_640, %broadcast_in_dim3A_663], %gather3A_661 : memref<512x128xf32, #tpu.memory_space<vmem>>[vector<16xi32>, vector<16xi32>], vector<16xf32>,
        %broadcast_in_dim3A_664 = arith.constant 5 : i32
        %broadcast_in_dim3A_665 = vector.broadcast %broadcast_in_dim3A_664 : i32 to vector<16xi32>
        %gather3A_666 = tpu.vector_load_idx %arg5[%broadcast_in_dim3A_665, %get3A_636] : memref<8x3200xf32, #tpu.memory_space<vmem>>[vector<16xi32>, vector<16xi32>], vector<16xf32>,
        %broadcast_in_dim3A_667 = arith.constant 45 : i32
        %broadcast_in_dim3A_668 = vector.broadcast %broadcast_in_dim3A_667 : i32 to vector<16xi32>
        tpu.vector_store_idx %arg13[%add3A_640, %broadcast_in_dim3A_668], %gather3A_666 : memref<512x128xf32, #tpu.memory_space<vmem>>[vector<16xi32>, vector<16xi32>], vector<16xf32>,
        %broadcast_in_dim3A_669 = arith.constant 6 : i32
        %broadcast_in_dim3A_670 = vector.broadcast %broadcast_in_dim3A_669 : i32 to vector<16xi32>
        %gather3A_671 = tpu.vector_load_idx %arg5[%broadcast_in_dim3A_670, %get3A_636] : memref<8x3200xf32, #tpu.memory_space<vmem>>[vector<16xi32>, vector<16xi32>], vector<16xf32>,
        %broadcast_in_dim3A_672 = arith.constant 46 : i32
        %broadcast_in_dim3A_673 = vector.broadcast %broadcast_in_dim3A_672 : i32 to vector<16xi32>
        tpu.vector_store_idx %arg13[%add3A_640, %broadcast_in_dim3A_673], %gather3A_671 : memref<512x128xf32, #tpu.memory_space<vmem>>[vector<16xi32>, vector<16xi32>], vector<16xf32>,
        %broadcast_in_dim3A_674 = arith.constant 7 : i32
        %broadcast_in_dim3A_675 = vector.broadcast %broadcast_in_dim3A_674 : i32 to vector<16xi32>
        %gather3A_676 = tpu.vector_load_idx %arg5[%broadcast_in_dim3A_675, %get3A_636] : memref<8x3200xf32, #tpu.memory_space<vmem>>[vector<16xi32>, vector<16xi32>], vector<16xf32>,
        %broadcast_in_dim3A_677 = arith.constant 47 : i32
        %broadcast_in_dim3A_678 = vector.broadcast %broadcast_in_dim3A_677 : i32 to vector<16xi32>
        tpu.vector_store_idx %arg13[%add3A_640, %broadcast_in_dim3A_678], %gather3A_676 : memref<512x128xf32, #tpu.memory_space<vmem>>[vector<16xi32>, vector<16xi32>], vector<16xf32>,
      }
      %while3A_446 = arith.constant 1 : i32
      scf.for %while3A_633 = %while3A_444 to %while3A_440 step %while3A_446  : i32 {
        %mul3A_634 = arith.constant 16 : i32
        %mul3A_635 = arith.muli %while3A_633, %mul3A_634 : i32
        %get3A = arith.index_cast %mul3A_635 : i32 to index
        %get3A_636 = tpu.vector_load %arg8[%get3A] {strides = array<i32>} : memref<256xi32, #tpu.memory_space<vmem>>, vector<16xi32>,
        %mul3A_637 = arith.constant 16 : i32
        %mul3A_638 = arith.muli %while3A_633, %mul3A_637 : i32
        %iota3A = tpu.iota {dimensions = array<i32: 0>} : vector<16xi32>
        %add3A_639 = vector.broadcast %mul3A_638 : i32 to vector<16xi32>
        %add3A_640 = arith.addi %add3A_639, %iota3A : vector<16xi32>
        %broadcast_in_dim3A = arith.constant 0 : i32
        %broadcast_in_dim3A_641 = vector.broadcast %broadcast_in_dim3A : i32 to vector<16xi32>
        %gather3A = tpu.vector_load_idx %arg5[%broadcast_in_dim3A_641, %get3A_636] : memref<8x3200xf32, #tpu.memory_space<vmem>>[vector<16xi32>, vector<16xi32>], vector<16xf32>,
        %broadcast_in_dim3A_642 = arith.constant 40 : i32
        %broadcast_in_dim3A_643 = vector.broadcast %broadcast_in_dim3A_642 : i32 to vector<16xi32>
        tpu.vector_store_idx %arg13[%add3A_640, %broadcast_in_dim3A_643], %gather3A : memref<512x128xf32, #tpu.memory_space<vmem>>[vector<16xi32>, vector<16xi32>], vector<16xf32>,
        %broadcast_in_dim3A_644 = arith.constant 1 : i32
        %broadcast_in_dim3A_645 = vector.broadcast %broadcast_in_dim3A_644 : i32 to vector<16xi32>
        %gather3A_646 = tpu.vector_load_idx %arg5[%broadcast_in_dim3A_645, %get3A_636] : memref<8x3200xf32, #tpu.memory_space<vmem>>[vector<16xi32>, vector<16xi32>], vector<16xf32>,
        %broadcast_in_dim3A_647 = arith.constant 41 : i32
        %broadcast_in_dim3A_648 = vector.broadcast %broadcast_in_dim3A_647 : i32 to vector<16xi32>
        tpu.vector_store_idx %arg13[%add3A_640, %broadcast_in_dim3A_648], %gather3A_646 : memref<512x128xf32, #tpu.memory_space<vmem>>[vector<16xi32>, vector<16xi32>], vector<16xf32>,
        %broadcast_in_dim3A_649 = arith.constant 2 : i32
        %broadcast_in_dim3A_650 = vector.broadcast %broadcast_in_dim3A_649 : i32 to vector<16xi32>
        %gather3A_651 = tpu.vector_load_idx %arg5[%broadcast_in_dim3A_650, %get3A_636] : memref<8x3200xf32, #tpu.memory_space<vmem>>[vector<16xi32>, vector<16xi32>], vector<16xf32>,
        %broadcast_in_dim3A_652 = arith.constant 42 : i32
        %broadcast_in_dim3A_653 = vector.broadcast %broadcast_in_dim3A_652 : i32 to vector<16xi32>
        tpu.vector_store_idx %arg13[%add3A_640, %broadcast_in_dim3A_653], %gather3A_651 : memref<512x128xf32, #tpu.memory_space<vmem>>[vector<16xi32>, vector<16xi32>], vector<16xf32>,
        %broadcast_in_dim3A_654 = arith.constant 3 : i32
        %broadcast_in_dim3A_655 = vector.broadcast %broadcast_in_dim3A_654 : i32 to vector<16xi32>
        %gather3A_656 = tpu.vector_load_idx %arg5[%broadcast_in_dim3A_655, %get3A_636] : memref<8x3200xf32, #tpu.memory_space<vmem>>[vector<16xi32>, vector<16xi32>], vector<16xf32>,
        %broadcast_in_dim3A_657 = arith.constant 43 : i32
        %broadcast_in_dim3A_658 = vector.broadcast %broadcast_in_dim3A_657 : i32 to vector<16xi32>
        tpu.vector_store_idx %arg13[%add3A_640, %broadcast_in_dim3A_658], %gather3A_656 : memref<512x128xf32, #tpu.memory_space<vmem>>[vector<16xi32>, vector<16xi32>], vector<16xf32>,
        %broadcast_in_dim3A_659 = arith.constant 4 : i32
        %broadcast_in_dim3A_660 = vector.broadcast %broadcast_in_dim3A_659 : i32 to vector<16xi32>
        %gather3A_661 = tpu.vector_load_idx %arg5[%broadcast_in_dim3A_660, %get3A_636] : memref<8x3200xf32, #tpu.memory_space<vmem>>[vector<16xi32>, vector<16xi32>], vector<16xf32>,
        %broadcast_in_dim3A_662 = arith.constant 44 : i32
        %broadcast_in_dim3A_663 = vector.broadcast %broadcast_in_dim3A_662 : i32 to vector<16xi32>
        tpu.vector_store_idx %arg13[%add3A_640, %broadcast_in_dim3A_663], %gather3A_661 : memref<512x128xf32, #tpu.memory_space<vmem>>[vector<16xi32>, vector<16xi32>], vector<16xf32>,
        %broadcast_in_dim3A_664 = arith.constant 5 : i32
        %broadcast_in_dim3A_665 = vector.broadcast %broadcast_in_dim3A_664 : i32 to vector<16xi32>
        %gather3A_666 = tpu.vector_load_idx %arg5[%broadcast_in_dim3A_665, %get3A_636] : memref<8x3200xf32, #tpu.memory_space<vmem>>[vector<16xi32>, vector<16xi32>], vector<16xf32>,
        %broadcast_in_dim3A_667 = arith.constant 45 : i32
        %broadcast_in_dim3A_668 = vector.broadcast %broadcast_in_dim3A_667 : i32 to vector<16xi32>
        tpu.vector_store_idx %arg13[%add3A_640, %broadcast_in_dim3A_668], %gather3A_666 : memref<512x128xf32, #tpu.memory_space<vmem>>[vector<16xi32>, vector<16xi32>], vector<16xf32>,
        %broadcast_in_dim3A_669 = arith.constant 6 : i32
        %broadcast_in_dim3A_670 = vector.broadcast %broadcast_in_dim3A_669 : i32 to vector<16xi32>
        %gather3A_671 = tpu.vector_load_idx %arg5[%broadcast_in_dim3A_670, %get3A_636] : memref<8x3200xf32, #tpu.memory_space<vmem>>[vector<16xi32>, vector<16xi32>], vector<16xf32>,
        %broadcast_in_dim3A_672 = arith.constant 46 : i32
        %broadcast_in_dim3A_673 = vector.broadcast %broadcast_in_dim3A_672 : i32 to vector<16xi32>
        tpu.vector_store_idx %arg13[%add3A_640, %broadcast_in_dim3A_673], %gather3A_671 : memref<512x128xf32, #tpu.memory_space<vmem>>[vector<16xi32>, vector<16xi32>], vector<16xf32>,
        %broadcast_in_dim3A_674 = arith.constant 7 : i32
        %broadcast_in_dim3A_675 = vector.broadcast %broadcast_in_dim3A_674 : i32 to vector<16xi32>
        %gather3A_676 = tpu.vector_load_idx %arg5[%broadcast_in_dim3A_675, %get3A_636] : memref<8x3200xf32, #tpu.memory_space<vmem>>[vector<16xi32>, vector<16xi32>], vector<16xf32>,
        %broadcast_in_dim3A_677 = arith.constant 47 : i32
        %broadcast_in_dim3A_678 = vector.broadcast %broadcast_in_dim3A_677 : i32 to vector<16xi32>
        tpu.vector_store_idx %arg13[%add3A_640, %broadcast_in_dim3A_678], %gather3A_676 : memref<512x128xf32, #tpu.memory_space<vmem>>[vector<16xi32>, vector<16xi32>], vector<16xf32>,
      }
      %add3A_447 = arith.constant 0 : i32
      %add3A_448 = arith.addi %min3A_1, %add3A_447 : i32
      %dma_start3A_449 = arith.constant 48 : i32
      %dma_start3A_450 = tpu.memref_slice %arg2[%add3A_68, %dma_start3A_449, %add3A_448] : memref<26x64x100000xf32, #tpu.memory_space<hbm>> -> memref<1x8x3200xf32, #tpu.memory_space<hbm>>
      %dma_start3A_451 = tpu.memref_squeeze %dma_start3A_450 : memref<1x8x3200xf32, #tpu.memory_space<hbm>> -> memref<8x3200xf32, #tpu.memory_space<hbm>>
      %dma_start3A_452 = arith.constant 48 : i32
      %dma_start3A_453 = tpu.memref_slice %arg2[%add3A_68, %dma_start3A_452, %add3A_448] : memref<26x64x100000xf32, #tpu.memory_space<hbm>> -> memref<1x8x3200xf32, #tpu.memory_space<hbm>>
      %dma_start3A_454 = tpu.memref_squeeze %dma_start3A_453 : memref<1x8x3200xf32, #tpu.memory_space<hbm>> -> memref<8x3200xf32, #tpu.memory_space<hbm>>
      tpu.enqueue_dma source(%dma_start3A_454 : memref<8x3200xf32, #tpu.memory_space<hbm>>) target(%arg5 : memref<8x3200xf32, #tpu.memory_space<vmem>>) target_semaphore(%arg14 : memref<!tpu.dma_semaphore, #tpu.memory_space<semaphore_mem>>)
      %dma_wait3A_455 = arith.constant 0 : i32
      %dma_wait3A_456 = arith.constant 0 : i32
      %dma_wait3A_457 = arith.constant 0 : i32
      %dma_wait3A_458 = tpu.memref_slice %arg2[%dma_wait3A_455, %dma_wait3A_456, %dma_wait3A_457] : memref<26x64x100000xf32, #tpu.memory_space<hbm>> -> memref<1x8x3200xf32, #tpu.memory_space<hbm>>
      %dma_wait3A_459 = tpu.memref_squeeze %dma_wait3A_458 : memref<1x8x3200xf32, #tpu.memory_space<hbm>> -> memref<8x3200xf32, #tpu.memory_space<hbm>>
      %dma_wait3A_460 = arith.constant 0 : i32
      %dma_wait3A_461 = arith.constant 0 : i32
      %dma_wait3A_462 = tpu.memref_slice %arg2[%dma_wait3A_455, %dma_wait3A_460, %dma_wait3A_461] : memref<26x64x100000xf32, #tpu.memory_space<hbm>> -> memref<1x8x3200xf32, #tpu.memory_space<hbm>>
      %dma_wait3A_463 = tpu.memref_squeeze %dma_wait3A_462 : memref<1x8x3200xf32, #tpu.memory_space<hbm>> -> memref<8x3200xf32, #tpu.memory_space<hbm>>
      tpu.wait_dma2 semaphore(%arg15 : memref<!tpu.dma_semaphore, #tpu.memory_space<semaphore_mem>>) src(%dma_wait3A_463 : memref<8x3200xf32, #tpu.memory_space<hbm>>) dst(%arg5 : memref<8x3200xf32, #tpu.memory_space<vmem>>)
      %while3A_464 = arith.constant 0 : i32
      %while3A_465 = arith.constant 0 : i32
      %while3A_466 = arith.subi %select_n3A_158, %while3A_465 : i32
      %while3A_467 = arith.addi %while3A_465, %while3A_466 : i32
      %while3A_468 = arith.constant 1 : i32
      %while3A_469 = arith.divsi %while3A_466, %while3A_468 : i32
      %while3A_470 = arith.muli %while3A_469, %while3A_468 : i32
      %while3A_471 = arith.addi %while3A_465, %while3A_470 : i32
      %while3A_472 = arith.constant 1 : i32
      scf.for %while3A_633 = %while3A_465 to %while3A_471 step %while3A_472  : i32 {
        %mul3A_634 = arith.constant 16 : i32
        %mul3A_635 = arith.muli %while3A_633, %mul3A_634 : i32
        %get3A = arith.index_cast %mul3A_635 : i32 to index
        %get3A_636 = tpu.vector_load %arg10[%get3A] {strides = array<i32>} : memref<256xi32, #tpu.memory_space<vmem>>, vector<16xi32>,
        %mul3A_637 = arith.constant 16 : i32
        %mul3A_638 = arith.muli %while3A_633, %mul3A_637 : i32
        %add3A_639 = arith.constant 256 : i32
        %add3A_640 = arith.addi %add3A_639, %mul3A_638 : i32
        %iota3A = tpu.iota {dimensions = array<i32: 0>} : vector<16xi32>
        %add3A_641 = vector.broadcast %add3A_640 : i32 to vector<16xi32>
        %add3A_642 = arith.addi %add3A_641, %iota3A : vector<16xi32>
        %broadcast_in_dim3A = arith.constant 0 : i32
        %broadcast_in_dim3A_643 = vector.broadcast %broadcast_in_dim3A : i32 to vector<16xi32>
        %gather3A = tpu.vector_load_idx %arg6[%broadcast_in_dim3A_643, %get3A_636] : memref<8x3200xf32, #tpu.memory_space<vmem>>[vector<16xi32>, vector<16xi32>], vector<16xf32>,
        %broadcast_in_dim3A_644 = arith.constant 40 : i32
        %broadcast_in_dim3A_645 = vector.broadcast %broadcast_in_dim3A_644 : i32 to vector<16xi32>
        tpu.vector_store_idx %arg13[%add3A_642, %broadcast_in_dim3A_645], %gather3A : memref<512x128xf32, #tpu.memory_space<vmem>>[vector<16xi32>, vector<16xi32>], vector<16xf32>,
        %broadcast_in_dim3A_646 = arith.constant 1 : i32
        %broadcast_in_dim3A_647 = vector.broadcast %broadcast_in_dim3A_646 : i32 to vector<16xi32>
        %gather3A_648 = tpu.vector_load_idx %arg6[%broadcast_in_dim3A_647, %get3A_636] : memref<8x3200xf32, #tpu.memory_space<vmem>>[vector<16xi32>, vector<16xi32>], vector<16xf32>,
        %broadcast_in_dim3A_649 = arith.constant 41 : i32
        %broadcast_in_dim3A_650 = vector.broadcast %broadcast_in_dim3A_649 : i32 to vector<16xi32>
        tpu.vector_store_idx %arg13[%add3A_642, %broadcast_in_dim3A_650], %gather3A_648 : memref<512x128xf32, #tpu.memory_space<vmem>>[vector<16xi32>, vector<16xi32>], vector<16xf32>,
        %broadcast_in_dim3A_651 = arith.constant 2 : i32
        %broadcast_in_dim3A_652 = vector.broadcast %broadcast_in_dim3A_651 : i32 to vector<16xi32>
        %gather3A_653 = tpu.vector_load_idx %arg6[%broadcast_in_dim3A_652, %get3A_636] : memref<8x3200xf32, #tpu.memory_space<vmem>>[vector<16xi32>, vector<16xi32>], vector<16xf32>,
        %broadcast_in_dim3A_654 = arith.constant 42 : i32
        %broadcast_in_dim3A_655 = vector.broadcast %broadcast_in_dim3A_654 : i32 to vector<16xi32>
        tpu.vector_store_idx %arg13[%add3A_642, %broadcast_in_dim3A_655], %gather3A_653 : memref<512x128xf32, #tpu.memory_space<vmem>>[vector<16xi32>, vector<16xi32>], vector<16xf32>,
        %broadcast_in_dim3A_656 = arith.constant 3 : i32
        %broadcast_in_dim3A_657 = vector.broadcast %broadcast_in_dim3A_656 : i32 to vector<16xi32>
        %gather3A_658 = tpu.vector_load_idx %arg6[%broadcast_in_dim3A_657, %get3A_636] : memref<8x3200xf32, #tpu.memory_space<vmem>>[vector<16xi32>, vector<16xi32>], vector<16xf32>,
        %broadcast_in_dim3A_659 = arith.constant 43 : i32
        %broadcast_in_dim3A_660 = vector.broadcast %broadcast_in_dim3A_659 : i32 to vector<16xi32>
        tpu.vector_store_idx %arg13[%add3A_642, %broadcast_in_dim3A_660], %gather3A_658 : memref<512x128xf32, #tpu.memory_space<vmem>>[vector<16xi32>, vector<16xi32>], vector<16xf32>,
        %broadcast_in_dim3A_661 = arith.constant 4 : i32
        %broadcast_in_dim3A_662 = vector.broadcast %broadcast_in_dim3A_661 : i32 to vector<16xi32>
        %gather3A_663 = tpu.vector_load_idx %arg6[%broadcast_in_dim3A_662, %get3A_636] : memref<8x3200xf32, #tpu.memory_space<vmem>>[vector<16xi32>, vector<16xi32>], vector<16xf32>,
        %broadcast_in_dim3A_664 = arith.constant 44 : i32
        %broadcast_in_dim3A_665 = vector.broadcast %broadcast_in_dim3A_664 : i32 to vector<16xi32>
        tpu.vector_store_idx %arg13[%add3A_642, %broadcast_in_dim3A_665], %gather3A_663 : memref<512x128xf32, #tpu.memory_space<vmem>>[vector<16xi32>, vector<16xi32>], vector<16xf32>,
        %broadcast_in_dim3A_666 = arith.constant 5 : i32
        %broadcast_in_dim3A_667 = vector.broadcast %broadcast_in_dim3A_666 : i32 to vector<16xi32>
        %gather3A_668 = tpu.vector_load_idx %arg6[%broadcast_in_dim3A_667, %get3A_636] : memref<8x3200xf32, #tpu.memory_space<vmem>>[vector<16xi32>, vector<16xi32>], vector<16xf32>,
        %broadcast_in_dim3A_669 = arith.constant 45 : i32
        %broadcast_in_dim3A_670 = vector.broadcast %broadcast_in_dim3A_669 : i32 to vector<16xi32>
        tpu.vector_store_idx %arg13[%add3A_642, %broadcast_in_dim3A_670], %gather3A_668 : memref<512x128xf32, #tpu.memory_space<vmem>>[vector<16xi32>, vector<16xi32>], vector<16xf32>,
        %broadcast_in_dim3A_671 = arith.constant 6 : i32
        %broadcast_in_dim3A_672 = vector.broadcast %broadcast_in_dim3A_671 : i32 to vector<16xi32>
        %gather3A_673 = tpu.vector_load_idx %arg6[%broadcast_in_dim3A_672, %get3A_636] : memref<8x3200xf32, #tpu.memory_space<vmem>>[vector<16xi32>, vector<16xi32>], vector<16xf32>,
        %broadcast_in_dim3A_674 = arith.constant 46 : i32
        %broadcast_in_dim3A_675 = vector.broadcast %broadcast_in_dim3A_674 : i32 to vector<16xi32>
        tpu.vector_store_idx %arg13[%add3A_642, %broadcast_in_dim3A_675], %gather3A_673 : memref<512x128xf32, #tpu.memory_space<vmem>>[vector<16xi32>, vector<16xi32>], vector<16xf32>,
        %broadcast_in_dim3A_676 = arith.constant 7 : i32
        %broadcast_in_dim3A_677 = vector.broadcast %broadcast_in_dim3A_676 : i32 to vector<16xi32>
        %gather3A_678 = tpu.vector_load_idx %arg6[%broadcast_in_dim3A_677, %get3A_636] : memref<8x3200xf32, #tpu.memory_space<vmem>>[vector<16xi32>, vector<16xi32>], vector<16xf32>,
        %broadcast_in_dim3A_679 = arith.constant 47 : i32
        %broadcast_in_dim3A_680 = vector.broadcast %broadcast_in_dim3A_679 : i32 to vector<16xi32>
        tpu.vector_store_idx %arg13[%add3A_642, %broadcast_in_dim3A_680], %gather3A_678 : memref<512x128xf32, #tpu.memory_space<vmem>>[vector<16xi32>, vector<16xi32>], vector<16xf32>,
      }
      %while3A_473 = arith.constant 1 : i32
      scf.for %while3A_633 = %while3A_471 to %while3A_467 step %while3A_473  : i32 {
        %mul3A_634 = arith.constant 16 : i32
        %mul3A_635 = arith.muli %while3A_633, %mul3A_634 : i32
        %get3A = arith.index_cast %mul3A_635 : i32 to index
        %get3A_636 = tpu.vector_load %arg10[%get3A] {strides = array<i32>} : memref<256xi32, #tpu.memory_space<vmem>>, vector<16xi32>,
        %mul3A_637 = arith.constant 16 : i32
        %mul3A_638 = arith.muli %while3A_633, %mul3A_637 : i32
        %add3A_639 = arith.constant 256 : i32
        %add3A_640 = arith.addi %add3A_639, %mul3A_638 : i32
        %iota3A = tpu.iota {dimensions = array<i32: 0>} : vector<16xi32>
        %add3A_641 = vector.broadcast %add3A_640 : i32 to vector<16xi32>
        %add3A_642 = arith.addi %add3A_641, %iota3A : vector<16xi32>
        %broadcast_in_dim3A = arith.constant 0 : i32
        %broadcast_in_dim3A_643 = vector.broadcast %broadcast_in_dim3A : i32 to vector<16xi32>
        %gather3A = tpu.vector_load_idx %arg6[%broadcast_in_dim3A_643, %get3A_636] : memref<8x3200xf32, #tpu.memory_space<vmem>>[vector<16xi32>, vector<16xi32>], vector<16xf32>,
        %broadcast_in_dim3A_644 = arith.constant 40 : i32
        %broadcast_in_dim3A_645 = vector.broadcast %broadcast_in_dim3A_644 : i32 to vector<16xi32>
        tpu.vector_store_idx %arg13[%add3A_642, %broadcast_in_dim3A_645], %gather3A : memref<512x128xf32, #tpu.memory_space<vmem>>[vector<16xi32>, vector<16xi32>], vector<16xf32>,
        %broadcast_in_dim3A_646 = arith.constant 1 : i32
        %broadcast_in_dim3A_647 = vector.broadcast %broadcast_in_dim3A_646 : i32 to vector<16xi32>
        %gather3A_648 = tpu.vector_load_idx %arg6[%broadcast_in_dim3A_647, %get3A_636] : memref<8x3200xf32, #tpu.memory_space<vmem>>[vector<16xi32>, vector<16xi32>], vector<16xf32>,
        %broadcast_in_dim3A_649 = arith.constant 41 : i32
        %broadcast_in_dim3A_650 = vector.broadcast %broadcast_in_dim3A_649 : i32 to vector<16xi32>
        tpu.vector_store_idx %arg13[%add3A_642, %broadcast_in_dim3A_650], %gather3A_648 : memref<512x128xf32, #tpu.memory_space<vmem>>[vector<16xi32>, vector<16xi32>], vector<16xf32>,
        %broadcast_in_dim3A_651 = arith.constant 2 : i32
        %broadcast_in_dim3A_652 = vector.broadcast %broadcast_in_dim3A_651 : i32 to vector<16xi32>
        %gather3A_653 = tpu.vector_load_idx %arg6[%broadcast_in_dim3A_652, %get3A_636] : memref<8x3200xf32, #tpu.memory_space<vmem>>[vector<16xi32>, vector<16xi32>], vector<16xf32>,
        %broadcast_in_dim3A_654 = arith.constant 42 : i32
        %broadcast_in_dim3A_655 = vector.broadcast %broadcast_in_dim3A_654 : i32 to vector<16xi32>
        tpu.vector_store_idx %arg13[%add3A_642, %broadcast_in_dim3A_655], %gather3A_653 : memref<512x128xf32, #tpu.memory_space<vmem>>[vector<16xi32>, vector<16xi32>], vector<16xf32>,
        %broadcast_in_dim3A_656 = arith.constant 3 : i32
        %broadcast_in_dim3A_657 = vector.broadcast %broadcast_in_dim3A_656 : i32 to vector<16xi32>
        %gather3A_658 = tpu.vector_load_idx %arg6[%broadcast_in_dim3A_657, %get3A_636] : memref<8x3200xf32, #tpu.memory_space<vmem>>[vector<16xi32>, vector<16xi32>], vector<16xf32>,
        %broadcast_in_dim3A_659 = arith.constant 43 : i32
        %broadcast_in_dim3A_660 = vector.broadcast %broadcast_in_dim3A_659 : i32 to vector<16xi32>
        tpu.vector_store_idx %arg13[%add3A_642, %broadcast_in_dim3A_660], %gather3A_658 : memref<512x128xf32, #tpu.memory_space<vmem>>[vector<16xi32>, vector<16xi32>], vector<16xf32>,
        %broadcast_in_dim3A_661 = arith.constant 4 : i32
        %broadcast_in_dim3A_662 = vector.broadcast %broadcast_in_dim3A_661 : i32 to vector<16xi32>
        %gather3A_663 = tpu.vector_load_idx %arg6[%broadcast_in_dim3A_662, %get3A_636] : memref<8x3200xf32, #tpu.memory_space<vmem>>[vector<16xi32>, vector<16xi32>], vector<16xf32>,
        %broadcast_in_dim3A_664 = arith.constant 44 : i32
        %broadcast_in_dim3A_665 = vector.broadcast %broadcast_in_dim3A_664 : i32 to vector<16xi32>
        tpu.vector_store_idx %arg13[%add3A_642, %broadcast_in_dim3A_665], %gather3A_663 : memref<512x128xf32, #tpu.memory_space<vmem>>[vector<16xi32>, vector<16xi32>], vector<16xf32>,
        %broadcast_in_dim3A_666 = arith.constant 5 : i32
        %broadcast_in_dim3A_667 = vector.broadcast %broadcast_in_dim3A_666 : i32 to vector<16xi32>
        %gather3A_668 = tpu.vector_load_idx %arg6[%broadcast_in_dim3A_667, %get3A_636] : memref<8x3200xf32, #tpu.memory_space<vmem>>[vector<16xi32>, vector<16xi32>], vector<16xf32>,
        %broadcast_in_dim3A_669 = arith.constant 45 : i32
        %broadcast_in_dim3A_670 = vector.broadcast %broadcast_in_dim3A_669 : i32 to vector<16xi32>
        tpu.vector_store_idx %arg13[%add3A_642, %broadcast_in_dim3A_670], %gather3A_668 : memref<512x128xf32, #tpu.memory_space<vmem>>[vector<16xi32>, vector<16xi32>], vector<16xf32>,
        %broadcast_in_dim3A_671 = arith.constant 6 : i32
        %broadcast_in_dim3A_672 = vector.broadcast %broadcast_in_dim3A_671 : i32 to vector<16xi32>
        %gather3A_673 = tpu.vector_load_idx %arg6[%broadcast_in_dim3A_672, %get3A_636] : memref<8x3200xf32, #tpu.memory_space<vmem>>[vector<16xi32>, vector<16xi32>], vector<16xf32>,
        %broadcast_in_dim3A_674 = arith.constant 46 : i32
        %broadcast_in_dim3A_675 = vector.broadcast %broadcast_in_dim3A_674 : i32 to vector<16xi32>
        tpu.vector_store_idx %arg13[%add3A_642, %broadcast_in_dim3A_675], %gather3A_673 : memref<512x128xf32, #tpu.memory_space<vmem>>[vector<16xi32>, vector<16xi32>], vector<16xf32>,
        %broadcast_in_dim3A_676 = arith.constant 7 : i32
        %broadcast_in_dim3A_677 = vector.broadcast %broadcast_in_dim3A_676 : i32 to vector<16xi32>
        %gather3A_678 = tpu.vector_load_idx %arg6[%broadcast_in_dim3A_677, %get3A_636] : memref<8x3200xf32, #tpu.memory_space<vmem>>[vector<16xi32>, vector<16xi32>], vector<16xf32>,
        %broadcast_in_dim3A_679 = arith.constant 47 : i32
        %broadcast_in_dim3A_680 = vector.broadcast %broadcast_in_dim3A_679 : i32 to vector<16xi32>
        tpu.vector_store_idx %arg13[%add3A_642, %broadcast_in_dim3A_680], %gather3A_678 : memref<512x128xf32, #tpu.memory_space<vmem>>[vector<16xi32>, vector<16xi32>], vector<16xf32>,
      }
      %add3A_474 = arith.constant 3200 : i32
      %add3A_475 = arith.addi %min3A_1, %add3A_474 : i32
      %dma_start3A_476 = arith.constant 48 : i32
      %dma_start3A_477 = tpu.memref_slice %arg2[%add3A_68, %dma_start3A_476, %add3A_475] : memref<26x64x100000xf32, #tpu.memory_space<hbm>> -> memref<1x8x3200xf32, #tpu.memory_space<hbm>>
      %dma_start3A_478 = tpu.memref_squeeze %dma_start3A_477 : memref<1x8x3200xf32, #tpu.memory_space<hbm>> -> memref<8x3200xf32, #tpu.memory_space<hbm>>
      %dma_start3A_479 = arith.constant 48 : i32
      %dma_start3A_480 = tpu.memref_slice %arg2[%add3A_68, %dma_start3A_479, %add3A_475] : memref<26x64x100000xf32, #tpu.memory_space<hbm>> -> memref<1x8x3200xf32, #tpu.memory_space<hbm>>
      %dma_start3A_481 = tpu.memref_squeeze %dma_start3A_480 : memref<1x8x3200xf32, #tpu.memory_space<hbm>> -> memref<8x3200xf32, #tpu.memory_space<hbm>>
      tpu.enqueue_dma source(%dma_start3A_481 : memref<8x3200xf32, #tpu.memory_space<hbm>>) target(%arg6 : memref<8x3200xf32, #tpu.memory_space<vmem>>) target_semaphore(%arg15 : memref<!tpu.dma_semaphore, #tpu.memory_space<semaphore_mem>>)
      %dma_wait3A_482 = arith.constant 0 : i32
      %dma_wait3A_483 = arith.constant 0 : i32
      %dma_wait3A_484 = arith.constant 0 : i32
      %dma_wait3A_485 = tpu.memref_slice %arg2[%dma_wait3A_482, %dma_wait3A_483, %dma_wait3A_484] : memref<26x64x100000xf32, #tpu.memory_space<hbm>> -> memref<1x8x3200xf32, #tpu.memory_space<hbm>>
      %dma_wait3A_486 = tpu.memref_squeeze %dma_wait3A_485 : memref<1x8x3200xf32, #tpu.memory_space<hbm>> -> memref<8x3200xf32, #tpu.memory_space<hbm>>
      %dma_wait3A_487 = arith.constant 0 : i32
      %dma_wait3A_488 = arith.constant 0 : i32
      %dma_wait3A_489 = tpu.memref_slice %arg2[%dma_wait3A_482, %dma_wait3A_487, %dma_wait3A_488] : memref<26x64x100000xf32, #tpu.memory_space<hbm>> -> memref<1x8x3200xf32, #tpu.memory_space<hbm>>
      %dma_wait3A_490 = tpu.memref_squeeze %dma_wait3A_489 : memref<1x8x3200xf32, #tpu.memory_space<hbm>> -> memref<8x3200xf32, #tpu.memory_space<hbm>>
      tpu.wait_dma2 semaphore(%arg14 : memref<!tpu.dma_semaphore, #tpu.memory_space<semaphore_mem>>) src(%dma_wait3A_490 : memref<8x3200xf32, #tpu.memory_space<hbm>>) dst(%arg5 : memref<8x3200xf32, #tpu.memory_space<vmem>>)
      %while3A_491 = arith.constant 0 : i32
      %while3A_492 = arith.constant 0 : i32
      %while3A_493 = arith.subi %select_n3A, %while3A_492 : i32
      %while3A_494 = arith.addi %while3A_492, %while3A_493 : i32
      %while3A_495 = arith.constant 1 : i32
      %while3A_496 = arith.divsi %while3A_493, %while3A_495 : i32
      %while3A_497 = arith.muli %while3A_496, %while3A_495 : i32
      %while3A_498 = arith.addi %while3A_492, %while3A_497 : i32
      %while3A_499 = arith.constant 1 : i32
      scf.for %while3A_633 = %while3A_492 to %while3A_498 step %while3A_499  : i32 {
        %mul3A_634 = arith.constant 16 : i32
        %mul3A_635 = arith.muli %while3A_633, %mul3A_634 : i32
        %get3A = arith.index_cast %mul3A_635 : i32 to index
        %get3A_636 = tpu.vector_load %arg8[%get3A] {strides = array<i32>} : memref<256xi32, #tpu.memory_space<vmem>>, vector<16xi32>,
        %mul3A_637 = arith.constant 16 : i32
        %mul3A_638 = arith.muli %while3A_633, %mul3A_637 : i32
        %iota3A = tpu.iota {dimensions = array<i32: 0>} : vector<16xi32>
        %add3A_639 = vector.broadcast %mul3A_638 : i32 to vector<16xi32>
        %add3A_640 = arith.addi %add3A_639, %iota3A : vector<16xi32>
        %broadcast_in_dim3A = arith.constant 0 : i32
        %broadcast_in_dim3A_641 = vector.broadcast %broadcast_in_dim3A : i32 to vector<16xi32>
        %gather3A = tpu.vector_load_idx %arg5[%broadcast_in_dim3A_641, %get3A_636] : memref<8x3200xf32, #tpu.memory_space<vmem>>[vector<16xi32>, vector<16xi32>], vector<16xf32>,
        %broadcast_in_dim3A_642 = arith.constant 48 : i32
        %broadcast_in_dim3A_643 = vector.broadcast %broadcast_in_dim3A_642 : i32 to vector<16xi32>
        tpu.vector_store_idx %arg13[%add3A_640, %broadcast_in_dim3A_643], %gather3A : memref<512x128xf32, #tpu.memory_space<vmem>>[vector<16xi32>, vector<16xi32>], vector<16xf32>,
        %broadcast_in_dim3A_644 = arith.constant 1 : i32
        %broadcast_in_dim3A_645 = vector.broadcast %broadcast_in_dim3A_644 : i32 to vector<16xi32>
        %gather3A_646 = tpu.vector_load_idx %arg5[%broadcast_in_dim3A_645, %get3A_636] : memref<8x3200xf32, #tpu.memory_space<vmem>>[vector<16xi32>, vector<16xi32>], vector<16xf32>,
        %broadcast_in_dim3A_647 = arith.constant 49 : i32
        %broadcast_in_dim3A_648 = vector.broadcast %broadcast_in_dim3A_647 : i32 to vector<16xi32>
        tpu.vector_store_idx %arg13[%add3A_640, %broadcast_in_dim3A_648], %gather3A_646 : memref<512x128xf32, #tpu.memory_space<vmem>>[vector<16xi32>, vector<16xi32>], vector<16xf32>,
        %broadcast_in_dim3A_649 = arith.constant 2 : i32
        %broadcast_in_dim3A_650 = vector.broadcast %broadcast_in_dim3A_649 : i32 to vector<16xi32>
        %gather3A_651 = tpu.vector_load_idx %arg5[%broadcast_in_dim3A_650, %get3A_636] : memref<8x3200xf32, #tpu.memory_space<vmem>>[vector<16xi32>, vector<16xi32>], vector<16xf32>,
        %broadcast_in_dim3A_652 = arith.constant 50 : i32
        %broadcast_in_dim3A_653 = vector.broadcast %broadcast_in_dim3A_652 : i32 to vector<16xi32>
        tpu.vector_store_idx %arg13[%add3A_640, %broadcast_in_dim3A_653], %gather3A_651 : memref<512x128xf32, #tpu.memory_space<vmem>>[vector<16xi32>, vector<16xi32>], vector<16xf32>,
        %broadcast_in_dim3A_654 = arith.constant 3 : i32
        %broadcast_in_dim3A_655 = vector.broadcast %broadcast_in_dim3A_654 : i32 to vector<16xi32>
        %gather3A_656 = tpu.vector_load_idx %arg5[%broadcast_in_dim3A_655, %get3A_636] : memref<8x3200xf32, #tpu.memory_space<vmem>>[vector<16xi32>, vector<16xi32>], vector<16xf32>,
        %broadcast_in_dim3A_657 = arith.constant 51 : i32
        %broadcast_in_dim3A_658 = vector.broadcast %broadcast_in_dim3A_657 : i32 to vector<16xi32>
        tpu.vector_store_idx %arg13[%add3A_640, %broadcast_in_dim3A_658], %gather3A_656 : memref<512x128xf32, #tpu.memory_space<vmem>>[vector<16xi32>, vector<16xi32>], vector<16xf32>,
        %broadcast_in_dim3A_659 = arith.constant 4 : i32
        %broadcast_in_dim3A_660 = vector.broadcast %broadcast_in_dim3A_659 : i32 to vector<16xi32>
        %gather3A_661 = tpu.vector_load_idx %arg5[%broadcast_in_dim3A_660, %get3A_636] : memref<8x3200xf32, #tpu.memory_space<vmem>>[vector<16xi32>, vector<16xi32>], vector<16xf32>,
        %broadcast_in_dim3A_662 = arith.constant 52 : i32
        %broadcast_in_dim3A_663 = vector.broadcast %broadcast_in_dim3A_662 : i32 to vector<16xi32>
        tpu.vector_store_idx %arg13[%add3A_640, %broadcast_in_dim3A_663], %gather3A_661 : memref<512x128xf32, #tpu.memory_space<vmem>>[vector<16xi32>, vector<16xi32>], vector<16xf32>,
        %broadcast_in_dim3A_664 = arith.constant 5 : i32
        %broadcast_in_dim3A_665 = vector.broadcast %broadcast_in_dim3A_664 : i32 to vector<16xi32>
        %gather3A_666 = tpu.vector_load_idx %arg5[%broadcast_in_dim3A_665, %get3A_636] : memref<8x3200xf32, #tpu.memory_space<vmem>>[vector<16xi32>, vector<16xi32>], vector<16xf32>,
        %broadcast_in_dim3A_667 = arith.constant 53 : i32
        %broadcast_in_dim3A_668 = vector.broadcast %broadcast_in_dim3A_667 : i32 to vector<16xi32>
        tpu.vector_store_idx %arg13[%add3A_640, %broadcast_in_dim3A_668], %gather3A_666 : memref<512x128xf32, #tpu.memory_space<vmem>>[vector<16xi32>, vector<16xi32>], vector<16xf32>,
        %broadcast_in_dim3A_669 = arith.constant 6 : i32
        %broadcast_in_dim3A_670 = vector.broadcast %broadcast_in_dim3A_669 : i32 to vector<16xi32>
        %gather3A_671 = tpu.vector_load_idx %arg5[%broadcast_in_dim3A_670, %get3A_636] : memref<8x3200xf32, #tpu.memory_space<vmem>>[vector<16xi32>, vector<16xi32>], vector<16xf32>,
        %broadcast_in_dim3A_672 = arith.constant 54 : i32
        %broadcast_in_dim3A_673 = vector.broadcast %broadcast_in_dim3A_672 : i32 to vector<16xi32>
        tpu.vector_store_idx %arg13[%add3A_640, %broadcast_in_dim3A_673], %gather3A_671 : memref<512x128xf32, #tpu.memory_space<vmem>>[vector<16xi32>, vector<16xi32>], vector<16xf32>,
        %broadcast_in_dim3A_674 = arith.constant 7 : i32
        %broadcast_in_dim3A_675 = vector.broadcast %broadcast_in_dim3A_674 : i32 to vector<16xi32>
        %gather3A_676 = tpu.vector_load_idx %arg5[%broadcast_in_dim3A_675, %get3A_636] : memref<8x3200xf32, #tpu.memory_space<vmem>>[vector<16xi32>, vector<16xi32>], vector<16xf32>,
        %broadcast_in_dim3A_677 = arith.constant 55 : i32
        %broadcast_in_dim3A_678 = vector.broadcast %broadcast_in_dim3A_677 : i32 to vector<16xi32>
        tpu.vector_store_idx %arg13[%add3A_640, %broadcast_in_dim3A_678], %gather3A_676 : memref<512x128xf32, #tpu.memory_space<vmem>>[vector<16xi32>, vector<16xi32>], vector<16xf32>,
      }
      %while3A_500 = arith.constant 1 : i32
      scf.for %while3A_633 = %while3A_498 to %while3A_494 step %while3A_500  : i32 {
        %mul3A_634 = arith.constant 16 : i32
        %mul3A_635 = arith.muli %while3A_633, %mul3A_634 : i32
        %get3A = arith.index_cast %mul3A_635 : i32 to index
        %get3A_636 = tpu.vector_load %arg8[%get3A] {strides = array<i32>} : memref<256xi32, #tpu.memory_space<vmem>>, vector<16xi32>,
        %mul3A_637 = arith.constant 16 : i32
        %mul3A_638 = arith.muli %while3A_633, %mul3A_637 : i32
        %iota3A = tpu.iota {dimensions = array<i32: 0>} : vector<16xi32>
        %add3A_639 = vector.broadcast %mul3A_638 : i32 to vector<16xi32>
        %add3A_640 = arith.addi %add3A_639, %iota3A : vector<16xi32>
        %broadcast_in_dim3A = arith.constant 0 : i32
        %broadcast_in_dim3A_641 = vector.broadcast %broadcast_in_dim3A : i32 to vector<16xi32>
        %gather3A = tpu.vector_load_idx %arg5[%broadcast_in_dim3A_641, %get3A_636] : memref<8x3200xf32, #tpu.memory_space<vmem>>[vector<16xi32>, vector<16xi32>], vector<16xf32>,
        %broadcast_in_dim3A_642 = arith.constant 48 : i32
        %broadcast_in_dim3A_643 = vector.broadcast %broadcast_in_dim3A_642 : i32 to vector<16xi32>
        tpu.vector_store_idx %arg13[%add3A_640, %broadcast_in_dim3A_643], %gather3A : memref<512x128xf32, #tpu.memory_space<vmem>>[vector<16xi32>, vector<16xi32>], vector<16xf32>,
        %broadcast_in_dim3A_644 = arith.constant 1 : i32
        %broadcast_in_dim3A_645 = vector.broadcast %broadcast_in_dim3A_644 : i32 to vector<16xi32>
        %gather3A_646 = tpu.vector_load_idx %arg5[%broadcast_in_dim3A_645, %get3A_636] : memref<8x3200xf32, #tpu.memory_space<vmem>>[vector<16xi32>, vector<16xi32>], vector<16xf32>,
        %broadcast_in_dim3A_647 = arith.constant 49 : i32
        %broadcast_in_dim3A_648 = vector.broadcast %broadcast_in_dim3A_647 : i32 to vector<16xi32>
        tpu.vector_store_idx %arg13[%add3A_640, %broadcast_in_dim3A_648], %gather3A_646 : memref<512x128xf32, #tpu.memory_space<vmem>>[vector<16xi32>, vector<16xi32>], vector<16xf32>,
        %broadcast_in_dim3A_649 = arith.constant 2 : i32
        %broadcast_in_dim3A_650 = vector.broadcast %broadcast_in_dim3A_649 : i32 to vector<16xi32>
        %gather3A_651 = tpu.vector_load_idx %arg5[%broadcast_in_dim3A_650, %get3A_636] : memref<8x3200xf32, #tpu.memory_space<vmem>>[vector<16xi32>, vector<16xi32>], vector<16xf32>,
        %broadcast_in_dim3A_652 = arith.constant 50 : i32
        %broadcast_in_dim3A_653 = vector.broadcast %broadcast_in_dim3A_652 : i32 to vector<16xi32>
        tpu.vector_store_idx %arg13[%add3A_640, %broadcast_in_dim3A_653], %gather3A_651 : memref<512x128xf32, #tpu.memory_space<vmem>>[vector<16xi32>, vector<16xi32>], vector<16xf32>,
        %broadcast_in_dim3A_654 = arith.constant 3 : i32
        %broadcast_in_dim3A_655 = vector.broadcast %broadcast_in_dim3A_654 : i32 to vector<16xi32>
        %gather3A_656 = tpu.vector_load_idx %arg5[%broadcast_in_dim3A_655, %get3A_636] : memref<8x3200xf32, #tpu.memory_space<vmem>>[vector<16xi32>, vector<16xi32>], vector<16xf32>,
        %broadcast_in_dim3A_657 = arith.constant 51 : i32
        %broadcast_in_dim3A_658 = vector.broadcast %broadcast_in_dim3A_657 : i32 to vector<16xi32>
        tpu.vector_store_idx %arg13[%add3A_640, %broadcast_in_dim3A_658], %gather3A_656 : memref<512x128xf32, #tpu.memory_space<vmem>>[vector<16xi32>, vector<16xi32>], vector<16xf32>,
        %broadcast_in_dim3A_659 = arith.constant 4 : i32
        %broadcast_in_dim3A_660 = vector.broadcast %broadcast_in_dim3A_659 : i32 to vector<16xi32>
        %gather3A_661 = tpu.vector_load_idx %arg5[%broadcast_in_dim3A_660, %get3A_636] : memref<8x3200xf32, #tpu.memory_space<vmem>>[vector<16xi32>, vector<16xi32>], vector<16xf32>,
        %broadcast_in_dim3A_662 = arith.constant 52 : i32
        %broadcast_in_dim3A_663 = vector.broadcast %broadcast_in_dim3A_662 : i32 to vector<16xi32>
        tpu.vector_store_idx %arg13[%add3A_640, %broadcast_in_dim3A_663], %gather3A_661 : memref<512x128xf32, #tpu.memory_space<vmem>>[vector<16xi32>, vector<16xi32>], vector<16xf32>,
        %broadcast_in_dim3A_664 = arith.constant 5 : i32
        %broadcast_in_dim3A_665 = vector.broadcast %broadcast_in_dim3A_664 : i32 to vector<16xi32>
        %gather3A_666 = tpu.vector_load_idx %arg5[%broadcast_in_dim3A_665, %get3A_636] : memref<8x3200xf32, #tpu.memory_space<vmem>>[vector<16xi32>, vector<16xi32>], vector<16xf32>,
        %broadcast_in_dim3A_667 = arith.constant 53 : i32
        %broadcast_in_dim3A_668 = vector.broadcast %broadcast_in_dim3A_667 : i32 to vector<16xi32>
        tpu.vector_store_idx %arg13[%add3A_640, %broadcast_in_dim3A_668], %gather3A_666 : memref<512x128xf32, #tpu.memory_space<vmem>>[vector<16xi32>, vector<16xi32>], vector<16xf32>,
        %broadcast_in_dim3A_669 = arith.constant 6 : i32
        %broadcast_in_dim3A_670 = vector.broadcast %broadcast_in_dim3A_669 : i32 to vector<16xi32>
        %gather3A_671 = tpu.vector_load_idx %arg5[%broadcast_in_dim3A_670, %get3A_636] : memref<8x3200xf32, #tpu.memory_space<vmem>>[vector<16xi32>, vector<16xi32>], vector<16xf32>,
        %broadcast_in_dim3A_672 = arith.constant 54 : i32
        %broadcast_in_dim3A_673 = vector.broadcast %broadcast_in_dim3A_672 : i32 to vector<16xi32>
        tpu.vector_store_idx %arg13[%add3A_640, %broadcast_in_dim3A_673], %gather3A_671 : memref<512x128xf32, #tpu.memory_space<vmem>>[vector<16xi32>, vector<16xi32>], vector<16xf32>,
        %broadcast_in_dim3A_674 = arith.constant 7 : i32
        %broadcast_in_dim3A_675 = vector.broadcast %broadcast_in_dim3A_674 : i32 to vector<16xi32>
        %gather3A_676 = tpu.vector_load_idx %arg5[%broadcast_in_dim3A_675, %get3A_636] : memref<8x3200xf32, #tpu.memory_space<vmem>>[vector<16xi32>, vector<16xi32>], vector<16xf32>,
        %broadcast_in_dim3A_677 = arith.constant 55 : i32
        %broadcast_in_dim3A_678 = vector.broadcast %broadcast_in_dim3A_677 : i32 to vector<16xi32>
        tpu.vector_store_idx %arg13[%add3A_640, %broadcast_in_dim3A_678], %gather3A_676 : memref<512x128xf32, #tpu.memory_space<vmem>>[vector<16xi32>, vector<16xi32>], vector<16xf32>,
      }
      %add3A_501 = arith.constant 0 : i32
      %add3A_502 = arith.addi %min3A_1, %add3A_501 : i32
      %dma_start3A_503 = arith.constant 56 : i32
      %dma_start3A_504 = tpu.memref_slice %arg2[%add3A_68, %dma_start3A_503, %add3A_502] : memref<26x64x100000xf32, #tpu.memory_space<hbm>> -> memref<1x8x3200xf32, #tpu.memory_space<hbm>>
      %dma_start3A_505 = tpu.memref_squeeze %dma_start3A_504 : memref<1x8x3200xf32, #tpu.memory_space<hbm>> -> memref<8x3200xf32, #tpu.memory_space<hbm>>
      %dma_start3A_506 = arith.constant 56 : i32
      %dma_start3A_507 = tpu.memref_slice %arg2[%add3A_68, %dma_start3A_506, %add3A_502] : memref<26x64x100000xf32, #tpu.memory_space<hbm>> -> memref<1x8x3200xf32, #tpu.memory_space<hbm>>
      %dma_start3A_508 = tpu.memref_squeeze %dma_start3A_507 : memref<1x8x3200xf32, #tpu.memory_space<hbm>> -> memref<8x3200xf32, #tpu.memory_space<hbm>>
      tpu.enqueue_dma source(%dma_start3A_508 : memref<8x3200xf32, #tpu.memory_space<hbm>>) target(%arg5 : memref<8x3200xf32, #tpu.memory_space<vmem>>) target_semaphore(%arg14 : memref<!tpu.dma_semaphore, #tpu.memory_space<semaphore_mem>>)
      %dma_wait3A_509 = arith.constant 0 : i32
      %dma_wait3A_510 = arith.constant 0 : i32
      %dma_wait3A_511 = arith.constant 0 : i32
      %dma_wait3A_512 = tpu.memref_slice %arg2[%dma_wait3A_509, %dma_wait3A_510, %dma_wait3A_511] : memref<26x64x100000xf32, #tpu.memory_space<hbm>> -> memref<1x8x3200xf32, #tpu.memory_space<hbm>>
      %dma_wait3A_513 = tpu.memref_squeeze %dma_wait3A_512 : memref<1x8x3200xf32, #tpu.memory_space<hbm>> -> memref<8x3200xf32, #tpu.memory_space<hbm>>
      %dma_wait3A_514 = arith.constant 0 : i32
      %dma_wait3A_515 = arith.constant 0 : i32
      %dma_wait3A_516 = tpu.memref_slice %arg2[%dma_wait3A_509, %dma_wait3A_514, %dma_wait3A_515] : memref<26x64x100000xf32, #tpu.memory_space<hbm>> -> memref<1x8x3200xf32, #tpu.memory_space<hbm>>
      %dma_wait3A_517 = tpu.memref_squeeze %dma_wait3A_516 : memref<1x8x3200xf32, #tpu.memory_space<hbm>> -> memref<8x3200xf32, #tpu.memory_space<hbm>>
      tpu.wait_dma2 semaphore(%arg15 : memref<!tpu.dma_semaphore, #tpu.memory_space<semaphore_mem>>) src(%dma_wait3A_517 : memref<8x3200xf32, #tpu.memory_space<hbm>>) dst(%arg5 : memref<8x3200xf32, #tpu.memory_space<vmem>>)
      %while3A_518 = arith.constant 0 : i32
      %while3A_519 = arith.constant 0 : i32
      %while3A_520 = arith.subi %select_n3A_158, %while3A_519 : i32
      %while3A_521 = arith.addi %while3A_519, %while3A_520 : i32
      %while3A_522 = arith.constant 1 : i32
      %while3A_523 = arith.divsi %while3A_520, %while3A_522 : i32
      %while3A_524 = arith.muli %while3A_523, %while3A_522 : i32
      %while3A_525 = arith.addi %while3A_519, %while3A_524 : i32
      %while3A_526 = arith.constant 1 : i32
      scf.for %while3A_633 = %while3A_519 to %while3A_525 step %while3A_526  : i32 {
        %mul3A_634 = arith.constant 16 : i32
        %mul3A_635 = arith.muli %while3A_633, %mul3A_634 : i32
        %get3A = arith.index_cast %mul3A_635 : i32 to index
        %get3A_636 = tpu.vector_load %arg10[%get3A] {strides = array<i32>} : memref<256xi32, #tpu.memory_space<vmem>>, vector<16xi32>,
        %mul3A_637 = arith.constant 16 : i32
        %mul3A_638 = arith.muli %while3A_633, %mul3A_637 : i32
        %add3A_639 = arith.constant 256 : i32
        %add3A_640 = arith.addi %add3A_639, %mul3A_638 : i32
        %iota3A = tpu.iota {dimensions = array<i32: 0>} : vector<16xi32>
        %add3A_641 = vector.broadcast %add3A_640 : i32 to vector<16xi32>
        %add3A_642 = arith.addi %add3A_641, %iota3A : vector<16xi32>
        %broadcast_in_dim3A = arith.constant 0 : i32
        %broadcast_in_dim3A_643 = vector.broadcast %broadcast_in_dim3A : i32 to vector<16xi32>
        %gather3A = tpu.vector_load_idx %arg6[%broadcast_in_dim3A_643, %get3A_636] : memref<8x3200xf32, #tpu.memory_space<vmem>>[vector<16xi32>, vector<16xi32>], vector<16xf32>,
        %broadcast_in_dim3A_644 = arith.constant 48 : i32
        %broadcast_in_dim3A_645 = vector.broadcast %broadcast_in_dim3A_644 : i32 to vector<16xi32>
        tpu.vector_store_idx %arg13[%add3A_642, %broadcast_in_dim3A_645], %gather3A : memref<512x128xf32, #tpu.memory_space<vmem>>[vector<16xi32>, vector<16xi32>], vector<16xf32>,
        %broadcast_in_dim3A_646 = arith.constant 1 : i32
        %broadcast_in_dim3A_647 = vector.broadcast %broadcast_in_dim3A_646 : i32 to vector<16xi32>
        %gather3A_648 = tpu.vector_load_idx %arg6[%broadcast_in_dim3A_647, %get3A_636] : memref<8x3200xf32, #tpu.memory_space<vmem>>[vector<16xi32>, vector<16xi32>], vector<16xf32>,
        %broadcast_in_dim3A_649 = arith.constant 49 : i32
        %broadcast_in_dim3A_650 = vector.broadcast %broadcast_in_dim3A_649 : i32 to vector<16xi32>
        tpu.vector_store_idx %arg13[%add3A_642, %broadcast_in_dim3A_650], %gather3A_648 : memref<512x128xf32, #tpu.memory_space<vmem>>[vector<16xi32>, vector<16xi32>], vector<16xf32>,
        %broadcast_in_dim3A_651 = arith.constant 2 : i32
        %broadcast_in_dim3A_652 = vector.broadcast %broadcast_in_dim3A_651 : i32 to vector<16xi32>
        %gather3A_653 = tpu.vector_load_idx %arg6[%broadcast_in_dim3A_652, %get3A_636] : memref<8x3200xf32, #tpu.memory_space<vmem>>[vector<16xi32>, vector<16xi32>], vector<16xf32>,
        %broadcast_in_dim3A_654 = arith.constant 50 : i32
        %broadcast_in_dim3A_655 = vector.broadcast %broadcast_in_dim3A_654 : i32 to vector<16xi32>
        tpu.vector_store_idx %arg13[%add3A_642, %broadcast_in_dim3A_655], %gather3A_653 : memref<512x128xf32, #tpu.memory_space<vmem>>[vector<16xi32>, vector<16xi32>], vector<16xf32>,
        %broadcast_in_dim3A_656 = arith.constant 3 : i32
        %broadcast_in_dim3A_657 = vector.broadcast %broadcast_in_dim3A_656 : i32 to vector<16xi32>
        %gather3A_658 = tpu.vector_load_idx %arg6[%broadcast_in_dim3A_657, %get3A_636] : memref<8x3200xf32, #tpu.memory_space<vmem>>[vector<16xi32>, vector<16xi32>], vector<16xf32>,
        %broadcast_in_dim3A_659 = arith.constant 51 : i32
        %broadcast_in_dim3A_660 = vector.broadcast %broadcast_in_dim3A_659 : i32 to vector<16xi32>
        tpu.vector_store_idx %arg13[%add3A_642, %broadcast_in_dim3A_660], %gather3A_658 : memref<512x128xf32, #tpu.memory_space<vmem>>[vector<16xi32>, vector<16xi32>], vector<16xf32>,
        %broadcast_in_dim3A_661 = arith.constant 4 : i32
        %broadcast_in_dim3A_662 = vector.broadcast %broadcast_in_dim3A_661 : i32 to vector<16xi32>
        %gather3A_663 = tpu.vector_load_idx %arg6[%broadcast_in_dim3A_662, %get3A_636] : memref<8x3200xf32, #tpu.memory_space<vmem>>[vector<16xi32>, vector<16xi32>], vector<16xf32>,
        %broadcast_in_dim3A_664 = arith.constant 52 : i32
        %broadcast_in_dim3A_665 = vector.broadcast %broadcast_in_dim3A_664 : i32 to vector<16xi32>
        tpu.vector_store_idx %arg13[%add3A_642, %broadcast_in_dim3A_665], %gather3A_663 : memref<512x128xf32, #tpu.memory_space<vmem>>[vector<16xi32>, vector<16xi32>], vector<16xf32>,
        %broadcast_in_dim3A_666 = arith.constant 5 : i32
        %broadcast_in_dim3A_667 = vector.broadcast %broadcast_in_dim3A_666 : i32 to vector<16xi32>
        %gather3A_668 = tpu.vector_load_idx %arg6[%broadcast_in_dim3A_667, %get3A_636] : memref<8x3200xf32, #tpu.memory_space<vmem>>[vector<16xi32>, vector<16xi32>], vector<16xf32>,
        %broadcast_in_dim3A_669 = arith.constant 53 : i32
        %broadcast_in_dim3A_670 = vector.broadcast %broadcast_in_dim3A_669 : i32 to vector<16xi32>
        tpu.vector_store_idx %arg13[%add3A_642, %broadcast_in_dim3A_670], %gather3A_668 : memref<512x128xf32, #tpu.memory_space<vmem>>[vector<16xi32>, vector<16xi32>], vector<16xf32>,
        %broadcast_in_dim3A_671 = arith.constant 6 : i32
        %broadcast_in_dim3A_672 = vector.broadcast %broadcast_in_dim3A_671 : i32 to vector<16xi32>
        %gather3A_673 = tpu.vector_load_idx %arg6[%broadcast_in_dim3A_672, %get3A_636] : memref<8x3200xf32, #tpu.memory_space<vmem>>[vector<16xi32>, vector<16xi32>], vector<16xf32>,
        %broadcast_in_dim3A_674 = arith.constant 54 : i32
        %broadcast_in_dim3A_675 = vector.broadcast %broadcast_in_dim3A_674 : i32 to vector<16xi32>
        tpu.vector_store_idx %arg13[%add3A_642, %broadcast_in_dim3A_675], %gather3A_673 : memref<512x128xf32, #tpu.memory_space<vmem>>[vector<16xi32>, vector<16xi32>], vector<16xf32>,
        %broadcast_in_dim3A_676 = arith.constant 7 : i32
        %broadcast_in_dim3A_677 = vector.broadcast %broadcast_in_dim3A_676 : i32 to vector<16xi32>
        %gather3A_678 = tpu.vector_load_idx %arg6[%broadcast_in_dim3A_677, %get3A_636] : memref<8x3200xf32, #tpu.memory_space<vmem>>[vector<16xi32>, vector<16xi32>], vector<16xf32>,
        %broadcast_in_dim3A_679 = arith.constant 55 : i32
        %broadcast_in_dim3A_680 = vector.broadcast %broadcast_in_dim3A_679 : i32 to vector<16xi32>
        tpu.vector_store_idx %arg13[%add3A_642, %broadcast_in_dim3A_680], %gather3A_678 : memref<512x128xf32, #tpu.memory_space<vmem>>[vector<16xi32>, vector<16xi32>], vector<16xf32>,
      }
      %while3A_527 = arith.constant 1 : i32
      scf.for %while3A_633 = %while3A_525 to %while3A_521 step %while3A_527  : i32 {
        %mul3A_634 = arith.constant 16 : i32
        %mul3A_635 = arith.muli %while3A_633, %mul3A_634 : i32
        %get3A = arith.index_cast %mul3A_635 : i32 to index
        %get3A_636 = tpu.vector_load %arg10[%get3A] {strides = array<i32>} : memref<256xi32, #tpu.memory_space<vmem>>, vector<16xi32>,
        %mul3A_637 = arith.constant 16 : i32
        %mul3A_638 = arith.muli %while3A_633, %mul3A_637 : i32
        %add3A_639 = arith.constant 256 : i32
        %add3A_640 = arith.addi %add3A_639, %mul3A_638 : i32
        %iota3A = tpu.iota {dimensions = array<i32: 0>} : vector<16xi32>
        %add3A_641 = vector.broadcast %add3A_640 : i32 to vector<16xi32>
        %add3A_642 = arith.addi %add3A_641, %iota3A : vector<16xi32>
        %broadcast_in_dim3A = arith.constant 0 : i32
        %broadcast_in_dim3A_643 = vector.broadcast %broadcast_in_dim3A : i32 to vector<16xi32>
        %gather3A = tpu.vector_load_idx %arg6[%broadcast_in_dim3A_643, %get3A_636] : memref<8x3200xf32, #tpu.memory_space<vmem>>[vector<16xi32>, vector<16xi32>], vector<16xf32>,
        %broadcast_in_dim3A_644 = arith.constant 48 : i32
        %broadcast_in_dim3A_645 = vector.broadcast %broadcast_in_dim3A_644 : i32 to vector<16xi32>
        tpu.vector_store_idx %arg13[%add3A_642, %broadcast_in_dim3A_645], %gather3A : memref<512x128xf32, #tpu.memory_space<vmem>>[vector<16xi32>, vector<16xi32>], vector<16xf32>,
        %broadcast_in_dim3A_646 = arith.constant 1 : i32
        %broadcast_in_dim3A_647 = vector.broadcast %broadcast_in_dim3A_646 : i32 to vector<16xi32>
        %gather3A_648 = tpu.vector_load_idx %arg6[%broadcast_in_dim3A_647, %get3A_636] : memref<8x3200xf32, #tpu.memory_space<vmem>>[vector<16xi32>, vector<16xi32>], vector<16xf32>,
        %broadcast_in_dim3A_649 = arith.constant 49 : i32
        %broadcast_in_dim3A_650 = vector.broadcast %broadcast_in_dim3A_649 : i32 to vector<16xi32>
        tpu.vector_store_idx %arg13[%add3A_642, %broadcast_in_dim3A_650], %gather3A_648 : memref<512x128xf32, #tpu.memory_space<vmem>>[vector<16xi32>, vector<16xi32>], vector<16xf32>,
        %broadcast_in_dim3A_651 = arith.constant 2 : i32
        %broadcast_in_dim3A_652 = vector.broadcast %broadcast_in_dim3A_651 : i32 to vector<16xi32>
        %gather3A_653 = tpu.vector_load_idx %arg6[%broadcast_in_dim3A_652, %get3A_636] : memref<8x3200xf32, #tpu.memory_space<vmem>>[vector<16xi32>, vector<16xi32>], vector<16xf32>,
        %broadcast_in_dim3A_654 = arith.constant 50 : i32
        %broadcast_in_dim3A_655 = vector.broadcast %broadcast_in_dim3A_654 : i32 to vector<16xi32>
        tpu.vector_store_idx %arg13[%add3A_642, %broadcast_in_dim3A_655], %gather3A_653 : memref<512x128xf32, #tpu.memory_space<vmem>>[vector<16xi32>, vector<16xi32>], vector<16xf32>,
        %broadcast_in_dim3A_656 = arith.constant 3 : i32
        %broadcast_in_dim3A_657 = vector.broadcast %broadcast_in_dim3A_656 : i32 to vector<16xi32>
        %gather3A_658 = tpu.vector_load_idx %arg6[%broadcast_in_dim3A_657, %get3A_636] : memref<8x3200xf32, #tpu.memory_space<vmem>>[vector<16xi32>, vector<16xi32>], vector<16xf32>,
        %broadcast_in_dim3A_659 = arith.constant 51 : i32
        %broadcast_in_dim3A_660 = vector.broadcast %broadcast_in_dim3A_659 : i32 to vector<16xi32>
        tpu.vector_store_idx %arg13[%add3A_642, %broadcast_in_dim3A_660], %gather3A_658 : memref<512x128xf32, #tpu.memory_space<vmem>>[vector<16xi32>, vector<16xi32>], vector<16xf32>,
        %broadcast_in_dim3A_661 = arith.constant 4 : i32
        %broadcast_in_dim3A_662 = vector.broadcast %broadcast_in_dim3A_661 : i32 to vector<16xi32>
        %gather3A_663 = tpu.vector_load_idx %arg6[%broadcast_in_dim3A_662, %get3A_636] : memref<8x3200xf32, #tpu.memory_space<vmem>>[vector<16xi32>, vector<16xi32>], vector<16xf32>,
        %broadcast_in_dim3A_664 = arith.constant 52 : i32
        %broadcast_in_dim3A_665 = vector.broadcast %broadcast_in_dim3A_664 : i32 to vector<16xi32>
        tpu.vector_store_idx %arg13[%add3A_642, %broadcast_in_dim3A_665], %gather3A_663 : memref<512x128xf32, #tpu.memory_space<vmem>>[vector<16xi32>, vector<16xi32>], vector<16xf32>,
        %broadcast_in_dim3A_666 = arith.constant 5 : i32
        %broadcast_in_dim3A_667 = vector.broadcast %broadcast_in_dim3A_666 : i32 to vector<16xi32>
        %gather3A_668 = tpu.vector_load_idx %arg6[%broadcast_in_dim3A_667, %get3A_636] : memref<8x3200xf32, #tpu.memory_space<vmem>>[vector<16xi32>, vector<16xi32>], vector<16xf32>,
        %broadcast_in_dim3A_669 = arith.constant 53 : i32
        %broadcast_in_dim3A_670 = vector.broadcast %broadcast_in_dim3A_669 : i32 to vector<16xi32>
        tpu.vector_store_idx %arg13[%add3A_642, %broadcast_in_dim3A_670], %gather3A_668 : memref<512x128xf32, #tpu.memory_space<vmem>>[vector<16xi32>, vector<16xi32>], vector<16xf32>,
        %broadcast_in_dim3A_671 = arith.constant 6 : i32
        %broadcast_in_dim3A_672 = vector.broadcast %broadcast_in_dim3A_671 : i32 to vector<16xi32>
        %gather3A_673 = tpu.vector_load_idx %arg6[%broadcast_in_dim3A_672, %get3A_636] : memref<8x3200xf32, #tpu.memory_space<vmem>>[vector<16xi32>, vector<16xi32>], vector<16xf32>,
        %broadcast_in_dim3A_674 = arith.constant 54 : i32
        %broadcast_in_dim3A_675 = vector.broadcast %broadcast_in_dim3A_674 : i32 to vector<16xi32>
        tpu.vector_store_idx %arg13[%add3A_642, %broadcast_in_dim3A_675], %gather3A_673 : memref<512x128xf32, #tpu.memory_space<vmem>>[vector<16xi32>, vector<16xi32>], vector<16xf32>,
        %broadcast_in_dim3A_676 = arith.constant 7 : i32
        %broadcast_in_dim3A_677 = vector.broadcast %broadcast_in_dim3A_676 : i32 to vector<16xi32>
        %gather3A_678 = tpu.vector_load_idx %arg6[%broadcast_in_dim3A_677, %get3A_636] : memref<8x3200xf32, #tpu.memory_space<vmem>>[vector<16xi32>, vector<16xi32>], vector<16xf32>,
        %broadcast_in_dim3A_679 = arith.constant 55 : i32
        %broadcast_in_dim3A_680 = vector.broadcast %broadcast_in_dim3A_679 : i32 to vector<16xi32>
        tpu.vector_store_idx %arg13[%add3A_642, %broadcast_in_dim3A_680], %gather3A_678 : memref<512x128xf32, #tpu.memory_space<vmem>>[vector<16xi32>, vector<16xi32>], vector<16xf32>,
      }
      %add3A_528 = arith.constant 3200 : i32
      %add3A_529 = arith.addi %min3A_1, %add3A_528 : i32
      %dma_start3A_530 = arith.constant 56 : i32
      %dma_start3A_531 = tpu.memref_slice %arg2[%add3A_68, %dma_start3A_530, %add3A_529] : memref<26x64x100000xf32, #tpu.memory_space<hbm>> -> memref<1x8x3200xf32, #tpu.memory_space<hbm>>
      %dma_start3A_532 = tpu.memref_squeeze %dma_start3A_531 : memref<1x8x3200xf32, #tpu.memory_space<hbm>> -> memref<8x3200xf32, #tpu.memory_space<hbm>>
      %dma_start3A_533 = arith.constant 56 : i32
      %dma_start3A_534 = tpu.memref_slice %arg2[%add3A_68, %dma_start3A_533, %add3A_529] : memref<26x64x100000xf32, #tpu.memory_space<hbm>> -> memref<1x8x3200xf32, #tpu.memory_space<hbm>>
      %dma_start3A_535 = tpu.memref_squeeze %dma_start3A_534 : memref<1x8x3200xf32, #tpu.memory_space<hbm>> -> memref<8x3200xf32, #tpu.memory_space<hbm>>
      tpu.enqueue_dma source(%dma_start3A_535 : memref<8x3200xf32, #tpu.memory_space<hbm>>) target(%arg6 : memref<8x3200xf32, #tpu.memory_space<vmem>>) target_semaphore(%arg15 : memref<!tpu.dma_semaphore, #tpu.memory_space<semaphore_mem>>)
      %dma_wait3A_536 = arith.constant 0 : i32
      %dma_wait3A_537 = arith.constant 0 : i32
      %dma_wait3A_538 = arith.constant 0 : i32
      %dma_wait3A_539 = tpu.memref_slice %arg2[%dma_wait3A_536, %dma_wait3A_537, %dma_wait3A_538] : memref<26x64x100000xf32, #tpu.memory_space<hbm>> -> memref<1x8x3200xf32, #tpu.memory_space<hbm>>
      %dma_wait3A_540 = tpu.memref_squeeze %dma_wait3A_539 : memref<1x8x3200xf32, #tpu.memory_space<hbm>> -> memref<8x3200xf32, #tpu.memory_space<hbm>>
      %dma_wait3A_541 = arith.constant 0 : i32
      %dma_wait3A_542 = arith.constant 0 : i32
      %dma_wait3A_543 = tpu.memref_slice %arg2[%dma_wait3A_536, %dma_wait3A_541, %dma_wait3A_542] : memref<26x64x100000xf32, #tpu.memory_space<hbm>> -> memref<1x8x3200xf32, #tpu.memory_space<hbm>>
      %dma_wait3A_544 = tpu.memref_squeeze %dma_wait3A_543 : memref<1x8x3200xf32, #tpu.memory_space<hbm>> -> memref<8x3200xf32, #tpu.memory_space<hbm>>
      tpu.wait_dma2 semaphore(%arg14 : memref<!tpu.dma_semaphore, #tpu.memory_space<semaphore_mem>>) src(%dma_wait3A_544 : memref<8x3200xf32, #tpu.memory_space<hbm>>) dst(%arg5 : memref<8x3200xf32, #tpu.memory_space<vmem>>)
      %while3A_545 = arith.constant 0 : i32
      %while3A_546 = arith.constant 0 : i32
      %while3A_547 = arith.subi %select_n3A, %while3A_546 : i32
      %while3A_548 = arith.addi %while3A_546, %while3A_547 : i32
      %while3A_549 = arith.constant 1 : i32
      %while3A_550 = arith.divsi %while3A_547, %while3A_549 : i32
      %while3A_551 = arith.muli %while3A_550, %while3A_549 : i32
      %while3A_552 = arith.addi %while3A_546, %while3A_551 : i32
      %while3A_553 = arith.constant 1 : i32
      scf.for %while3A_633 = %while3A_546 to %while3A_552 step %while3A_553  : i32 {
        %mul3A_634 = arith.constant 16 : i32
        %mul3A_635 = arith.muli %while3A_633, %mul3A_634 : i32
        %get3A = arith.index_cast %mul3A_635 : i32 to index
        %get3A_636 = tpu.vector_load %arg8[%get3A] {strides = array<i32>} : memref<256xi32, #tpu.memory_space<vmem>>, vector<16xi32>,
        %mul3A_637 = arith.constant 16 : i32
        %mul3A_638 = arith.muli %while3A_633, %mul3A_637 : i32
        %iota3A = tpu.iota {dimensions = array<i32: 0>} : vector<16xi32>
        %add3A_639 = vector.broadcast %mul3A_638 : i32 to vector<16xi32>
        %add3A_640 = arith.addi %add3A_639, %iota3A : vector<16xi32>
        %broadcast_in_dim3A = arith.constant 0 : i32
        %broadcast_in_dim3A_641 = vector.broadcast %broadcast_in_dim3A : i32 to vector<16xi32>
        %gather3A = tpu.vector_load_idx %arg5[%broadcast_in_dim3A_641, %get3A_636] : memref<8x3200xf32, #tpu.memory_space<vmem>>[vector<16xi32>, vector<16xi32>], vector<16xf32>,
        %broadcast_in_dim3A_642 = arith.constant 56 : i32
        %broadcast_in_dim3A_643 = vector.broadcast %broadcast_in_dim3A_642 : i32 to vector<16xi32>
        tpu.vector_store_idx %arg13[%add3A_640, %broadcast_in_dim3A_643], %gather3A : memref<512x128xf32, #tpu.memory_space<vmem>>[vector<16xi32>, vector<16xi32>], vector<16xf32>,
        %broadcast_in_dim3A_644 = arith.constant 1 : i32
        %broadcast_in_dim3A_645 = vector.broadcast %broadcast_in_dim3A_644 : i32 to vector<16xi32>
        %gather3A_646 = tpu.vector_load_idx %arg5[%broadcast_in_dim3A_645, %get3A_636] : memref<8x3200xf32, #tpu.memory_space<vmem>>[vector<16xi32>, vector<16xi32>], vector<16xf32>,
        %broadcast_in_dim3A_647 = arith.constant 57 : i32
        %broadcast_in_dim3A_648 = vector.broadcast %broadcast_in_dim3A_647 : i32 to vector<16xi32>
        tpu.vector_store_idx %arg13[%add3A_640, %broadcast_in_dim3A_648], %gather3A_646 : memref<512x128xf32, #tpu.memory_space<vmem>>[vector<16xi32>, vector<16xi32>], vector<16xf32>,
        %broadcast_in_dim3A_649 = arith.constant 2 : i32
        %broadcast_in_dim3A_650 = vector.broadcast %broadcast_in_dim3A_649 : i32 to vector<16xi32>
        %gather3A_651 = tpu.vector_load_idx %arg5[%broadcast_in_dim3A_650, %get3A_636] : memref<8x3200xf32, #tpu.memory_space<vmem>>[vector<16xi32>, vector<16xi32>], vector<16xf32>,
        %broadcast_in_dim3A_652 = arith.constant 58 : i32
        %broadcast_in_dim3A_653 = vector.broadcast %broadcast_in_dim3A_652 : i32 to vector<16xi32>
        tpu.vector_store_idx %arg13[%add3A_640, %broadcast_in_dim3A_653], %gather3A_651 : memref<512x128xf32, #tpu.memory_space<vmem>>[vector<16xi32>, vector<16xi32>], vector<16xf32>,
        %broadcast_in_dim3A_654 = arith.constant 3 : i32
        %broadcast_in_dim3A_655 = vector.broadcast %broadcast_in_dim3A_654 : i32 to vector<16xi32>
        %gather3A_656 = tpu.vector_load_idx %arg5[%broadcast_in_dim3A_655, %get3A_636] : memref<8x3200xf32, #tpu.memory_space<vmem>>[vector<16xi32>, vector<16xi32>], vector<16xf32>,
        %broadcast_in_dim3A_657 = arith.constant 59 : i32
        %broadcast_in_dim3A_658 = vector.broadcast %broadcast_in_dim3A_657 : i32 to vector<16xi32>
        tpu.vector_store_idx %arg13[%add3A_640, %broadcast_in_dim3A_658], %gather3A_656 : memref<512x128xf32, #tpu.memory_space<vmem>>[vector<16xi32>, vector<16xi32>], vector<16xf32>,
        %broadcast_in_dim3A_659 = arith.constant 4 : i32
        %broadcast_in_dim3A_660 = vector.broadcast %broadcast_in_dim3A_659 : i32 to vector<16xi32>
        %gather3A_661 = tpu.vector_load_idx %arg5[%broadcast_in_dim3A_660, %get3A_636] : memref<8x3200xf32, #tpu.memory_space<vmem>>[vector<16xi32>, vector<16xi32>], vector<16xf32>,
        %broadcast_in_dim3A_662 = arith.constant 60 : i32
        %broadcast_in_dim3A_663 = vector.broadcast %broadcast_in_dim3A_662 : i32 to vector<16xi32>
        tpu.vector_store_idx %arg13[%add3A_640, %broadcast_in_dim3A_663], %gather3A_661 : memref<512x128xf32, #tpu.memory_space<vmem>>[vector<16xi32>, vector<16xi32>], vector<16xf32>,
        %broadcast_in_dim3A_664 = arith.constant 5 : i32
        %broadcast_in_dim3A_665 = vector.broadcast %broadcast_in_dim3A_664 : i32 to vector<16xi32>
        %gather3A_666 = tpu.vector_load_idx %arg5[%broadcast_in_dim3A_665, %get3A_636] : memref<8x3200xf32, #tpu.memory_space<vmem>>[vector<16xi32>, vector<16xi32>], vector<16xf32>,
        %broadcast_in_dim3A_667 = arith.constant 61 : i32
        %broadcast_in_dim3A_668 = vector.broadcast %broadcast_in_dim3A_667 : i32 to vector<16xi32>
        tpu.vector_store_idx %arg13[%add3A_640, %broadcast_in_dim3A_668], %gather3A_666 : memref<512x128xf32, #tpu.memory_space<vmem>>[vector<16xi32>, vector<16xi32>], vector<16xf32>,
        %broadcast_in_dim3A_669 = arith.constant 6 : i32
        %broadcast_in_dim3A_670 = vector.broadcast %broadcast_in_dim3A_669 : i32 to vector<16xi32>
        %gather3A_671 = tpu.vector_load_idx %arg5[%broadcast_in_dim3A_670, %get3A_636] : memref<8x3200xf32, #tpu.memory_space<vmem>>[vector<16xi32>, vector<16xi32>], vector<16xf32>,
        %broadcast_in_dim3A_672 = arith.constant 62 : i32
        %broadcast_in_dim3A_673 = vector.broadcast %broadcast_in_dim3A_672 : i32 to vector<16xi32>
        tpu.vector_store_idx %arg13[%add3A_640, %broadcast_in_dim3A_673], %gather3A_671 : memref<512x128xf32, #tpu.memory_space<vmem>>[vector<16xi32>, vector<16xi32>], vector<16xf32>,
        %broadcast_in_dim3A_674 = arith.constant 7 : i32
        %broadcast_in_dim3A_675 = vector.broadcast %broadcast_in_dim3A_674 : i32 to vector<16xi32>
        %gather3A_676 = tpu.vector_load_idx %arg5[%broadcast_in_dim3A_675, %get3A_636] : memref<8x3200xf32, #tpu.memory_space<vmem>>[vector<16xi32>, vector<16xi32>], vector<16xf32>,
        %broadcast_in_dim3A_677 = arith.constant 63 : i32
        %broadcast_in_dim3A_678 = vector.broadcast %broadcast_in_dim3A_677 : i32 to vector<16xi32>
        tpu.vector_store_idx %arg13[%add3A_640, %broadcast_in_dim3A_678], %gather3A_676 : memref<512x128xf32, #tpu.memory_space<vmem>>[vector<16xi32>, vector<16xi32>], vector<16xf32>,
      }
      %while3A_554 = arith.constant 1 : i32
      scf.for %while3A_633 = %while3A_552 to %while3A_548 step %while3A_554  : i32 {
        %mul3A_634 = arith.constant 16 : i32
        %mul3A_635 = arith.muli %while3A_633, %mul3A_634 : i32
        %get3A = arith.index_cast %mul3A_635 : i32 to index
        %get3A_636 = tpu.vector_load %arg8[%get3A] {strides = array<i32>} : memref<256xi32, #tpu.memory_space<vmem>>, vector<16xi32>,
        %mul3A_637 = arith.constant 16 : i32
        %mul3A_638 = arith.muli %while3A_633, %mul3A_637 : i32
        %iota3A = tpu.iota {dimensions = array<i32: 0>} : vector<16xi32>
        %add3A_639 = vector.broadcast %mul3A_638 : i32 to vector<16xi32>
        %add3A_640 = arith.addi %add3A_639, %iota3A : vector<16xi32>
        %broadcast_in_dim3A = arith.constant 0 : i32
        %broadcast_in_dim3A_641 = vector.broadcast %broadcast_in_dim3A : i32 to vector<16xi32>
        %gather3A = tpu.vector_load_idx %arg5[%broadcast_in_dim3A_641, %get3A_636] : memref<8x3200xf32, #tpu.memory_space<vmem>>[vector<16xi32>, vector<16xi32>], vector<16xf32>,
        %broadcast_in_dim3A_642 = arith.constant 56 : i32
        %broadcast_in_dim3A_643 = vector.broadcast %broadcast_in_dim3A_642 : i32 to vector<16xi32>
        tpu.vector_store_idx %arg13[%add3A_640, %broadcast_in_dim3A_643], %gather3A : memref<512x128xf32, #tpu.memory_space<vmem>>[vector<16xi32>, vector<16xi32>], vector<16xf32>,
        %broadcast_in_dim3A_644 = arith.constant 1 : i32
        %broadcast_in_dim3A_645 = vector.broadcast %broadcast_in_dim3A_644 : i32 to vector<16xi32>
        %gather3A_646 = tpu.vector_load_idx %arg5[%broadcast_in_dim3A_645, %get3A_636] : memref<8x3200xf32, #tpu.memory_space<vmem>>[vector<16xi32>, vector<16xi32>], vector<16xf32>,
        %broadcast_in_dim3A_647 = arith.constant 57 : i32
        %broadcast_in_dim3A_648 = vector.broadcast %broadcast_in_dim3A_647 : i32 to vector<16xi32>
        tpu.vector_store_idx %arg13[%add3A_640, %broadcast_in_dim3A_648], %gather3A_646 : memref<512x128xf32, #tpu.memory_space<vmem>>[vector<16xi32>, vector<16xi32>], vector<16xf32>,
        %broadcast_in_dim3A_649 = arith.constant 2 : i32
        %broadcast_in_dim3A_650 = vector.broadcast %broadcast_in_dim3A_649 : i32 to vector<16xi32>
        %gather3A_651 = tpu.vector_load_idx %arg5[%broadcast_in_dim3A_650, %get3A_636] : memref<8x3200xf32, #tpu.memory_space<vmem>>[vector<16xi32>, vector<16xi32>], vector<16xf32>,
        %broadcast_in_dim3A_652 = arith.constant 58 : i32
        %broadcast_in_dim3A_653 = vector.broadcast %broadcast_in_dim3A_652 : i32 to vector<16xi32>
        tpu.vector_store_idx %arg13[%add3A_640, %broadcast_in_dim3A_653], %gather3A_651 : memref<512x128xf32, #tpu.memory_space<vmem>>[vector<16xi32>, vector<16xi32>], vector<16xf32>,
        %broadcast_in_dim3A_654 = arith.constant 3 : i32
        %broadcast_in_dim3A_655 = vector.broadcast %broadcast_in_dim3A_654 : i32 to vector<16xi32>
        %gather3A_656 = tpu.vector_load_idx %arg5[%broadcast_in_dim3A_655, %get3A_636] : memref<8x3200xf32, #tpu.memory_space<vmem>>[vector<16xi32>, vector<16xi32>], vector<16xf32>,
        %broadcast_in_dim3A_657 = arith.constant 59 : i32
        %broadcast_in_dim3A_658 = vector.broadcast %broadcast_in_dim3A_657 : i32 to vector<16xi32>
        tpu.vector_store_idx %arg13[%add3A_640, %broadcast_in_dim3A_658], %gather3A_656 : memref<512x128xf32, #tpu.memory_space<vmem>>[vector<16xi32>, vector<16xi32>], vector<16xf32>,
        %broadcast_in_dim3A_659 = arith.constant 4 : i32
        %broadcast_in_dim3A_660 = vector.broadcast %broadcast_in_dim3A_659 : i32 to vector<16xi32>
        %gather3A_661 = tpu.vector_load_idx %arg5[%broadcast_in_dim3A_660, %get3A_636] : memref<8x3200xf32, #tpu.memory_space<vmem>>[vector<16xi32>, vector<16xi32>], vector<16xf32>,
        %broadcast_in_dim3A_662 = arith.constant 60 : i32
        %broadcast_in_dim3A_663 = vector.broadcast %broadcast_in_dim3A_662 : i32 to vector<16xi32>
        tpu.vector_store_idx %arg13[%add3A_640, %broadcast_in_dim3A_663], %gather3A_661 : memref<512x128xf32, #tpu.memory_space<vmem>>[vector<16xi32>, vector<16xi32>], vector<16xf32>,
        %broadcast_in_dim3A_664 = arith.constant 5 : i32
        %broadcast_in_dim3A_665 = vector.broadcast %broadcast_in_dim3A_664 : i32 to vector<16xi32>
        %gather3A_666 = tpu.vector_load_idx %arg5[%broadcast_in_dim3A_665, %get3A_636] : memref<8x3200xf32, #tpu.memory_space<vmem>>[vector<16xi32>, vector<16xi32>], vector<16xf32>,
        %broadcast_in_dim3A_667 = arith.constant 61 : i32
        %broadcast_in_dim3A_668 = vector.broadcast %broadcast_in_dim3A_667 : i32 to vector<16xi32>
        tpu.vector_store_idx %arg13[%add3A_640, %broadcast_in_dim3A_668], %gather3A_666 : memref<512x128xf32, #tpu.memory_space<vmem>>[vector<16xi32>, vector<16xi32>], vector<16xf32>,
        %broadcast_in_dim3A_669 = arith.constant 6 : i32
        %broadcast_in_dim3A_670 = vector.broadcast %broadcast_in_dim3A_669 : i32 to vector<16xi32>
        %gather3A_671 = tpu.vector_load_idx %arg5[%broadcast_in_dim3A_670, %get3A_636] : memref<8x3200xf32, #tpu.memory_space<vmem>>[vector<16xi32>, vector<16xi32>], vector<16xf32>,
        %broadcast_in_dim3A_672 = arith.constant 62 : i32
        %broadcast_in_dim3A_673 = vector.broadcast %broadcast_in_dim3A_672 : i32 to vector<16xi32>
        tpu.vector_store_idx %arg13[%add3A_640, %broadcast_in_dim3A_673], %gather3A_671 : memref<512x128xf32, #tpu.memory_space<vmem>>[vector<16xi32>, vector<16xi32>], vector<16xf32>,
        %broadcast_in_dim3A_674 = arith.constant 7 : i32
        %broadcast_in_dim3A_675 = vector.broadcast %broadcast_in_dim3A_674 : i32 to vector<16xi32>
        %gather3A_676 = tpu.vector_load_idx %arg5[%broadcast_in_dim3A_675, %get3A_636] : memref<8x3200xf32, #tpu.memory_space<vmem>>[vector<16xi32>, vector<16xi32>], vector<16xf32>,
        %broadcast_in_dim3A_677 = arith.constant 63 : i32
        %broadcast_in_dim3A_678 = vector.broadcast %broadcast_in_dim3A_677 : i32 to vector<16xi32>
        tpu.vector_store_idx %arg13[%add3A_640, %broadcast_in_dim3A_678], %gather3A_676 : memref<512x128xf32, #tpu.memory_space<vmem>>[vector<16xi32>, vector<16xi32>], vector<16xf32>,
      }
      %add3A_555 = arith.constant 1 : i32
      %add3A_556 = arith.addi %add3A_68, %add3A_555 : i32
      %min3A_557 = arith.minsi %add3A_556, %sub3A_5 : i32
      %add3A_558 = arith.constant 0 : i32
      %add3A_559 = arith.addi %min3A_1, %add3A_558 : i32
      %dma_start3A_560 = arith.constant 0 : i32
      %dma_start3A_561 = tpu.memref_slice %arg2[%min3A_557, %dma_start3A_560, %add3A_559] : memref<26x64x100000xf32, #tpu.memory_space<hbm>> -> memref<1x8x3200xf32, #tpu.memory_space<hbm>>
      %dma_start3A_562 = tpu.memref_squeeze %dma_start3A_561 : memref<1x8x3200xf32, #tpu.memory_space<hbm>> -> memref<8x3200xf32, #tpu.memory_space<hbm>>
      %dma_start3A_563 = arith.constant 0 : i32
      %dma_start3A_564 = tpu.memref_slice %arg2[%min3A_557, %dma_start3A_563, %add3A_559] : memref<26x64x100000xf32, #tpu.memory_space<hbm>> -> memref<1x8x3200xf32, #tpu.memory_space<hbm>>
      %dma_start3A_565 = tpu.memref_squeeze %dma_start3A_564 : memref<1x8x3200xf32, #tpu.memory_space<hbm>> -> memref<8x3200xf32, #tpu.memory_space<hbm>>
      tpu.enqueue_dma source(%dma_start3A_565 : memref<8x3200xf32, #tpu.memory_space<hbm>>) target(%arg5 : memref<8x3200xf32, #tpu.memory_space<vmem>>) target_semaphore(%arg14 : memref<!tpu.dma_semaphore, #tpu.memory_space<semaphore_mem>>)
      %dma_wait3A_566 = arith.constant 0 : i32
      %dma_wait3A_567 = arith.constant 0 : i32
      %dma_wait3A_568 = arith.constant 0 : i32
      %dma_wait3A_569 = tpu.memref_slice %arg2[%dma_wait3A_566, %dma_wait3A_567, %dma_wait3A_568] : memref<26x64x100000xf32, #tpu.memory_space<hbm>> -> memref<1x8x3200xf32, #tpu.memory_space<hbm>>
      %dma_wait3A_570 = tpu.memref_squeeze %dma_wait3A_569 : memref<1x8x3200xf32, #tpu.memory_space<hbm>> -> memref<8x3200xf32, #tpu.memory_space<hbm>>
      %dma_wait3A_571 = arith.constant 0 : i32
      %dma_wait3A_572 = arith.constant 0 : i32
      %dma_wait3A_573 = tpu.memref_slice %arg2[%dma_wait3A_566, %dma_wait3A_571, %dma_wait3A_572] : memref<26x64x100000xf32, #tpu.memory_space<hbm>> -> memref<1x8x3200xf32, #tpu.memory_space<hbm>>
      %dma_wait3A_574 = tpu.memref_squeeze %dma_wait3A_573 : memref<1x8x3200xf32, #tpu.memory_space<hbm>> -> memref<8x3200xf32, #tpu.memory_space<hbm>>
      tpu.wait_dma2 semaphore(%arg15 : memref<!tpu.dma_semaphore, #tpu.memory_space<semaphore_mem>>) src(%dma_wait3A_574 : memref<8x3200xf32, #tpu.memory_space<hbm>>) dst(%arg5 : memref<8x3200xf32, #tpu.memory_space<vmem>>)
      %while3A_575 = arith.constant 0 : i32
      %while3A_576 = arith.constant 0 : i32
      %while3A_577 = arith.subi %select_n3A_158, %while3A_576 : i32
      %while3A_578 = arith.addi %while3A_576, %while3A_577 : i32
      %while3A_579 = arith.constant 1 : i32
      %while3A_580 = arith.divsi %while3A_577, %while3A_579 : i32
      %while3A_581 = arith.muli %while3A_580, %while3A_579 : i32
      %while3A_582 = arith.addi %while3A_576, %while3A_581 : i32
      %while3A_583 = arith.constant 1 : i32
      scf.for %while3A_633 = %while3A_576 to %while3A_582 step %while3A_583  : i32 {
        %mul3A_634 = arith.constant 16 : i32
        %mul3A_635 = arith.muli %while3A_633, %mul3A_634 : i32
        %get3A = arith.index_cast %mul3A_635 : i32 to index
        %get3A_636 = tpu.vector_load %arg10[%get3A] {strides = array<i32>} : memref<256xi32, #tpu.memory_space<vmem>>, vector<16xi32>,
        %mul3A_637 = arith.constant 16 : i32
        %mul3A_638 = arith.muli %while3A_633, %mul3A_637 : i32
        %add3A_639 = arith.constant 256 : i32
        %add3A_640 = arith.addi %add3A_639, %mul3A_638 : i32
        %iota3A = tpu.iota {dimensions = array<i32: 0>} : vector<16xi32>
        %add3A_641 = vector.broadcast %add3A_640 : i32 to vector<16xi32>
        %add3A_642 = arith.addi %add3A_641, %iota3A : vector<16xi32>
        %broadcast_in_dim3A = arith.constant 0 : i32
        %broadcast_in_dim3A_643 = vector.broadcast %broadcast_in_dim3A : i32 to vector<16xi32>
        %gather3A = tpu.vector_load_idx %arg6[%broadcast_in_dim3A_643, %get3A_636] : memref<8x3200xf32, #tpu.memory_space<vmem>>[vector<16xi32>, vector<16xi32>], vector<16xf32>,
        %broadcast_in_dim3A_644 = arith.constant 56 : i32
        %broadcast_in_dim3A_645 = vector.broadcast %broadcast_in_dim3A_644 : i32 to vector<16xi32>
        tpu.vector_store_idx %arg13[%add3A_642, %broadcast_in_dim3A_645], %gather3A : memref<512x128xf32, #tpu.memory_space<vmem>>[vector<16xi32>, vector<16xi32>], vector<16xf32>,
        %broadcast_in_dim3A_646 = arith.constant 1 : i32
        %broadcast_in_dim3A_647 = vector.broadcast %broadcast_in_dim3A_646 : i32 to vector<16xi32>
        %gather3A_648 = tpu.vector_load_idx %arg6[%broadcast_in_dim3A_647, %get3A_636] : memref<8x3200xf32, #tpu.memory_space<vmem>>[vector<16xi32>, vector<16xi32>], vector<16xf32>,
        %broadcast_in_dim3A_649 = arith.constant 57 : i32
        %broadcast_in_dim3A_650 = vector.broadcast %broadcast_in_dim3A_649 : i32 to vector<16xi32>
        tpu.vector_store_idx %arg13[%add3A_642, %broadcast_in_dim3A_650], %gather3A_648 : memref<512x128xf32, #tpu.memory_space<vmem>>[vector<16xi32>, vector<16xi32>], vector<16xf32>,
        %broadcast_in_dim3A_651 = arith.constant 2 : i32
        %broadcast_in_dim3A_652 = vector.broadcast %broadcast_in_dim3A_651 : i32 to vector<16xi32>
        %gather3A_653 = tpu.vector_load_idx %arg6[%broadcast_in_dim3A_652, %get3A_636] : memref<8x3200xf32, #tpu.memory_space<vmem>>[vector<16xi32>, vector<16xi32>], vector<16xf32>,
        %broadcast_in_dim3A_654 = arith.constant 58 : i32
        %broadcast_in_dim3A_655 = vector.broadcast %broadcast_in_dim3A_654 : i32 to vector<16xi32>
        tpu.vector_store_idx %arg13[%add3A_642, %broadcast_in_dim3A_655], %gather3A_653 : memref<512x128xf32, #tpu.memory_space<vmem>>[vector<16xi32>, vector<16xi32>], vector<16xf32>,
        %broadcast_in_dim3A_656 = arith.constant 3 : i32
        %broadcast_in_dim3A_657 = vector.broadcast %broadcast_in_dim3A_656 : i32 to vector<16xi32>
        %gather3A_658 = tpu.vector_load_idx %arg6[%broadcast_in_dim3A_657, %get3A_636] : memref<8x3200xf32, #tpu.memory_space<vmem>>[vector<16xi32>, vector<16xi32>], vector<16xf32>,
        %broadcast_in_dim3A_659 = arith.constant 59 : i32
        %broadcast_in_dim3A_660 = vector.broadcast %broadcast_in_dim3A_659 : i32 to vector<16xi32>
        tpu.vector_store_idx %arg13[%add3A_642, %broadcast_in_dim3A_660], %gather3A_658 : memref<512x128xf32, #tpu.memory_space<vmem>>[vector<16xi32>, vector<16xi32>], vector<16xf32>,
        %broadcast_in_dim3A_661 = arith.constant 4 : i32
        %broadcast_in_dim3A_662 = vector.broadcast %broadcast_in_dim3A_661 : i32 to vector<16xi32>
        %gather3A_663 = tpu.vector_load_idx %arg6[%broadcast_in_dim3A_662, %get3A_636] : memref<8x3200xf32, #tpu.memory_space<vmem>>[vector<16xi32>, vector<16xi32>], vector<16xf32>,
        %broadcast_in_dim3A_664 = arith.constant 60 : i32
        %broadcast_in_dim3A_665 = vector.broadcast %broadcast_in_dim3A_664 : i32 to vector<16xi32>
        tpu.vector_store_idx %arg13[%add3A_642, %broadcast_in_dim3A_665], %gather3A_663 : memref<512x128xf32, #tpu.memory_space<vmem>>[vector<16xi32>, vector<16xi32>], vector<16xf32>,
        %broadcast_in_dim3A_666 = arith.constant 5 : i32
        %broadcast_in_dim3A_667 = vector.broadcast %broadcast_in_dim3A_666 : i32 to vector<16xi32>
        %gather3A_668 = tpu.vector_load_idx %arg6[%broadcast_in_dim3A_667, %get3A_636] : memref<8x3200xf32, #tpu.memory_space<vmem>>[vector<16xi32>, vector<16xi32>], vector<16xf32>,
        %broadcast_in_dim3A_669 = arith.constant 61 : i32
        %broadcast_in_dim3A_670 = vector.broadcast %broadcast_in_dim3A_669 : i32 to vector<16xi32>
        tpu.vector_store_idx %arg13[%add3A_642, %broadcast_in_dim3A_670], %gather3A_668 : memref<512x128xf32, #tpu.memory_space<vmem>>[vector<16xi32>, vector<16xi32>], vector<16xf32>,
        %broadcast_in_dim3A_671 = arith.constant 6 : i32
        %broadcast_in_dim3A_672 = vector.broadcast %broadcast_in_dim3A_671 : i32 to vector<16xi32>
        %gather3A_673 = tpu.vector_load_idx %arg6[%broadcast_in_dim3A_672, %get3A_636] : memref<8x3200xf32, #tpu.memory_space<vmem>>[vector<16xi32>, vector<16xi32>], vector<16xf32>,
        %broadcast_in_dim3A_674 = arith.constant 62 : i32
        %broadcast_in_dim3A_675 = vector.broadcast %broadcast_in_dim3A_674 : i32 to vector<16xi32>
        tpu.vector_store_idx %arg13[%add3A_642, %broadcast_in_dim3A_675], %gather3A_673 : memref<512x128xf32, #tpu.memory_space<vmem>>[vector<16xi32>, vector<16xi32>], vector<16xf32>,
        %broadcast_in_dim3A_676 = arith.constant 7 : i32
        %broadcast_in_dim3A_677 = vector.broadcast %broadcast_in_dim3A_676 : i32 to vector<16xi32>
        %gather3A_678 = tpu.vector_load_idx %arg6[%broadcast_in_dim3A_677, %get3A_636] : memref<8x3200xf32, #tpu.memory_space<vmem>>[vector<16xi32>, vector<16xi32>], vector<16xf32>,
        %broadcast_in_dim3A_679 = arith.constant 63 : i32
        %broadcast_in_dim3A_680 = vector.broadcast %broadcast_in_dim3A_679 : i32 to vector<16xi32>
        tpu.vector_store_idx %arg13[%add3A_642, %broadcast_in_dim3A_680], %gather3A_678 : memref<512x128xf32, #tpu.memory_space<vmem>>[vector<16xi32>, vector<16xi32>], vector<16xf32>,
      }
      %while3A_584 = arith.constant 1 : i32
      scf.for %while3A_633 = %while3A_582 to %while3A_578 step %while3A_584  : i32 {
        %mul3A_634 = arith.constant 16 : i32
        %mul3A_635 = arith.muli %while3A_633, %mul3A_634 : i32
        %get3A = arith.index_cast %mul3A_635 : i32 to index
        %get3A_636 = tpu.vector_load %arg10[%get3A] {strides = array<i32>} : memref<256xi32, #tpu.memory_space<vmem>>, vector<16xi32>,
        %mul3A_637 = arith.constant 16 : i32
        %mul3A_638 = arith.muli %while3A_633, %mul3A_637 : i32
        %add3A_639 = arith.constant 256 : i32
        %add3A_640 = arith.addi %add3A_639, %mul3A_638 : i32
        %iota3A = tpu.iota {dimensions = array<i32: 0>} : vector<16xi32>
        %add3A_641 = vector.broadcast %add3A_640 : i32 to vector<16xi32>
        %add3A_642 = arith.addi %add3A_641, %iota3A : vector<16xi32>
        %broadcast_in_dim3A = arith.constant 0 : i32
        %broadcast_in_dim3A_643 = vector.broadcast %broadcast_in_dim3A : i32 to vector<16xi32>
        %gather3A = tpu.vector_load_idx %arg6[%broadcast_in_dim3A_643, %get3A_636] : memref<8x3200xf32, #tpu.memory_space<vmem>>[vector<16xi32>, vector<16xi32>], vector<16xf32>,
        %broadcast_in_dim3A_644 = arith.constant 56 : i32
        %broadcast_in_dim3A_645 = vector.broadcast %broadcast_in_dim3A_644 : i32 to vector<16xi32>
        tpu.vector_store_idx %arg13[%add3A_642, %broadcast_in_dim3A_645], %gather3A : memref<512x128xf32, #tpu.memory_space<vmem>>[vector<16xi32>, vector<16xi32>], vector<16xf32>,
        %broadcast_in_dim3A_646 = arith.constant 1 : i32
        %broadcast_in_dim3A_647 = vector.broadcast %broadcast_in_dim3A_646 : i32 to vector<16xi32>
        %gather3A_648 = tpu.vector_load_idx %arg6[%broadcast_in_dim3A_647, %get3A_636] : memref<8x3200xf32, #tpu.memory_space<vmem>>[vector<16xi32>, vector<16xi32>], vector<16xf32>,
        %broadcast_in_dim3A_649 = arith.constant 57 : i32
        %broadcast_in_dim3A_650 = vector.broadcast %broadcast_in_dim3A_649 : i32 to vector<16xi32>
        tpu.vector_store_idx %arg13[%add3A_642, %broadcast_in_dim3A_650], %gather3A_648 : memref<512x128xf32, #tpu.memory_space<vmem>>[vector<16xi32>, vector<16xi32>], vector<16xf32>,
        %broadcast_in_dim3A_651 = arith.constant 2 : i32
        %broadcast_in_dim3A_652 = vector.broadcast %broadcast_in_dim3A_651 : i32 to vector<16xi32>
        %gather3A_653 = tpu.vector_load_idx %arg6[%broadcast_in_dim3A_652, %get3A_636] : memref<8x3200xf32, #tpu.memory_space<vmem>>[vector<16xi32>, vector<16xi32>], vector<16xf32>,
        %broadcast_in_dim3A_654 = arith.constant 58 : i32
        %broadcast_in_dim3A_655 = vector.broadcast %broadcast_in_dim3A_654 : i32 to vector<16xi32>
        tpu.vector_store_idx %arg13[%add3A_642, %broadcast_in_dim3A_655], %gather3A_653 : memref<512x128xf32, #tpu.memory_space<vmem>>[vector<16xi32>, vector<16xi32>], vector<16xf32>,
        %broadcast_in_dim3A_656 = arith.constant 3 : i32
        %broadcast_in_dim3A_657 = vector.broadcast %broadcast_in_dim3A_656 : i32 to vector<16xi32>
        %gather3A_658 = tpu.vector_load_idx %arg6[%broadcast_in_dim3A_657, %get3A_636] : memref<8x3200xf32, #tpu.memory_space<vmem>>[vector<16xi32>, vector<16xi32>], vector<16xf32>,
        %broadcast_in_dim3A_659 = arith.constant 59 : i32
        %broadcast_in_dim3A_660 = vector.broadcast %broadcast_in_dim3A_659 : i32 to vector<16xi32>
        tpu.vector_store_idx %arg13[%add3A_642, %broadcast_in_dim3A_660], %gather3A_658 : memref<512x128xf32, #tpu.memory_space<vmem>>[vector<16xi32>, vector<16xi32>], vector<16xf32>,
        %broadcast_in_dim3A_661 = arith.constant 4 : i32
        %broadcast_in_dim3A_662 = vector.broadcast %broadcast_in_dim3A_661 : i32 to vector<16xi32>
        %gather3A_663 = tpu.vector_load_idx %arg6[%broadcast_in_dim3A_662, %get3A_636] : memref<8x3200xf32, #tpu.memory_space<vmem>>[vector<16xi32>, vector<16xi32>], vector<16xf32>,
        %broadcast_in_dim3A_664 = arith.constant 60 : i32
        %broadcast_in_dim3A_665 = vector.broadcast %broadcast_in_dim3A_664 : i32 to vector<16xi32>
        tpu.vector_store_idx %arg13[%add3A_642, %broadcast_in_dim3A_665], %gather3A_663 : memref<512x128xf32, #tpu.memory_space<vmem>>[vector<16xi32>, vector<16xi32>], vector<16xf32>,
        %broadcast_in_dim3A_666 = arith.constant 5 : i32
        %broadcast_in_dim3A_667 = vector.broadcast %broadcast_in_dim3A_666 : i32 to vector<16xi32>
        %gather3A_668 = tpu.vector_load_idx %arg6[%broadcast_in_dim3A_667, %get3A_636] : memref<8x3200xf32, #tpu.memory_space<vmem>>[vector<16xi32>, vector<16xi32>], vector<16xf32>,
        %broadcast_in_dim3A_669 = arith.constant 61 : i32
        %broadcast_in_dim3A_670 = vector.broadcast %broadcast_in_dim3A_669 : i32 to vector<16xi32>
        tpu.vector_store_idx %arg13[%add3A_642, %broadcast_in_dim3A_670], %gather3A_668 : memref<512x128xf32, #tpu.memory_space<vmem>>[vector<16xi32>, vector<16xi32>], vector<16xf32>,
        %broadcast_in_dim3A_671 = arith.constant 6 : i32
        %broadcast_in_dim3A_672 = vector.broadcast %broadcast_in_dim3A_671 : i32 to vector<16xi32>
        %gather3A_673 = tpu.vector_load_idx %arg6[%broadcast_in_dim3A_672, %get3A_636] : memref<8x3200xf32, #tpu.memory_space<vmem>>[vector<16xi32>, vector<16xi32>], vector<16xf32>,
        %broadcast_in_dim3A_674 = arith.constant 62 : i32
        %broadcast_in_dim3A_675 = vector.broadcast %broadcast_in_dim3A_674 : i32 to vector<16xi32>
        tpu.vector_store_idx %arg13[%add3A_642, %broadcast_in_dim3A_675], %gather3A_673 : memref<512x128xf32, #tpu.memory_space<vmem>>[vector<16xi32>, vector<16xi32>], vector<16xf32>,
        %broadcast_in_dim3A_676 = arith.constant 7 : i32
        %broadcast_in_dim3A_677 = vector.broadcast %broadcast_in_dim3A_676 : i32 to vector<16xi32>
        %gather3A_678 = tpu.vector_load_idx %arg6[%broadcast_in_dim3A_677, %get3A_636] : memref<8x3200xf32, #tpu.memory_space<vmem>>[vector<16xi32>, vector<16xi32>], vector<16xf32>,
        %broadcast_in_dim3A_679 = arith.constant 63 : i32
        %broadcast_in_dim3A_680 = vector.broadcast %broadcast_in_dim3A_679 : i32 to vector<16xi32>
        tpu.vector_store_idx %arg13[%add3A_642, %broadcast_in_dim3A_680], %gather3A_678 : memref<512x128xf32, #tpu.memory_space<vmem>>[vector<16xi32>, vector<16xi32>], vector<16xf32>,
      }
      %add3A_585 = arith.constant 1 : i32
      %add3A_586 = arith.addi %add3A_68, %add3A_585 : i32
      %min3A_587 = arith.minsi %add3A_586, %sub3A_5 : i32
      %add3A_588 = arith.constant 3200 : i32
      %add3A_589 = arith.addi %min3A_1, %add3A_588 : i32
      %dma_start3A_590 = arith.constant 0 : i32
      %dma_start3A_591 = tpu.memref_slice %arg2[%min3A_587, %dma_start3A_590, %add3A_589] : memref<26x64x100000xf32, #tpu.memory_space<hbm>> -> memref<1x8x3200xf32, #tpu.memory_space<hbm>>
      %dma_start3A_592 = tpu.memref_squeeze %dma_start3A_591 : memref<1x8x3200xf32, #tpu.memory_space<hbm>> -> memref<8x3200xf32, #tpu.memory_space<hbm>>
      %dma_start3A_593 = arith.constant 0 : i32
      %dma_start3A_594 = tpu.memref_slice %arg2[%min3A_587, %dma_start3A_593, %add3A_589] : memref<26x64x100000xf32, #tpu.memory_space<hbm>> -> memref<1x8x3200xf32, #tpu.memory_space<hbm>>
      %dma_start3A_595 = tpu.memref_squeeze %dma_start3A_594 : memref<1x8x3200xf32, #tpu.memory_space<hbm>> -> memref<8x3200xf32, #tpu.memory_space<hbm>>
      tpu.enqueue_dma source(%dma_start3A_595 : memref<8x3200xf32, #tpu.memory_space<hbm>>) target(%arg6 : memref<8x3200xf32, #tpu.memory_space<vmem>>) target_semaphore(%arg15 : memref<!tpu.dma_semaphore, #tpu.memory_space<semaphore_mem>>)
      %gt3A = arith.constant 0 : i32
      %gt3A_596 = arith.cmpi sgt, %scan3A_105#0, %gt3A : i32
      %convert_element_type3A = arith.extui %gt3A_596 : i1 to i32
      %cond3A = arith.constant 0 : i32
      %cond3A_597 = arith.cmpi ne, %convert_element_type3A, %cond3A : i32
      scf.if %cond3A_597 {
        %dma_start3A_633 = arith.constant 0 : i32
        %dma_start3A_634 = arith.constant 0 : i32
        %dma_start3A_635 = arith.constant 0 : i32
        %dma_start3A_636 = tpu.memref_slice %arg13[%dma_start3A_634, %dma_start3A_635] : memref<512x128xf32, #tpu.memory_space<vmem>> -> memref<128x128xf32, #tpu.memory_space<vmem>>
        %dma_start3A_637 = arith.constant 0 : i32
        %dma_start3A_638 = tpu.memref_slice %arg12[%dma_start3A_633, %dma_start3A_637] : memref<4x128xi32, #tpu.memory_space<vmem>> -> memref<1x128xi32, #tpu.memory_space<vmem>>
        %dma_start3A_639 = tpu.memref_squeeze %dma_start3A_638 : memref<1x128xi32, #tpu.memory_space<vmem>> -> memref<128xi32, #tpu.memory_space<vmem>>
        %dma_start3A_640 = arith.constant 0 : i32
        %dma_start3A_641 = arith.constant 0 : i32
        %dma_start3A_642 = tpu.memref_slice %arg4[%dma_start3A_640, %dma_start3A_641] : memref<107008x128xf32, #tpu.memory_space<hbm>> -> memref<107008x128xf32, #tpu.memory_space<hbm>>
        tpu.enqueue_indirect_dma source(%dma_start3A_636 : memref<128x128xf32, #tpu.memory_space<vmem>>) target(%dma_start3A_642 : memref<107008x128xf32, #tpu.memory_space<hbm>>) offsets(%dma_start3A_639 : memref<128xi32, #tpu.memory_space<vmem>>) semaphore(%arg17 : memref<!tpu.dma_semaphore, #tpu.memory_space<semaphore_mem>>)
      } else {
      }
      %gt3A_598 = arith.constant 128 : i32
      %gt3A_599 = arith.cmpi sgt, %scan3A_105#0, %gt3A_598 : i32
      %convert_element_type3A_600 = arith.extui %gt3A_599 : i1 to i32
      %cond3A_601 = arith.constant 0 : i32
      %cond3A_602 = arith.cmpi ne, %convert_element_type3A_600, %cond3A_601 : i32
      scf.if %cond3A_602 {
        %dma_start3A_633 = arith.constant 1 : i32
        %dma_start3A_634 = arith.constant 128 : i32
        %dma_start3A_635 = arith.constant 0 : i32
        %dma_start3A_636 = tpu.memref_slice %arg13[%dma_start3A_634, %dma_start3A_635] : memref<512x128xf32, #tpu.memory_space<vmem>> -> memref<128x128xf32, #tpu.memory_space<vmem>>
        %dma_start3A_637 = arith.constant 0 : i32
        %dma_start3A_638 = tpu.memref_slice %arg12[%dma_start3A_633, %dma_start3A_637] : memref<4x128xi32, #tpu.memory_space<vmem>> -> memref<1x128xi32, #tpu.memory_space<vmem>>
        %dma_start3A_639 = tpu.memref_squeeze %dma_start3A_638 : memref<1x128xi32, #tpu.memory_space<vmem>> -> memref<128xi32, #tpu.memory_space<vmem>>
        %dma_start3A_640 = arith.constant 0 : i32
        %dma_start3A_641 = arith.constant 0 : i32
        %dma_start3A_642 = tpu.memref_slice %arg4[%dma_start3A_640, %dma_start3A_641] : memref<107008x128xf32, #tpu.memory_space<hbm>> -> memref<107008x128xf32, #tpu.memory_space<hbm>>
        tpu.enqueue_indirect_dma source(%dma_start3A_636 : memref<128x128xf32, #tpu.memory_space<vmem>>) target(%dma_start3A_642 : memref<107008x128xf32, #tpu.memory_space<hbm>>) offsets(%dma_start3A_639 : memref<128xi32, #tpu.memory_space<vmem>>) semaphore(%arg17 : memref<!tpu.dma_semaphore, #tpu.memory_space<semaphore_mem>>)
      } else {
      }
      %gt3A_603 = arith.constant 0 : i32
      %gt3A_604 = arith.cmpi sgt, %scan3A_105#1, %gt3A_603 : i32
      %convert_element_type3A_605 = arith.extui %gt3A_604 : i1 to i32
      %cond3A_606 = arith.constant 0 : i32
      %cond3A_607 = arith.cmpi ne, %convert_element_type3A_605, %cond3A_606 : i32
      scf.if %cond3A_607 {
        %dma_start3A_633 = arith.constant 2 : i32
        %dma_start3A_634 = arith.constant 256 : i32
        %dma_start3A_635 = arith.constant 0 : i32
        %dma_start3A_636 = tpu.memref_slice %arg13[%dma_start3A_634, %dma_start3A_635] : memref<512x128xf32, #tpu.memory_space<vmem>> -> memref<128x128xf32, #tpu.memory_space<vmem>>
        %dma_start3A_637 = arith.constant 0 : i32
        %dma_start3A_638 = tpu.memref_slice %arg12[%dma_start3A_633, %dma_start3A_637] : memref<4x128xi32, #tpu.memory_space<vmem>> -> memref<1x128xi32, #tpu.memory_space<vmem>>
        %dma_start3A_639 = tpu.memref_squeeze %dma_start3A_638 : memref<1x128xi32, #tpu.memory_space<vmem>> -> memref<128xi32, #tpu.memory_space<vmem>>
        %dma_start3A_640 = arith.constant 0 : i32
        %dma_start3A_641 = arith.constant 0 : i32
        %dma_start3A_642 = tpu.memref_slice %arg4[%dma_start3A_640, %dma_start3A_641] : memref<107008x128xf32, #tpu.memory_space<hbm>> -> memref<107008x128xf32, #tpu.memory_space<hbm>>
        tpu.enqueue_indirect_dma source(%dma_start3A_636 : memref<128x128xf32, #tpu.memory_space<vmem>>) target(%dma_start3A_642 : memref<107008x128xf32, #tpu.memory_space<hbm>>) offsets(%dma_start3A_639 : memref<128xi32, #tpu.memory_space<vmem>>) semaphore(%arg17 : memref<!tpu.dma_semaphore, #tpu.memory_space<semaphore_mem>>)
      } else {
      }
      %gt3A_608 = arith.constant 128 : i32
      %gt3A_609 = arith.cmpi sgt, %scan3A_105#1, %gt3A_608 : i32
      %convert_element_type3A_610 = arith.extui %gt3A_609 : i1 to i32
      %cond3A_611 = arith.constant 0 : i32
      %cond3A_612 = arith.cmpi ne, %convert_element_type3A_610, %cond3A_611 : i32
      scf.if %cond3A_612 {
        %dma_start3A_633 = arith.constant 3 : i32
        %dma_start3A_634 = arith.constant 384 : i32
        %dma_start3A_635 = arith.constant 0 : i32
        %dma_start3A_636 = tpu.memref_slice %arg13[%dma_start3A_634, %dma_start3A_635] : memref<512x128xf32, #tpu.memory_space<vmem>> -> memref<128x128xf32, #tpu.memory_space<vmem>>
        %dma_start3A_637 = arith.constant 0 : i32
        %dma_start3A_638 = tpu.memref_slice %arg12[%dma_start3A_633, %dma_start3A_637] : memref<4x128xi32, #tpu.memory_space<vmem>> -> memref<1x128xi32, #tpu.memory_space<vmem>>
        %dma_start3A_639 = tpu.memref_squeeze %dma_start3A_638 : memref<1x128xi32, #tpu.memory_space<vmem>> -> memref<128xi32, #tpu.memory_space<vmem>>
        %dma_start3A_640 = arith.constant 0 : i32
        %dma_start3A_641 = arith.constant 0 : i32
        %dma_start3A_642 = tpu.memref_slice %arg4[%dma_start3A_640, %dma_start3A_641] : memref<107008x128xf32, #tpu.memory_space<hbm>> -> memref<107008x128xf32, #tpu.memory_space<hbm>>
        tpu.enqueue_indirect_dma source(%dma_start3A_636 : memref<128x128xf32, #tpu.memory_space<vmem>>) target(%dma_start3A_642 : memref<107008x128xf32, #tpu.memory_space<hbm>>) offsets(%dma_start3A_639 : memref<128xi32, #tpu.memory_space<vmem>>) semaphore(%arg17 : memref<!tpu.dma_semaphore, #tpu.memory_space<semaphore_mem>>)
      } else {
      }
      %gt3A_613 = arith.constant 0 : i32
      %gt3A_614 = arith.cmpi sgt, %scan3A_105#0, %gt3A_613 : i32
      %convert_element_type3A_615 = arith.extui %gt3A_614 : i1 to i32
      %cond3A_616 = arith.constant 0 : i32
      %cond3A_617 = arith.cmpi ne, %convert_element_type3A_615, %cond3A_616 : i32
      scf.if %cond3A_617 {
        %dma_wait3A_633 = arith.constant 0 : i32
        %dma_wait3A_634 = arith.constant 0 : i32
        %dma_wait3A_635 = arith.constant 0 : i32
        %dma_wait3A_636 = tpu.memref_slice %arg13[%dma_wait3A_634, %dma_wait3A_635] : memref<512x128xf32, #tpu.memory_space<vmem>> -> memref<128x128xf32, #tpu.memory_space<vmem>>
        %dma_wait3A_637 = arith.constant 0 : i32
        %dma_wait3A_638 = tpu.memref_slice %arg12[%dma_wait3A_633, %dma_wait3A_637] : memref<4x128xi32, #tpu.memory_space<vmem>> -> memref<1x128xi32, #tpu.memory_space<vmem>>
        %dma_wait3A_639 = tpu.memref_squeeze %dma_wait3A_638 : memref<1x128xi32, #tpu.memory_space<vmem>> -> memref<128xi32, #tpu.memory_space<vmem>>
        %dma_wait3A_640 = arith.constant 0 : i32
        %dma_wait3A_641 = arith.constant 0 : i32
        %dma_wait3A_642 = tpu.memref_slice %arg4[%dma_wait3A_640, %dma_wait3A_641] : memref<107008x128xf32, #tpu.memory_space<hbm>> -> memref<107008x128xf32, #tpu.memory_space<hbm>>
        tpu.wait_indirect_dma semaphore(%arg17 : memref<!tpu.dma_semaphore, #tpu.memory_space<semaphore_mem>>) src(%dma_wait3A_636 : memref<128x128xf32, #tpu.memory_space<vmem>>) dst(%dma_wait3A_642 : memref<107008x128xf32, #tpu.memory_space<hbm>>)
      } else {
      }
      %gt3A_618 = arith.constant 128 : i32
      %gt3A_619 = arith.cmpi sgt, %scan3A_105#0, %gt3A_618 : i32
      %convert_element_type3A_620 = arith.extui %gt3A_619 : i1 to i32
      %cond3A_621 = arith.constant 0 : i32
      %cond3A_622 = arith.cmpi ne, %convert_element_type3A_620, %cond3A_621 : i32
      scf.if %cond3A_622 {
        %dma_wait3A_633 = arith.constant 1 : i32
        %dma_wait3A_634 = arith.constant 128 : i32
        %dma_wait3A_635 = arith.constant 0 : i32
        %dma_wait3A_636 = tpu.memref_slice %arg13[%dma_wait3A_634, %dma_wait3A_635] : memref<512x128xf32, #tpu.memory_space<vmem>> -> memref<128x128xf32, #tpu.memory_space<vmem>>
        %dma_wait3A_637 = arith.constant 0 : i32
        %dma_wait3A_638 = tpu.memref_slice %arg12[%dma_wait3A_633, %dma_wait3A_637] : memref<4x128xi32, #tpu.memory_space<vmem>> -> memref<1x128xi32, #tpu.memory_space<vmem>>
        %dma_wait3A_639 = tpu.memref_squeeze %dma_wait3A_638 : memref<1x128xi32, #tpu.memory_space<vmem>> -> memref<128xi32, #tpu.memory_space<vmem>>
        %dma_wait3A_640 = arith.constant 0 : i32
        %dma_wait3A_641 = arith.constant 0 : i32
        %dma_wait3A_642 = tpu.memref_slice %arg4[%dma_wait3A_640, %dma_wait3A_641] : memref<107008x128xf32, #tpu.memory_space<hbm>> -> memref<107008x128xf32, #tpu.memory_space<hbm>>
        tpu.wait_indirect_dma semaphore(%arg17 : memref<!tpu.dma_semaphore, #tpu.memory_space<semaphore_mem>>) src(%dma_wait3A_636 : memref<128x128xf32, #tpu.memory_space<vmem>>) dst(%dma_wait3A_642 : memref<107008x128xf32, #tpu.memory_space<hbm>>)
      } else {
      }
      %gt3A_623 = arith.constant 0 : i32
      %gt3A_624 = arith.cmpi sgt, %scan3A_105#1, %gt3A_623 : i32
      %convert_element_type3A_625 = arith.extui %gt3A_624 : i1 to i32
      %cond3A_626 = arith.constant 0 : i32
      %cond3A_627 = arith.cmpi ne, %convert_element_type3A_625, %cond3A_626 : i32
      scf.if %cond3A_627 {
        %dma_wait3A_633 = arith.constant 2 : i32
        %dma_wait3A_634 = arith.constant 256 : i32
        %dma_wait3A_635 = arith.constant 0 : i32
        %dma_wait3A_636 = tpu.memref_slice %arg13[%dma_wait3A_634, %dma_wait3A_635] : memref<512x128xf32, #tpu.memory_space<vmem>> -> memref<128x128xf32, #tpu.memory_space<vmem>>
        %dma_wait3A_637 = arith.constant 0 : i32
        %dma_wait3A_638 = tpu.memref_slice %arg12[%dma_wait3A_633, %dma_wait3A_637] : memref<4x128xi32, #tpu.memory_space<vmem>> -> memref<1x128xi32, #tpu.memory_space<vmem>>
        %dma_wait3A_639 = tpu.memref_squeeze %dma_wait3A_638 : memref<1x128xi32, #tpu.memory_space<vmem>> -> memref<128xi32, #tpu.memory_space<vmem>>
        %dma_wait3A_640 = arith.constant 0 : i32
        %dma_wait3A_641 = arith.constant 0 : i32
        %dma_wait3A_642 = tpu.memref_slice %arg4[%dma_wait3A_640, %dma_wait3A_641] : memref<107008x128xf32, #tpu.memory_space<hbm>> -> memref<107008x128xf32, #tpu.memory_space<hbm>>
        tpu.wait_indirect_dma semaphore(%arg17 : memref<!tpu.dma_semaphore, #tpu.memory_space<semaphore_mem>>) src(%dma_wait3A_636 : memref<128x128xf32, #tpu.memory_space<vmem>>) dst(%dma_wait3A_642 : memref<107008x128xf32, #tpu.memory_space<hbm>>)
      } else {
      }
      %gt3A_628 = arith.constant 128 : i32
      %gt3A_629 = arith.cmpi sgt, %scan3A_105#1, %gt3A_628 : i32
      %convert_element_type3A_630 = arith.extui %gt3A_629 : i1 to i32
      %cond3A_631 = arith.constant 0 : i32
      %cond3A_632 = arith.cmpi ne, %convert_element_type3A_630, %cond3A_631 : i32
      scf.if %cond3A_632 {
        %dma_wait3A_633 = arith.constant 3 : i32
        %dma_wait3A_634 = arith.constant 384 : i32
        %dma_wait3A_635 = arith.constant 0 : i32
        %dma_wait3A_636 = tpu.memref_slice %arg13[%dma_wait3A_634, %dma_wait3A_635] : memref<512x128xf32, #tpu.memory_space<vmem>> -> memref<128x128xf32, #tpu.memory_space<vmem>>
        %dma_wait3A_637 = arith.constant 0 : i32
        %dma_wait3A_638 = tpu.memref_slice %arg12[%dma_wait3A_633, %dma_wait3A_637] : memref<4x128xi32, #tpu.memory_space<vmem>> -> memref<1x128xi32, #tpu.memory_space<vmem>>
        %dma_wait3A_639 = tpu.memref_squeeze %dma_wait3A_638 : memref<1x128xi32, #tpu.memory_space<vmem>> -> memref<128xi32, #tpu.memory_space<vmem>>
        %dma_wait3A_640 = arith.constant 0 : i32
        %dma_wait3A_641 = arith.constant 0 : i32
        %dma_wait3A_642 = tpu.memref_slice %arg4[%dma_wait3A_640, %dma_wait3A_641] : memref<107008x128xf32, #tpu.memory_space<hbm>> -> memref<107008x128xf32, #tpu.memory_space<hbm>>
        tpu.wait_indirect_dma semaphore(%arg17 : memref<!tpu.dma_semaphore, #tpu.memory_space<semaphore_mem>>) src(%dma_wait3A_636 : memref<128x128xf32, #tpu.memory_space<vmem>>) dst(%dma_wait3A_642 : memref<107008x128xf32, #tpu.memory_space<hbm>>)
      } else {
      }
    }
    %scan3A_39 = arith.constant 13 : i32
    %dma_wait3A = arith.constant 0 : i32
    %dma_wait3A_40 = arith.constant 0 : i32
    %dma_wait3A_41 = arith.constant 0 : i32
    %dma_wait3A_42 = tpu.memref_slice %arg2[%dma_wait3A, %dma_wait3A_40, %dma_wait3A_41] : memref<26x64x100000xf32, #tpu.memory_space<hbm>> -> memref<1x8x3200xf32, #tpu.memory_space<hbm>>
    %dma_wait3A_43 = tpu.memref_squeeze %dma_wait3A_42 : memref<1x8x3200xf32, #tpu.memory_space<hbm>> -> memref<8x3200xf32, #tpu.memory_space<hbm>>
    %dma_wait3A_44 = arith.constant 0 : i32
    %dma_wait3A_45 = arith.constant 0 : i32
    %dma_wait3A_46 = tpu.memref_slice %arg2[%dma_wait3A, %dma_wait3A_44, %dma_wait3A_45] : memref<26x64x100000xf32, #tpu.memory_space<hbm>> -> memref<1x8x3200xf32, #tpu.memory_space<hbm>>
    %dma_wait3A_47 = tpu.memref_squeeze %dma_wait3A_46 : memref<1x8x3200xf32, #tpu.memory_space<hbm>> -> memref<8x3200xf32, #tpu.memory_space<hbm>>
    tpu.wait_dma2 semaphore(%arg14 : memref<!tpu.dma_semaphore, #tpu.memory_space<semaphore_mem>>) src(%dma_wait3A_47 : memref<8x3200xf32, #tpu.memory_space<hbm>>) dst(%arg5 : memref<8x3200xf32, #tpu.memory_space<vmem>>)
    %dma_wait3A_48 = arith.constant 0 : i32
    %dma_wait3A_49 = arith.constant 0 : i32
    %dma_wait3A_50 = arith.constant 0 : i32
    %dma_wait3A_51 = tpu.memref_slice %arg2[%dma_wait3A_48, %dma_wait3A_49, %dma_wait3A_50] : memref<26x64x100000xf32, #tpu.memory_space<hbm>> -> memref<1x8x3200xf32, #tpu.memory_space<hbm>>
    %dma_wait3A_52 = tpu.memref_squeeze %dma_wait3A_51 : memref<1x8x3200xf32, #tpu.memory_space<hbm>> -> memref<8x3200xf32, #tpu.memory_space<hbm>>
    %dma_wait3A_53 = arith.constant 0 : i32
    %dma_wait3A_54 = arith.constant 0 : i32
    %dma_wait3A_55 = tpu.memref_slice %arg2[%dma_wait3A_48, %dma_wait3A_53, %dma_wait3A_54] : memref<26x64x100000xf32, #tpu.memory_space<hbm>> -> memref<1x8x3200xf32, #tpu.memory_space<hbm>>
    %dma_wait3A_56 = tpu.memref_squeeze %dma_wait3A_55 : memref<1x8x3200xf32, #tpu.memory_space<hbm>> -> memref<8x3200xf32, #tpu.memory_space<hbm>>
    tpu.wait_dma2 semaphore(%arg15 : memref<!tpu.dma_semaphore, #tpu.memory_space<semaphore_mem>>) src(%dma_wait3A_56 : memref<8x3200xf32, #tpu.memory_space<hbm>>) dst(%arg5 : memref<8x3200xf32, #tpu.memory_space<vmem>>)
    %dma_wait3A_57 = arith.constant 0 : i32
    %dma_wait3A_58 = tpu.memref_slice %arg7[%dma_wait3A_57] : memref<8192xi32, #tpu.memory_space<vmem>> -> memref<4096xi32, #tpu.memory_space<vmem>>
    %dma_wait3A_59 = arith.constant 0 : i32
    %dma_wait3A_60 = tpu.memref_slice %arg3[%dma_wait3A_59] : memref<106496xi32, #tpu.memory_space<hbm>> -> memref<4096xi32, #tpu.memory_space<hbm>>
    %dma_wait3A_61 = arith.constant 0 : i32
    %dma_wait3A_62 = tpu.memref_slice %arg7[%dma_wait3A_61] : memref<8192xi32, #tpu.memory_space<vmem>> -> memref<4096xi32, #tpu.memory_space<vmem>>
    %dma_wait3A_63 = arith.constant 0 : i32
    %dma_wait3A_64 = tpu.memref_slice %arg3[%dma_wait3A_63] : memref<106496xi32, #tpu.memory_space<hbm>> -> memref<4096xi32, #tpu.memory_space<hbm>>
    tpu.wait_dma2 semaphore(%arg16 : memref<!tpu.dma_semaphore, #tpu.memory_space<semaphore_mem>>) src(%dma_wait3A_64 : memref<4096xi32, #tpu.memory_space<hbm>>) dst(%dma_wait3A_62 : memref<4096xi32, #tpu.memory_space<vmem>>)
    return
  }
}

</mosaic_0001>

<sc_bundles>
// kernel: kernel.3.cloned.1.call-start
scs
__scs_entry_jumppad:
0x0: {  	(pc) =	sbr.rel $0x88, $3  }
0x1: {  	(tag) =	ssettag $0x0;
	lr =	simm.s32 $0x1  }
0x2: {  	[smem:$0x3F9F] =	sst lr;
	_ =	strace $0xD0000000  }
0x3: {  	_ = 	snop  }
0x4: {  	_ = 	snop  }
0x5: {  	_ = 	snop  }
0x6: {  	_ = 	snop  }
0x7: {  	_ = 	snop  }
__scs_overlays_trampoline_lowered:
0x8: {  	[smem:$0x3FAE] =	sst s0  }
0x9: {  	[smem:$0x3FAF] =	sst s1  }
0xa: {  	[smem:$0x3FB0] =	sst s2  }
0xb: {  	[smem:$0x3FB1] =	sst s3  }
0xc: {  	[smem:$0x3FB2] =	sst s4  }
0xd: {  	[smem:$0x3FB3] =	sst s5  }
0xe: {  	[smem:$0x3FB4] =	sst s6  }
0xf: {  	[smem:$0x3FB5] =	sst s7  }
0x10: {  	[smem:$0x3FB6] =	sst s8  }
0x11: {  	[smem:$0x3FB7] =	sst s9;
	s0 =	simm.s32 @!p0 $0x0  }
0x12: {  	s1 =	sld [smem:$0x3F9D];
	s0 =	simm.s32 @p0 $0x1  }
0x13: {  	[smem:$0x3FB8] =	sst s0;
	s0 =	simm.s32 @!p1 $0x0  }
0x14: {  	s2 =	sld [smem:$0x3F9C];
	s0 =	simm.s32 @p1 $0x1  }
0x15: {  	[smem:$0x3FB9] =	sst s0;
	s0 =	simm.s32 @!p2 $0x0  }
0x16: {  	s3 =	sld [smem:$0x3FDB];
	s0 =	simm.s32 @p2 $0x1  }
0x17: {  	s4 =	simm.s32 $0x1BF5;
	[smem:$0x3FBB] =	sst s0  }
0x18: {  	s0 =	sld [smem:$0x3F9E];
	_ =	swait.ge [sflag:s4], $0x0  }
0x19: {  	s7 =	sld [smem:$0x3F9F]  }
0x1a: {  	s8 =	sadd.s32 $0xFFFFE003, lr  }
0x1b: {  	s9 =	sadd.s32 $0xFFFFFEF7, lr;
	s5 =	simm.s32 $0xFFFFFFFF;
	p2 =	slt.u32 s8, $0xFFFFF086  }
0x1c: {  	p1 =	slt.u32 s9, $0xF7A;
	s5 =	simm.s32 @!p2 $0x0  }
0x1d: {  	s5 =	simm.s32 @p1 $0x1;
	p0 =	seq.s32 s7, s2  }
0x1e: {  	s7 =	smul.u32 @!p0 $0xF7A, s2;
	p2 =	seq.s32 @!p0 s5, $0x0  }
0x1f: {  	s9 =	smul.u32 $0xF7A, s1;
	s8 =	simm.s32 @!p0 $0x1BF5;
	p2 =	por !p2, p0  }
0x20: {  	[sflag:s8] =	ssyncset.s32 @!p0 $0xFFFFF086;
	s6 =	sadd.s32 @!p0 s3, s7;
	s7 =	simm.s32 @!p0 $0x108  }
0x21: {  	s3 =	sadd.s32 s3, s9;
	s6 =	sadd.s32 @!p0 $0x88, s6;
	s7 =	simm.s32 @p2 $0x1082  }
0x22: {  	[simem:s7], [sflag:s8] =	dma.local @!p0 [hbm:s6], $0xF7A  }
0x23: {  	s9 =	sor.u32 $0xD0000000, s2;
	s6 =	simm.s32 $0x108;
	_ =	swait.ge @!p0 [sflag:s8], $0x0  }
0x24: {  	s3 =	sadd.s32 $0x88, s3;
	s6 =	simm.s32 @!p1 $0x1082;
	[sflag:s4] =	ssyncset.s32 $0xFFFFF086  }
0x25: {  	[simem:s6], [sflag:s4] =	dma.local [hbm:s3], $0xF7A  }
0x26: {  	[smem:$0x3F9F] =	sst s1;
	(tag) =	ssettag s2;
	_ =	strace s9  }
0x27: {  	s1 =	sld [smem:$0x3FAF]  }
0x28: {  	s2 =	sld [smem:$0x3FB0]  }
0x29: {  	s4 =	sld [smem:$0x3FB2]  }
0x2a: {  	p0 =	seq.s32 s5, $0x0;
	s5 =	sld [smem:$0x3FB3]  }
0x2b: {  	s6 =	sld [smem:$0x3FB4]  }
0x2c: {  	s7 =	sld [smem:$0x3FB5]  }
0x2d: {  	s3 =	simm.s32 $0x108;
	s8 =	sld [smem:$0x3FB6]  }
0x2e: {  	s3 =	simm.s32 @!p0 $0x1082;
	s9 =	sld [smem:$0x3FB7]  }
0x2f: {  	lr =	sadd.s32 s0, s3;
	s0 =	sld [smem:$0x3FAE]  }
0x30: {  	s3 =	sld [smem:$0x3FB1]  }
0x31: {  	[smem:$0x3FBA] =	sst s10  }
0x32: {  	s10 =	sld [smem:$0x3FB8];
	_ =	sdelay $0x3  }
0x33: {  	p0 =	seq.s32 s10, $0x1;
	s10 =	sld [smem:$0x3FBA];
	_ =	sdelay $0x3  }
0x34: {  	[smem:$0x3FBA] =	sst s10  }
0x35: {  	s10 =	sld [smem:$0x3FB9];
	_ =	sdelay $0x3  }
0x36: {  	p1 =	seq.s32 s10, $0x1;
	s10 =	sld [smem:$0x3FBA];
	_ =	sdelay $0x3  }
0x37: {  	[smem:$0x3FBA] =	sst s10  }
0x38: {  	s10 =	sld [smem:$0x3FBB]  }
0x39: {  	_ = 	snop;
	(pc) =	sbr.ind lr, $3  }
0x3a: {  	_ = 	snop  }
0x3b: {  	_ = 	snop  }
0x3c: {  	p2 =	seq.s32 s10, $0x1;
	s10 =	sld [smem:$0x3FBA]  }
0x3d: {  	_ =	shalt  }
0x3e: {  	_ =	shalt  }
0x3f: {  	_ =	shalt  }
0x40: {  	_ =	shalt  }
0x41: {  	_ =	shalt  }
0x42: {  	_ =	shalt  }
0x43: {  	_ =	shalt  }
0x44: {  	_ =	shalt  }
0x45: {  	_ =	shalt  }
0x46: {  	_ =	shalt  }
0x47: {  	_ =	shalt  }
0x48: {  	_ =	shalt  }
0x49: {  	_ =	shalt  }
0x4a: {  	_ =	shalt  }
0x4b: {  	_ =	shalt  }
0x4c: {  	_ =	shalt  }
0x4d: {  	_ =	shalt  }
0x4e: {  	_ =	shalt  }
0x4f: {  	_ =	shalt  }
0x50: {  	_ =	shalt  }
0x51: {  	_ =	shalt  }
0x52: {  	_ =	shalt  }
0x53: {  	_ =	shalt  }
0x54: {  	_ =	shalt  }
0x55: {  	_ =	shalt  }
0x56: {  	_ =	shalt  }
0x57: {  	_ =	shalt  }
0x58: {  	_ =	shalt  }
0x59: {  	_ =	shalt  }
0x5a: {  	_ =	shalt  }
0x5b: {  	_ =	shalt  }
0x5c: {  	_ =	shalt  }
0x5d: {  	_ =	shalt  }
0x5e: {  	_ =	shalt  }
0x5f: {  	_ =	shalt  }
0x60: {  	_ =	shalt  }
0x61: {  	_ =	shalt  }
0x62: {  	_ =	shalt  }
0x63: {  	_ =	shalt  }
0x64: {  	_ =	shalt  }
0x65: {  	_ =	shalt  }
0x66: {  	_ =	shalt  }
0x67: {  	_ =	shalt  }
0x68: {  	_ =	shalt  }
0x69: {  	_ =	shalt  }
0x6a: {  	_ =	shalt  }
0x6b: {  	_ =	shalt  }
0x6c: {  	_ =	shalt  }
0x6d: {  	_ =	shalt  }
0x6e: {  	_ =	shalt  }
0x6f: {  	_ =	shalt  }
0x70: {  	_ =	shalt  }
0x71: {  	_ =	shalt  }
0x72: {  	_ =	shalt  }
0x73: {  	_ =	shalt  }
0x74: {  	_ =	shalt  }
0x75: {  	_ =	shalt  }
0x76: {  	_ =	shalt  }
0x77: {  	_ =	shalt  }
0x78: {  	_ =	shalt  }
0x79: {  	_ =	shalt  }
0x7a: {  	_ =	shalt  }
0x7b: {  	_ =	shalt  }
0x7c: {  	_ =	shalt  }
0x7d: {  	_ =	shalt  }
0x7e: {  	_ =	shalt  }
0x7f: {  	_ =	shalt  }
0x80: {  	_ =	shalt  }
0x81: {  	_ =	shalt  }
0x82: {  	_ =	shalt  }
0x83: {  	_ =	shalt  }
0x84: {  	_ =	shalt  }
0x85: {  	_ =	shalt  }
0x86: {  	_ =	shalt  }
0x87: {  	_ =	shalt  }
.Lfunc_end0:
.L_simem_size_0:
called_computation_lowered:
.L_overlay_start_0:
0x88: {  	s2 =	sld [smem:$0x3FD9]  }
0x89: {  	s3 =	sld [smem:$0x3FFE];
	_ =	sdelay $0x1  }
0x8a: {  	s1 =	srdreg.scid  }
0x8b: {  	s0 =	sand.u32 $0x1, s1  }
0x8c: {  	s17 =	sshll.u32 s0, $0xA;
	s2 =	sadd.s32 s3, s2  }
0x8d: {  	s2 =	sadd.s32 s2, s17  }
0x8e: {  	[smem:$0x3FC6] =	sst s2  }
0x8f: {  	_ = 	snop  }
0x90: {  	s2 =	sld [smem:$0x3FC8]  }
0x91: {  	s18 =	sld [smem:$0x3FD0];
	(tm) =	ssettm $0x1  }
0x92: {  	s4 =	sld [smem:$0x3FFB];
	_ =	sdelay $0x3  }
0x93: {  	_ =	strace s4  }
0x94: {  	s4 =	sld [smem:$0x3FFC];
	_ =	sdelay $0x3  }
0x95: {  	_ =	strace s4  }
0x96: {  	s4 =	sld [smem:$0x3FFD];
	_ =	sdelay $0x3  }
0x97: {  	_ =	strace s4  }
0x98: {  	_ =	strace $0x8FFFFFFF  }
0x99: {  	s19 =	sld [smem:$0x3FDB];
	_ =	sdelay $0x1  }
0x9a: {  	s5 =	simm.s32 $_scs_section_size  }
0x9b: {  	s6 =	simm.s32 $_size__tile_overlayer_lowered;
	s7 =	simm.s32 $_tile_overlayer_lowered  }
0x9c: {  	s22 =	simm.s32 $0x1BFF;
	s21 =	sshll.u32 s7, $0x1;
	s4 =	sadd.s32 s5, s19  }
0x9d: {  	s8 =	simm.s32 $0x0;
	s20 =	sshll.u32 s6, $0x1;
	s6 =	sadd.s32 s21, s4  }
0x9e: {  	[timem:s8], [sflag:s22] =	dma.local [hbm:s6], s20  }
0x9f: {  	_ =	swait.ge [sflag:s22], s20  }
0xa0: {  	s5 =	ssub.s32 $0x0, s20;
	[sflag:s22] =	ssyncset.done $0x0  }
0xa1: {  	[sflag:s22] =	ssyncadd.s32 s5;
	_ =	sdelay $0x1  }
0xa2: {  	s23 =	simm.s32 $0x1B8B  }
0xa3: {  	_ =	swait.ge [sflag:s23], $0x1  }
0xa4: {  	[sflag:s23] =	ssyncset.done $0x0  }
0xa5: {  	s25 =	simm.s32 $0x1B8E;
	s24 =	sld [smem:$0x3FFE];
	[sflag:s23] =	ssyncadd.s32 $0xFFFFFFFF  }
0xa6: {  	s26 =	simm.s32 $execute0_lowered;
	[smem:$0x3FD2] =	sst s25  }
0xa7: {  	s6 =	sshll.u32 s26, $0x1;
	_ =	strace $0x80000046;
	[dreg:$0x1] =	wrdreg $0xFFFFFFFF  }
0xa8: {  	s28 =	simm.s32 $_size_execute0_lowered;
	s4 =	sadd.s32 s4, s6;
	[dreg:$0x0] =	wrdreg $0x0  }
0xa9: {  	s6 =	sshll.u32 s28, $0x1;
	[dreg:$0x2] =	wrdreg s4  }
0xaa: {  	[dreg:$0x3] =	wrdreg s6  }
0xab: {  	[dreg:$0x4] =	wrdreg $0xC0  }
0xac: {  	_ =	task [dreg:s8], $0x5FFFF  }
0xad: {  	[dreg:$0x1] =	wrdreg $0xFFFFFFFF  }
0xae: {  	[dreg:$0x0] =	wrdreg $0x60  }
0xaf: {  	[dreg:$0x2] =	wrdreg s2  }
0xb0: {  	[dreg:$0x3] =	wrdreg s18  }
0xb1: {  	[dreg:$0x4] =	wrdreg s24  }
0xb2: {  	[dreg:$0x5] =	wrdreg $0x9  }
0xb3: {  	_ =	task.clear_ibuf [dreg:s8], $0x6FFFF;
	_ =	strace $0x90000046  }
0xb4: {  	s29 =	simm.s32 $0x9;
	_ =	strace $0x80000048  }
0xb5: {  	_ =	swait.ge [sflag:s29], $0x1  }
0xb6: {  	[sflag:s29] =	ssyncadd.s32 $0xFFFFFFFF  }
0xb7: {  	_ =	strace $0x90000048  }
0xb8: {  	_ =	sfence  }
0xb9: {  	s30 =	sld [smem:$0x0];
	_ =	sdelay $0x2  }
0xba: {  	s31 =	sshll.u32 s1, $0xD;
	s1 =	sshrl.u32 s1, $0x2  }
0xbb: {  	s3 =	sand.u32 $0x4000, s31;
	s1 =	sadd.s32 s1, s30  }
0xbc: {  	s0 =	sor.u32 s3, s0;
	s1 =	sshll.u32 s1, $0x11  }
0xbd: {  	s0 =	sor.u32 s1, s0  }
0xbe: {  	s0 =	sadd.s32 $0x8F2B, s0  }
0xbf: {  	[sflag:s0] =	ssyncadd.remote.s32 $0x1  }
0xc0: {  	_ =	sfence.sel $0xFFFF  }
0xc1: {  	[dreg:$0x0] =	wrdreg $0xFFFFFFFF;
	(pc) =	sbr.abs _section_cstart, $3  }
0xc2: {  	[dreg:$0x1] =	wrdreg $0xFFFFFFFF  }
0xc3: {  	_ =	task.clear_ibuf [dreg:s8], $0x2FFFF;
	_ =	strace $0x9FFFFFFF  }
0xc4: {  	(tm) =	ssettm $0x7FFFFFFF  }
0xc5: {  	_ =	shalt  }
tec
execute0_lowered:
.L_overlay_start_1:
0x0: {  	(tag) =	ssettag $0x1  }
0x1: {  	s1 =	rddreg [dreg:$0x0]  }
0x2: {  	s2 =	rddreg [dreg:$0x1]  }
0x3: {  	s0 =	rddreg [dreg:$0x2]  }
0x4: {  	s4 =	simm.s32 $0x0;
	s5 =	stileid.u32;
	s3 =	srdreg.scid  }
0x5: {  	s16 =	simm.s32 $0x6400;
	s18 =	simm.s32 $0x3;
	s19 =	simm.s32 $0x1  }
0x6: {  	s20 =	simm.s32 $0xEE00;
	s21 =	simm.s32 $0x2;
	s22 =	simm.s32 $0x0  }
0x7: {  	[smem:$0x7FF] =	sst s4;
	s5 =	smul.u32 $0x1900, s5;
	s3 =	sand.u32 $0x1, s3  }
0x8: {  	s7 =	sadd.s32 $0x400, s0;
	_ =	strace $0x80000047;
	s10 =	smul.u32 $0x4F6C000, s3  }
0x9: {  	s8 =	ssub.s32 $0x2, s3;
	s13 =	smul.u32 $0x1A00, s3;
	s11 =	smin.u32 s5, $0x16E00  }
0xa: {  	s15 =	smul.u32 $0xD000, s3;
	s9 =	sshrl.u32 s8, $0x1;
	s6 =	sshll.u32 s11, $0x3  }
.Ltmp0:
0xb: {  	s31 =	ssub.s32 s8, s9;
	s8 =	sadd.s32 $0x6400, s6;
	(pc) =	sbr.rel .LBB2_1-.Ltmp0, $4  }
0xc: {  	s14 =	sshrl.u32 s10, $0x3;
	s12 =	sadd.s32 s10, s8;
	s10 =	sadd.s32 s1, s11  }
0xd: {  	s5 =	smul.u32 $0xD, s3;
	s12 =	sshrl.u32 s12, $0x3;
	s14 =	sadd.s32 s14, s10  }
0xe: {  	v1 =	vlaneseq.u32;
	v2 =	vimm.s32 $0x0;
	s13 =	sadd.s32 s2, s13;
	[dreg:$0x4] =	wrdreg s14;
	s12 =	sadd.s32 s1, s12  }
0xf: {  	v3 =	vor.u32 $0x100, v1;
	v4 =	vmul.u32 $0x80, v1;
	v0 =	vmov s11;
	s9 =	sadd.s32 $0xC, s5;
	s14 =	smax.u32 s31, $0x1;
	[dreg:$0x5] =	wrdreg s12  }
.LBB2_73:
0x10: {  	_ =	swait.ge [sflag:s19], $0x6400  }
0x11: {  	[sflag:s19] =	ssyncset.done $0x0  }
0x12: {  	s22 =	sadd.s32 $0x1, s22;
	[sflag:s19] =	ssyncadd.s32 $0xFFFF9C00  }
0x13: {  	p0 =	sne.s32 s22, s14;
	_ =	swait.ge [sflag:s21], $0x6400  }
.Ltmp1:
0x14: {  	[sflag:s21] =	ssyncset.done $0x0;
	(pc) =	sbr.rel @!p0 .LBB2_74-.Ltmp1, $4  }
0x15: {  	[sflag:s21] =	ssyncadd.s32 $0xFFFF9C00  }
0x16: {  	_ =	swait.ge [sflag:s18], $0x1000  }
0x17: {  	[sflag:s18] =	ssyncset.done $0x0  }
0x18: {  	[sflag:s18] =	ssyncadd.s32 $0xFFFFF000  }
.LBB2_1:
0x19: {  	s0 =	rddreg [dreg:$0x4]  }
0x1a: {  	[tilespmem:s4], [sflag:$0x1] =	stream.linear.gather [hbm4b:s0+s4], $0x6400, $0x38;
	[tilespmem:$0x1EE00] =	vst v63  }
.Ltmp2:
0x1b: {  	_ = 	snop;
	(pc) =	sbr.rel .LBB2_2-.Ltmp2, $4  }
0x1c: {  	s30 =	rddreg [dreg:$0x5];
	s31 =	simm.s32 $0xC800  }
0x1d: {  	[tilespmem:s16], [sflag:$0x2] =	stream.linear.gather [hbm4b:s30+s4], $0x6400, $0x38;
	[tilespmem:$0x1EE00] =	vst v63  }
0x1e: {  	s23 =	simm.s32 $0x0;
	s24 =	smov.u32 s15;
	s25 =	simm.s32 $0x0  }
0x1f: {  	[tilespmem:s31], [sflag:$0x3] =	stream.linear.gather [hbm4b:s13+s4], $0x1000, $0x38;
	[tilespmem:$0x1EE00] =	vst v63  }
.LBB2_71:
0x20: {  	_ =	sdelay $0x3  }
0x21: {  	[tilespmem:v6+s20+$0x0] =	vst.idx.msk $0xffff, v5  }
.LBB2_72:
0x22: {  	s0 =	sadd.s32 s8, s0  }
0x23: {  	p1 =	slt.s32 s28, $0x1;
	p0 =	slt.s32 s26, $0x1;
	s0 =	sshrl.u32 s0, $0x3  }
0x24: {  	s3 =	simm.s32 @!p1 $0xEC00;
	s11 =	simm.s32 @!p1 $0xEE00;
	p3 =	slt.u32 @!p1 s28, $0x81  }
0x25: {  	p2 =	slt.u32 @!p0 s26, $0x81;
	p6 =	por @!p1 $0x0, $0x0;
	s0 =	sadd.s32 s1, s0  }
0x26: {  	[tilespmem:s16], [sflag:$0x2] =	stream.linear.gather [hbm4b:s0+s4], $0x6400, $0x38;
	[tilespmem:$0x1EE00] =	vst v63  }
0x27: {  	p5 =	por p3, p1;
	p4 =	por p2, p0;
	s0 =	simm.s32 @!p1 $0x80  }
0x28: {  	[hbm4b:s7+s0] =	stream.indirect.scatter @!p1 [tilespmem:s11], [sflag:$0x4], $0x80, s3, s0, $0xb8;
	[tilespmem:$0x1EE00] =	vst v63  }
0x29: {  	s0 =	simm.s32 @!p5 $0x80;
	s3 =	simm.s32 @!p5 $0xEC80;
	s11 =	simm.s32 @!p5 $0x12E00  }
0x2a: {  	[hbm4b:s7+s0] =	stream.indirect.scatter @!p5 [tilespmem:s11], [sflag:$0x4], $0x80, s3, s0, $0xb8;
	[tilespmem:$0x1EE00] =	vst v63  }
0x2b: {  	s0 =	simm.s32 @!p0 $0x80;
	s3 =	simm.s32 @!p0 $0xED00;
	s11 =	simm.s32 @!p0 $0x16E00  }
0x2c: {  	[hbm4b:s7+s0] =	stream.indirect.scatter @!p0 [tilespmem:s11], [sflag:$0x4], $0x80, s3, s0, $0xb8;
	[tilespmem:$0x1EE00] =	vst v63  }
0x2d: {  	s0 =	simm.s32 @!p4 $0x80;
	s3 =	simm.s32 @!p4 $0xED80;
	s11 =	simm.s32 @!p4 $0x1AE00  }
0x2e: {  	[hbm4b:s7+s0] =	stream.indirect.scatter @!p4 [tilespmem:s11], [sflag:$0x4], $0x80, s3, s0, $0xb8;
	[tilespmem:$0x1EE00] =	vst v63  }
0x2f: {  	p3 =	por !p3, p1;
	p5 =	por @!p5 $0x1, $0x1;
	s0 =	simm.s32 @!p1 $0x4  }
0x30: {  	p5 =	por @!p3 p6, p6;
	p3 =	por $0x0, $0x0;
	_ =	swait.ge @!p1 [sflag:s0], $0x4000  }
0x31: {  	p3 =	por @!p1 p5, p5;
	[sflag:s0] =	ssyncset.done @!p1 $0x0  }
0x32: {  	[sflag:s0] =	ssyncadd.s32 @!p1 $0xFFFFC000;
	s0 =	simm.s32 @p3 $0x4  }
0x33: {  	_ =	swait.ge @p3 [sflag:s0], $0x4000  }
0x34: {  	s25 =	sadd.s32 $0x1, s25;
	[sflag:s0] =	ssyncset.done @p3 $0x0  }
0x35: {  	p2 =	por !p2, p0;
	[sflag:s0] =	ssyncadd.s32 @p3 $0xFFFFC000;
	s0 =	simm.s32 @!p0 $0x4  }
0x36: {  	p4 =	por @!p4 $0x1, $0x1;
	p1 =	por @!p0 $0x0, $0x0;
	_ =	swait.ge @!p0 [sflag:s0], $0x4000  }
0x37: {  	p4 =	por @!p2 p1, p1;
	p1 =	por $0x0, $0x0;
	[sflag:s0] =	ssyncset.done @!p0 $0x0  }
0x38: {  	p1 =	por @!p0 p4, p4;
	[sflag:s0] =	ssyncadd.s32 @!p0 $0xFFFFC000;
	p0 =	sne.s32 s25, $0xD  }
.Ltmp3:
0x39: {  	_ = 	snop;
	(pc) =	sbr.rel @!p0 .LBB2_73-.Ltmp3, $4  }
0x3a: {  	s0 =	simm.s32 @p1 $0x4  }
0x3b: {  	_ =	swait.ge @p1 [sflag:s0], $0x4000  }
0x3c: {  	[sflag:s0] =	ssyncset.done @p1 $0x0  }
0x3d: {  	s24 =	sadd.s32 $0x1000, s24;
	s23 =	sadd.s32 $0x1000, s23;
	[sflag:s0] =	ssyncadd.s32 @p1 $0xFFFFC000  }
.LBB2_2:
0x3e: {  	s0 =	sadd.s32 s5, s25  }
0x3f: {  	s11 =	sxor.u32 $0xFFFFFFFF, s25;
	s29 =	smov.u32 s9;
	s3 =	sadd.s32 $0x1, s0  }
0x40: {  	_ =	swait.ge [sflag:s18], $0x1000;
	s31 =	simm.s32 $0x1A000;
	p0 =	slt.s32 s3, s9  }
0x41: {  	s12 =	simm.s32 $0xE800;
	s11 =	sshll.u32 s11, $0xC;
	s29 =	smov.u32 @p0 s3  }
0x42: {  	[sflag:s18] =	ssyncset.done $0x0;
	s26 =	sand.u32 $0x1000, s11;
	s30 =	sshll.u32 s29, $0x9  }
0x43: {  	[sflag:s18] =	ssyncadd.s32 $0xFFFFF000;
	s3 =	sor.u32 $0xC800, s26;
	s11 =	sadd.s32 s2, s30  }
0x44: {  	[tilespmem:s3], [sflag:$0x3] =	stream.linear.gather [hbm4b:s11+s4], $0x1000, $0x38;
	[tilespmem:$0x1EE00] =	vst v63  }
0x45: {  	v5 =	vor.u32 s31, v1;
	s11 =	simm.s32 $0xE900;
	[tilespmem:s12+$0x0] =	vst v2  }
0x46: {  	s12 =	simm.s32 $0xEA00;
	[tilespmem:s11+$0x0] =	vst v5  }
0x47: {  	s17 =	simm.s32 $0xEB00;
	v5 =	vor.u32 s31, v3;
	[tilespmem:s12+$0x0] =	vst v2  }
0x48: {  	s28 =	simm.s32 $0xE810;
	s26 =	simm.s32 $0x1A010;
	[tilespmem:s17+$0x0] =	vst v5  }
.LBB2_3:
0x49: {  	[tilespmem:s28+$0x0] =	vst v2;
	p0 =	sne.s32 s26, $0x1A0F0  }
.Ltmp4:
0x4a: {  	(pc) =	sbr.rel @p0 .LBB2_3-.Ltmp4, $4  }
0x4b: {  	v5 =	vor.u32 s26, v1;
	s11 =	sadd.s32 $0x10, s11  }
0x4c: {  	s12 =	sadd.s32 $0x10, s12;
	[tilespmem:s11+$0x0] =	vst v5  }
0x4d: {  	s17 =	sadd.s32 $0x10, s17;
	v5 =	vor.u32 s26, v3;
	s26 =	sadd.s32 $0x10, s26;
	[tilespmem:s12+$0x0] =	vst v2  }
0x4e: {  	s28 =	sadd.s32 $0x10, s28;
	s3 =	simm.s32 $0x0;
	[tilespmem:s17+$0x0] =	vst v5  }
0x4f: {  	s11 =	sadd.s32 $0x0, s23  }
0x50: {  	s12 =	sand.u32 $0x70, s3;
	s11 =	sand.u32 $0x1F80, s11  }
0x51: {  	s11 =	sor.u32 s12, s11  }
0x52: {  	v5 =	vld [tilespmem:s11+$0xC800];
	_ =	sdelay $0x4  }
0x53: {  	v5 =	vsub.s32 v5, v0  }
0x54: {  	vm0 =	vlt.u32 v5, $0xC80;
	v6 =	vadd.s32 $0xFFFFF380, v5  }
0x55: {  	vm1 =	vlt.u32 v6, $0xC80;
	v7 =	vmpcnt.ones.xlane vm0  }
0x56: {  	v8 =	vmpcnt.ones.xlane vm1  }
0x57: {  	(v2sf) =	vpush v7, $0x0  }
0x58: {  	p0 =	por $0x1, $0x1;
	s11 =	simm.s32 $0x0;
	(v2sf) =	vpush v8, $0x0  }
0x59: {  	s26 =	sadd.s32 $0x0, s24;
	s11 =	simm.s32 @!p0 $0xF0  }
0x5a: {  	[tilespmem:s11+$0xE800] =	vst.msk vm0, v5;
	v7 =	vor.u32 s26, v1  }
0x5b: {  	s17 =	simm.s32 $0x10;
	s30 =	sadd.s32 $0x10, s23;
	[tilespmem:s11+$0xE900] =	vst.msk vm0, v7  }
0x5c: {  	s12 =	sand.u32 $0x1F80, s30;
	s26 =	sand.u32 $0x70, s17;
	[tilespmem:s11+$0xEA00] =	vst.msk vm1, v6  }
0x5d: {  	s12 =	sor.u32 s26, s12;
	[tilespmem:s11+$0xEB00] =	vst.msk vm1, v7  }
0x5e: {  	v5 =	vld [tilespmem:s12+$0xC800];
	_ =	sdelay $0x4  }
0x5f: {  	v6 =	vsub.s32 v5, v0  }
0x60: {  	vm1 =	vlt.u32 v6, $0xC80  }
0x61: {  	v5 =	vadd.s32 $0xFFFFF380, v6;
	v8 =	vmpcnt.ones.xlane vm1  }
0x62: {  	vm0 =	vlt.u32 v5, $0xC80;
	s31 =	spop (v2sf)  }
0x63: {  	s26 =	simm.s32 $0x20;
	v7 =	vmpcnt.ones.xlane vm0;
	(v2sf) =	vpush v8, $0x0;
	s12 =	sadd.s32 s11, s31;
	s28 =	spop (v2sf)  }
.LBB2_5:
0x64: {  	p0 =	slt.s32 s12, $0xF0  }
0x65: {  	(v2sf) =	vpush v7, $0x0;
	s11 =	sadd.s32 s11, s28;
	s28 =	smov.u32 s26;
	s30 =	sadd.s32 $0x10, s26  }
0x66: {  	s17 =	sadd.s32 s17, s24;
	s12 =	simm.s32 @!p0 $0xF0;
	p1 =	slt.s32 s11, $0xF0  }
0x67: {  	p0 =	sne.s32 s26, $0xFF0;
	v7 =	vor.u32 s17, v1;
	s17 =	smov.u32 s28;
	[tilespmem:s12+$0xE800] =	vst.msk vm1, v6  }
0x68: {  	s26 =	sadd.s32 s17, s23;
	s11 =	simm.s32 @!p1 $0xF0;
	[tilespmem:s12+$0xE900] =	vst.msk vm1, v7  }
0x69: {  	s28 =	sand.u32 $0x70, s17;
	s26 =	sand.u32 $0x1F80, s26;
	[tilespmem:s11+$0xEA00] =	vst.msk vm0, v5  }
0x6a: {  	s26 =	sor.u32 s28, s26;
	[tilespmem:s11+$0xEB00] =	vst.msk vm0, v7  }
0x6b: {  	v5 =	vld [tilespmem:s26+$0xC800];
	_ =	sdelay $0x4  }
.Ltmp5:
0x6c: {  	v6 =	vsub.s32 v5, v0;
	(pc) =	sbr.rel @p0 .LBB2_5-.Ltmp5, $4  }
0x6d: {  	vm1 =	vlt.u32 v6, $0xC80;
	v5 =	vadd.s32 $0xFFFFF380, v6  }
0x6e: {  	vm0 =	vlt.u32 v5, $0xC80;
	v8 =	vmpcnt.ones.xlane vm1  }
0x6f: {  	v7 =	vmpcnt.ones.xlane vm0;
	s26 =	spop (v2sf)  }
0x70: {  	(v2sf) =	vpush v8, $0x0;
	s12 =	sadd.s32 s12, s26;
	s28 =	spop (v2sf);
	s26 =	smov.u32 s30  }
0x71: {  	p0 =	slt.s32 s12, $0xF0  }
0x72: {  	(v2sf) =	vpush v7, $0x0;
	s11 =	sadd.s32 s11, s28;
	s17 =	sadd.s32 s17, s24;
	s12 =	simm.s32 @!p0 $0xF0  }
0x73: {  	p0 =	slt.s32 s11, $0xF0;
	v7 =	vor.u32 s17, v1;
	[tilespmem:s12+$0xE800] =	vst.msk vm1, v6  }
0x74: {  	s11 =	simm.s32 @!p0 $0xF0;
	[tilespmem:s12+$0xE900] =	vst.msk vm1, v7  }
0x75: {  	[tilespmem:s11+$0xEA00] =	vst.msk vm0, v5  }
0x76: {  	s31 =	simm.s32 $0x0;
	[tilespmem:s11+$0xEB00] =	vst.msk vm0, v7  }
0x77: {  	v5 =	vld [tilespmem:s31+$0xE900];
	_ =	sdelay $0x1  }
0x78: {  	s26 =	simm.s32 $0x0  }
0x79: {  	s28 =	sand.u32 $0x70, s3;
	s26 =	sand.u32 $0x80, s26  }
0x7a: {  	s30 =	sor.u32 s28, s26  }
0x7b: {  	[tilespmem:s30+$0xEC00] =	vst v5  }
0x7c: {  	v5 =	vld [tilespmem:s31+$0xEB00];
	_ =	sdelay $0x2  }
0x7d: {  	s26 =	spop (v2sf)  }
0x7e: {  	s17 =	simm.s32 $0x80;
	s31 =	spop (v2sf);
	s28 =	sadd.s32 s12, s26  }
0x7f: {  	s12 =	simm.s32 $0x40;
	s26 =	sadd.s32 s11, s31;
	s11 =	simm.s32 $0x10;
	[tilespmem:s30+$0xED00] =	vst v5  }
.LBB2_7:
0x80: {  	p0 =	sne.s32 s17, $0x3C0;
	v5 =	vld [tilespmem:s11+$0xE900];
	_ =	sdelay $0x1  }
0x81: {  	s30 =	sshrl.u32 s12, $0x2;
	s3 =	sadd.s32 $0x10, s3;
	s12 =	smov.u32 s17  }
0x82: {  	s31 =	sand.u32 $0x70, s3;
	s30 =	sand.u32 $0x80, s30  }
0x83: {  	s30 =	sor.u32 s31, s30  }
0x84: {  	[tilespmem:s30+$0xEC00] =	vst v5  }
0x85: {  	v5 =	vld [tilespmem:s11+$0xEB00]  }
.Ltmp6:
0x86: {  	(pc) =	sbr.rel @p0 .LBB2_7-.Ltmp6, $2  }
0x87: {  	_ =	sdelay $0x2  }
0x88: {  	s17 =	sadd.s32 $0x40, s17;
	s11 =	sshra.s32 s12, $0x2;
	[tilespmem:s30+$0xED00] =	vst v5  }
0x89: {  	v5 =	vld [tilespmem:s11+$0xE900];
	_ =	sdelay $0x1  }
0x8a: {  	s12 =	sshrl.u32 s12, $0x2;
	s3 =	sadd.s32 $0x10, s3  }
0x8b: {  	s3 =	sand.u32 $0x70, s3;
	s12 =	sand.u32 $0x80, s12  }
0x8c: {  	s3 =	sor.u32 s3, s12  }
0x8d: {  	[tilespmem:s3+$0xEC00] =	vst v5  }
0x8e: {  	v5 =	vld [tilespmem:s11+$0xEB00];
	s11 =	sadd.s32 $0xF, s28  }
0x8f: {  	s31 =	sand.u32 $0xF, s11  }
0x90: {  	s17 =	sshra.s32 s11, $0x1F;
	p1 =	slt.s32 s11, $0x1;
	p0 =	sne.s32 s31, $0x0  }
0x91: {  	s12 =	sshrl.u32 s17, $0x1C;
	p0 =	por !p1, !p0  }
0x92: {  	s11 =	sadd.s32 s12, s11;
	s12 =	simm.s32 $0x1;
	p0 =	por !p0, !p0  }
0x93: {  	s31 =	sshra.s32 s11, $0x4;
	s12 =	simm.s32 @!p0 $0x0  }
0x94: {  	s30 =	ssub.s32 s31, s12  }
0x95: {  	p0 =	slt.s32 s30, $0x1  }
.Ltmp7:
0x96: {  	_ = 	snop;
	(pc) =	sbr.rel @p0 .LBB2_12-.Ltmp7, $4  }
0x97: {  	[tilespmem:s3+$0xED00] =	vst v5  }
0x98: {  	_ =	swait.ge [sflag:s19], $0x6400  }
0x99: {  	[sflag:s19] =	ssyncset.done $0x0  }
0x9a: {  	[sflag:s19] =	ssyncadd.s32 $0xFFFF9C00  }
0x9b: {  	s3 =	simm.s32 $0xE800  }
0x9c: {  	v5 =	vld [tilespmem:s3+$0x0];
	_ =	sdelay $0x4  }
0x9d: {  	v6 =	vshll.u32 v5, $0x3  }
0x9e: {  	v5 =	vand.u32 $0x7F, v5;
	v6 =	vand.u32 $0xFFFFFC00, v6  }
0x9f: {  	v5 =	vor.u32 v5, v6;
	_ =	sdelay $0x1  }
0xa0: {  	s11 =	simm.s32 $0x0  }
0xa1: {  	v6 =	vmov s11  }
0xa2: {  	v6 =	vshll.u32 v6, $0x7  }
0xa3: {  	v6 =	vor.u32 v4, v6;
	v7 =	vld.idx.msk [tilespmem:v5+s4+$0x0], $0xffff  }
0xa4: {  	v8 =	vor.u32 $0x80, v5;
	_ =	sdelay $0x3  }
0xa5: {  	[tilespmem:v6+s20+$0x0] =	vst.idx.msk $0xffff, v7  }
0xa6: {  	v7 =	vld.idx.msk [tilespmem:v8+s4+$0x0], $0xffff;
	v8 =	vor.u32 $0x1, v6  }
0xa7: {  	v9 =	vor.u32 $0x100, v5;
	_ =	sdelay $0x3  }
0xa8: {  	[tilespmem:v8+s20+$0x0] =	vst.idx.msk $0xffff, v7  }
0xa9: {  	v8 =	vor.u32 $0x2, v6;
	v7 =	vld.idx.msk [tilespmem:v9+s4+$0x0], $0xffff  }
0xaa: {  	v60 =	vor.u32 $0x180, v5;
	_ =	sdelay $0x3  }
0xab: {  	[tilespmem:v8+s20+$0x0] =	vst.idx.msk $0xffff, v7  }
0xac: {  	v8 =	vor.u32 $0x3, v6;
	v7 =	vld.idx.msk [tilespmem:v60+s4+$0x0], $0xffff  }
0xad: {  	v61 =	vor.u32 $0x200, v5;
	_ =	sdelay $0x3  }
0xae: {  	[tilespmem:v8+s20+$0x0] =	vst.idx.msk $0xffff, v7  }
0xaf: {  	v8 =	vor.u32 $0x4, v6;
	v7 =	vld.idx.msk [tilespmem:v61+s4+$0x0], $0xffff  }
0xb0: {  	v62 =	vor.u32 $0x280, v5;
	_ =	sdelay $0x3  }
0xb1: {  	[tilespmem:v8+s20+$0x0] =	vst.idx.msk $0xffff, v7  }
0xb2: {  	v8 =	vor.u32 $0x5, v6;
	v7 =	vld.idx.msk [tilespmem:v62+s4+$0x0], $0xffff  }
0xb3: {  	v63 =	vor.u32 $0x300, v5;
	_ =	sdelay $0x3  }
0xb4: {  	[tilespmem:v8+s20+$0x0] =	vst.idx.msk $0xffff, v7  }
0xb5: {  	v8 =	vor.u32 $0x6, v6;
	v7 =	vld.idx.msk [tilespmem:v63+s4+$0x0], $0xffff  }
0xb6: {  	p1 =	sne.s32 s30, $0x1;
	v5 =	vor.u32 $0x380, v5  }
.Ltmp8:
0xb7: {  	_ = 	snop;
	(pc) =	sbr.rel @!p1 .LBB2_11-.Ltmp8, $3  }
0xb8: {  	_ =	sdelay $0x1  }
0xb9: {  	[tilespmem:v8+s20+$0x0] =	vst.idx.msk $0xffff, v7  }
0xba: {  	s12 =	sadd.s32 $0xFFFFFFFF, s30;
	v6 =	vor.u32 $0x7, v6;
	v5 =	vld.idx.msk [tilespmem:v5+s4+$0x0], $0xffff  }
.LBB2_10:
0xbb: {  	_ =	sdelay $0x3  }
0xbc: {  	p1 =	sne.s32 s12, $0x1;
	s3 =	sadd.s32 $0x10, s3;
	s11 =	sadd.s32 $0x10, s11;
	[tilespmem:v6+s20+$0x0] =	vst.idx.msk $0xffff, v5  }
0xbd: {  	s12 =	sadd.s32 $0xFFFFFFFF, s12;
	v5 =	vld [tilespmem:s3+$0x0];
	_ =	sdelay $0x4  }
0xbe: {  	v6 =	vshll.u32 v5, $0x3  }
0xbf: {  	v5 =	vand.u32 $0x7F, v5;
	v6 =	vand.u32 $0xFFFFFC00, v6  }
0xc0: {  	v5 =	vor.u32 v5, v6;
	_ =	sdelay $0x3  }
0xc1: {  	v6 =	vmov s11  }
0xc2: {  	v6 =	vshll.u32 v6, $0x7;
	v7 =	vld.idx.msk [tilespmem:v5+s4+$0x0], $0xffff  }
0xc3: {  	v6 =	vor.u32 v4, v6  }
0xc4: {  	v8 =	vor.u32 $0x80, v5;
	_ =	sdelay $0x3  }
0xc5: {  	[tilespmem:v6+s20+$0x0] =	vst.idx.msk $0xffff, v7  }
0xc6: {  	v7 =	vld.idx.msk [tilespmem:v8+s4+$0x0], $0xffff  }
0xc7: {  	v8 =	vor.u32 $0x1, v6  }
0xc8: {  	v9 =	vor.u32 $0x100, v5;
	_ =	sdelay $0x3  }
0xc9: {  	[tilespmem:v8+s20+$0x0] =	vst.idx.msk $0xffff, v7  }
0xca: {  	v7 =	vld.idx.msk [tilespmem:v9+s4+$0x0], $0xffff  }
0xcb: {  	v8 =	vor.u32 $0x2, v6  }
0xcc: {  	v9 =	vor.u32 $0x180, v5;
	_ =	sdelay $0x3  }
0xcd: {  	[tilespmem:v8+s20+$0x0] =	vst.idx.msk $0xffff, v7  }
0xce: {  	v7 =	vld.idx.msk [tilespmem:v9+s4+$0x0], $0xffff  }
0xcf: {  	v8 =	vor.u32 $0x3, v6  }
0xd0: {  	v9 =	vor.u32 $0x200, v5;
	_ =	sdelay $0x3  }
0xd1: {  	[tilespmem:v8+s20+$0x0] =	vst.idx.msk $0xffff, v7  }
0xd2: {  	v7 =	vld.idx.msk [tilespmem:v9+s4+$0x0], $0xffff  }
0xd3: {  	v8 =	vor.u32 $0x4, v6  }
0xd4: {  	v9 =	vor.u32 $0x280, v5;
	_ =	sdelay $0x3  }
0xd5: {  	[tilespmem:v8+s20+$0x0] =	vst.idx.msk $0xffff, v7  }
0xd6: {  	v7 =	vld.idx.msk [tilespmem:v9+s4+$0x0], $0xffff  }
0xd7: {  	v8 =	vor.u32 $0x5, v6  }
0xd8: {  	v9 =	vor.u32 $0x300, v5;
	_ =	sdelay $0x3  }
0xd9: {  	[tilespmem:v8+s20+$0x0] =	vst.idx.msk $0xffff, v7  }
0xda: {  	v7 =	vld.idx.msk [tilespmem:v9+s4+$0x0], $0xffff  }
0xdb: {  	v8 =	vor.u32 $0x6, v6  }
0xdc: {  	v5 =	vor.u32 $0x380, v5;
	_ =	sdelay $0x1  }
.Ltmp9:
0xdd: {  	(pc) =	sbr.rel @p1 .LBB2_10-.Ltmp9, $4  }
0xde: {  	_ = 	snop  }
0xdf: {  	[tilespmem:v8+s20+$0x0] =	vst.idx.msk $0xffff, v7  }
0xe0: {  	v5 =	vld.idx.msk [tilespmem:v5+s4+$0x0], $0xffff  }
0xe1: {  	v6 =	vor.u32 $0x7, v6  }
.LBB2_11:
0xe2: {  	_ =	sdelay $0x3  }
0xe3: {  	[tilespmem:v6+s20+$0x0] =	vst.idx.msk $0xffff, v5  }
.LBB2_12:
0xe4: {  	s3 =	smul.u32 $0x61C000, s0;
	_ =	sdelay $0x1  }
0xe5: {  	s0 =	sadd.s32 s6, s3  }
0xe6: {  	s11 =	sadd.s32 $0xF, s26;
	s0 =	sshrl.u32 s0, $0x3  }
0xe7: {  	s17 =	sand.u32 $0xF, s11;
	p2 =	slt.s32 s11, $0x1;
	s0 =	sadd.s32 s1, s0  }
0xe8: {  	p1 =	sne.s32 s17, $0x0;
	s17 =	sshra.s32 s11, $0x1F;
	s12 =	sadd.s32 $0x18700, s0  }
0xe9: {  	[tilespmem:s4], [sflag:$0x1] =	stream.linear.gather [hbm4b:s12+s4], $0x6400, $0x38;
	[tilespmem:$0x1EE00] =	vst v63  }
0xea: {  	p1 =	por !p2, !p1;
	s12 =	sshrl.u32 s17, $0x1C  }
0xeb: {  	p1 =	por !p1, !p1;
	s11 =	sadd.s32 s12, s11;
	s12 =	simm.s32 $0x1  }
0xec: {  	s11 =	sshra.s32 s11, $0x4;
	s12 =	simm.s32 @!p1 $0x0  }
0xed: {  	s31 =	ssub.s32 s11, s12  }
0xee: {  	p1 =	slt.s32 s31, $0x1  }
.Ltmp10:
0xef: {  	_ = 	snop;
	(pc) =	sbr.rel @p1 .LBB2_16-.Ltmp10, $4  }
0xf0: {  	_ = 	snop  }
0xf1: {  	_ =	swait.ge [sflag:s21], $0x6400  }
0xf2: {  	[sflag:s21] =	ssyncset.done $0x0  }
0xf3: {  	[sflag:s21] =	ssyncadd.s32 $0xFFFF9C00  }
0xf4: {  	s11 =	simm.s32 $0xEA00  }
0xf5: {  	v5 =	vld [tilespmem:s11+$0x0];
	_ =	sdelay $0x4  }
0xf6: {  	v6 =	vshll.u32 v5, $0x3  }
0xf7: {  	v5 =	vand.u32 $0x7F, v5;
	v6 =	vand.u32 $0xFFFFFC00, v6  }
0xf8: {  	v5 =	vor.u32 v5, v6;
	_ =	sdelay $0x1  }
0xf9: {  	s17 =	simm.s32 $0x100  }
0xfa: {  	v6 =	vmov s17  }
0xfb: {  	v6 =	vshll.u32 v6, $0x7  }
0xfc: {  	v6 =	vor.u32 v4, v6;
	v7 =	vld.idx.msk [tilespmem:v5+s16+$0x0], $0xffff  }
0xfd: {  	v8 =	vor.u32 $0x80, v5;
	_ =	sdelay $0x3  }
0xfe: {  	[tilespmem:v6+s20+$0x0] =	vst.idx.msk $0xffff, v7  }
0xff: {  	v7 =	vld.idx.msk [tilespmem:v8+s16+$0x0], $0xffff;
	v8 =	vor.u32 $0x1, v6  }
0x100: {  	v9 =	vor.u32 $0x100, v5;
	_ =	sdelay $0x3  }
0x101: {  	[tilespmem:v8+s20+$0x0] =	vst.idx.msk $0xffff, v7  }
0x102: {  	v8 =	vor.u32 $0x2, v6;
	v7 =	vld.idx.msk [tilespmem:v9+s16+$0x0], $0xffff  }
0x103: {  	v60 =	vor.u32 $0x180, v5;
	_ =	sdelay $0x3  }
0x104: {  	[tilespmem:v8+s20+$0x0] =	vst.idx.msk $0xffff, v7  }
0x105: {  	v8 =	vor.u32 $0x3, v6;
	v7 =	vld.idx.msk [tilespmem:v60+s16+$0x0], $0xffff  }
0x106: {  	v61 =	vor.u32 $0x200, v5;
	_ =	sdelay $0x3  }
0x107: {  	[tilespmem:v8+s20+$0x0] =	vst.idx.msk $0xffff, v7  }
0x108: {  	v8 =	vor.u32 $0x4, v6;
	v7 =	vld.idx.msk [tilespmem:v61+s16+$0x0], $0xffff  }
0x109: {  	v62 =	vor.u32 $0x280, v5;
	_ =	sdelay $0x3  }
0x10a: {  	[tilespmem:v8+s20+$0x0] =	vst.idx.msk $0xffff, v7  }
0x10b: {  	v8 =	vor.u32 $0x5, v6;
	v7 =	vld.idx.msk [tilespmem:v62+s16+$0x0], $0xffff  }
0x10c: {  	v63 =	vor.u32 $0x300, v5;
	_ =	sdelay $0x3  }
0x10d: {  	[tilespmem:v8+s20+$0x0] =	vst.idx.msk $0xffff, v7  }
0x10e: {  	v8 =	vor.u32 $0x6, v6;
	v7 =	vld.idx.msk [tilespmem:v63+s16+$0x0], $0xffff  }
0x10f: {  	p2 =	sne.s32 s31, $0x1;
	v5 =	vor.u32 $0x380, v5  }
.Ltmp11:
0x110: {  	_ = 	snop;
	(pc) =	sbr.rel @!p2 .LBB2_15-.Ltmp11, $3  }
0x111: {  	_ =	sdelay $0x1  }
0x112: {  	[tilespmem:v8+s20+$0x0] =	vst.idx.msk $0xffff, v7  }
0x113: {  	s12 =	sadd.s32 $0xFFFFFFFF, s31;
	v6 =	vor.u32 $0x7, v6;
	v5 =	vld.idx.msk [tilespmem:v5+s16+$0x0], $0xffff  }
.LBB2_14:
0x114: {  	_ =	sdelay $0x3  }
0x115: {  	p2 =	sne.s32 s12, $0x1;
	s11 =	sadd.s32 $0x10, s11;
	s17 =	sadd.s32 $0x10, s17;
	[tilespmem:v6+s20+$0x0] =	vst.idx.msk $0xffff, v5  }
0x116: {  	s12 =	sadd.s32 $0xFFFFFFFF, s12;
	v5 =	vld [tilespmem:s11+$0x0];
	_ =	sdelay $0x4  }
0x117: {  	v6 =	vshll.u32 v5, $0x3  }
0x118: {  	v5 =	vand.u32 $0x7F, v5;
	v6 =	vand.u32 $0xFFFFFC00, v6  }
0x119: {  	v5 =	vor.u32 v5, v6;
	_ =	sdelay $0x3  }
0x11a: {  	v6 =	vmov s17  }
0x11b: {  	v6 =	vshll.u32 v6, $0x7;
	v7 =	vld.idx.msk [tilespmem:v5+s16+$0x0], $0xffff  }
0x11c: {  	v6 =	vor.u32 v4, v6  }
0x11d: {  	v8 =	vor.u32 $0x80, v5;
	_ =	sdelay $0x3  }
0x11e: {  	[tilespmem:v6+s20+$0x0] =	vst.idx.msk $0xffff, v7  }
0x11f: {  	v7 =	vld.idx.msk [tilespmem:v8+s16+$0x0], $0xffff  }
0x120: {  	v8 =	vor.u32 $0x1, v6  }
0x121: {  	v9 =	vor.u32 $0x100, v5;
	_ =	sdelay $0x3  }
0x122: {  	[tilespmem:v8+s20+$0x0] =	vst.idx.msk $0xffff, v7  }
0x123: {  	v7 =	vld.idx.msk [tilespmem:v9+s16+$0x0], $0xffff  }
0x124: {  	v8 =	vor.u32 $0x2, v6  }
0x125: {  	v9 =	vor.u32 $0x180, v5;
	_ =	sdelay $0x3  }
0x126: {  	[tilespmem:v8+s20+$0x0] =	vst.idx.msk $0xffff, v7  }
0x127: {  	v7 =	vld.idx.msk [tilespmem:v9+s16+$0x0], $0xffff  }
0x128: {  	v8 =	vor.u32 $0x3, v6  }
0x129: {  	v9 =	vor.u32 $0x200, v5;
	_ =	sdelay $0x3  }
0x12a: {  	[tilespmem:v8+s20+$0x0] =	vst.idx.msk $0xffff, v7  }
0x12b: {  	v7 =	vld.idx.msk [tilespmem:v9+s16+$0x0], $0xffff  }
0x12c: {  	v8 =	vor.u32 $0x4, v6  }
0x12d: {  	v9 =	vor.u32 $0x280, v5;
	_ =	sdelay $0x3  }
0x12e: {  	[tilespmem:v8+s20+$0x0] =	vst.idx.msk $0xffff, v7  }
0x12f: {  	v7 =	vld.idx.msk [tilespmem:v9+s16+$0x0], $0xffff  }
0x130: {  	v8 =	vor.u32 $0x5, v6  }
0x131: {  	v9 =	vor.u32 $0x300, v5;
	_ =	sdelay $0x3  }
0x132: {  	[tilespmem:v8+s20+$0x0] =	vst.idx.msk $0xffff, v7  }
0x133: {  	v7 =	vld.idx.msk [tilespmem:v9+s16+$0x0], $0xffff  }
0x134: {  	v8 =	vor.u32 $0x6, v6  }
0x135: {  	v5 =	vor.u32 $0x380, v5;
	_ =	sdelay $0x1  }
.Ltmp12:
0x136: {  	(pc) =	sbr.rel @p2 .LBB2_14-.Ltmp12, $4  }
0x137: {  	_ = 	snop  }
0x138: {  	[tilespmem:v8+s20+$0x0] =	vst.idx.msk $0xffff, v7  }
0x139: {  	v5 =	vld.idx.msk [tilespmem:v5+s16+$0x0], $0xffff  }
0x13a: {  	v6 =	vor.u32 $0x7, v6  }
.LBB2_15:
0x13b: {  	_ =	sdelay $0x3  }
0x13c: {  	[tilespmem:v6+s20+$0x0] =	vst.idx.msk $0xffff, v5  }
.LBB2_16:
0x13d: {  	s3 =	sadd.s32 s8, s3  }
0x13e: {  	s3 =	sshrl.u32 s3, $0x3  }
0x13f: {  	s3 =	sadd.s32 s1, s3  }
.Ltmp13:
0x140: {  	s17 =	simm.s32 $0x0;
	s11 =	sadd.s32 $0x18700, s3;
	(pc) =	sbr.rel @p0 .LBB2_20-.Ltmp13, $4  }
0x141: {  	[tilespmem:s16], [sflag:$0x2] =	stream.linear.gather [hbm4b:s11+s17], $0x6400, $0x38;
	[tilespmem:$0x1EE00] =	vst v63  }
0x142: {  	_ =	swait.ge [sflag:s19], $0x6400  }
0x143: {  	[sflag:s19] =	ssyncset.done $0x0  }
0x144: {  	s11 =	simm.s32 $0xE800;
	[sflag:s19] =	ssyncadd.s32 $0xFFFF9C00  }
0x145: {  	v5 =	vld [tilespmem:s11+$0x0];
	_ =	sdelay $0x4  }
0x146: {  	v6 =	vshll.u32 v5, $0x3  }
0x147: {  	v5 =	vand.u32 $0x7F, v5;
	v6 =	vand.u32 $0xFFFFFC00, v6  }
0x148: {  	v5 =	vor.u32 v5, v6;
	_ =	sdelay $0x1  }
0x149: {  	v6 =	vmov s17  }
0x14a: {  	v6 =	vshll.u32 v6, $0x7  }
0x14b: {  	v6 =	vor.u32 v4, v6  }
0x14c: {  	v8 =	vor.u32 $0x8, v6;
	v7 =	vld.idx.msk [tilespmem:v5+s4+$0x0], $0xffff  }
0x14d: {  	v9 =	vor.u32 $0x80, v5;
	_ =	sdelay $0x3  }
0x14e: {  	[tilespmem:v8+s20+$0x0] =	vst.idx.msk $0xffff, v7  }
0x14f: {  	v8 =	vor.u32 $0x9, v6;
	v7 =	vld.idx.msk [tilespmem:v9+s4+$0x0], $0xffff  }
0x150: {  	v59 =	vor.u32 $0x100, v5;
	_ =	sdelay $0x3  }
0x151: {  	[tilespmem:v8+s20+$0x0] =	vst.idx.msk $0xffff, v7  }
0x152: {  	v8 =	vor.u32 $0xA, v6;
	v7 =	vld.idx.msk [tilespmem:v59+s4+$0x0], $0xffff  }
0x153: {  	v60 =	vor.u32 $0x180, v5;
	_ =	sdelay $0x3  }
0x154: {  	[tilespmem:v8+s20+$0x0] =	vst.idx.msk $0xffff, v7  }
0x155: {  	v8 =	vor.u32 $0xB, v6;
	v7 =	vld.idx.msk [tilespmem:v60+s4+$0x0], $0xffff  }
0x156: {  	v61 =	vor.u32 $0x200, v5;
	_ =	sdelay $0x3  }
0x157: {  	[tilespmem:v8+s20+$0x0] =	vst.idx.msk $0xffff, v7  }
0x158: {  	v8 =	vor.u32 $0xC, v6;
	v7 =	vld.idx.msk [tilespmem:v61+s4+$0x0], $0xffff  }
0x159: {  	v62 =	vor.u32 $0x280, v5;
	_ =	sdelay $0x3  }
0x15a: {  	[tilespmem:v8+s20+$0x0] =	vst.idx.msk $0xffff, v7  }
0x15b: {  	v8 =	vor.u32 $0xD, v6;
	v7 =	vld.idx.msk [tilespmem:v62+s4+$0x0], $0xffff  }
0x15c: {  	v63 =	vor.u32 $0x300, v5;
	_ =	sdelay $0x3  }
0x15d: {  	[tilespmem:v8+s20+$0x0] =	vst.idx.msk $0xffff, v7  }
0x15e: {  	v8 =	vor.u32 $0xE, v6;
	v7 =	vld.idx.msk [tilespmem:v63+s4+$0x0], $0xffff  }
0x15f: {  	p2 =	sne.s32 s30, $0x1;
	v5 =	vor.u32 $0x380, v5  }
.Ltmp14:
0x160: {  	_ = 	snop;
	(pc) =	sbr.rel @!p2 .LBB2_19-.Ltmp14, $3  }
0x161: {  	_ =	sdelay $0x1  }
0x162: {  	[tilespmem:v8+s20+$0x0] =	vst.idx.msk $0xffff, v7  }
0x163: {  	s12 =	sadd.s32 $0xFFFFFFFF, s30;
	v6 =	vor.u32 $0xF, v6;
	v5 =	vld.idx.msk [tilespmem:v5+s4+$0x0], $0xffff  }
.LBB2_18:
0x164: {  	_ =	sdelay $0x3  }
0x165: {  	p2 =	sne.s32 s12, $0x1;
	s11 =	sadd.s32 $0x10, s11;
	s17 =	sadd.s32 $0x10, s17;
	[tilespmem:v6+s20+$0x0] =	vst.idx.msk $0xffff, v5  }
0x166: {  	s12 =	sadd.s32 $0xFFFFFFFF, s12;
	v5 =	vld [tilespmem:s11+$0x0];
	_ =	sdelay $0x4  }
0x167: {  	v6 =	vshll.u32 v5, $0x3  }
0x168: {  	v5 =	vand.u32 $0x7F, v5;
	v6 =	vand.u32 $0xFFFFFC00, v6  }
0x169: {  	v5 =	vor.u32 v5, v6;
	_ =	sdelay $0x2  }
0x16a: {  	v6 =	vmov s17  }
0x16b: {  	v6 =	vshll.u32 v6, $0x7  }
0x16c: {  	v6 =	vor.u32 v4, v6;
	v7 =	vld.idx.msk [tilespmem:v5+s4+$0x0], $0xffff  }
0x16d: {  	v8 =	vor.u32 $0x8, v6  }
0x16e: {  	v9 =	vor.u32 $0x80, v5;
	_ =	sdelay $0x3  }
0x16f: {  	[tilespmem:v8+s20+$0x0] =	vst.idx.msk $0xffff, v7  }
0x170: {  	v7 =	vld.idx.msk [tilespmem:v9+s4+$0x0], $0xffff  }
0x171: {  	v8 =	vor.u32 $0x9, v6  }
0x172: {  	v9 =	vor.u32 $0x100, v5;
	_ =	sdelay $0x3  }
0x173: {  	[tilespmem:v8+s20+$0x0] =	vst.idx.msk $0xffff, v7  }
0x174: {  	v7 =	vld.idx.msk [tilespmem:v9+s4+$0x0], $0xffff  }
0x175: {  	v8 =	vor.u32 $0xA, v6  }
0x176: {  	v9 =	vor.u32 $0x180, v5;
	_ =	sdelay $0x3  }
0x177: {  	[tilespmem:v8+s20+$0x0] =	vst.idx.msk $0xffff, v7  }
0x178: {  	v7 =	vld.idx.msk [tilespmem:v9+s4+$0x0], $0xffff  }
0x179: {  	v8 =	vor.u32 $0xB, v6  }
0x17a: {  	v9 =	vor.u32 $0x200, v5;
	_ =	sdelay $0x3  }
0x17b: {  	[tilespmem:v8+s20+$0x0] =	vst.idx.msk $0xffff, v7  }
0x17c: {  	v7 =	vld.idx.msk [tilespmem:v9+s4+$0x0], $0xffff  }
0x17d: {  	v8 =	vor.u32 $0xC, v6  }
0x17e: {  	v9 =	vor.u32 $0x280, v5;
	_ =	sdelay $0x3  }
0x17f: {  	[tilespmem:v8+s20+$0x0] =	vst.idx.msk $0xffff, v7  }
0x180: {  	v7 =	vld.idx.msk [tilespmem:v9+s4+$0x0], $0xffff  }
0x181: {  	v8 =	vor.u32 $0xD, v6  }
0x182: {  	v9 =	vor.u32 $0x300, v5;
	_ =	sdelay $0x3  }
0x183: {  	[tilespmem:v8+s20+$0x0] =	vst.idx.msk $0xffff, v7  }
0x184: {  	v7 =	vld.idx.msk [tilespmem:v9+s4+$0x0], $0xffff  }
0x185: {  	v8 =	vor.u32 $0xE, v6  }
0x186: {  	v5 =	vor.u32 $0x380, v5;
	_ =	sdelay $0x1  }
.Ltmp15:
0x187: {  	(pc) =	sbr.rel @p2 .LBB2_18-.Ltmp15, $4  }
0x188: {  	_ = 	snop  }
0x189: {  	[tilespmem:v8+s20+$0x0] =	vst.idx.msk $0xffff, v7  }
0x18a: {  	v5 =	vld.idx.msk [tilespmem:v5+s4+$0x0], $0xffff  }
0x18b: {  	v6 =	vor.u32 $0xF, v6  }
.LBB2_19:
0x18c: {  	_ =	sdelay $0x3  }
0x18d: {  	[tilespmem:v6+s20+$0x0] =	vst.idx.msk $0xffff, v5  }
.LBB2_20:
.Ltmp16:
0x18e: {  	s11 =	sadd.s32 $0x30E00, s0;
	(pc) =	sbr.rel @p1 .LBB2_24-.Ltmp16, $4  }
0x18f: {  	[tilespmem:s4], [sflag:$0x1] =	stream.linear.gather [hbm4b:s11+s4], $0x6400, $0x38;
	[tilespmem:$0x1EE00] =	vst v63  }
0x190: {  	_ =	swait.ge [sflag:s21], $0x6400  }
0x191: {  	[sflag:s21] =	ssyncset.done $0x0  }
0x192: {  	[sflag:s21] =	ssyncadd.s32 $0xFFFF9C00  }
0x193: {  	s11 =	simm.s32 $0xEA00  }
0x194: {  	v5 =	vld [tilespmem:s11+$0x0];
	_ =	sdelay $0x4  }
0x195: {  	v6 =	vshll.u32 v5, $0x3  }
0x196: {  	v5 =	vand.u32 $0x7F, v5;
	v6 =	vand.u32 $0xFFFFFC00, v6  }
0x197: {  	v5 =	vor.u32 v5, v6  }
0x198: {  	s17 =	simm.s32 $0x100  }
0x199: {  	v6 =	vmov s17  }
0x19a: {  	v6 =	vshll.u32 v6, $0x7  }
0x19b: {  	v6 =	vor.u32 v4, v6  }
0x19c: {  	v8 =	vor.u32 $0x8, v6;
	v7 =	vld.idx.msk [tilespmem:v5+s16+$0x0], $0xffff  }
0x19d: {  	v9 =	vor.u32 $0x80, v5;
	_ =	sdelay $0x3  }
0x19e: {  	[tilespmem:v8+s20+$0x0] =	vst.idx.msk $0xffff, v7  }
0x19f: {  	v8 =	vor.u32 $0x9, v6;
	v7 =	vld.idx.msk [tilespmem:v9+s16+$0x0], $0xffff  }
0x1a0: {  	v59 =	vor.u32 $0x100, v5;
	_ =	sdelay $0x3  }
0x1a1: {  	[tilespmem:v8+s20+$0x0] =	vst.idx.msk $0xffff, v7  }
0x1a2: {  	v8 =	vor.u32 $0xA, v6;
	v7 =	vld.idx.msk [tilespmem:v59+s16+$0x0], $0xffff  }
0x1a3: {  	v60 =	vor.u32 $0x180, v5;
	_ =	sdelay $0x3  }
0x1a4: {  	[tilespmem:v8+s20+$0x0] =	vst.idx.msk $0xffff, v7  }
0x1a5: {  	v8 =	vor.u32 $0xB, v6;
	v7 =	vld.idx.msk [tilespmem:v60+s16+$0x0], $0xffff  }
0x1a6: {  	v61 =	vor.u32 $0x200, v5;
	_ =	sdelay $0x3  }
0x1a7: {  	[tilespmem:v8+s20+$0x0] =	vst.idx.msk $0xffff, v7  }
0x1a8: {  	v8 =	vor.u32 $0xC, v6;
	v7 =	vld.idx.msk [tilespmem:v61+s16+$0x0], $0xffff  }
0x1a9: {  	v62 =	vor.u32 $0x280, v5;
	_ =	sdelay $0x3  }
0x1aa: {  	[tilespmem:v8+s20+$0x0] =	vst.idx.msk $0xffff, v7  }
0x1ab: {  	v8 =	vor.u32 $0xD, v6;
	v7 =	vld.idx.msk [tilespmem:v62+s16+$0x0], $0xffff  }
0x1ac: {  	v63 =	vor.u32 $0x300, v5;
	_ =	sdelay $0x3  }
0x1ad: {  	[tilespmem:v8+s20+$0x0] =	vst.idx.msk $0xffff, v7  }
0x1ae: {  	v8 =	vor.u32 $0xE, v6;
	v7 =	vld.idx.msk [tilespmem:v63+s16+$0x0], $0xffff  }
0x1af: {  	p2 =	sne.s32 s31, $0x1;
	v5 =	vor.u32 $0x380, v5  }
.Ltmp17:
0x1b0: {  	_ = 	snop;
	(pc) =	sbr.rel @!p2 .LBB2_23-.Ltmp17, $3  }
0x1b1: {  	_ =	sdelay $0x1  }
0x1b2: {  	[tilespmem:v8+s20+$0x0] =	vst.idx.msk $0xffff, v7  }
0x1b3: {  	s12 =	sadd.s32 $0xFFFFFFFF, s31;
	v6 =	vor.u32 $0xF, v6;
	v5 =	vld.idx.msk [tilespmem:v5+s16+$0x0], $0xffff  }
.LBB2_22:
0x1b4: {  	_ =	sdelay $0x3  }
0x1b5: {  	p2 =	sne.s32 s12, $0x1;
	s11 =	sadd.s32 $0x10, s11;
	s17 =	sadd.s32 $0x10, s17;
	[tilespmem:v6+s20+$0x0] =	vst.idx.msk $0xffff, v5  }
0x1b6: {  	s12 =	sadd.s32 $0xFFFFFFFF, s12;
	v5 =	vld [tilespmem:s11+$0x0];
	_ =	sdelay $0x4  }
0x1b7: {  	v6 =	vshll.u32 v5, $0x3  }
0x1b8: {  	v5 =	vand.u32 $0x7F, v5;
	v6 =	vand.u32 $0xFFFFFC00, v6  }
0x1b9: {  	v5 =	vor.u32 v5, v6;
	_ =	sdelay $0x2  }
0x1ba: {  	v6 =	vmov s17  }
0x1bb: {  	v6 =	vshll.u32 v6, $0x7  }
0x1bc: {  	v6 =	vor.u32 v4, v6;
	v7 =	vld.idx.msk [tilespmem:v5+s16+$0x0], $0xffff  }
0x1bd: {  	v8 =	vor.u32 $0x8, v6  }
0x1be: {  	v9 =	vor.u32 $0x80, v5;
	_ =	sdelay $0x3  }
0x1bf: {  	[tilespmem:v8+s20+$0x0] =	vst.idx.msk $0xffff, v7  }
0x1c0: {  	v7 =	vld.idx.msk [tilespmem:v9+s16+$0x0], $0xffff  }
0x1c1: {  	v8 =	vor.u32 $0x9, v6  }
0x1c2: {  	v9 =	vor.u32 $0x100, v5;
	_ =	sdelay $0x3  }
0x1c3: {  	[tilespmem:v8+s20+$0x0] =	vst.idx.msk $0xffff, v7  }
0x1c4: {  	v7 =	vld.idx.msk [tilespmem:v9+s16+$0x0], $0xffff  }
0x1c5: {  	v8 =	vor.u32 $0xA, v6  }
0x1c6: {  	v9 =	vor.u32 $0x180, v5;
	_ =	sdelay $0x3  }
0x1c7: {  	[tilespmem:v8+s20+$0x0] =	vst.idx.msk $0xffff, v7  }
0x1c8: {  	v7 =	vld.idx.msk [tilespmem:v9+s16+$0x0], $0xffff  }
0x1c9: {  	v8 =	vor.u32 $0xB, v6  }
0x1ca: {  	v9 =	vor.u32 $0x200, v5;
	_ =	sdelay $0x3  }
0x1cb: {  	[tilespmem:v8+s20+$0x0] =	vst.idx.msk $0xffff, v7  }
0x1cc: {  	v7 =	vld.idx.msk [tilespmem:v9+s16+$0x0], $0xffff  }
0x1cd: {  	v8 =	vor.u32 $0xC, v6  }
0x1ce: {  	v9 =	vor.u32 $0x280, v5;
	_ =	sdelay $0x3  }
0x1cf: {  	[tilespmem:v8+s20+$0x0] =	vst.idx.msk $0xffff, v7  }
0x1d0: {  	v7 =	vld.idx.msk [tilespmem:v9+s16+$0x0], $0xffff  }
0x1d1: {  	v8 =	vor.u32 $0xD, v6  }
0x1d2: {  	v9 =	vor.u32 $0x300, v5;
	_ =	sdelay $0x3  }
0x1d3: {  	[tilespmem:v8+s20+$0x0] =	vst.idx.msk $0xffff, v7  }
0x1d4: {  	v7 =	vld.idx.msk [tilespmem:v9+s16+$0x0], $0xffff  }
0x1d5: {  	v8 =	vor.u32 $0xE, v6  }
0x1d6: {  	v5 =	vor.u32 $0x380, v5;
	_ =	sdelay $0x1  }
.Ltmp18:
0x1d7: {  	(pc) =	sbr.rel @p2 .LBB2_22-.Ltmp18, $4  }
0x1d8: {  	_ = 	snop  }
0x1d9: {  	[tilespmem:v8+s20+$0x0] =	vst.idx.msk $0xffff, v7  }
0x1da: {  	v5 =	vld.idx.msk [tilespmem:v5+s16+$0x0], $0xffff  }
0x1db: {  	v6 =	vor.u32 $0xF, v6  }
.LBB2_23:
0x1dc: {  	_ =	sdelay $0x3  }
0x1dd: {  	[tilespmem:v6+s20+$0x0] =	vst.idx.msk $0xffff, v5  }
.LBB2_24:
.Ltmp19:
0x1de: {  	s11 =	sadd.s32 $0x30E00, s3;
	s17 =	simm.s32 $0x0;
	(pc) =	sbr.rel @p0 .LBB2_28-.Ltmp19, $4  }
0x1df: {  	[tilespmem:s16], [sflag:$0x2] =	stream.linear.gather [hbm4b:s11+s17], $0x6400, $0x38;
	[tilespmem:$0x1EE00] =	vst v63  }
0x1e0: {  	_ =	swait.ge [sflag:s19], $0x6400  }
0x1e1: {  	[sflag:s19] =	ssyncset.done $0x0  }
0x1e2: {  	s11 =	simm.s32 $0xE800;
	[sflag:s19] =	ssyncadd.s32 $0xFFFF9C00  }
0x1e3: {  	v5 =	vld [tilespmem:s11+$0x0];
	_ =	sdelay $0x4  }
0x1e4: {  	v6 =	vshll.u32 v5, $0x3  }
0x1e5: {  	v5 =	vand.u32 $0x7F, v5;
	v6 =	vand.u32 $0xFFFFFC00, v6  }
0x1e6: {  	v5 =	vor.u32 v5, v6;
	_ =	sdelay $0x1  }
0x1e7: {  	v6 =	vmov s17  }
0x1e8: {  	v6 =	vshll.u32 v6, $0x7  }
0x1e9: {  	v6 =	vor.u32 v4, v6  }
0x1ea: {  	v8 =	vor.u32 $0x10, v6;
	v7 =	vld.idx.msk [tilespmem:v5+s4+$0x0], $0xffff  }
0x1eb: {  	v9 =	vor.u32 $0x80, v5;
	_ =	sdelay $0x3  }
0x1ec: {  	[tilespmem:v8+s20+$0x0] =	vst.idx.msk $0xffff, v7  }
0x1ed: {  	v8 =	vor.u32 $0x11, v6;
	v7 =	vld.idx.msk [tilespmem:v9+s4+$0x0], $0xffff  }
0x1ee: {  	v59 =	vor.u32 $0x100, v5;
	_ =	sdelay $0x3  }
0x1ef: {  	[tilespmem:v8+s20+$0x0] =	vst.idx.msk $0xffff, v7  }
0x1f0: {  	v8 =	vor.u32 $0x12, v6;
	v7 =	vld.idx.msk [tilespmem:v59+s4+$0x0], $0xffff  }
0x1f1: {  	v60 =	vor.u32 $0x180, v5;
	_ =	sdelay $0x3  }
0x1f2: {  	[tilespmem:v8+s20+$0x0] =	vst.idx.msk $0xffff, v7  }
0x1f3: {  	v8 =	vor.u32 $0x13, v6;
	v7 =	vld.idx.msk [tilespmem:v60+s4+$0x0], $0xffff  }
0x1f4: {  	v61 =	vor.u32 $0x200, v5;
	_ =	sdelay $0x3  }
0x1f5: {  	[tilespmem:v8+s20+$0x0] =	vst.idx.msk $0xffff, v7  }
0x1f6: {  	v8 =	vor.u32 $0x14, v6;
	v7 =	vld.idx.msk [tilespmem:v61+s4+$0x0], $0xffff  }
0x1f7: {  	v62 =	vor.u32 $0x280, v5;
	_ =	sdelay $0x3  }
0x1f8: {  	[tilespmem:v8+s20+$0x0] =	vst.idx.msk $0xffff, v7  }
0x1f9: {  	v8 =	vor.u32 $0x15, v6;
	v7 =	vld.idx.msk [tilespmem:v62+s4+$0x0], $0xffff  }
0x1fa: {  	v63 =	vor.u32 $0x300, v5;
	_ =	sdelay $0x3  }
0x1fb: {  	[tilespmem:v8+s20+$0x0] =	vst.idx.msk $0xffff, v7  }
0x1fc: {  	v8 =	vor.u32 $0x16, v6;
	v7 =	vld.idx.msk [tilespmem:v63+s4+$0x0], $0xffff  }
0x1fd: {  	p2 =	sne.s32 s30, $0x1;
	v5 =	vor.u32 $0x380, v5  }
.Ltmp20:
0x1fe: {  	_ = 	snop;
	(pc) =	sbr.rel @!p2 .LBB2_27-.Ltmp20, $3  }
0x1ff: {  	_ =	sdelay $0x1  }
0x200: {  	[tilespmem:v8+s20+$0x0] =	vst.idx.msk $0xffff, v7  }
0x201: {  	s12 =	sadd.s32 $0xFFFFFFFF, s30;
	v6 =	vor.u32 $0x17, v6;
	v5 =	vld.idx.msk [tilespmem:v5+s4+$0x0], $0xffff  }
.LBB2_26:
0x202: {  	_ =	sdelay $0x3  }
0x203: {  	p2 =	sne.s32 s12, $0x1;
	s11 =	sadd.s32 $0x10, s11;
	s17 =	sadd.s32 $0x10, s17;
	[tilespmem:v6+s20+$0x0] =	vst.idx.msk $0xffff, v5  }
0x204: {  	s12 =	sadd.s32 $0xFFFFFFFF, s12;
	v5 =	vld [tilespmem:s11+$0x0];
	_ =	sdelay $0x4  }
0x205: {  	v6 =	vshll.u32 v5, $0x3  }
0x206: {  	v5 =	vand.u32 $0x7F, v5;
	v6 =	vand.u32 $0xFFFFFC00, v6  }
0x207: {  	v5 =	vor.u32 v5, v6;
	_ =	sdelay $0x2  }
0x208: {  	v6 =	vmov s17  }
0x209: {  	v6 =	vshll.u32 v6, $0x7  }
0x20a: {  	v6 =	vor.u32 v4, v6;
	v7 =	vld.idx.msk [tilespmem:v5+s4+$0x0], $0xffff  }
0x20b: {  	v8 =	vor.u32 $0x10, v6  }
0x20c: {  	v9 =	vor.u32 $0x80, v5;
	_ =	sdelay $0x3  }
0x20d: {  	[tilespmem:v8+s20+$0x0] =	vst.idx.msk $0xffff, v7  }
0x20e: {  	v7 =	vld.idx.msk [tilespmem:v9+s4+$0x0], $0xffff  }
0x20f: {  	v8 =	vor.u32 $0x11, v6  }
0x210: {  	v9 =	vor.u32 $0x100, v5;
	_ =	sdelay $0x3  }
0x211: {  	[tilespmem:v8+s20+$0x0] =	vst.idx.msk $0xffff, v7  }
0x212: {  	v7 =	vld.idx.msk [tilespmem:v9+s4+$0x0], $0xffff  }
0x213: {  	v8 =	vor.u32 $0x12, v6  }
0x214: {  	v9 =	vor.u32 $0x180, v5;
	_ =	sdelay $0x3  }
0x215: {  	[tilespmem:v8+s20+$0x0] =	vst.idx.msk $0xffff, v7  }
0x216: {  	v7 =	vld.idx.msk [tilespmem:v9+s4+$0x0], $0xffff  }
0x217: {  	v8 =	vor.u32 $0x13, v6  }
0x218: {  	v9 =	vor.u32 $0x200, v5;
	_ =	sdelay $0x3  }
0x219: {  	[tilespmem:v8+s20+$0x0] =	vst.idx.msk $0xffff, v7  }
0x21a: {  	v7 =	vld.idx.msk [tilespmem:v9+s4+$0x0], $0xffff  }
0x21b: {  	v8 =	vor.u32 $0x14, v6  }
0x21c: {  	v9 =	vor.u32 $0x280, v5;
	_ =	sdelay $0x3  }
0x21d: {  	[tilespmem:v8+s20+$0x0] =	vst.idx.msk $0xffff, v7  }
0x21e: {  	v7 =	vld.idx.msk [tilespmem:v9+s4+$0x0], $0xffff  }
0x21f: {  	v8 =	vor.u32 $0x15, v6  }
0x220: {  	v9 =	vor.u32 $0x300, v5;
	_ =	sdelay $0x3  }
0x221: {  	[tilespmem:v8+s20+$0x0] =	vst.idx.msk $0xffff, v7  }
0x222: {  	v7 =	vld.idx.msk [tilespmem:v9+s4+$0x0], $0xffff  }
0x223: {  	v8 =	vor.u32 $0x16, v6  }
0x224: {  	v5 =	vor.u32 $0x380, v5;
	_ =	sdelay $0x1  }
.Ltmp21:
0x225: {  	(pc) =	sbr.rel @p2 .LBB2_26-.Ltmp21, $4  }
0x226: {  	_ = 	snop  }
0x227: {  	[tilespmem:v8+s20+$0x0] =	vst.idx.msk $0xffff, v7  }
0x228: {  	v5 =	vld.idx.msk [tilespmem:v5+s4+$0x0], $0xffff  }
0x229: {  	v6 =	vor.u32 $0x17, v6  }
.LBB2_27:
0x22a: {  	_ =	sdelay $0x3  }
0x22b: {  	[tilespmem:v6+s20+$0x0] =	vst.idx.msk $0xffff, v5  }
.LBB2_28:
.Ltmp22:
0x22c: {  	s11 =	sadd.s32 $0x49500, s0;
	(pc) =	sbr.rel @p1 .LBB2_32-.Ltmp22, $4  }
0x22d: {  	[tilespmem:s4], [sflag:$0x1] =	stream.linear.gather [hbm4b:s11+s4], $0x6400, $0x38;
	[tilespmem:$0x1EE00] =	vst v63  }
0x22e: {  	_ =	swait.ge [sflag:s21], $0x6400  }
0x22f: {  	[sflag:s21] =	ssyncset.done $0x0  }
0x230: {  	[sflag:s21] =	ssyncadd.s32 $0xFFFF9C00  }
0x231: {  	s11 =	simm.s32 $0xEA00  }
0x232: {  	v5 =	vld [tilespmem:s11+$0x0];
	_ =	sdelay $0x4  }
0x233: {  	v6 =	vshll.u32 v5, $0x3  }
0x234: {  	v5 =	vand.u32 $0x7F, v5;
	v6 =	vand.u32 $0xFFFFFC00, v6  }
0x235: {  	v5 =	vor.u32 v5, v6  }
0x236: {  	s17 =	simm.s32 $0x100  }
0x237: {  	v6 =	vmov s17  }
0x238: {  	v6 =	vshll.u32 v6, $0x7  }
0x239: {  	v6 =	vor.u32 v4, v6  }
0x23a: {  	v8 =	vor.u32 $0x10, v6;
	v7 =	vld.idx.msk [tilespmem:v5+s16+$0x0], $0xffff  }
0x23b: {  	v9 =	vor.u32 $0x80, v5;
	_ =	sdelay $0x3  }
0x23c: {  	[tilespmem:v8+s20+$0x0] =	vst.idx.msk $0xffff, v7  }
0x23d: {  	v8 =	vor.u32 $0x11, v6;
	v7 =	vld.idx.msk [tilespmem:v9+s16+$0x0], $0xffff  }
0x23e: {  	v59 =	vor.u32 $0x100, v5;
	_ =	sdelay $0x3  }
0x23f: {  	[tilespmem:v8+s20+$0x0] =	vst.idx.msk $0xffff, v7  }
0x240: {  	v8 =	vor.u32 $0x12, v6;
	v7 =	vld.idx.msk [tilespmem:v59+s16+$0x0], $0xffff  }
0x241: {  	v60 =	vor.u32 $0x180, v5;
	_ =	sdelay $0x3  }
0x242: {  	[tilespmem:v8+s20+$0x0] =	vst.idx.msk $0xffff, v7  }
0x243: {  	v8 =	vor.u32 $0x13, v6;
	v7 =	vld.idx.msk [tilespmem:v60+s16+$0x0], $0xffff  }
0x244: {  	v61 =	vor.u32 $0x200, v5;
	_ =	sdelay $0x3  }
0x245: {  	[tilespmem:v8+s20+$0x0] =	vst.idx.msk $0xffff, v7  }
0x246: {  	v8 =	vor.u32 $0x14, v6;
	v7 =	vld.idx.msk [tilespmem:v61+s16+$0x0], $0xffff  }
0x247: {  	v62 =	vor.u32 $0x280, v5;
	_ =	sdelay $0x3  }
0x248: {  	[tilespmem:v8+s20+$0x0] =	vst.idx.msk $0xffff, v7  }
0x249: {  	v8 =	vor.u32 $0x15, v6;
	v7 =	vld.idx.msk [tilespmem:v62+s16+$0x0], $0xffff  }
0x24a: {  	v63 =	vor.u32 $0x300, v5;
	_ =	sdelay $0x3  }
0x24b: {  	[tilespmem:v8+s20+$0x0] =	vst.idx.msk $0xffff, v7  }
0x24c: {  	v8 =	vor.u32 $0x16, v6;
	v7 =	vld.idx.msk [tilespmem:v63+s16+$0x0], $0xffff  }
0x24d: {  	p2 =	sne.s32 s31, $0x1;
	v5 =	vor.u32 $0x380, v5  }
.Ltmp23:
0x24e: {  	_ = 	snop;
	(pc) =	sbr.rel @!p2 .LBB2_31-.Ltmp23, $3  }
0x24f: {  	_ =	sdelay $0x1  }
0x250: {  	[tilespmem:v8+s20+$0x0] =	vst.idx.msk $0xffff, v7  }
0x251: {  	s12 =	sadd.s32 $0xFFFFFFFF, s31;
	v6 =	vor.u32 $0x17, v6;
	v5 =	vld.idx.msk [tilespmem:v5+s16+$0x0], $0xffff  }
.LBB2_30:
0x252: {  	_ =	sdelay $0x3  }
0x253: {  	p2 =	sne.s32 s12, $0x1;
	s11 =	sadd.s32 $0x10, s11;
	s17 =	sadd.s32 $0x10, s17;
	[tilespmem:v6+s20+$0x0] =	vst.idx.msk $0xffff, v5  }
0x254: {  	s12 =	sadd.s32 $0xFFFFFFFF, s12;
	v5 =	vld [tilespmem:s11+$0x0];
	_ =	sdelay $0x4  }
0x255: {  	v6 =	vshll.u32 v5, $0x3  }
0x256: {  	v5 =	vand.u32 $0x7F, v5;
	v6 =	vand.u32 $0xFFFFFC00, v6  }
0x257: {  	v5 =	vor.u32 v5, v6;
	_ =	sdelay $0x2  }
0x258: {  	v6 =	vmov s17  }
0x259: {  	v6 =	vshll.u32 v6, $0x7  }
0x25a: {  	v6 =	vor.u32 v4, v6;
	v7 =	vld.idx.msk [tilespmem:v5+s16+$0x0], $0xffff  }
0x25b: {  	v8 =	vor.u32 $0x10, v6  }
0x25c: {  	v9 =	vor.u32 $0x80, v5;
	_ =	sdelay $0x3  }
0x25d: {  	[tilespmem:v8+s20+$0x0] =	vst.idx.msk $0xffff, v7  }
0x25e: {  	v7 =	vld.idx.msk [tilespmem:v9+s16+$0x0], $0xffff  }
0x25f: {  	v8 =	vor.u32 $0x11, v6  }
0x260: {  	v9 =	vor.u32 $0x100, v5;
	_ =	sdelay $0x3  }
0x261: {  	[tilespmem:v8+s20+$0x0] =	vst.idx.msk $0xffff, v7  }
0x262: {  	v7 =	vld.idx.msk [tilespmem:v9+s16+$0x0], $0xffff  }
0x263: {  	v8 =	vor.u32 $0x12, v6  }
0x264: {  	v9 =	vor.u32 $0x180, v5;
	_ =	sdelay $0x3  }
0x265: {  	[tilespmem:v8+s20+$0x0] =	vst.idx.msk $0xffff, v7  }
0x266: {  	v7 =	vld.idx.msk [tilespmem:v9+s16+$0x0], $0xffff  }
0x267: {  	v8 =	vor.u32 $0x13, v6  }
0x268: {  	v9 =	vor.u32 $0x200, v5;
	_ =	sdelay $0x3  }
0x269: {  	[tilespmem:v8+s20+$0x0] =	vst.idx.msk $0xffff, v7  }
0x26a: {  	v7 =	vld.idx.msk [tilespmem:v9+s16+$0x0], $0xffff  }
0x26b: {  	v8 =	vor.u32 $0x14, v6  }
0x26c: {  	v9 =	vor.u32 $0x280, v5;
	_ =	sdelay $0x3  }
0x26d: {  	[tilespmem:v8+s20+$0x0] =	vst.idx.msk $0xffff, v7  }
0x26e: {  	v7 =	vld.idx.msk [tilespmem:v9+s16+$0x0], $0xffff  }
0x26f: {  	v8 =	vor.u32 $0x15, v6  }
0x270: {  	v9 =	vor.u32 $0x300, v5;
	_ =	sdelay $0x3  }
0x271: {  	[tilespmem:v8+s20+$0x0] =	vst.idx.msk $0xffff, v7  }
0x272: {  	v7 =	vld.idx.msk [tilespmem:v9+s16+$0x0], $0xffff  }
0x273: {  	v8 =	vor.u32 $0x16, v6  }
0x274: {  	v5 =	vor.u32 $0x380, v5;
	_ =	sdelay $0x1  }
.Ltmp24:
0x275: {  	(pc) =	sbr.rel @p2 .LBB2_30-.Ltmp24, $4  }
0x276: {  	_ = 	snop  }
0x277: {  	[tilespmem:v8+s20+$0x0] =	vst.idx.msk $0xffff, v7  }
0x278: {  	v5 =	vld.idx.msk [tilespmem:v5+s16+$0x0], $0xffff  }
0x279: {  	v6 =	vor.u32 $0x17, v6  }
.LBB2_31:
0x27a: {  	_ =	sdelay $0x3  }
0x27b: {  	[tilespmem:v6+s20+$0x0] =	vst.idx.msk $0xffff, v5  }
.LBB2_32:
.Ltmp25:
0x27c: {  	s11 =	sadd.s32 $0x49500, s3;
	s17 =	simm.s32 $0x0;
	(pc) =	sbr.rel @p0 .LBB2_36-.Ltmp25, $4  }
0x27d: {  	[tilespmem:s16], [sflag:$0x2] =	stream.linear.gather [hbm4b:s11+s17], $0x6400, $0x38;
	[tilespmem:$0x1EE00] =	vst v63  }
0x27e: {  	_ =	swait.ge [sflag:s19], $0x6400  }
0x27f: {  	[sflag:s19] =	ssyncset.done $0x0  }
0x280: {  	s11 =	simm.s32 $0xE800;
	[sflag:s19] =	ssyncadd.s32 $0xFFFF9C00  }
0x281: {  	v5 =	vld [tilespmem:s11+$0x0];
	_ =	sdelay $0x4  }
0x282: {  	v6 =	vshll.u32 v5, $0x3  }
0x283: {  	v5 =	vand.u32 $0x7F, v5;
	v6 =	vand.u32 $0xFFFFFC00, v6  }
0x284: {  	v5 =	vor.u32 v5, v6;
	_ =	sdelay $0x1  }
0x285: {  	v6 =	vmov s17  }
0x286: {  	v6 =	vshll.u32 v6, $0x7  }
0x287: {  	v6 =	vor.u32 v4, v6  }
0x288: {  	v8 =	vor.u32 $0x18, v6;
	v7 =	vld.idx.msk [tilespmem:v5+s4+$0x0], $0xffff  }
0x289: {  	v9 =	vor.u32 $0x80, v5;
	_ =	sdelay $0x3  }
0x28a: {  	[tilespmem:v8+s20+$0x0] =	vst.idx.msk $0xffff, v7  }
0x28b: {  	v8 =	vor.u32 $0x19, v6;
	v7 =	vld.idx.msk [tilespmem:v9+s4+$0x0], $0xffff  }
0x28c: {  	v59 =	vor.u32 $0x100, v5;
	_ =	sdelay $0x3  }
0x28d: {  	[tilespmem:v8+s20+$0x0] =	vst.idx.msk $0xffff, v7  }
0x28e: {  	v8 =	vor.u32 $0x1A, v6;
	v7 =	vld.idx.msk [tilespmem:v59+s4+$0x0], $0xffff  }
0x28f: {  	v60 =	vor.u32 $0x180, v5;
	_ =	sdelay $0x3  }
0x290: {  	[tilespmem:v8+s20+$0x0] =	vst.idx.msk $0xffff, v7  }
0x291: {  	v8 =	vor.u32 $0x1B, v6;
	v7 =	vld.idx.msk [tilespmem:v60+s4+$0x0], $0xffff  }
0x292: {  	v61 =	vor.u32 $0x200, v5;
	_ =	sdelay $0x3  }
0x293: {  	[tilespmem:v8+s20+$0x0] =	vst.idx.msk $0xffff, v7  }
0x294: {  	v8 =	vor.u32 $0x1C, v6;
	v7 =	vld.idx.msk [tilespmem:v61+s4+$0x0], $0xffff  }
0x295: {  	v62 =	vor.u32 $0x280, v5;
	_ =	sdelay $0x3  }
0x296: {  	[tilespmem:v8+s20+$0x0] =	vst.idx.msk $0xffff, v7  }
0x297: {  	v8 =	vor.u32 $0x1D, v6;
	v7 =	vld.idx.msk [tilespmem:v62+s4+$0x0], $0xffff  }
0x298: {  	v63 =	vor.u32 $0x300, v5;
	_ =	sdelay $0x3  }
0x299: {  	[tilespmem:v8+s20+$0x0] =	vst.idx.msk $0xffff, v7  }
0x29a: {  	v8 =	vor.u32 $0x1E, v6;
	v7 =	vld.idx.msk [tilespmem:v63+s4+$0x0], $0xffff  }
0x29b: {  	p2 =	sne.s32 s30, $0x1;
	v5 =	vor.u32 $0x380, v5  }
.Ltmp26:
0x29c: {  	_ = 	snop;
	(pc) =	sbr.rel @!p2 .LBB2_35-.Ltmp26, $3  }
0x29d: {  	_ =	sdelay $0x1  }
0x29e: {  	[tilespmem:v8+s20+$0x0] =	vst.idx.msk $0xffff, v7  }
0x29f: {  	s12 =	sadd.s32 $0xFFFFFFFF, s30;
	v6 =	vor.u32 $0x1F, v6;
	v5 =	vld.idx.msk [tilespmem:v5+s4+$0x0], $0xffff  }
.LBB2_34:
0x2a0: {  	_ =	sdelay $0x3  }
0x2a1: {  	p2 =	sne.s32 s12, $0x1;
	s11 =	sadd.s32 $0x10, s11;
	s17 =	sadd.s32 $0x10, s17;
	[tilespmem:v6+s20+$0x0] =	vst.idx.msk $0xffff, v5  }
0x2a2: {  	s12 =	sadd.s32 $0xFFFFFFFF, s12;
	v5 =	vld [tilespmem:s11+$0x0];
	_ =	sdelay $0x4  }
0x2a3: {  	v6 =	vshll.u32 v5, $0x3  }
0x2a4: {  	v5 =	vand.u32 $0x7F, v5;
	v6 =	vand.u32 $0xFFFFFC00, v6  }
0x2a5: {  	v5 =	vor.u32 v5, v6;
	_ =	sdelay $0x2  }
0x2a6: {  	v6 =	vmov s17  }
0x2a7: {  	v6 =	vshll.u32 v6, $0x7  }
0x2a8: {  	v6 =	vor.u32 v4, v6;
	v7 =	vld.idx.msk [tilespmem:v5+s4+$0x0], $0xffff  }
0x2a9: {  	v8 =	vor.u32 $0x18, v6  }
0x2aa: {  	v9 =	vor.u32 $0x80, v5;
	_ =	sdelay $0x3  }
0x2ab: {  	[tilespmem:v8+s20+$0x0] =	vst.idx.msk $0xffff, v7  }
0x2ac: {  	v7 =	vld.idx.msk [tilespmem:v9+s4+$0x0], $0xffff  }
0x2ad: {  	v8 =	vor.u32 $0x19, v6  }
0x2ae: {  	v9 =	vor.u32 $0x100, v5;
	_ =	sdelay $0x3  }
0x2af: {  	[tilespmem:v8+s20+$0x0] =	vst.idx.msk $0xffff, v7  }
0x2b0: {  	v7 =	vld.idx.msk [tilespmem:v9+s4+$0x0], $0xffff  }
0x2b1: {  	v8 =	vor.u32 $0x1A, v6  }
0x2b2: {  	v9 =	vor.u32 $0x180, v5;
	_ =	sdelay $0x3  }
0x2b3: {  	[tilespmem:v8+s20+$0x0] =	vst.idx.msk $0xffff, v7  }
0x2b4: {  	v7 =	vld.idx.msk [tilespmem:v9+s4+$0x0], $0xffff  }
0x2b5: {  	v8 =	vor.u32 $0x1B, v6  }
0x2b6: {  	v9 =	vor.u32 $0x200, v5;
	_ =	sdelay $0x3  }
0x2b7: {  	[tilespmem:v8+s20+$0x0] =	vst.idx.msk $0xffff, v7  }
0x2b8: {  	v7 =	vld.idx.msk [tilespmem:v9+s4+$0x0], $0xffff  }
0x2b9: {  	v8 =	vor.u32 $0x1C, v6  }
0x2ba: {  	v9 =	vor.u32 $0x280, v5;
	_ =	sdelay $0x3  }
0x2bb: {  	[tilespmem:v8+s20+$0x0] =	vst.idx.msk $0xffff, v7  }
0x2bc: {  	v7 =	vld.idx.msk [tilespmem:v9+s4+$0x0], $0xffff  }
0x2bd: {  	v8 =	vor.u32 $0x1D, v6  }
0x2be: {  	v9 =	vor.u32 $0x300, v5;
	_ =	sdelay $0x3  }
0x2bf: {  	[tilespmem:v8+s20+$0x0] =	vst.idx.msk $0xffff, v7  }
0x2c0: {  	v7 =	vld.idx.msk [tilespmem:v9+s4+$0x0], $0xffff  }
0x2c1: {  	v8 =	vor.u32 $0x1E, v6  }
0x2c2: {  	v5 =	vor.u32 $0x380, v5;
	_ =	sdelay $0x1  }
.Ltmp27:
0x2c3: {  	(pc) =	sbr.rel @p2 .LBB2_34-.Ltmp27, $4  }
0x2c4: {  	_ = 	snop  }
0x2c5: {  	[tilespmem:v8+s20+$0x0] =	vst.idx.msk $0xffff, v7  }
0x2c6: {  	v5 =	vld.idx.msk [tilespmem:v5+s4+$0x0], $0xffff  }
0x2c7: {  	v6 =	vor.u32 $0x1F, v6  }
.LBB2_35:
0x2c8: {  	_ =	sdelay $0x3  }
0x2c9: {  	[tilespmem:v6+s20+$0x0] =	vst.idx.msk $0xffff, v5  }
.LBB2_36:
.Ltmp28:
0x2ca: {  	s11 =	sadd.s32 $0x61C00, s0;
	(pc) =	sbr.rel @p1 .LBB2_40-.Ltmp28, $4  }
0x2cb: {  	[tilespmem:s4], [sflag:$0x1] =	stream.linear.gather [hbm4b:s11+s4], $0x6400, $0x38;
	[tilespmem:$0x1EE00] =	vst v63  }
0x2cc: {  	_ =	swait.ge [sflag:s21], $0x6400  }
0x2cd: {  	[sflag:s21] =	ssyncset.done $0x0  }
0x2ce: {  	[sflag:s21] =	ssyncadd.s32 $0xFFFF9C00  }
0x2cf: {  	s11 =	simm.s32 $0xEA00  }
0x2d0: {  	v5 =	vld [tilespmem:s11+$0x0];
	_ =	sdelay $0x4  }
0x2d1: {  	v6 =	vshll.u32 v5, $0x3  }
0x2d2: {  	v5 =	vand.u32 $0x7F, v5;
	v6 =	vand.u32 $0xFFFFFC00, v6  }
0x2d3: {  	v5 =	vor.u32 v5, v6  }
0x2d4: {  	s17 =	simm.s32 $0x100  }
0x2d5: {  	v6 =	vmov s17  }
0x2d6: {  	v6 =	vshll.u32 v6, $0x7  }
0x2d7: {  	v6 =	vor.u32 v4, v6  }
0x2d8: {  	v8 =	vor.u32 $0x18, v6;
	v7 =	vld.idx.msk [tilespmem:v5+s16+$0x0], $0xffff  }
0x2d9: {  	v9 =	vor.u32 $0x80, v5;
	_ =	sdelay $0x3  }
0x2da: {  	[tilespmem:v8+s20+$0x0] =	vst.idx.msk $0xffff, v7  }
0x2db: {  	v8 =	vor.u32 $0x19, v6;
	v7 =	vld.idx.msk [tilespmem:v9+s16+$0x0], $0xffff  }
0x2dc: {  	v59 =	vor.u32 $0x100, v5;
	_ =	sdelay $0x3  }
0x2dd: {  	[tilespmem:v8+s20+$0x0] =	vst.idx.msk $0xffff, v7  }
0x2de: {  	v8 =	vor.u32 $0x1A, v6;
	v7 =	vld.idx.msk [tilespmem:v59+s16+$0x0], $0xffff  }
0x2df: {  	v60 =	vor.u32 $0x180, v5;
	_ =	sdelay $0x3  }
0x2e0: {  	[tilespmem:v8+s20+$0x0] =	vst.idx.msk $0xffff, v7  }
0x2e1: {  	v8 =	vor.u32 $0x1B, v6;
	v7 =	vld.idx.msk [tilespmem:v60+s16+$0x0], $0xffff  }
0x2e2: {  	v61 =	vor.u32 $0x200, v5;
	_ =	sdelay $0x3  }
0x2e3: {  	[tilespmem:v8+s20+$0x0] =	vst.idx.msk $0xffff, v7  }
0x2e4: {  	v8 =	vor.u32 $0x1C, v6;
	v7 =	vld.idx.msk [tilespmem:v61+s16+$0x0], $0xffff  }
0x2e5: {  	v62 =	vor.u32 $0x280, v5;
	_ =	sdelay $0x3  }
0x2e6: {  	[tilespmem:v8+s20+$0x0] =	vst.idx.msk $0xffff, v7  }
0x2e7: {  	v8 =	vor.u32 $0x1D, v6;
	v7 =	vld.idx.msk [tilespmem:v62+s16+$0x0], $0xffff  }
0x2e8: {  	v63 =	vor.u32 $0x300, v5;
	_ =	sdelay $0x3  }
0x2e9: {  	[tilespmem:v8+s20+$0x0] =	vst.idx.msk $0xffff, v7  }
0x2ea: {  	v8 =	vor.u32 $0x1E, v6;
	v7 =	vld.idx.msk [tilespmem:v63+s16+$0x0], $0xffff  }
0x2eb: {  	p2 =	sne.s32 s31, $0x1;
	v5 =	vor.u32 $0x380, v5  }
.Ltmp29:
0x2ec: {  	_ = 	snop;
	(pc) =	sbr.rel @!p2 .LBB2_39-.Ltmp29, $3  }
0x2ed: {  	_ =	sdelay $0x1  }
0x2ee: {  	[tilespmem:v8+s20+$0x0] =	vst.idx.msk $0xffff, v7  }
0x2ef: {  	s12 =	sadd.s32 $0xFFFFFFFF, s31;
	v6 =	vor.u32 $0x1F, v6;
	v5 =	vld.idx.msk [tilespmem:v5+s16+$0x0], $0xffff  }
.LBB2_38:
0x2f0: {  	_ =	sdelay $0x3  }
0x2f1: {  	p2 =	sne.s32 s12, $0x1;
	s11 =	sadd.s32 $0x10, s11;
	s17 =	sadd.s32 $0x10, s17;
	[tilespmem:v6+s20+$0x0] =	vst.idx.msk $0xffff, v5  }
0x2f2: {  	s12 =	sadd.s32 $0xFFFFFFFF, s12;
	v5 =	vld [tilespmem:s11+$0x0];
	_ =	sdelay $0x4  }
0x2f3: {  	v6 =	vshll.u32 v5, $0x3  }
0x2f4: {  	v5 =	vand.u32 $0x7F, v5;
	v6 =	vand.u32 $0xFFFFFC00, v6  }
0x2f5: {  	v5 =	vor.u32 v5, v6;
	_ =	sdelay $0x2  }
0x2f6: {  	v6 =	vmov s17  }
0x2f7: {  	v6 =	vshll.u32 v6, $0x7  }
0x2f8: {  	v6 =	vor.u32 v4, v6;
	v7 =	vld.idx.msk [tilespmem:v5+s16+$0x0], $0xffff  }
0x2f9: {  	v8 =	vor.u32 $0x18, v6  }
0x2fa: {  	v9 =	vor.u32 $0x80, v5;
	_ =	sdelay $0x3  }
0x2fb: {  	[tilespmem:v8+s20+$0x0] =	vst.idx.msk $0xffff, v7  }
0x2fc: {  	v7 =	vld.idx.msk [tilespmem:v9+s16+$0x0], $0xffff  }
0x2fd: {  	v8 =	vor.u32 $0x19, v6  }
0x2fe: {  	v9 =	vor.u32 $0x100, v5;
	_ =	sdelay $0x3  }
0x2ff: {  	[tilespmem:v8+s20+$0x0] =	vst.idx.msk $0xffff, v7  }
0x300: {  	v7 =	vld.idx.msk [tilespmem:v9+s16+$0x0], $0xffff  }
0x301: {  	v8 =	vor.u32 $0x1A, v6  }
0x302: {  	v9 =	vor.u32 $0x180, v5;
	_ =	sdelay $0x3  }
0x303: {  	[tilespmem:v8+s20+$0x0] =	vst.idx.msk $0xffff, v7  }
0x304: {  	v7 =	vld.idx.msk [tilespmem:v9+s16+$0x0], $0xffff  }
0x305: {  	v8 =	vor.u32 $0x1B, v6  }
0x306: {  	v9 =	vor.u32 $0x200, v5;
	_ =	sdelay $0x3  }
0x307: {  	[tilespmem:v8+s20+$0x0] =	vst.idx.msk $0xffff, v7  }
0x308: {  	v7 =	vld.idx.msk [tilespmem:v9+s16+$0x0], $0xffff  }
0x309: {  	v8 =	vor.u32 $0x1C, v6  }
0x30a: {  	v9 =	vor.u32 $0x280, v5;
	_ =	sdelay $0x3  }
0x30b: {  	[tilespmem:v8+s20+$0x0] =	vst.idx.msk $0xffff, v7  }
0x30c: {  	v7 =	vld.idx.msk [tilespmem:v9+s16+$0x0], $0xffff  }
0x30d: {  	v8 =	vor.u32 $0x1D, v6  }
0x30e: {  	v9 =	vor.u32 $0x300, v5;
	_ =	sdelay $0x3  }
0x30f: {  	[tilespmem:v8+s20+$0x0] =	vst.idx.msk $0xffff, v7  }
0x310: {  	v7 =	vld.idx.msk [tilespmem:v9+s16+$0x0], $0xffff  }
0x311: {  	v8 =	vor.u32 $0x1E, v6  }
0x312: {  	v5 =	vor.u32 $0x380, v5;
	_ =	sdelay $0x1  }
.Ltmp30:
0x313: {  	(pc) =	sbr.rel @p2 .LBB2_38-.Ltmp30, $4  }
0x314: {  	_ = 	snop  }
0x315: {  	[tilespmem:v8+s20+$0x0] =	vst.idx.msk $0xffff, v7  }
0x316: {  	v5 =	vld.idx.msk [tilespmem:v5+s16+$0x0], $0xffff  }
0x317: {  	v6 =	vor.u32 $0x1F, v6  }
.LBB2_39:
0x318: {  	_ =	sdelay $0x3  }
0x319: {  	[tilespmem:v6+s20+$0x0] =	vst.idx.msk $0xffff, v5  }
.LBB2_40:
.Ltmp31:
0x31a: {  	s11 =	sadd.s32 $0x61C00, s3;
	s17 =	simm.s32 $0x0;
	(pc) =	sbr.rel @p0 .LBB2_44-.Ltmp31, $4  }
0x31b: {  	[tilespmem:s16], [sflag:$0x2] =	stream.linear.gather [hbm4b:s11+s17], $0x6400, $0x38;
	[tilespmem:$0x1EE00] =	vst v63  }
0x31c: {  	_ =	swait.ge [sflag:s19], $0x6400  }
0x31d: {  	[sflag:s19] =	ssyncset.done $0x0  }
0x31e: {  	s11 =	simm.s32 $0xE800;
	[sflag:s19] =	ssyncadd.s32 $0xFFFF9C00  }
0x31f: {  	v5 =	vld [tilespmem:s11+$0x0];
	_ =	sdelay $0x4  }
0x320: {  	v6 =	vshll.u32 v5, $0x3  }
0x321: {  	v5 =	vand.u32 $0x7F, v5;
	v6 =	vand.u32 $0xFFFFFC00, v6  }
0x322: {  	v5 =	vor.u32 v5, v6;
	_ =	sdelay $0x1  }
0x323: {  	v6 =	vmov s17  }
0x324: {  	v6 =	vshll.u32 v6, $0x7  }
0x325: {  	v6 =	vor.u32 v4, v6  }
0x326: {  	v8 =	vor.u32 $0x20, v6;
	v7 =	vld.idx.msk [tilespmem:v5+s4+$0x0], $0xffff  }
0x327: {  	v9 =	vor.u32 $0x80, v5;
	_ =	sdelay $0x3  }
0x328: {  	[tilespmem:v8+s20+$0x0] =	vst.idx.msk $0xffff, v7  }
0x329: {  	v8 =	vor.u32 $0x21, v6;
	v7 =	vld.idx.msk [tilespmem:v9+s4+$0x0], $0xffff  }
0x32a: {  	v59 =	vor.u32 $0x100, v5;
	_ =	sdelay $0x3  }
0x32b: {  	[tilespmem:v8+s20+$0x0] =	vst.idx.msk $0xffff, v7  }
0x32c: {  	v8 =	vor.u32 $0x22, v6;
	v7 =	vld.idx.msk [tilespmem:v59+s4+$0x0], $0xffff  }
0x32d: {  	v60 =	vor.u32 $0x180, v5;
	_ =	sdelay $0x3  }
0x32e: {  	[tilespmem:v8+s20+$0x0] =	vst.idx.msk $0xffff, v7  }
0x32f: {  	v8 =	vor.u32 $0x23, v6;
	v7 =	vld.idx.msk [tilespmem:v60+s4+$0x0], $0xffff  }
0x330: {  	v61 =	vor.u32 $0x200, v5;
	_ =	sdelay $0x3  }
0x331: {  	[tilespmem:v8+s20+$0x0] =	vst.idx.msk $0xffff, v7  }
0x332: {  	v8 =	vor.u32 $0x24, v6;
	v7 =	vld.idx.msk [tilespmem:v61+s4+$0x0], $0xffff  }
0x333: {  	v62 =	vor.u32 $0x280, v5;
	_ =	sdelay $0x3  }
0x334: {  	[tilespmem:v8+s20+$0x0] =	vst.idx.msk $0xffff, v7  }
0x335: {  	v8 =	vor.u32 $0x25, v6;
	v7 =	vld.idx.msk [tilespmem:v62+s4+$0x0], $0xffff  }
0x336: {  	v63 =	vor.u32 $0x300, v5;
	_ =	sdelay $0x3  }
0x337: {  	[tilespmem:v8+s20+$0x0] =	vst.idx.msk $0xffff, v7  }
0x338: {  	v8 =	vor.u32 $0x26, v6;
	v7 =	vld.idx.msk [tilespmem:v63+s4+$0x0], $0xffff  }
0x339: {  	p2 =	sne.s32 s30, $0x1;
	v5 =	vor.u32 $0x380, v5  }
.Ltmp32:
0x33a: {  	_ = 	snop;
	(pc) =	sbr.rel @!p2 .LBB2_43-.Ltmp32, $3  }
0x33b: {  	_ =	sdelay $0x1  }
0x33c: {  	[tilespmem:v8+s20+$0x0] =	vst.idx.msk $0xffff, v7  }
0x33d: {  	s12 =	sadd.s32 $0xFFFFFFFF, s30;
	v6 =	vor.u32 $0x27, v6;
	v5 =	vld.idx.msk [tilespmem:v5+s4+$0x0], $0xffff  }
.LBB2_42:
0x33e: {  	_ =	sdelay $0x3  }
0x33f: {  	p2 =	sne.s32 s12, $0x1;
	s11 =	sadd.s32 $0x10, s11;
	s17 =	sadd.s32 $0x10, s17;
	[tilespmem:v6+s20+$0x0] =	vst.idx.msk $0xffff, v5  }
0x340: {  	s12 =	sadd.s32 $0xFFFFFFFF, s12;
	v5 =	vld [tilespmem:s11+$0x0];
	_ =	sdelay $0x4  }
0x341: {  	v6 =	vshll.u32 v5, $0x3  }
0x342: {  	v5 =	vand.u32 $0x7F, v5;
	v6 =	vand.u32 $0xFFFFFC00, v6  }
0x343: {  	v5 =	vor.u32 v5, v6;
	_ =	sdelay $0x2  }
0x344: {  	v6 =	vmov s17  }
0x345: {  	v6 =	vshll.u32 v6, $0x7  }
0x346: {  	v6 =	vor.u32 v4, v6;
	v7 =	vld.idx.msk [tilespmem:v5+s4+$0x0], $0xffff  }
0x347: {  	v8 =	vor.u32 $0x20, v6  }
0x348: {  	v9 =	vor.u32 $0x80, v5;
	_ =	sdelay $0x3  }
0x349: {  	[tilespmem:v8+s20+$0x0] =	vst.idx.msk $0xffff, v7  }
0x34a: {  	v7 =	vld.idx.msk [tilespmem:v9+s4+$0x0], $0xffff  }
0x34b: {  	v8 =	vor.u32 $0x21, v6  }
0x34c: {  	v9 =	vor.u32 $0x100, v5;
	_ =	sdelay $0x3  }
0x34d: {  	[tilespmem:v8+s20+$0x0] =	vst.idx.msk $0xffff, v7  }
0x34e: {  	v7 =	vld.idx.msk [tilespmem:v9+s4+$0x0], $0xffff  }
0x34f: {  	v8 =	vor.u32 $0x22, v6  }
0x350: {  	v9 =	vor.u32 $0x180, v5;
	_ =	sdelay $0x3  }
0x351: {  	[tilespmem:v8+s20+$0x0] =	vst.idx.msk $0xffff, v7  }
0x352: {  	v7 =	vld.idx.msk [tilespmem:v9+s4+$0x0], $0xffff  }
0x353: {  	v8 =	vor.u32 $0x23, v6  }
0x354: {  	v9 =	vor.u32 $0x200, v5;
	_ =	sdelay $0x3  }
0x355: {  	[tilespmem:v8+s20+$0x0] =	vst.idx.msk $0xffff, v7  }
0x356: {  	v7 =	vld.idx.msk [tilespmem:v9+s4+$0x0], $0xffff  }
0x357: {  	v8 =	vor.u32 $0x24, v6  }
0x358: {  	v9 =	vor.u32 $0x280, v5;
	_ =	sdelay $0x3  }
0x359: {  	[tilespmem:v8+s20+$0x0] =	vst.idx.msk $0xffff, v7  }
0x35a: {  	v7 =	vld.idx.msk [tilespmem:v9+s4+$0x0], $0xffff  }
0x35b: {  	v8 =	vor.u32 $0x25, v6  }
0x35c: {  	v9 =	vor.u32 $0x300, v5;
	_ =	sdelay $0x3  }
0x35d: {  	[tilespmem:v8+s20+$0x0] =	vst.idx.msk $0xffff, v7  }
0x35e: {  	v7 =	vld.idx.msk [tilespmem:v9+s4+$0x0], $0xffff  }
0x35f: {  	v8 =	vor.u32 $0x26, v6  }
0x360: {  	v5 =	vor.u32 $0x380, v5;
	_ =	sdelay $0x1  }
.Ltmp33:
0x361: {  	(pc) =	sbr.rel @p2 .LBB2_42-.Ltmp33, $4  }
0x362: {  	_ = 	snop  }
0x363: {  	[tilespmem:v8+s20+$0x0] =	vst.idx.msk $0xffff, v7  }
0x364: {  	v5 =	vld.idx.msk [tilespmem:v5+s4+$0x0], $0xffff  }
0x365: {  	v6 =	vor.u32 $0x27, v6  }
.LBB2_43:
0x366: {  	_ =	sdelay $0x3  }
0x367: {  	[tilespmem:v6+s20+$0x0] =	vst.idx.msk $0xffff, v5  }
.LBB2_44:
.Ltmp34:
0x368: {  	s11 =	sadd.s32 $0x7A300, s0;
	(pc) =	sbr.rel @p1 .LBB2_48-.Ltmp34, $4  }
0x369: {  	[tilespmem:s4], [sflag:$0x1] =	stream.linear.gather [hbm4b:s11+s4], $0x6400, $0x38;
	[tilespmem:$0x1EE00] =	vst v63  }
0x36a: {  	_ =	swait.ge [sflag:s21], $0x6400  }
0x36b: {  	[sflag:s21] =	ssyncset.done $0x0  }
0x36c: {  	[sflag:s21] =	ssyncadd.s32 $0xFFFF9C00  }
0x36d: {  	s11 =	simm.s32 $0xEA00  }
0x36e: {  	v5 =	vld [tilespmem:s11+$0x0];
	_ =	sdelay $0x4  }
0x36f: {  	v6 =	vshll.u32 v5, $0x3  }
0x370: {  	v5 =	vand.u32 $0x7F, v5;
	v6 =	vand.u32 $0xFFFFFC00, v6  }
0x371: {  	v5 =	vor.u32 v5, v6  }
0x372: {  	s17 =	simm.s32 $0x100  }
0x373: {  	v6 =	vmov s17  }
0x374: {  	v6 =	vshll.u32 v6, $0x7  }
0x375: {  	v6 =	vor.u32 v4, v6  }
0x376: {  	v8 =	vor.u32 $0x20, v6;
	v7 =	vld.idx.msk [tilespmem:v5+s16+$0x0], $0xffff  }
0x377: {  	v9 =	vor.u32 $0x80, v5;
	_ =	sdelay $0x3  }
0x378: {  	[tilespmem:v8+s20+$0x0] =	vst.idx.msk $0xffff, v7  }
0x379: {  	v8 =	vor.u32 $0x21, v6;
	v7 =	vld.idx.msk [tilespmem:v9+s16+$0x0], $0xffff  }
0x37a: {  	v59 =	vor.u32 $0x100, v5;
	_ =	sdelay $0x3  }
0x37b: {  	[tilespmem:v8+s20+$0x0] =	vst.idx.msk $0xffff, v7  }
0x37c: {  	v8 =	vor.u32 $0x22, v6;
	v7 =	vld.idx.msk [tilespmem:v59+s16+$0x0], $0xffff  }
0x37d: {  	v60 =	vor.u32 $0x180, v5;
	_ =	sdelay $0x3  }
0x37e: {  	[tilespmem:v8+s20+$0x0] =	vst.idx.msk $0xffff, v7  }
0x37f: {  	v8 =	vor.u32 $0x23, v6;
	v7 =	vld.idx.msk [tilespmem:v60+s16+$0x0], $0xffff  }
0x380: {  	v61 =	vor.u32 $0x200, v5;
	_ =	sdelay $0x3  }
0x381: {  	[tilespmem:v8+s20+$0x0] =	vst.idx.msk $0xffff, v7  }
0x382: {  	v8 =	vor.u32 $0x24, v6;
	v7 =	vld.idx.msk [tilespmem:v61+s16+$0x0], $0xffff  }
0x383: {  	v62 =	vor.u32 $0x280, v5;
	_ =	sdelay $0x3  }
0x384: {  	[tilespmem:v8+s20+$0x0] =	vst.idx.msk $0xffff, v7  }
0x385: {  	v8 =	vor.u32 $0x25, v6;
	v7 =	vld.idx.msk [tilespmem:v62+s16+$0x0], $0xffff  }
0x386: {  	v63 =	vor.u32 $0x300, v5;
	_ =	sdelay $0x3  }
0x387: {  	[tilespmem:v8+s20+$0x0] =	vst.idx.msk $0xffff, v7  }
0x388: {  	v8 =	vor.u32 $0x26, v6;
	v7 =	vld.idx.msk [tilespmem:v63+s16+$0x0], $0xffff  }
0x389: {  	p2 =	sne.s32 s31, $0x1;
	v5 =	vor.u32 $0x380, v5  }
.Ltmp35:
0x38a: {  	_ = 	snop;
	(pc) =	sbr.rel @!p2 .LBB2_47-.Ltmp35, $3  }
0x38b: {  	_ =	sdelay $0x1  }
0x38c: {  	[tilespmem:v8+s20+$0x0] =	vst.idx.msk $0xffff, v7  }
0x38d: {  	s12 =	sadd.s32 $0xFFFFFFFF, s31;
	v6 =	vor.u32 $0x27, v6;
	v5 =	vld.idx.msk [tilespmem:v5+s16+$0x0], $0xffff  }
.LBB2_46:
0x38e: {  	_ =	sdelay $0x3  }
0x38f: {  	p2 =	sne.s32 s12, $0x1;
	s11 =	sadd.s32 $0x10, s11;
	s17 =	sadd.s32 $0x10, s17;
	[tilespmem:v6+s20+$0x0] =	vst.idx.msk $0xffff, v5  }
0x390: {  	s12 =	sadd.s32 $0xFFFFFFFF, s12;
	v5 =	vld [tilespmem:s11+$0x0];
	_ =	sdelay $0x4  }
0x391: {  	v6 =	vshll.u32 v5, $0x3  }
0x392: {  	v5 =	vand.u32 $0x7F, v5;
	v6 =	vand.u32 $0xFFFFFC00, v6  }
0x393: {  	v5 =	vor.u32 v5, v6;
	_ =	sdelay $0x2  }
0x394: {  	v6 =	vmov s17  }
0x395: {  	v6 =	vshll.u32 v6, $0x7  }
0x396: {  	v6 =	vor.u32 v4, v6;
	v7 =	vld.idx.msk [tilespmem:v5+s16+$0x0], $0xffff  }
0x397: {  	v8 =	vor.u32 $0x20, v6  }
0x398: {  	v9 =	vor.u32 $0x80, v5;
	_ =	sdelay $0x3  }
0x399: {  	[tilespmem:v8+s20+$0x0] =	vst.idx.msk $0xffff, v7  }
0x39a: {  	v7 =	vld.idx.msk [tilespmem:v9+s16+$0x0], $0xffff  }
0x39b: {  	v8 =	vor.u32 $0x21, v6  }
0x39c: {  	v9 =	vor.u32 $0x100, v5;
	_ =	sdelay $0x3  }
0x39d: {  	[tilespmem:v8+s20+$0x0] =	vst.idx.msk $0xffff, v7  }
0x39e: {  	v7 =	vld.idx.msk [tilespmem:v9+s16+$0x0], $0xffff  }
0x39f: {  	v8 =	vor.u32 $0x22, v6  }
0x3a0: {  	v9 =	vor.u32 $0x180, v5;
	_ =	sdelay $0x3  }
0x3a1: {  	[tilespmem:v8+s20+$0x0] =	vst.idx.msk $0xffff, v7  }
0x3a2: {  	v7 =	vld.idx.msk [tilespmem:v9+s16+$0x0], $0xffff  }
0x3a3: {  	v8 =	vor.u32 $0x23, v6  }
0x3a4: {  	v9 =	vor.u32 $0x200, v5;
	_ =	sdelay $0x3  }
0x3a5: {  	[tilespmem:v8+s20+$0x0] =	vst.idx.msk $0xffff, v7  }
0x3a6: {  	v7 =	vld.idx.msk [tilespmem:v9+s16+$0x0], $0xffff  }
0x3a7: {  	v8 =	vor.u32 $0x24, v6  }
0x3a8: {  	v9 =	vor.u32 $0x280, v5;
	_ =	sdelay $0x3  }
0x3a9: {  	[tilespmem:v8+s20+$0x0] =	vst.idx.msk $0xffff, v7  }
0x3aa: {  	v7 =	vld.idx.msk [tilespmem:v9+s16+$0x0], $0xffff  }
0x3ab: {  	v8 =	vor.u32 $0x25, v6  }
0x3ac: {  	v9 =	vor.u32 $0x300, v5;
	_ =	sdelay $0x3  }
0x3ad: {  	[tilespmem:v8+s20+$0x0] =	vst.idx.msk $0xffff, v7  }
0x3ae: {  	v7 =	vld.idx.msk [tilespmem:v9+s16+$0x0], $0xffff  }
0x3af: {  	v8 =	vor.u32 $0x26, v6  }
0x3b0: {  	v5 =	vor.u32 $0x380, v5;
	_ =	sdelay $0x1  }
.Ltmp36:
0x3b1: {  	(pc) =	sbr.rel @p2 .LBB2_46-.Ltmp36, $4  }
0x3b2: {  	_ = 	snop  }
0x3b3: {  	[tilespmem:v8+s20+$0x0] =	vst.idx.msk $0xffff, v7  }
0x3b4: {  	v5 =	vld.idx.msk [tilespmem:v5+s16+$0x0], $0xffff  }
0x3b5: {  	v6 =	vor.u32 $0x27, v6  }
.LBB2_47:
0x3b6: {  	_ =	sdelay $0x3  }
0x3b7: {  	[tilespmem:v6+s20+$0x0] =	vst.idx.msk $0xffff, v5  }
.LBB2_48:
.Ltmp37:
0x3b8: {  	s11 =	sadd.s32 $0x7A300, s3;
	s17 =	simm.s32 $0x0;
	(pc) =	sbr.rel @p0 .LBB2_52-.Ltmp37, $4  }
0x3b9: {  	[tilespmem:s16], [sflag:$0x2] =	stream.linear.gather [hbm4b:s11+s17], $0x6400, $0x38;
	[tilespmem:$0x1EE00] =	vst v63  }
0x3ba: {  	_ =	swait.ge [sflag:s19], $0x6400  }
0x3bb: {  	[sflag:s19] =	ssyncset.done $0x0  }
0x3bc: {  	s11 =	simm.s32 $0xE800;
	[sflag:s19] =	ssyncadd.s32 $0xFFFF9C00  }
0x3bd: {  	v5 =	vld [tilespmem:s11+$0x0];
	_ =	sdelay $0x4  }
0x3be: {  	v6 =	vshll.u32 v5, $0x3  }
0x3bf: {  	v5 =	vand.u32 $0x7F, v5;
	v6 =	vand.u32 $0xFFFFFC00, v6  }
0x3c0: {  	v5 =	vor.u32 v5, v6;
	_ =	sdelay $0x1  }
0x3c1: {  	v6 =	vmov s17  }
0x3c2: {  	v6 =	vshll.u32 v6, $0x7  }
0x3c3: {  	v6 =	vor.u32 v4, v6  }
0x3c4: {  	v8 =	vor.u32 $0x28, v6;
	v7 =	vld.idx.msk [tilespmem:v5+s4+$0x0], $0xffff  }
0x3c5: {  	v9 =	vor.u32 $0x80, v5;
	_ =	sdelay $0x3  }
0x3c6: {  	[tilespmem:v8+s20+$0x0] =	vst.idx.msk $0xffff, v7  }
0x3c7: {  	v8 =	vor.u32 $0x29, v6;
	v7 =	vld.idx.msk [tilespmem:v9+s4+$0x0], $0xffff  }
0x3c8: {  	v59 =	vor.u32 $0x100, v5;
	_ =	sdelay $0x3  }
0x3c9: {  	[tilespmem:v8+s20+$0x0] =	vst.idx.msk $0xffff, v7  }
0x3ca: {  	v8 =	vor.u32 $0x2A, v6;
	v7 =	vld.idx.msk [tilespmem:v59+s4+$0x0], $0xffff  }
0x3cb: {  	v60 =	vor.u32 $0x180, v5;
	_ =	sdelay $0x3  }
0x3cc: {  	[tilespmem:v8+s20+$0x0] =	vst.idx.msk $0xffff, v7  }
0x3cd: {  	v8 =	vor.u32 $0x2B, v6;
	v7 =	vld.idx.msk [tilespmem:v60+s4+$0x0], $0xffff  }
0x3ce: {  	v61 =	vor.u32 $0x200, v5;
	_ =	sdelay $0x3  }
0x3cf: {  	[tilespmem:v8+s20+$0x0] =	vst.idx.msk $0xffff, v7  }
0x3d0: {  	v8 =	vor.u32 $0x2C, v6;
	v7 =	vld.idx.msk [tilespmem:v61+s4+$0x0], $0xffff  }
0x3d1: {  	v62 =	vor.u32 $0x280, v5;
	_ =	sdelay $0x3  }
0x3d2: {  	[tilespmem:v8+s20+$0x0] =	vst.idx.msk $0xffff, v7  }
0x3d3: {  	v8 =	vor.u32 $0x2D, v6;
	v7 =	vld.idx.msk [tilespmem:v62+s4+$0x0], $0xffff  }
0x3d4: {  	v63 =	vor.u32 $0x300, v5;
	_ =	sdelay $0x3  }
0x3d5: {  	[tilespmem:v8+s20+$0x0] =	vst.idx.msk $0xffff, v7  }
0x3d6: {  	v8 =	vor.u32 $0x2E, v6;
	v7 =	vld.idx.msk [tilespmem:v63+s4+$0x0], $0xffff  }
0x3d7: {  	p2 =	sne.s32 s30, $0x1;
	v5 =	vor.u32 $0x380, v5  }
.Ltmp38:
0x3d8: {  	_ = 	snop;
	(pc) =	sbr.rel @!p2 .LBB2_51-.Ltmp38, $3  }
0x3d9: {  	_ =	sdelay $0x1  }
0x3da: {  	[tilespmem:v8+s20+$0x0] =	vst.idx.msk $0xffff, v7  }
0x3db: {  	s12 =	sadd.s32 $0xFFFFFFFF, s30;
	v6 =	vor.u32 $0x2F, v6;
	v5 =	vld.idx.msk [tilespmem:v5+s4+$0x0], $0xffff  }
.LBB2_50:
0x3dc: {  	_ =	sdelay $0x3  }
0x3dd: {  	p2 =	sne.s32 s12, $0x1;
	s11 =	sadd.s32 $0x10, s11;
	s17 =	sadd.s32 $0x10, s17;
	[tilespmem:v6+s20+$0x0] =	vst.idx.msk $0xffff, v5  }
0x3de: {  	s12 =	sadd.s32 $0xFFFFFFFF, s12;
	v5 =	vld [tilespmem:s11+$0x0];
	_ =	sdelay $0x4  }
0x3df: {  	v6 =	vshll.u32 v5, $0x3  }
0x3e0: {  	v5 =	vand.u32 $0x7F, v5;
	v6 =	vand.u32 $0xFFFFFC00, v6  }
0x3e1: {  	v5 =	vor.u32 v5, v6;
	_ =	sdelay $0x2  }
0x3e2: {  	v6 =	vmov s17  }
0x3e3: {  	v6 =	vshll.u32 v6, $0x7  }
0x3e4: {  	v6 =	vor.u32 v4, v6;
	v7 =	vld.idx.msk [tilespmem:v5+s4+$0x0], $0xffff  }
0x3e5: {  	v8 =	vor.u32 $0x28, v6  }
0x3e6: {  	v9 =	vor.u32 $0x80, v5;
	_ =	sdelay $0x3  }
0x3e7: {  	[tilespmem:v8+s20+$0x0] =	vst.idx.msk $0xffff, v7  }
0x3e8: {  	v7 =	vld.idx.msk [tilespmem:v9+s4+$0x0], $0xffff  }
0x3e9: {  	v8 =	vor.u32 $0x29, v6  }
0x3ea: {  	v9 =	vor.u32 $0x100, v5;
	_ =	sdelay $0x3  }
0x3eb: {  	[tilespmem:v8+s20+$0x0] =	vst.idx.msk $0xffff, v7  }
0x3ec: {  	v7 =	vld.idx.msk [tilespmem:v9+s4+$0x0], $0xffff  }
0x3ed: {  	v8 =	vor.u32 $0x2A, v6  }
0x3ee: {  	v9 =	vor.u32 $0x180, v5;
	_ =	sdelay $0x3  }
0x3ef: {  	[tilespmem:v8+s20+$0x0] =	vst.idx.msk $0xffff, v7  }
0x3f0: {  	v7 =	vld.idx.msk [tilespmem:v9+s4+$0x0], $0xffff  }
0x3f1: {  	v8 =	vor.u32 $0x2B, v6  }
0x3f2: {  	v9 =	vor.u32 $0x200, v5;
	_ =	sdelay $0x3  }
0x3f3: {  	[tilespmem:v8+s20+$0x0] =	vst.idx.msk $0xffff, v7  }
0x3f4: {  	v7 =	vld.idx.msk [tilespmem:v9+s4+$0x0], $0xffff  }
0x3f5: {  	v8 =	vor.u32 $0x2C, v6  }
0x3f6: {  	v9 =	vor.u32 $0x280, v5;
	_ =	sdelay $0x3  }
0x3f7: {  	[tilespmem:v8+s20+$0x0] =	vst.idx.msk $0xffff, v7  }
0x3f8: {  	v7 =	vld.idx.msk [tilespmem:v9+s4+$0x0], $0xffff  }
0x3f9: {  	v8 =	vor.u32 $0x2D, v6  }
0x3fa: {  	v9 =	vor.u32 $0x300, v5;
	_ =	sdelay $0x3  }
0x3fb: {  	[tilespmem:v8+s20+$0x0] =	vst.idx.msk $0xffff, v7  }
0x3fc: {  	v7 =	vld.idx.msk [tilespmem:v9+s4+$0x0], $0xffff  }
0x3fd: {  	v8 =	vor.u32 $0x2E, v6  }
0x3fe: {  	v5 =	vor.u32 $0x380, v5;
	_ =	sdelay $0x1  }
.Ltmp39:
0x3ff: {  	(pc) =	sbr.rel @p2 .LBB2_50-.Ltmp39, $4  }
0x400: {  	_ = 	snop  }
0x401: {  	[tilespmem:v8+s20+$0x0] =	vst.idx.msk $0xffff, v7  }
0x402: {  	v5 =	vld.idx.msk [tilespmem:v5+s4+$0x0], $0xffff  }
0x403: {  	v6 =	vor.u32 $0x2F, v6  }
.LBB2_51:
0x404: {  	_ =	sdelay $0x3  }
0x405: {  	[tilespmem:v6+s20+$0x0] =	vst.idx.msk $0xffff, v5  }
.LBB2_52:
.Ltmp40:
0x406: {  	s11 =	sadd.s32 $0x92A00, s0;
	(pc) =	sbr.rel @p1 .LBB2_56-.Ltmp40, $4  }
0x407: {  	[tilespmem:s4], [sflag:$0x1] =	stream.linear.gather [hbm4b:s11+s4], $0x6400, $0x38;
	[tilespmem:$0x1EE00] =	vst v63  }
0x408: {  	_ =	swait.ge [sflag:s21], $0x6400  }
0x409: {  	[sflag:s21] =	ssyncset.done $0x0  }
0x40a: {  	[sflag:s21] =	ssyncadd.s32 $0xFFFF9C00  }
0x40b: {  	s11 =	simm.s32 $0xEA00  }
0x40c: {  	v5 =	vld [tilespmem:s11+$0x0];
	_ =	sdelay $0x4  }
0x40d: {  	v6 =	vshll.u32 v5, $0x3  }
0x40e: {  	v5 =	vand.u32 $0x7F, v5;
	v6 =	vand.u32 $0xFFFFFC00, v6  }
0x40f: {  	v5 =	vor.u32 v5, v6  }
0x410: {  	s17 =	simm.s32 $0x100  }
0x411: {  	v6 =	vmov s17  }
0x412: {  	v6 =	vshll.u32 v6, $0x7  }
0x413: {  	v6 =	vor.u32 v4, v6  }
0x414: {  	v8 =	vor.u32 $0x28, v6;
	v7 =	vld.idx.msk [tilespmem:v5+s16+$0x0], $0xffff  }
0x415: {  	v9 =	vor.u32 $0x80, v5;
	_ =	sdelay $0x3  }
0x416: {  	[tilespmem:v8+s20+$0x0] =	vst.idx.msk $0xffff, v7  }
0x417: {  	v8 =	vor.u32 $0x29, v6;
	v7 =	vld.idx.msk [tilespmem:v9+s16+$0x0], $0xffff  }
0x418: {  	v59 =	vor.u32 $0x100, v5;
	_ =	sdelay $0x3  }
0x419: {  	[tilespmem:v8+s20+$0x0] =	vst.idx.msk $0xffff, v7  }
0x41a: {  	v8 =	vor.u32 $0x2A, v6;
	v7 =	vld.idx.msk [tilespmem:v59+s16+$0x0], $0xffff  }
0x41b: {  	v60 =	vor.u32 $0x180, v5;
	_ =	sdelay $0x3  }
0x41c: {  	[tilespmem:v8+s20+$0x0] =	vst.idx.msk $0xffff, v7  }
0x41d: {  	v8 =	vor.u32 $0x2B, v6;
	v7 =	vld.idx.msk [tilespmem:v60+s16+$0x0], $0xffff  }
0x41e: {  	v61 =	vor.u32 $0x200, v5;
	_ =	sdelay $0x3  }
0x41f: {  	[tilespmem:v8+s20+$0x0] =	vst.idx.msk $0xffff, v7  }
0x420: {  	v8 =	vor.u32 $0x2C, v6;
	v7 =	vld.idx.msk [tilespmem:v61+s16+$0x0], $0xffff  }
0x421: {  	v62 =	vor.u32 $0x280, v5;
	_ =	sdelay $0x3  }
0x422: {  	[tilespmem:v8+s20+$0x0] =	vst.idx.msk $0xffff, v7  }
0x423: {  	v8 =	vor.u32 $0x2D, v6;
	v7 =	vld.idx.msk [tilespmem:v62+s16+$0x0], $0xffff  }
0x424: {  	v63 =	vor.u32 $0x300, v5;
	_ =	sdelay $0x3  }
0x425: {  	[tilespmem:v8+s20+$0x0] =	vst.idx.msk $0xffff, v7  }
0x426: {  	v8 =	vor.u32 $0x2E, v6;
	v7 =	vld.idx.msk [tilespmem:v63+s16+$0x0], $0xffff  }
0x427: {  	p2 =	sne.s32 s31, $0x1;
	v5 =	vor.u32 $0x380, v5  }
.Ltmp41:
0x428: {  	_ = 	snop;
	(pc) =	sbr.rel @!p2 .LBB2_55-.Ltmp41, $3  }
0x429: {  	_ =	sdelay $0x1  }
0x42a: {  	[tilespmem:v8+s20+$0x0] =	vst.idx.msk $0xffff, v7  }
0x42b: {  	s12 =	sadd.s32 $0xFFFFFFFF, s31;
	v6 =	vor.u32 $0x2F, v6;
	v5 =	vld.idx.msk [tilespmem:v5+s16+$0x0], $0xffff  }
.LBB2_54:
0x42c: {  	_ =	sdelay $0x3  }
0x42d: {  	p2 =	sne.s32 s12, $0x1;
	s11 =	sadd.s32 $0x10, s11;
	s17 =	sadd.s32 $0x10, s17;
	[tilespmem:v6+s20+$0x0] =	vst.idx.msk $0xffff, v5  }
0x42e: {  	s12 =	sadd.s32 $0xFFFFFFFF, s12;
	v5 =	vld [tilespmem:s11+$0x0];
	_ =	sdelay $0x4  }
0x42f: {  	v6 =	vshll.u32 v5, $0x3  }
0x430: {  	v5 =	vand.u32 $0x7F, v5;
	v6 =	vand.u32 $0xFFFFFC00, v6  }
0x431: {  	v5 =	vor.u32 v5, v6;
	_ =	sdelay $0x2  }
0x432: {  	v6 =	vmov s17  }
0x433: {  	v6 =	vshll.u32 v6, $0x7  }
0x434: {  	v6 =	vor.u32 v4, v6;
	v7 =	vld.idx.msk [tilespmem:v5+s16+$0x0], $0xffff  }
0x435: {  	v8 =	vor.u32 $0x28, v6  }
0x436: {  	v9 =	vor.u32 $0x80, v5;
	_ =	sdelay $0x3  }
0x437: {  	[tilespmem:v8+s20+$0x0] =	vst.idx.msk $0xffff, v7  }
0x438: {  	v7 =	vld.idx.msk [tilespmem:v9+s16+$0x0], $0xffff  }
0x439: {  	v8 =	vor.u32 $0x29, v6  }
0x43a: {  	v9 =	vor.u32 $0x100, v5;
	_ =	sdelay $0x3  }
0x43b: {  	[tilespmem:v8+s20+$0x0] =	vst.idx.msk $0xffff, v7  }
0x43c: {  	v7 =	vld.idx.msk [tilespmem:v9+s16+$0x0], $0xffff  }
0x43d: {  	v8 =	vor.u32 $0x2A, v6  }
0x43e: {  	v9 =	vor.u32 $0x180, v5;
	_ =	sdelay $0x3  }
0x43f: {  	[tilespmem:v8+s20+$0x0] =	vst.idx.msk $0xffff, v7  }
0x440: {  	v7 =	vld.idx.msk [tilespmem:v9+s16+$0x0], $0xffff  }
0x441: {  	v8 =	vor.u32 $0x2B, v6  }
0x442: {  	v9 =	vor.u32 $0x200, v5;
	_ =	sdelay $0x3  }
0x443: {  	[tilespmem:v8+s20+$0x0] =	vst.idx.msk $0xffff, v7  }
0x444: {  	v7 =	vld.idx.msk [tilespmem:v9+s16+$0x0], $0xffff  }
0x445: {  	v8 =	vor.u32 $0x2C, v6  }
0x446: {  	v9 =	vor.u32 $0x280, v5;
	_ =	sdelay $0x3  }
0x447: {  	[tilespmem:v8+s20+$0x0] =	vst.idx.msk $0xffff, v7  }
0x448: {  	v7 =	vld.idx.msk [tilespmem:v9+s16+$0x0], $0xffff  }
0x449: {  	v8 =	vor.u32 $0x2D, v6  }
0x44a: {  	v9 =	vor.u32 $0x300, v5;
	_ =	sdelay $0x3  }
0x44b: {  	[tilespmem:v8+s20+$0x0] =	vst.idx.msk $0xffff, v7  }
0x44c: {  	v7 =	vld.idx.msk [tilespmem:v9+s16+$0x0], $0xffff  }
0x44d: {  	v8 =	vor.u32 $0x2E, v6  }
0x44e: {  	v5 =	vor.u32 $0x380, v5;
	_ =	sdelay $0x1  }
.Ltmp42:
0x44f: {  	(pc) =	sbr.rel @p2 .LBB2_54-.Ltmp42, $4  }
0x450: {  	_ = 	snop  }
0x451: {  	[tilespmem:v8+s20+$0x0] =	vst.idx.msk $0xffff, v7  }
0x452: {  	v5 =	vld.idx.msk [tilespmem:v5+s16+$0x0], $0xffff  }
0x453: {  	v6 =	vor.u32 $0x2F, v6  }
.LBB2_55:
0x454: {  	_ =	sdelay $0x3  }
0x455: {  	[tilespmem:v6+s20+$0x0] =	vst.idx.msk $0xffff, v5  }
.LBB2_56:
.Ltmp43:
0x456: {  	s11 =	sadd.s32 $0x92A00, s3;
	s17 =	simm.s32 $0x0;
	(pc) =	sbr.rel @p0 .LBB2_60-.Ltmp43, $4  }
0x457: {  	[tilespmem:s16], [sflag:$0x2] =	stream.linear.gather [hbm4b:s11+s17], $0x6400, $0x38;
	[tilespmem:$0x1EE00] =	vst v63  }
0x458: {  	_ =	swait.ge [sflag:s19], $0x6400  }
0x459: {  	[sflag:s19] =	ssyncset.done $0x0  }
0x45a: {  	s11 =	simm.s32 $0xE800;
	[sflag:s19] =	ssyncadd.s32 $0xFFFF9C00  }
0x45b: {  	v5 =	vld [tilespmem:s11+$0x0];
	_ =	sdelay $0x4  }
0x45c: {  	v6 =	vshll.u32 v5, $0x3  }
0x45d: {  	v5 =	vand.u32 $0x7F, v5;
	v6 =	vand.u32 $0xFFFFFC00, v6  }
0x45e: {  	v5 =	vor.u32 v5, v6;
	_ =	sdelay $0x1  }
0x45f: {  	v6 =	vmov s17  }
0x460: {  	v6 =	vshll.u32 v6, $0x7  }
0x461: {  	v6 =	vor.u32 v4, v6  }
0x462: {  	v8 =	vor.u32 $0x30, v6;
	v7 =	vld.idx.msk [tilespmem:v5+s4+$0x0], $0xffff  }
0x463: {  	v9 =	vor.u32 $0x80, v5;
	_ =	sdelay $0x3  }
0x464: {  	[tilespmem:v8+s20+$0x0] =	vst.idx.msk $0xffff, v7  }
0x465: {  	v8 =	vor.u32 $0x31, v6;
	v7 =	vld.idx.msk [tilespmem:v9+s4+$0x0], $0xffff  }
0x466: {  	v59 =	vor.u32 $0x100, v5;
	_ =	sdelay $0x3  }
0x467: {  	[tilespmem:v8+s20+$0x0] =	vst.idx.msk $0xffff, v7  }
0x468: {  	v8 =	vor.u32 $0x32, v6;
	v7 =	vld.idx.msk [tilespmem:v59+s4+$0x0], $0xffff  }
0x469: {  	v60 =	vor.u32 $0x180, v5;
	_ =	sdelay $0x3  }
0x46a: {  	[tilespmem:v8+s20+$0x0] =	vst.idx.msk $0xffff, v7  }
0x46b: {  	v8 =	vor.u32 $0x33, v6;
	v7 =	vld.idx.msk [tilespmem:v60+s4+$0x0], $0xffff  }
0x46c: {  	v61 =	vor.u32 $0x200, v5;
	_ =	sdelay $0x3  }
0x46d: {  	[tilespmem:v8+s20+$0x0] =	vst.idx.msk $0xffff, v7  }
0x46e: {  	v8 =	vor.u32 $0x34, v6;
	v7 =	vld.idx.msk [tilespmem:v61+s4+$0x0], $0xffff  }
0x46f: {  	v62 =	vor.u32 $0x280, v5;
	_ =	sdelay $0x3  }
0x470: {  	[tilespmem:v8+s20+$0x0] =	vst.idx.msk $0xffff, v7  }
0x471: {  	v8 =	vor.u32 $0x35, v6;
	v7 =	vld.idx.msk [tilespmem:v62+s4+$0x0], $0xffff  }
0x472: {  	v63 =	vor.u32 $0x300, v5;
	_ =	sdelay $0x3  }
0x473: {  	[tilespmem:v8+s20+$0x0] =	vst.idx.msk $0xffff, v7  }
0x474: {  	v8 =	vor.u32 $0x36, v6;
	v7 =	vld.idx.msk [tilespmem:v63+s4+$0x0], $0xffff  }
0x475: {  	p2 =	sne.s32 s30, $0x1;
	v5 =	vor.u32 $0x380, v5  }
.Ltmp44:
0x476: {  	_ = 	snop;
	(pc) =	sbr.rel @!p2 .LBB2_59-.Ltmp44, $3  }
0x477: {  	_ =	sdelay $0x1  }
0x478: {  	[tilespmem:v8+s20+$0x0] =	vst.idx.msk $0xffff, v7  }
0x479: {  	s12 =	sadd.s32 $0xFFFFFFFF, s30;
	v6 =	vor.u32 $0x37, v6;
	v5 =	vld.idx.msk [tilespmem:v5+s4+$0x0], $0xffff  }
.LBB2_58:
0x47a: {  	_ =	sdelay $0x3  }
0x47b: {  	p2 =	sne.s32 s12, $0x1;
	s11 =	sadd.s32 $0x10, s11;
	s17 =	sadd.s32 $0x10, s17;
	[tilespmem:v6+s20+$0x0] =	vst.idx.msk $0xffff, v5  }
0x47c: {  	s12 =	sadd.s32 $0xFFFFFFFF, s12;
	v5 =	vld [tilespmem:s11+$0x0];
	_ =	sdelay $0x4  }
0x47d: {  	v6 =	vshll.u32 v5, $0x3  }
0x47e: {  	v5 =	vand.u32 $0x7F, v5;
	v6 =	vand.u32 $0xFFFFFC00, v6  }
0x47f: {  	v5 =	vor.u32 v5, v6;
	_ =	sdelay $0x2  }
0x480: {  	v6 =	vmov s17  }
0x481: {  	v6 =	vshll.u32 v6, $0x7  }
0x482: {  	v6 =	vor.u32 v4, v6;
	v7 =	vld.idx.msk [tilespmem:v5+s4+$0x0], $0xffff  }
0x483: {  	v8 =	vor.u32 $0x30, v6  }
0x484: {  	v9 =	vor.u32 $0x80, v5;
	_ =	sdelay $0x3  }
0x485: {  	[tilespmem:v8+s20+$0x0] =	vst.idx.msk $0xffff, v7  }
0x486: {  	v7 =	vld.idx.msk [tilespmem:v9+s4+$0x0], $0xffff  }
0x487: {  	v8 =	vor.u32 $0x31, v6  }
0x488: {  	v9 =	vor.u32 $0x100, v5;
	_ =	sdelay $0x3  }
0x489: {  	[tilespmem:v8+s20+$0x0] =	vst.idx.msk $0xffff, v7  }
0x48a: {  	v7 =	vld.idx.msk [tilespmem:v9+s4+$0x0], $0xffff  }
0x48b: {  	v8 =	vor.u32 $0x32, v6  }
0x48c: {  	v9 =	vor.u32 $0x180, v5;
	_ =	sdelay $0x3  }
0x48d: {  	[tilespmem:v8+s20+$0x0] =	vst.idx.msk $0xffff, v7  }
0x48e: {  	v7 =	vld.idx.msk [tilespmem:v9+s4+$0x0], $0xffff  }
0x48f: {  	v8 =	vor.u32 $0x33, v6  }
0x490: {  	v9 =	vor.u32 $0x200, v5;
	_ =	sdelay $0x3  }
0x491: {  	[tilespmem:v8+s20+$0x0] =	vst.idx.msk $0xffff, v7  }
0x492: {  	v7 =	vld.idx.msk [tilespmem:v9+s4+$0x0], $0xffff  }
0x493: {  	v8 =	vor.u32 $0x34, v6  }
0x494: {  	v9 =	vor.u32 $0x280, v5;
	_ =	sdelay $0x3  }
0x495: {  	[tilespmem:v8+s20+$0x0] =	vst.idx.msk $0xffff, v7  }
0x496: {  	v7 =	vld.idx.msk [tilespmem:v9+s4+$0x0], $0xffff  }
0x497: {  	v8 =	vor.u32 $0x35, v6  }
0x498: {  	v9 =	vor.u32 $0x300, v5;
	_ =	sdelay $0x3  }
0x499: {  	[tilespmem:v8+s20+$0x0] =	vst.idx.msk $0xffff, v7  }
0x49a: {  	v7 =	vld.idx.msk [tilespmem:v9+s4+$0x0], $0xffff  }
0x49b: {  	v8 =	vor.u32 $0x36, v6  }
0x49c: {  	v5 =	vor.u32 $0x380, v5;
	_ =	sdelay $0x1  }
.Ltmp45:
0x49d: {  	(pc) =	sbr.rel @p2 .LBB2_58-.Ltmp45, $4  }
0x49e: {  	_ = 	snop  }
0x49f: {  	[tilespmem:v8+s20+$0x0] =	vst.idx.msk $0xffff, v7  }
0x4a0: {  	v5 =	vld.idx.msk [tilespmem:v5+s4+$0x0], $0xffff  }
0x4a1: {  	v6 =	vor.u32 $0x37, v6  }
.LBB2_59:
0x4a2: {  	_ =	sdelay $0x3  }
0x4a3: {  	[tilespmem:v6+s20+$0x0] =	vst.idx.msk $0xffff, v5  }
.LBB2_60:
.Ltmp46:
0x4a4: {  	s0 =	sadd.s32 $0xAB100, s0;
	(pc) =	sbr.rel @p1 .LBB2_64-.Ltmp46, $4  }
0x4a5: {  	[tilespmem:s4], [sflag:$0x1] =	stream.linear.gather [hbm4b:s0+s4], $0x6400, $0x38;
	[tilespmem:$0x1EE00] =	vst v63  }
0x4a6: {  	_ =	swait.ge [sflag:s21], $0x6400  }
0x4a7: {  	[sflag:s21] =	ssyncset.done $0x0  }
0x4a8: {  	[sflag:s21] =	ssyncadd.s32 $0xFFFF9C00  }
0x4a9: {  	s0 =	simm.s32 $0xEA00  }
0x4aa: {  	v5 =	vld [tilespmem:s0+$0x0];
	_ =	sdelay $0x4  }
0x4ab: {  	v6 =	vshll.u32 v5, $0x3  }
0x4ac: {  	v5 =	vand.u32 $0x7F, v5;
	v6 =	vand.u32 $0xFFFFFC00, v6  }
0x4ad: {  	v5 =	vor.u32 v5, v6  }
0x4ae: {  	s11 =	simm.s32 $0x100  }
0x4af: {  	v6 =	vmov s11  }
0x4b0: {  	v6 =	vshll.u32 v6, $0x7  }
0x4b1: {  	v6 =	vor.u32 v4, v6  }
0x4b2: {  	v8 =	vor.u32 $0x30, v6;
	v7 =	vld.idx.msk [tilespmem:v5+s16+$0x0], $0xffff  }
0x4b3: {  	v9 =	vor.u32 $0x80, v5;
	_ =	sdelay $0x3  }
0x4b4: {  	[tilespmem:v8+s20+$0x0] =	vst.idx.msk $0xffff, v7  }
0x4b5: {  	v8 =	vor.u32 $0x31, v6;
	v7 =	vld.idx.msk [tilespmem:v9+s16+$0x0], $0xffff  }
0x4b6: {  	v59 =	vor.u32 $0x100, v5;
	_ =	sdelay $0x3  }
0x4b7: {  	[tilespmem:v8+s20+$0x0] =	vst.idx.msk $0xffff, v7  }
0x4b8: {  	v8 =	vor.u32 $0x32, v6;
	v7 =	vld.idx.msk [tilespmem:v59+s16+$0x0], $0xffff  }
0x4b9: {  	v60 =	vor.u32 $0x180, v5;
	_ =	sdelay $0x3  }
0x4ba: {  	[tilespmem:v8+s20+$0x0] =	vst.idx.msk $0xffff, v7  }
0x4bb: {  	v8 =	vor.u32 $0x33, v6;
	v7 =	vld.idx.msk [tilespmem:v60+s16+$0x0], $0xffff  }
0x4bc: {  	v61 =	vor.u32 $0x200, v5;
	_ =	sdelay $0x3  }
0x4bd: {  	[tilespmem:v8+s20+$0x0] =	vst.idx.msk $0xffff, v7  }
0x4be: {  	v8 =	vor.u32 $0x34, v6;
	v7 =	vld.idx.msk [tilespmem:v61+s16+$0x0], $0xffff  }
0x4bf: {  	v62 =	vor.u32 $0x280, v5;
	_ =	sdelay $0x3  }
0x4c0: {  	[tilespmem:v8+s20+$0x0] =	vst.idx.msk $0xffff, v7  }
0x4c1: {  	v8 =	vor.u32 $0x35, v6;
	v7 =	vld.idx.msk [tilespmem:v62+s16+$0x0], $0xffff  }
0x4c2: {  	v63 =	vor.u32 $0x300, v5;
	_ =	sdelay $0x3  }
0x4c3: {  	[tilespmem:v8+s20+$0x0] =	vst.idx.msk $0xffff, v7  }
0x4c4: {  	v8 =	vor.u32 $0x36, v6;
	v7 =	vld.idx.msk [tilespmem:v63+s16+$0x0], $0xffff  }
0x4c5: {  	p2 =	sne.s32 s31, $0x1;
	v5 =	vor.u32 $0x380, v5  }
.Ltmp47:
0x4c6: {  	_ = 	snop;
	(pc) =	sbr.rel @!p2 .LBB2_63-.Ltmp47, $3  }
0x4c7: {  	_ =	sdelay $0x1  }
0x4c8: {  	[tilespmem:v8+s20+$0x0] =	vst.idx.msk $0xffff, v7  }
0x4c9: {  	s12 =	sadd.s32 $0xFFFFFFFF, s31;
	v6 =	vor.u32 $0x37, v6;
	v5 =	vld.idx.msk [tilespmem:v5+s16+$0x0], $0xffff  }
.LBB2_62:
0x4ca: {  	_ =	sdelay $0x3  }
0x4cb: {  	p2 =	sne.s32 s12, $0x1;
	s0 =	sadd.s32 $0x10, s0;
	s11 =	sadd.s32 $0x10, s11;
	[tilespmem:v6+s20+$0x0] =	vst.idx.msk $0xffff, v5  }
0x4cc: {  	s12 =	sadd.s32 $0xFFFFFFFF, s12;
	v5 =	vld [tilespmem:s0+$0x0];
	_ =	sdelay $0x4  }
0x4cd: {  	v6 =	vshll.u32 v5, $0x3  }
0x4ce: {  	v5 =	vand.u32 $0x7F, v5;
	v6 =	vand.u32 $0xFFFFFC00, v6  }
0x4cf: {  	v5 =	vor.u32 v5, v6;
	_ =	sdelay $0x2  }
0x4d0: {  	v6 =	vmov s11  }
0x4d1: {  	v6 =	vshll.u32 v6, $0x7  }
0x4d2: {  	v6 =	vor.u32 v4, v6;
	v7 =	vld.idx.msk [tilespmem:v5+s16+$0x0], $0xffff  }
0x4d3: {  	v8 =	vor.u32 $0x30, v6  }
0x4d4: {  	v9 =	vor.u32 $0x80, v5;
	_ =	sdelay $0x3  }
0x4d5: {  	[tilespmem:v8+s20+$0x0] =	vst.idx.msk $0xffff, v7  }
0x4d6: {  	v7 =	vld.idx.msk [tilespmem:v9+s16+$0x0], $0xffff  }
0x4d7: {  	v8 =	vor.u32 $0x31, v6  }
0x4d8: {  	v9 =	vor.u32 $0x100, v5;
	_ =	sdelay $0x3  }
0x4d9: {  	[tilespmem:v8+s20+$0x0] =	vst.idx.msk $0xffff, v7  }
0x4da: {  	v7 =	vld.idx.msk [tilespmem:v9+s16+$0x0], $0xffff  }
0x4db: {  	v8 =	vor.u32 $0x32, v6  }
0x4dc: {  	v9 =	vor.u32 $0x180, v5;
	_ =	sdelay $0x3  }
0x4dd: {  	[tilespmem:v8+s20+$0x0] =	vst.idx.msk $0xffff, v7  }
0x4de: {  	v7 =	vld.idx.msk [tilespmem:v9+s16+$0x0], $0xffff  }
0x4df: {  	v8 =	vor.u32 $0x33, v6  }
0x4e0: {  	v9 =	vor.u32 $0x200, v5;
	_ =	sdelay $0x3  }
0x4e1: {  	[tilespmem:v8+s20+$0x0] =	vst.idx.msk $0xffff, v7  }
0x4e2: {  	v7 =	vld.idx.msk [tilespmem:v9+s16+$0x0], $0xffff  }
0x4e3: {  	v8 =	vor.u32 $0x34, v6  }
0x4e4: {  	v9 =	vor.u32 $0x280, v5;
	_ =	sdelay $0x3  }
0x4e5: {  	[tilespmem:v8+s20+$0x0] =	vst.idx.msk $0xffff, v7  }
0x4e6: {  	v7 =	vld.idx.msk [tilespmem:v9+s16+$0x0], $0xffff  }
0x4e7: {  	v8 =	vor.u32 $0x35, v6  }
0x4e8: {  	v9 =	vor.u32 $0x300, v5;
	_ =	sdelay $0x3  }
0x4e9: {  	[tilespmem:v8+s20+$0x0] =	vst.idx.msk $0xffff, v7  }
0x4ea: {  	v7 =	vld.idx.msk [tilespmem:v9+s16+$0x0], $0xffff  }
0x4eb: {  	v8 =	vor.u32 $0x36, v6  }
0x4ec: {  	v5 =	vor.u32 $0x380, v5;
	_ =	sdelay $0x1  }
.Ltmp48:
0x4ed: {  	(pc) =	sbr.rel @p2 .LBB2_62-.Ltmp48, $4  }
0x4ee: {  	_ = 	snop  }
0x4ef: {  	[tilespmem:v8+s20+$0x0] =	vst.idx.msk $0xffff, v7  }
0x4f0: {  	v5 =	vld.idx.msk [tilespmem:v5+s16+$0x0], $0xffff  }
0x4f1: {  	v6 =	vor.u32 $0x37, v6  }
.LBB2_63:
0x4f2: {  	_ =	sdelay $0x3  }
0x4f3: {  	[tilespmem:v6+s20+$0x0] =	vst.idx.msk $0xffff, v5  }
.LBB2_64:
.Ltmp49:
0x4f4: {  	s3 =	sadd.s32 $0xAB100, s3;
	s0 =	simm.s32 $0x0;
	(pc) =	sbr.rel @p0 .LBB2_68-.Ltmp49, $4  }
0x4f5: {  	[tilespmem:s16], [sflag:$0x2] =	stream.linear.gather [hbm4b:s3+s0], $0x6400, $0x38;
	[tilespmem:$0x1EE00] =	vst v63  }
0x4f6: {  	_ =	swait.ge [sflag:s19], $0x6400  }
0x4f7: {  	[sflag:s19] =	ssyncset.done $0x0  }
0x4f8: {  	s3 =	simm.s32 $0xE800;
	[sflag:s19] =	ssyncadd.s32 $0xFFFF9C00  }
0x4f9: {  	v5 =	vld [tilespmem:s3+$0x0];
	_ =	sdelay $0x4  }
0x4fa: {  	v6 =	vshll.u32 v5, $0x3  }
0x4fb: {  	v5 =	vand.u32 $0x7F, v5;
	v6 =	vand.u32 $0xFFFFFC00, v6  }
0x4fc: {  	v5 =	vor.u32 v5, v6;
	_ =	sdelay $0x1  }
0x4fd: {  	v6 =	vmov s0  }
0x4fe: {  	v6 =	vshll.u32 v6, $0x7  }
0x4ff: {  	v6 =	vor.u32 v4, v6  }
0x500: {  	v8 =	vor.u32 $0x38, v6;
	v7 =	vld.idx.msk [tilespmem:v5+s4+$0x0], $0xffff  }
0x501: {  	v9 =	vor.u32 $0x80, v5;
	_ =	sdelay $0x3  }
0x502: {  	[tilespmem:v8+s20+$0x0] =	vst.idx.msk $0xffff, v7  }
0x503: {  	v8 =	vor.u32 $0x39, v6;
	v7 =	vld.idx.msk [tilespmem:v9+s4+$0x0], $0xffff  }
0x504: {  	v59 =	vor.u32 $0x100, v5;
	_ =	sdelay $0x3  }
0x505: {  	[tilespmem:v8+s20+$0x0] =	vst.idx.msk $0xffff, v7  }
0x506: {  	v8 =	vor.u32 $0x3A, v6;
	v7 =	vld.idx.msk [tilespmem:v59+s4+$0x0], $0xffff  }
0x507: {  	v60 =	vor.u32 $0x180, v5;
	_ =	sdelay $0x3  }
0x508: {  	[tilespmem:v8+s20+$0x0] =	vst.idx.msk $0xffff, v7  }
0x509: {  	v8 =	vor.u32 $0x3B, v6;
	v7 =	vld.idx.msk [tilespmem:v60+s4+$0x0], $0xffff  }
0x50a: {  	v61 =	vor.u32 $0x200, v5;
	_ =	sdelay $0x3  }
0x50b: {  	[tilespmem:v8+s20+$0x0] =	vst.idx.msk $0xffff, v7  }
0x50c: {  	v8 =	vor.u32 $0x3C, v6;
	v7 =	vld.idx.msk [tilespmem:v61+s4+$0x0], $0xffff  }
0x50d: {  	v62 =	vor.u32 $0x280, v5;
	_ =	sdelay $0x3  }
0x50e: {  	[tilespmem:v8+s20+$0x0] =	vst.idx.msk $0xffff, v7  }
0x50f: {  	v8 =	vor.u32 $0x3D, v6;
	v7 =	vld.idx.msk [tilespmem:v62+s4+$0x0], $0xffff  }
0x510: {  	v63 =	vor.u32 $0x300, v5;
	_ =	sdelay $0x3  }
0x511: {  	[tilespmem:v8+s20+$0x0] =	vst.idx.msk $0xffff, v7  }
0x512: {  	v8 =	vor.u32 $0x3E, v6;
	v7 =	vld.idx.msk [tilespmem:v63+s4+$0x0], $0xffff  }
0x513: {  	p0 =	sne.s32 s30, $0x1;
	v5 =	vor.u32 $0x380, v5  }
.Ltmp50:
0x514: {  	_ = 	snop;
	(pc) =	sbr.rel @!p0 .LBB2_67-.Ltmp50, $3  }
0x515: {  	_ =	sdelay $0x1  }
0x516: {  	[tilespmem:v8+s20+$0x0] =	vst.idx.msk $0xffff, v7  }
0x517: {  	s11 =	sadd.s32 $0xFFFFFFFF, s30;
	v6 =	vor.u32 $0x3F, v6;
	v5 =	vld.idx.msk [tilespmem:v5+s4+$0x0], $0xffff  }
.LBB2_66:
0x518: {  	_ =	sdelay $0x3  }
0x519: {  	p0 =	sne.s32 s11, $0x1;
	s3 =	sadd.s32 $0x10, s3;
	s0 =	sadd.s32 $0x10, s0;
	[tilespmem:v6+s20+$0x0] =	vst.idx.msk $0xffff, v5  }
0x51a: {  	s11 =	sadd.s32 $0xFFFFFFFF, s11;
	v5 =	vld [tilespmem:s3+$0x0];
	_ =	sdelay $0x4  }
0x51b: {  	v6 =	vshll.u32 v5, $0x3  }
0x51c: {  	v5 =	vand.u32 $0x7F, v5;
	v6 =	vand.u32 $0xFFFFFC00, v6  }
0x51d: {  	v5 =	vor.u32 v5, v6;
	_ =	sdelay $0x2  }
0x51e: {  	v6 =	vmov s0  }
0x51f: {  	v6 =	vshll.u32 v6, $0x7  }
0x520: {  	v6 =	vor.u32 v4, v6;
	v7 =	vld.idx.msk [tilespmem:v5+s4+$0x0], $0xffff  }
0x521: {  	v8 =	vor.u32 $0x38, v6  }
0x522: {  	v9 =	vor.u32 $0x80, v5;
	_ =	sdelay $0x3  }
0x523: {  	[tilespmem:v8+s20+$0x0] =	vst.idx.msk $0xffff, v7  }
0x524: {  	v7 =	vld.idx.msk [tilespmem:v9+s4+$0x0], $0xffff  }
0x525: {  	v8 =	vor.u32 $0x39, v6  }
0x526: {  	v9 =	vor.u32 $0x100, v5;
	_ =	sdelay $0x3  }
0x527: {  	[tilespmem:v8+s20+$0x0] =	vst.idx.msk $0xffff, v7  }
0x528: {  	v7 =	vld.idx.msk [tilespmem:v9+s4+$0x0], $0xffff  }
0x529: {  	v8 =	vor.u32 $0x3A, v6  }
0x52a: {  	v9 =	vor.u32 $0x180, v5;
	_ =	sdelay $0x3  }
0x52b: {  	[tilespmem:v8+s20+$0x0] =	vst.idx.msk $0xffff, v7  }
0x52c: {  	v7 =	vld.idx.msk [tilespmem:v9+s4+$0x0], $0xffff  }
0x52d: {  	v8 =	vor.u32 $0x3B, v6  }
0x52e: {  	v9 =	vor.u32 $0x200, v5;
	_ =	sdelay $0x3  }
0x52f: {  	[tilespmem:v8+s20+$0x0] =	vst.idx.msk $0xffff, v7  }
0x530: {  	v7 =	vld.idx.msk [tilespmem:v9+s4+$0x0], $0xffff  }
0x531: {  	v8 =	vor.u32 $0x3C, v6  }
0x532: {  	v9 =	vor.u32 $0x280, v5;
	_ =	sdelay $0x3  }
0x533: {  	[tilespmem:v8+s20+$0x0] =	vst.idx.msk $0xffff, v7  }
0x534: {  	v7 =	vld.idx.msk [tilespmem:v9+s4+$0x0], $0xffff  }
0x535: {  	v8 =	vor.u32 $0x3D, v6  }
0x536: {  	v9 =	vor.u32 $0x300, v5;
	_ =	sdelay $0x3  }
0x537: {  	[tilespmem:v8+s20+$0x0] =	vst.idx.msk $0xffff, v7  }
0x538: {  	v7 =	vld.idx.msk [tilespmem:v9+s4+$0x0], $0xffff  }
0x539: {  	v8 =	vor.u32 $0x3E, v6  }
0x53a: {  	v5 =	vor.u32 $0x380, v5;
	_ =	sdelay $0x1  }
.Ltmp51:
0x53b: {  	(pc) =	sbr.rel @p0 .LBB2_66-.Ltmp51, $4  }
0x53c: {  	_ = 	snop  }
0x53d: {  	[tilespmem:v8+s20+$0x0] =	vst.idx.msk $0xffff, v7  }
0x53e: {  	v5 =	vld.idx.msk [tilespmem:v5+s4+$0x0], $0xffff  }
0x53f: {  	v6 =	vor.u32 $0x3F, v6  }
.LBB2_67:
0x540: {  	_ =	sdelay $0x3  }
0x541: {  	[tilespmem:v6+s20+$0x0] =	vst.idx.msk $0xffff, v5  }
.LBB2_68:
0x542: {  	s0 =	smul.u32 $0x61C000, s29;
	_ =	sdelay $0x1  }
0x543: {  	s3 =	sshrl.u32 s0, $0x3  }
.Ltmp52:
0x544: {  	s3 =	sadd.s32 s3, s10;
	(pc) =	sbr.rel @p1 .LBB2_72-.Ltmp52, $4  }
0x545: {  	[tilespmem:s4], [sflag:$0x1] =	stream.linear.gather [hbm4b:s3+s4], $0x6400, $0x38;
	[tilespmem:$0x1EE00] =	vst v63  }
0x546: {  	_ =	swait.ge [sflag:s21], $0x6400  }
0x547: {  	[sflag:s21] =	ssyncset.done $0x0  }
0x548: {  	[sflag:s21] =	ssyncadd.s32 $0xFFFF9C00  }
0x549: {  	s3 =	simm.s32 $0xEA00  }
0x54a: {  	v5 =	vld [tilespmem:s3+$0x0];
	_ =	sdelay $0x4  }
0x54b: {  	v6 =	vshll.u32 v5, $0x3  }
0x54c: {  	v5 =	vand.u32 $0x7F, v5;
	v6 =	vand.u32 $0xFFFFFC00, v6  }
0x54d: {  	v5 =	vor.u32 v5, v6  }
0x54e: {  	s11 =	simm.s32 $0x100  }
0x54f: {  	v6 =	vmov s11  }
0x550: {  	v6 =	vshll.u32 v6, $0x7  }
0x551: {  	v6 =	vor.u32 v4, v6  }
0x552: {  	v8 =	vor.u32 $0x38, v6;
	v7 =	vld.idx.msk [tilespmem:v5+s16+$0x0], $0xffff  }
0x553: {  	v9 =	vor.u32 $0x80, v5;
	_ =	sdelay $0x3  }
0x554: {  	[tilespmem:v8+s20+$0x0] =	vst.idx.msk $0xffff, v7  }
0x555: {  	v8 =	vor.u32 $0x39, v6;
	v7 =	vld.idx.msk [tilespmem:v9+s16+$0x0], $0xffff  }
0x556: {  	v59 =	vor.u32 $0x100, v5;
	_ =	sdelay $0x3  }
0x557: {  	[tilespmem:v8+s20+$0x0] =	vst.idx.msk $0xffff, v7  }
0x558: {  	v8 =	vor.u32 $0x3A, v6;
	v7 =	vld.idx.msk [tilespmem:v59+s16+$0x0], $0xffff  }
0x559: {  	v60 =	vor.u32 $0x180, v5;
	_ =	sdelay $0x3  }
0x55a: {  	[tilespmem:v8+s20+$0x0] =	vst.idx.msk $0xffff, v7  }
0x55b: {  	v8 =	vor.u32 $0x3B, v6;
	v7 =	vld.idx.msk [tilespmem:v60+s16+$0x0], $0xffff  }
0x55c: {  	v61 =	vor.u32 $0x200, v5;
	_ =	sdelay $0x3  }
0x55d: {  	[tilespmem:v8+s20+$0x0] =	vst.idx.msk $0xffff, v7  }
0x55e: {  	v8 =	vor.u32 $0x3C, v6;
	v7 =	vld.idx.msk [tilespmem:v61+s16+$0x0], $0xffff  }
0x55f: {  	v62 =	vor.u32 $0x280, v5;
	_ =	sdelay $0x3  }
0x560: {  	[tilespmem:v8+s20+$0x0] =	vst.idx.msk $0xffff, v7  }
0x561: {  	v8 =	vor.u32 $0x3D, v6;
	v7 =	vld.idx.msk [tilespmem:v62+s16+$0x0], $0xffff  }
0x562: {  	v63 =	vor.u32 $0x300, v5;
	_ =	sdelay $0x3  }
0x563: {  	[tilespmem:v8+s20+$0x0] =	vst.idx.msk $0xffff, v7  }
0x564: {  	v8 =	vor.u32 $0x3E, v6;
	v7 =	vld.idx.msk [tilespmem:v63+s16+$0x0], $0xffff  }
0x565: {  	v5 =	vor.u32 $0x380, v5;
	_ =	sdelay $0x3  }
0x566: {  	p0 =	sne.s32 s31, $0x1;
	[tilespmem:v8+s20+$0x0] =	vst.idx.msk $0xffff, v7  }
.Ltmp53:
0x567: {  	v6 =	vor.u32 $0x3F, v6;
	v5 =	vld.idx.msk [tilespmem:v5+s16+$0x0], $0xffff;
	(pc) =	sbr.rel @!p0 .LBB2_71-.Ltmp53, $2  }
0x568: {  	_ =	sdelay $0x2  }
0x569: {  	s12 =	sadd.s32 $0xFFFFFFFF, s31  }
.LBB2_70:
0x56a: {  	p0 =	sne.s32 s12, $0x1;
	[tilespmem:v6+s20+$0x0] =	vst.idx.msk $0xffff, v5;
	s3 =	sadd.s32 $0x10, s3;
	s11 =	sadd.s32 $0x10, s11  }
0x56b: {  	s12 =	sadd.s32 $0xFFFFFFFF, s12;
	v5 =	vld [tilespmem:s3+$0x0];
	_ =	sdelay $0x4  }
0x56c: {  	v6 =	vshll.u32 v5, $0x3  }
0x56d: {  	v5 =	vand.u32 $0x7F, v5;
	v6 =	vand.u32 $0xFFFFFC00, v6  }
0x56e: {  	v5 =	vor.u32 v5, v6;
	_ =	sdelay $0x2  }
0x56f: {  	v6 =	vmov s11  }
0x570: {  	v6 =	vshll.u32 v6, $0x7  }
0x571: {  	v6 =	vor.u32 v4, v6;
	v7 =	vld.idx.msk [tilespmem:v5+s16+$0x0], $0xffff  }
0x572: {  	v8 =	vor.u32 $0x38, v6  }
0x573: {  	v9 =	vor.u32 $0x80, v5;
	_ =	sdelay $0x3  }
0x574: {  	[tilespmem:v8+s20+$0x0] =	vst.idx.msk $0xffff, v7  }
0x575: {  	v7 =	vld.idx.msk [tilespmem:v9+s16+$0x0], $0xffff  }
0x576: {  	v8 =	vor.u32 $0x39, v6  }
0x577: {  	v9 =	vor.u32 $0x100, v5;
	_ =	sdelay $0x3  }
0x578: {  	[tilespmem:v8+s20+$0x0] =	vst.idx.msk $0xffff, v7  }
0x579: {  	v7 =	vld.idx.msk [tilespmem:v9+s16+$0x0], $0xffff  }
0x57a: {  	v8 =	vor.u32 $0x3A, v6  }
0x57b: {  	v9 =	vor.u32 $0x180, v5;
	_ =	sdelay $0x3  }
0x57c: {  	[tilespmem:v8+s20+$0x0] =	vst.idx.msk $0xffff, v7  }
0x57d: {  	v7 =	vld.idx.msk [tilespmem:v9+s16+$0x0], $0xffff  }
0x57e: {  	v8 =	vor.u32 $0x3B, v6  }
0x57f: {  	v9 =	vor.u32 $0x200, v5;
	_ =	sdelay $0x3  }
0x580: {  	[tilespmem:v8+s20+$0x0] =	vst.idx.msk $0xffff, v7  }
0x581: {  	v7 =	vld.idx.msk [tilespmem:v9+s16+$0x0], $0xffff  }
0x582: {  	v8 =	vor.u32 $0x3C, v6  }
0x583: {  	v9 =	vor.u32 $0x280, v5;
	_ =	sdelay $0x3  }
0x584: {  	[tilespmem:v8+s20+$0x0] =	vst.idx.msk $0xffff, v7  }
0x585: {  	v7 =	vld.idx.msk [tilespmem:v9+s16+$0x0], $0xffff  }
0x586: {  	v8 =	vor.u32 $0x3D, v6  }
0x587: {  	v9 =	vor.u32 $0x300, v5;
	_ =	sdelay $0x3  }
0x588: {  	[tilespmem:v8+s20+$0x0] =	vst.idx.msk $0xffff, v7  }
0x589: {  	v7 =	vld.idx.msk [tilespmem:v9+s16+$0x0], $0xffff  }
0x58a: {  	v8 =	vor.u32 $0x3E, v6  }
0x58b: {  	v5 =	vor.u32 $0x380, v5;
	_ =	sdelay $0x1  }
.Ltmp54:
0x58c: {  	(pc) =	sbr.rel @p0 .LBB2_70-.Ltmp54, $4  }
0x58d: {  	_ = 	snop  }
0x58e: {  	[tilespmem:v8+s20+$0x0] =	vst.idx.msk $0xffff, v7  }
0x58f: {  	v5 =	vld.idx.msk [tilespmem:v5+s16+$0x0], $0xffff  }
0x590: {  	v6 =	vor.u32 $0x3F, v6  }
.Ltmp55:
0x591: {  	_ = 	snop;
	(pc) =	sbr.rel .LBB2_71-.Ltmp55, $1  }
0x592: {  	_ =	sdelay $0x3  }
.LBB2_74:
0x593: {  	_ =	sfence.sel $0x180000  }
0x594: {  	[bflag:$0x0] =	sbarrier.arrive $0xFFFF  }
0x595: {  	_ =	strace $0x90000047  }
0x596: {  	s0 =	stileid.u32;
	[bflag:$0x2] =	sbarrier.arrive $0xFFFF  }
0x597: {  	p0 =	sne.s32 s0, $0x0;
	s0 =	rddreg [dreg:$0x3]  }
0x598: {  	s0 =	sadd.s32 @!p0 $0x100000, s0  }
0x599: {  	[sflag:s0] =	ssyncadd.tile.s32 @!p0 $0x1;
	_ =	shalt  }
.Lfunc_end2:
_tile_overlayer_lowered:
.L_overlay_start_2:
0x59a: {  	(tag) =	ssettag $0x2  }
0x59b: {  	s0 =	rddreg [dreg:$0x0];
	s2 =	stileid.u32  }
0x59c: {  	s1 =	rddreg [dreg:$0x1];
	p0 =	sne.s32 s2, $0x0  }
0x59d: {  	s3 =	rddreg [dreg:$0x2];
	[bflag:$0x3] =	sbarrier.arrive $0xFFFF;
	s2 =	simm.s32 @!p0 $0x1C05  }
0x59e: {  	[timem:s3], [sflag:s2] =	dma.local @!p0 [hbm:s0], s1  }
0x59f: {  	s0 =	simm.s32 @!p0 $0x5  }
0x5a0: {  	_ =	swait.ge @!p0 [sflag:s0], s1  }
0x5a1: {  	s1 =	ssub.s32 @!p0 $0x0, s1;
	[sflag:s0] =	ssyncset.done @!p0 $0x0  }
0x5a2: {  	[sflag:s0] =	ssyncadd.s32 @!p0 s1  }
0x5a3: {  	[bflag:$0x3] =	sbarrier.arrive $0xFFFF  }
0x5a4: {  	_ =	shalt  }

</sc_bundles>
